<compile_context>
chip_gen: v7x
topology: tpu7x:2x2x1
jax: 0.10.2.dev20260603
libtpu: 0.0.44.dev20260713+nightly
codegen_flags: <defaults>
</compile_context>

<pallas_src>
import functools

import jax
import jax.numpy as jnp
from jax import lax
from jax.experimental import pallas as pl
from jax.experimental.pallas import tpu as pltpu
from jax.experimental.pallas import tpu_sc as plsc

TASK_NUMS = 1000
BLOCK_ROWS = 100000
D = 64
BATCH = 16384
NC = 2
NS = 16
NW = NC * NS
TASK_PER_W = BATCH // NW
HALF = TASK_PER_W // 2
GATHER_CHUNK = 128

BLOCK_COLS_W = 3200
BLOCK_CHUNK = 256
N_CHUNKS = 13
N_BUF = 4
CHUNK_LAST = BLOCK_COLS_W - BLOCK_CHUNK
TAIL_BASE = 31 * BLOCK_COLS_W


def _make_kernel():
    mesh = plsc.VectorSubcoreMesh(core_axis_name="c", subcore_axis_name="s")

    @functools.partial(
        pl.kernel,
        mesh=mesh,
        out_type=jax.ShapeDtypeStruct((D, BATCH + BLOCK_ROWS), jnp.float32),
        scratch_types=[
            pltpu.VMEM((TASK_PER_W,), jnp.int32),
            pltpu.VMEM((4, GATHER_CHUNK), jnp.int32),
            pltpu.VMEM((HALF, 2 * D), jnp.float32),
            pltpu.VMEM((D, HALF), jnp.float32),
            pltpu.VMEM((D, BLOCK_CHUNK), jnp.float32),
            pltpu.VMEM((D, BLOCK_CHUNK), jnp.float32),
            pltpu.VMEM((D, BLOCK_CHUNK), jnp.float32),
            pltpu.VMEM((D, BLOCK_CHUNK), jnp.float32),
            pltpu.VMEM((D, 32), jnp.float32),
            pltpu.SemaphoreType.DMA,
            pltpu.SemaphoreType.DMA,
            pltpu.SemaphoreType.DMA,
            pltpu.SemaphoreType.DMA,
        ],
        compiler_params=pltpu.CompilerParams(needs_layout_passes=False),
    )
    def k(idx_hbm, task_pairs_hbm, block_t_hbm, out_t_hbm,
          idx_v, pidx_v, prow_v, comp_v, blk_a, blk_b, blk_c, blk_d, tail_v,
          gsem, rsem, wsem, csem):
        wid = lax.axis_index("s") * NC + lax.axis_index("c")
        tbase = wid * TASK_PER_W
        bbase = wid * BLOCK_COLS_W

        def chunk_start(j):
            return bbase + pl.multiple_of(
                jnp.minimum(j * BLOCK_CHUNK, CHUNK_LAST), 128)

        bufs = (blk_a, blk_b, blk_c, blk_d)

        def read(j):
            return pltpu.async_copy(
                block_t_hbm.at[:, pl.ds(chunk_start(j), BLOCK_CHUNK)],
                bufs[j % N_BUF], rsem)

        def write(j):
            return pltpu.async_copy(
                bufs[j % N_BUF],
                out_t_hbm.at[:, pl.ds(BATCH + chunk_start(j), BLOCK_CHUNK)],
                wsem)

        def fire_gathers(h):
            return [
                pltpu.async_copy(
                    task_pairs_hbm.at[pidx_v.at[2 * h + j]],
                    prow_v.at[pl.ds(j * GATHER_CHUNK, GATHER_CHUNK)],
                    gsem)
                for j in range(2)
            ]

        def compact_half(h):
            def body(g, _):
                lanes = lax.broadcasted_iota(jnp.int32, (16,), 0)
                rows = lanes + g * 16
                hoff = (idx_v[pl.ds(h * HALF + g * 16, 16)] & 1) * D
                for c in range(D):
                    cc = (lanes + c) & (D - 1)
                    v = plsc.load_gather(prow_v, [rows, hoff + cc])
                    plsc.store_scatter(comp_v, [cc, rows], v)
                return 0

            lax.fori_loop(0, HALF // 16, body, 0, unroll=2)

        def comp_dma(h):
            return pltpu.async_copy(
                comp_v, out_t_hbm.at[:, pl.ds(tbase + h * HALF, HALF)], csem)

        rd = [None] * N_CHUNKS
        wr = [None] * N_CHUNKS
        for j in range(N_BUF):
            rd[j] = read(j)
        pltpu.sync_copy(idx_hbm.at[pl.ds(tbase, TASK_PER_W)], idx_v)
        for g in range(TASK_PER_W // 16):
            pidx_v[g // 8, pl.ds((g % 8) * 16, 16)] = \
                idx_v[pl.ds(g * 16, 16)] >> 1
        g0 = fire_gathers(0)
        rd[0].wait()
        wr[0] = write(0)
        rd[1].wait()
        wr[1] = write(1)
        for g in g0:
            g.wait()
        compact_half(0)
        cd0 = comp_dma(0)
        g1 = fire_gathers(1)
        rd[2].wait()
        wr[2] = write(2)
        rd[3].wait()
        wr[3] = write(3)
        wr[0].wait()
        rd[4] = read(4)
        wr[1].wait()
        rd[5] = read(5)
        for g in g1:
            g.wait()
        cd0.wait()
        compact_half(1)
        cd1 = comp_dma(1)
        for j in range(4, N_CHUNKS):
            rd[j].wait()
            wr[j] = write(j)
            if j + 2 < N_CHUNKS:
                wr[j - 2].wait()
                rd[j + 2] = read(j + 2)
        wr[-2].wait()
        wr[-1].wait()
        cd1.wait()

        @pl.when(jnp.logical_and(wid >= 24, wid < 30))
        def _tail128():
            t = pl.multiple_of(TAIL_BASE + 128 * (wid - 24), 128)
            pltpu.sync_copy(block_t_hbm.at[:, pl.ds(t, 128)],
                            blk_a.at[:, pl.ds(0, 128)])
            pltpu.sync_copy(blk_a.at[:, pl.ds(0, 128)],
                            out_t_hbm.at[:, pl.ds(BATCH + t, 128)])

        @pl.when(wid == 30)
        def _tail32():
            pltpu.sync_copy(
                block_t_hbm.at[:, pl.ds(TAIL_BASE + 768, 32)], tail_v)
            pltpu.sync_copy(
                tail_v, out_t_hbm.at[:, pl.ds(BATCH + TAIL_BASE + 768, 32)])

    return k


_sc_kernel = _make_kernel()


def kernel(task_ids, task_embs_weight, block_emb_weight, block_emb_input):
    del block_emb_input
    task_pairs = task_embs_weight.reshape(TASK_NUMS // 2, 2 * D)
    out_t = _sc_kernel(task_ids, task_pairs, block_emb_weight.T)
    return out_t.T

# --- scband reference (transcript-rebuilt; emitter-appended) ---
"""Pipeline reference for scband-hyper-base-63367947485416 (READ-ONLY COPY).

The authoritative reference and input builder live on the scoring server;
editing this copy changes nothing except your own understanding.
"""

import jax, jax.numpy as jnp
import numpy as np

TASK_NUMS = 1000
BLOCK_NUMS = 100
TASK_EMB_DIMS = 64
BLOCK_EMB_DIMS = 64
BATCH = 16384


def setup_inputs(seed: int = 0) -> dict:
    key = jax.random.key(seed)
    k1, k2, k3 = jax.random.split(key, 3)
    task_ids = jax.random.randint(k1, (BATCH,), 0, TASK_NUMS, dtype=jnp.int32)
    # init.normal_(weight, mean=0, std=0.1)
    task_embs_weight = jax.random.normal(k2, (TASK_NUMS, TASK_EMB_DIMS), dtype=jnp.float32) * 0.1
    block_emb_weight = jax.random.normal(k3, (BLOCK_NUMS * TASK_NUMS, BLOCK_EMB_DIMS), dtype=jnp.float32) * 0.1
    # registered buffer: torch.arange(0, block_nums * task_nums) (block_emb_sharing=False)
    block_emb_input = jnp.arange(BLOCK_NUMS * TASK_NUMS, dtype=jnp.int32)
    return {
        "task_ids": task_ids,
        "task_embs_weight": task_embs_weight,
        "block_emb_weight": block_emb_weight,
        "block_emb_input": block_emb_input,
    }


def reference(task_ids, task_embs_weight, block_emb_weight, block_emb_input):
    # HyperBase's own forward is a stub (pass); the module's computation is the
    # embedding lookups it owns: task embedding gather + full block-emb gather
    # over the registered block_emb_input buffer (as consumed by subclasses).
    task_e = jnp.take(task_embs_weight, task_ids, axis=0)          # [B, task_emb_dims]
    block_e = jnp.take(block_emb_weight, block_emb_input, axis=0)  # [block_nums*task_nums, block_emb_dims]
    return jnp.concatenate([task_e, block_e], axis=0)              # [B + block_nums*task_nums, 64]

if __name__ == "__main__":
    import jax
    _d = setup_inputs()
    print(jax.jit(kernel)(*tuple(_d.values())))

</pallas_src>

<mosaic_0001>
#map = affine_map<(d0, d1) -> (0)>
#map1 = affine_map<(d0, d1) -> (0, 0)>
module attributes {stable_mosaic.version = 14 : i64} {
  func.func @k(%arg0: i32, %arg1: i32, %arg2: memref<16384xi32, #tpu.memory_space<hbm>>, %arg3: memref<500x128xf32, #tpu.memory_space<hbm>>, %arg4: memref<64x100000xf32, #tpu.memory_space<hbm>>, %arg5: memref<64x116384xf32, #tpu.memory_space<hbm>>, %arg6: memref<512xi32, #tpu.memory_space<vmem>>, %arg7: memref<4x128xi32, #tpu.memory_space<vmem>>, %arg8: memref<256x128xf32, #tpu.memory_space<vmem>>, %arg9: memref<64x256xf32, #tpu.memory_space<vmem>>, %arg10: memref<64x256xf32, #tpu.memory_space<vmem>>, %arg11: memref<64x256xf32, #tpu.memory_space<vmem>>, %arg12: memref<64x256xf32, #tpu.memory_space<vmem>>, %arg13: memref<64x256xf32, #tpu.memory_space<vmem>>, %arg14: memref<64x32xf32, #tpu.memory_space<vmem>>, %arg15: memref<!tpu.dma_semaphore, #tpu.memory_space<semaphore_mem>>, %arg16: memref<!tpu.dma_semaphore, #tpu.memory_space<semaphore_mem>>, %arg17: memref<!tpu.dma_semaphore, #tpu.memory_space<semaphore_mem>>, %arg18: memref<!tpu.dma_semaphore, #tpu.memory_space<semaphore_mem>>) attributes {dimension_semantics = [#tpu.dimension_semantics<core_parallel>, #tpu.dimension_semantics<subcore_parallel>], iteration_bounds = array<i64: 2, 16>, scalar_prefetch = 0 : i64, scratch_operands = 13 : i64, tpu.core_type = #tpu.core_type<sc_vector_subcore>, window_params = [{transform_indices = #map}, {transform_indices = #map1}, {transform_indices = #map1}, {transform_indices = #map1}]} {
    %mul3A = arith.constant 2 : i32
    %mul3A_0 = arith.muli %arg1, %mul3A : i32
    %add3A = arith.addi %mul3A_0, %arg0 : i32
    %mul3A_1 = arith.constant 512 : i32
    %mul3A_2 = arith.muli %add3A, %mul3A_1 : i32
    %mul3A_3 = arith.constant 3200 : i32
    %mul3A_4 = arith.muli %add3A, %mul3A_3 : i32
    %min3A = arith.constant 0 : i32
    %min3A_5 = arith.constant 2944 : i32
    %min3A_6 = arith.minsi %min3A, %min3A_5 : i32
    %multiple_of3A = tpu.assume_multiple %min3A_6, 128 : i32
    %add3A_7 = arith.addi %mul3A_4, %multiple_of3A : i32
    %dma_start3A = arith.constant 0 : i32
    %dma_start3A_8 = tpu.memref_slice %arg4[%dma_start3A, %add3A_7] : memref<64x100000xf32, #tpu.memory_space<hbm>> -> memref<64x256xf32, #tpu.memory_space<hbm>>
    %dma_start3A_9 = arith.constant 0 : i32
    %dma_start3A_10 = tpu.memref_slice %arg4[%dma_start3A_9, %add3A_7] : memref<64x100000xf32, #tpu.memory_space<hbm>> -> memref<64x256xf32, #tpu.memory_space<hbm>>
    tpu.enqueue_dma source(%dma_start3A_10 : memref<64x256xf32, #tpu.memory_space<hbm>>) target(%arg10 : memref<64x256xf32, #tpu.memory_space<vmem>>) target_semaphore(%arg16 : memref<!tpu.dma_semaphore, #tpu.memory_space<semaphore_mem>>)
    %min3A_11 = arith.constant 256 : i32
    %min3A_12 = arith.constant 2944 : i32
    %min3A_13 = arith.minsi %min3A_11, %min3A_12 : i32
    %multiple_of3A_14 = tpu.assume_multiple %min3A_13, 128 : i32
    %add3A_15 = arith.addi %mul3A_4, %multiple_of3A_14 : i32
    %dma_start3A_16 = arith.constant 0 : i32
    %dma_start3A_17 = tpu.memref_slice %arg4[%dma_start3A_16, %add3A_15] : memref<64x100000xf32, #tpu.memory_space<hbm>> -> memref<64x256xf32, #tpu.memory_space<hbm>>
    %dma_start3A_18 = arith.constant 0 : i32
    %dma_start3A_19 = tpu.memref_slice %arg4[%dma_start3A_18, %add3A_15] : memref<64x100000xf32, #tpu.memory_space<hbm>> -> memref<64x256xf32, #tpu.memory_space<hbm>>
    tpu.enqueue_dma source(%dma_start3A_19 : memref<64x256xf32, #tpu.memory_space<hbm>>) target(%arg11 : memref<64x256xf32, #tpu.memory_space<vmem>>) target_semaphore(%arg16 : memref<!tpu.dma_semaphore, #tpu.memory_space<semaphore_mem>>)
    %min3A_20 = arith.constant 512 : i32
    %min3A_21 = arith.constant 2944 : i32
    %min3A_22 = arith.minsi %min3A_20, %min3A_21 : i32
    %multiple_of3A_23 = tpu.assume_multiple %min3A_22, 128 : i32
    %add3A_24 = arith.addi %mul3A_4, %multiple_of3A_23 : i32
    %dma_start3A_25 = arith.constant 0 : i32
    %dma_start3A_26 = tpu.memref_slice %arg4[%dma_start3A_25, %add3A_24] : memref<64x100000xf32, #tpu.memory_space<hbm>> -> memref<64x256xf32, #tpu.memory_space<hbm>>
    %dma_start3A_27 = arith.constant 0 : i32
    %dma_start3A_28 = tpu.memref_slice %arg4[%dma_start3A_27, %add3A_24] : memref<64x100000xf32, #tpu.memory_space<hbm>> -> memref<64x256xf32, #tpu.memory_space<hbm>>
    tpu.enqueue_dma source(%dma_start3A_28 : memref<64x256xf32, #tpu.memory_space<hbm>>) target(%arg12 : memref<64x256xf32, #tpu.memory_space<vmem>>) target_semaphore(%arg16 : memref<!tpu.dma_semaphore, #tpu.memory_space<semaphore_mem>>)
    %min3A_29 = arith.constant 768 : i32
    %min3A_30 = arith.constant 2944 : i32
    %min3A_31 = arith.minsi %min3A_29, %min3A_30 : i32
    %multiple_of3A_32 = tpu.assume_multiple %min3A_31, 128 : i32
    %add3A_33 = arith.addi %mul3A_4, %multiple_of3A_32 : i32
    %dma_start3A_34 = arith.constant 0 : i32
    %dma_start3A_35 = tpu.memref_slice %arg4[%dma_start3A_34, %add3A_33] : memref<64x100000xf32, #tpu.memory_space<hbm>> -> memref<64x256xf32, #tpu.memory_space<hbm>>
    %dma_start3A_36 = arith.constant 0 : i32
    %dma_start3A_37 = tpu.memref_slice %arg4[%dma_start3A_36, %add3A_33] : memref<64x100000xf32, #tpu.memory_space<hbm>> -> memref<64x256xf32, #tpu.memory_space<hbm>>
    tpu.enqueue_dma source(%dma_start3A_37 : memref<64x256xf32, #tpu.memory_space<hbm>>) target(%arg13 : memref<64x256xf32, #tpu.memory_space<vmem>>) target_semaphore(%arg16 : memref<!tpu.dma_semaphore, #tpu.memory_space<semaphore_mem>>)
    "tpu.region"() ({
      %run_scoped3A = tpu.sem_alloc : memref<!tpu.dma_semaphore, #tpu.memory_space<semaphore_mem>>
      %dma_start3A_762 = tpu.memref_slice %arg2[%mul3A_2] : memref<16384xi32, #tpu.memory_space<hbm>> -> memref<512xi32, #tpu.memory_space<hbm>>
      %dma_start3A_763 = tpu.memref_slice %arg2[%mul3A_2] : memref<16384xi32, #tpu.memory_space<hbm>> -> memref<512xi32, #tpu.memory_space<hbm>>
      tpu.enqueue_dma source(%dma_start3A_763 : memref<512xi32, #tpu.memory_space<hbm>>) target(%arg6 : memref<512xi32, #tpu.memory_space<vmem>>) target_semaphore(%run_scoped3A : memref<!tpu.dma_semaphore, #tpu.memory_space<semaphore_mem>>)
      %dma_wait3A_764 = tpu.memref_slice %arg2[%mul3A_2] : memref<16384xi32, #tpu.memory_space<hbm>> -> memref<512xi32, #tpu.memory_space<hbm>>
      %dma_wait3A_765 = tpu.memref_slice %arg2[%mul3A_2] : memref<16384xi32, #tpu.memory_space<hbm>> -> memref<512xi32, #tpu.memory_space<hbm>>
      tpu.wait_dma2 semaphore(%run_scoped3A : memref<!tpu.dma_semaphore, #tpu.memory_space<semaphore_mem>>) src(%dma_wait3A_765 : memref<512xi32, #tpu.memory_space<hbm>>) dst(%arg6 : memref<512xi32, #tpu.memory_space<vmem>>)
      tpu.yield
    }) : () -> ()
    %get3A = arith.constant 0 : index
    %get3A_38 = tpu.vector_load %arg6[%get3A] {strides = array<i32>} : memref<512xi32, #tpu.memory_space<vmem>>, vector<16xi32>,
    %shift_right_arithmetic3A = arith.constant 1 : i32
    %shift_right_arithmetic3A_39 = vector.broadcast %shift_right_arithmetic3A : i32 to vector<16xi32>
    %shift_right_arithmetic3A_40 = arith.shrsi %get3A_38, %shift_right_arithmetic3A_39 : vector<16xi32>
    %swap3A = arith.constant 0 : i32
    %swap3A_41 = arith.index_cast %swap3A : i32 to index
    %swap3A_42 = arith.constant 0 : index
    %swap3A_43 = tpu.vector_load %arg7[%swap3A_41, %swap3A_42] {strides = array<i32>} : memref<4x128xi32, #tpu.memory_space<vmem>>, vector<16xi32>,
    tpu.vector_store %arg7[%swap3A_41, %swap3A_42], %shift_right_arithmetic3A_40 {strides = array<i32>} : memref<4x128xi32, #tpu.memory_space<vmem>>, vector<16xi32>,
    %get3A_44 = arith.constant 16 : index
    %get3A_45 = tpu.vector_load %arg6[%get3A_44] {strides = array<i32>} : memref<512xi32, #tpu.memory_space<vmem>>, vector<16xi32>,
    %shift_right_arithmetic3A_46 = arith.constant 1 : i32
    %shift_right_arithmetic3A_47 = vector.broadcast %shift_right_arithmetic3A_46 : i32 to vector<16xi32>
    %shift_right_arithmetic3A_48 = arith.shrsi %get3A_45, %shift_right_arithmetic3A_47 : vector<16xi32>
    %swap3A_49 = arith.constant 0 : i32
    %swap3A_50 = arith.index_cast %swap3A_49 : i32 to index
    %swap3A_51 = arith.constant 16 : index
    %swap3A_52 = tpu.vector_load %arg7[%swap3A_50, %swap3A_51] {strides = array<i32>} : memref<4x128xi32, #tpu.memory_space<vmem>>, vector<16xi32>,
    tpu.vector_store %arg7[%swap3A_50, %swap3A_51], %shift_right_arithmetic3A_48 {strides = array<i32>} : memref<4x128xi32, #tpu.memory_space<vmem>>, vector<16xi32>,
    %get3A_53 = arith.constant 32 : index
    %get3A_54 = tpu.vector_load %arg6[%get3A_53] {strides = array<i32>} : memref<512xi32, #tpu.memory_space<vmem>>, vector<16xi32>,
    %shift_right_arithmetic3A_55 = arith.constant 1 : i32
    %shift_right_arithmetic3A_56 = vector.broadcast %shift_right_arithmetic3A_55 : i32 to vector<16xi32>
    %shift_right_arithmetic3A_57 = arith.shrsi %get3A_54, %shift_right_arithmetic3A_56 : vector<16xi32>
    %swap3A_58 = arith.constant 0 : i32
    %swap3A_59 = arith.index_cast %swap3A_58 : i32 to index
    %swap3A_60 = arith.constant 32 : index
    %swap3A_61 = tpu.vector_load %arg7[%swap3A_59, %swap3A_60] {strides = array<i32>} : memref<4x128xi32, #tpu.memory_space<vmem>>, vector<16xi32>,
    tpu.vector_store %arg7[%swap3A_59, %swap3A_60], %shift_right_arithmetic3A_57 {strides = array<i32>} : memref<4x128xi32, #tpu.memory_space<vmem>>, vector<16xi32>,
    %get3A_62 = arith.constant 48 : index
    %get3A_63 = tpu.vector_load %arg6[%get3A_62] {strides = array<i32>} : memref<512xi32, #tpu.memory_space<vmem>>, vector<16xi32>,
    %shift_right_arithmetic3A_64 = arith.constant 1 : i32
    %shift_right_arithmetic3A_65 = vector.broadcast %shift_right_arithmetic3A_64 : i32 to vector<16xi32>
    %shift_right_arithmetic3A_66 = arith.shrsi %get3A_63, %shift_right_arithmetic3A_65 : vector<16xi32>
    %swap3A_67 = arith.constant 0 : i32
    %swap3A_68 = arith.index_cast %swap3A_67 : i32 to index
    %swap3A_69 = arith.constant 48 : index
    %swap3A_70 = tpu.vector_load %arg7[%swap3A_68, %swap3A_69] {strides = array<i32>} : memref<4x128xi32, #tpu.memory_space<vmem>>, vector<16xi32>,
    tpu.vector_store %arg7[%swap3A_68, %swap3A_69], %shift_right_arithmetic3A_66 {strides = array<i32>} : memref<4x128xi32, #tpu.memory_space<vmem>>, vector<16xi32>,
    %get3A_71 = arith.constant 64 : index
    %get3A_72 = tpu.vector_load %arg6[%get3A_71] {strides = array<i32>} : memref<512xi32, #tpu.memory_space<vmem>>, vector<16xi32>,
    %shift_right_arithmetic3A_73 = arith.constant 1 : i32
    %shift_right_arithmetic3A_74 = vector.broadcast %shift_right_arithmetic3A_73 : i32 to vector<16xi32>
    %shift_right_arithmetic3A_75 = arith.shrsi %get3A_72, %shift_right_arithmetic3A_74 : vector<16xi32>
    %swap3A_76 = arith.constant 0 : i32
    %swap3A_77 = arith.index_cast %swap3A_76 : i32 to index
    %swap3A_78 = arith.constant 64 : index
    %swap3A_79 = tpu.vector_load %arg7[%swap3A_77, %swap3A_78] {strides = array<i32>} : memref<4x128xi32, #tpu.memory_space<vmem>>, vector<16xi32>,
    tpu.vector_store %arg7[%swap3A_77, %swap3A_78], %shift_right_arithmetic3A_75 {strides = array<i32>} : memref<4x128xi32, #tpu.memory_space<vmem>>, vector<16xi32>,
    %get3A_80 = arith.constant 80 : index
    %get3A_81 = tpu.vector_load %arg6[%get3A_80] {strides = array<i32>} : memref<512xi32, #tpu.memory_space<vmem>>, vector<16xi32>,
    %shift_right_arithmetic3A_82 = arith.constant 1 : i32
    %shift_right_arithmetic3A_83 = vector.broadcast %shift_right_arithmetic3A_82 : i32 to vector<16xi32>
    %shift_right_arithmetic3A_84 = arith.shrsi %get3A_81, %shift_right_arithmetic3A_83 : vector<16xi32>
    %swap3A_85 = arith.constant 0 : i32
    %swap3A_86 = arith.index_cast %swap3A_85 : i32 to index
    %swap3A_87 = arith.constant 80 : index
    %swap3A_88 = tpu.vector_load %arg7[%swap3A_86, %swap3A_87] {strides = array<i32>} : memref<4x128xi32, #tpu.memory_space<vmem>>, vector<16xi32>,
    tpu.vector_store %arg7[%swap3A_86, %swap3A_87], %shift_right_arithmetic3A_84 {strides = array<i32>} : memref<4x128xi32, #tpu.memory_space<vmem>>, vector<16xi32>,
    %get3A_89 = arith.constant 96 : index
    %get3A_90 = tpu.vector_load %arg6[%get3A_89] {strides = array<i32>} : memref<512xi32, #tpu.memory_space<vmem>>, vector<16xi32>,
    %shift_right_arithmetic3A_91 = arith.constant 1 : i32
    %shift_right_arithmetic3A_92 = vector.broadcast %shift_right_arithmetic3A_91 : i32 to vector<16xi32>
    %shift_right_arithmetic3A_93 = arith.shrsi %get3A_90, %shift_right_arithmetic3A_92 : vector<16xi32>
    %swap3A_94 = arith.constant 0 : i32
    %swap3A_95 = arith.index_cast %swap3A_94 : i32 to index
    %swap3A_96 = arith.constant 96 : index
    %swap3A_97 = tpu.vector_load %arg7[%swap3A_95, %swap3A_96] {strides = array<i32>} : memref<4x128xi32, #tpu.memory_space<vmem>>, vector<16xi32>,
    tpu.vector_store %arg7[%swap3A_95, %swap3A_96], %shift_right_arithmetic3A_93 {strides = array<i32>} : memref<4x128xi32, #tpu.memory_space<vmem>>, vector<16xi32>,
    %get3A_98 = arith.constant 112 : index
    %get3A_99 = tpu.vector_load %arg6[%get3A_98] {strides = array<i32>} : memref<512xi32, #tpu.memory_space<vmem>>, vector<16xi32>,
    %shift_right_arithmetic3A_100 = arith.constant 1 : i32
    %shift_right_arithmetic3A_101 = vector.broadcast %shift_right_arithmetic3A_100 : i32 to vector<16xi32>
    %shift_right_arithmetic3A_102 = arith.shrsi %get3A_99, %shift_right_arithmetic3A_101 : vector<16xi32>
    %swap3A_103 = arith.constant 0 : i32
    %swap3A_104 = arith.index_cast %swap3A_103 : i32 to index
    %swap3A_105 = arith.constant 112 : index
    %swap3A_106 = tpu.vector_load %arg7[%swap3A_104, %swap3A_105] {strides = array<i32>} : memref<4x128xi32, #tpu.memory_space<vmem>>, vector<16xi32>,
    tpu.vector_store %arg7[%swap3A_104, %swap3A_105], %shift_right_arithmetic3A_102 {strides = array<i32>} : memref<4x128xi32, #tpu.memory_space<vmem>>, vector<16xi32>,
    %get3A_107 = arith.constant 128 : index
    %get3A_108 = tpu.vector_load %arg6[%get3A_107] {strides = array<i32>} : memref<512xi32, #tpu.memory_space<vmem>>, vector<16xi32>,
    %shift_right_arithmetic3A_109 = arith.constant 1 : i32
    %shift_right_arithmetic3A_110 = vector.broadcast %shift_right_arithmetic3A_109 : i32 to vector<16xi32>
    %shift_right_arithmetic3A_111 = arith.shrsi %get3A_108, %shift_right_arithmetic3A_110 : vector<16xi32>
    %swap3A_112 = arith.constant 1 : i32
    %swap3A_113 = arith.index_cast %swap3A_112 : i32 to index
    %swap3A_114 = arith.constant 0 : index
    %swap3A_115 = tpu.vector_load %arg7[%swap3A_113, %swap3A_114] {strides = array<i32>} : memref<4x128xi32, #tpu.memory_space<vmem>>, vector<16xi32>,
    tpu.vector_store %arg7[%swap3A_113, %swap3A_114], %shift_right_arithmetic3A_111 {strides = array<i32>} : memref<4x128xi32, #tpu.memory_space<vmem>>, vector<16xi32>,
    %get3A_116 = arith.constant 144 : index
    %get3A_117 = tpu.vector_load %arg6[%get3A_116] {strides = array<i32>} : memref<512xi32, #tpu.memory_space<vmem>>, vector<16xi32>,
    %shift_right_arithmetic3A_118 = arith.constant 1 : i32
    %shift_right_arithmetic3A_119 = vector.broadcast %shift_right_arithmetic3A_118 : i32 to vector<16xi32>
    %shift_right_arithmetic3A_120 = arith.shrsi %get3A_117, %shift_right_arithmetic3A_119 : vector<16xi32>
    %swap3A_121 = arith.constant 1 : i32
    %swap3A_122 = arith.index_cast %swap3A_121 : i32 to index
    %swap3A_123 = arith.constant 16 : index
    %swap3A_124 = tpu.vector_load %arg7[%swap3A_122, %swap3A_123] {strides = array<i32>} : memref<4x128xi32, #tpu.memory_space<vmem>>, vector<16xi32>,
    tpu.vector_store %arg7[%swap3A_122, %swap3A_123], %shift_right_arithmetic3A_120 {strides = array<i32>} : memref<4x128xi32, #tpu.memory_space<vmem>>, vector<16xi32>,
    %get3A_125 = arith.constant 160 : index
    %get3A_126 = tpu.vector_load %arg6[%get3A_125] {strides = array<i32>} : memref<512xi32, #tpu.memory_space<vmem>>, vector<16xi32>,
    %shift_right_arithmetic3A_127 = arith.constant 1 : i32
    %shift_right_arithmetic3A_128 = vector.broadcast %shift_right_arithmetic3A_127 : i32 to vector<16xi32>
    %shift_right_arithmetic3A_129 = arith.shrsi %get3A_126, %shift_right_arithmetic3A_128 : vector<16xi32>
    %swap3A_130 = arith.constant 1 : i32
    %swap3A_131 = arith.index_cast %swap3A_130 : i32 to index
    %swap3A_132 = arith.constant 32 : index
    %swap3A_133 = tpu.vector_load %arg7[%swap3A_131, %swap3A_132] {strides = array<i32>} : memref<4x128xi32, #tpu.memory_space<vmem>>, vector<16xi32>,
    tpu.vector_store %arg7[%swap3A_131, %swap3A_132], %shift_right_arithmetic3A_129 {strides = array<i32>} : memref<4x128xi32, #tpu.memory_space<vmem>>, vector<16xi32>,
    %get3A_134 = arith.constant 176 : index
    %get3A_135 = tpu.vector_load %arg6[%get3A_134] {strides = array<i32>} : memref<512xi32, #tpu.memory_space<vmem>>, vector<16xi32>,
    %shift_right_arithmetic3A_136 = arith.constant 1 : i32
    %shift_right_arithmetic3A_137 = vector.broadcast %shift_right_arithmetic3A_136 : i32 to vector<16xi32>
    %shift_right_arithmetic3A_138 = arith.shrsi %get3A_135, %shift_right_arithmetic3A_137 : vector<16xi32>
    %swap3A_139 = arith.constant 1 : i32
    %swap3A_140 = arith.index_cast %swap3A_139 : i32 to index
    %swap3A_141 = arith.constant 48 : index
    %swap3A_142 = tpu.vector_load %arg7[%swap3A_140, %swap3A_141] {strides = array<i32>} : memref<4x128xi32, #tpu.memory_space<vmem>>, vector<16xi32>,
    tpu.vector_store %arg7[%swap3A_140, %swap3A_141], %shift_right_arithmetic3A_138 {strides = array<i32>} : memref<4x128xi32, #tpu.memory_space<vmem>>, vector<16xi32>,
    %get3A_143 = arith.constant 192 : index
    %get3A_144 = tpu.vector_load %arg6[%get3A_143] {strides = array<i32>} : memref<512xi32, #tpu.memory_space<vmem>>, vector<16xi32>,
    %shift_right_arithmetic3A_145 = arith.constant 1 : i32
    %shift_right_arithmetic3A_146 = vector.broadcast %shift_right_arithmetic3A_145 : i32 to vector<16xi32>
    %shift_right_arithmetic3A_147 = arith.shrsi %get3A_144, %shift_right_arithmetic3A_146 : vector<16xi32>
    %swap3A_148 = arith.constant 1 : i32
    %swap3A_149 = arith.index_cast %swap3A_148 : i32 to index
    %swap3A_150 = arith.constant 64 : index
    %swap3A_151 = tpu.vector_load %arg7[%swap3A_149, %swap3A_150] {strides = array<i32>} : memref<4x128xi32, #tpu.memory_space<vmem>>, vector<16xi32>,
    tpu.vector_store %arg7[%swap3A_149, %swap3A_150], %shift_right_arithmetic3A_147 {strides = array<i32>} : memref<4x128xi32, #tpu.memory_space<vmem>>, vector<16xi32>,
    %get3A_152 = arith.constant 208 : index
    %get3A_153 = tpu.vector_load %arg6[%get3A_152] {strides = array<i32>} : memref<512xi32, #tpu.memory_space<vmem>>, vector<16xi32>,
    %shift_right_arithmetic3A_154 = arith.constant 1 : i32
    %shift_right_arithmetic3A_155 = vector.broadcast %shift_right_arithmetic3A_154 : i32 to vector<16xi32>
    %shift_right_arithmetic3A_156 = arith.shrsi %get3A_153, %shift_right_arithmetic3A_155 : vector<16xi32>
    %swap3A_157 = arith.constant 1 : i32
    %swap3A_158 = arith.index_cast %swap3A_157 : i32 to index
    %swap3A_159 = arith.constant 80 : index
    %swap3A_160 = tpu.vector_load %arg7[%swap3A_158, %swap3A_159] {strides = array<i32>} : memref<4x128xi32, #tpu.memory_space<vmem>>, vector<16xi32>,
    tpu.vector_store %arg7[%swap3A_158, %swap3A_159], %shift_right_arithmetic3A_156 {strides = array<i32>} : memref<4x128xi32, #tpu.memory_space<vmem>>, vector<16xi32>,
    %get3A_161 = arith.constant 224 : index
    %get3A_162 = tpu.vector_load %arg6[%get3A_161] {strides = array<i32>} : memref<512xi32, #tpu.memory_space<vmem>>, vector<16xi32>,
    %shift_right_arithmetic3A_163 = arith.constant 1 : i32
    %shift_right_arithmetic3A_164 = vector.broadcast %shift_right_arithmetic3A_163 : i32 to vector<16xi32>
    %shift_right_arithmetic3A_165 = arith.shrsi %get3A_162, %shift_right_arithmetic3A_164 : vector<16xi32>
    %swap3A_166 = arith.constant 1 : i32
    %swap3A_167 = arith.index_cast %swap3A_166 : i32 to index
    %swap3A_168 = arith.constant 96 : index
    %swap3A_169 = tpu.vector_load %arg7[%swap3A_167, %swap3A_168] {strides = array<i32>} : memref<4x128xi32, #tpu.memory_space<vmem>>, vector<16xi32>,
    tpu.vector_store %arg7[%swap3A_167, %swap3A_168], %shift_right_arithmetic3A_165 {strides = array<i32>} : memref<4x128xi32, #tpu.memory_space<vmem>>, vector<16xi32>,
    %get3A_170 = arith.constant 240 : index
    %get3A_171 = tpu.vector_load %arg6[%get3A_170] {strides = array<i32>} : memref<512xi32, #tpu.memory_space<vmem>>, vector<16xi32>,
    %shift_right_arithmetic3A_172 = arith.constant 1 : i32
    %shift_right_arithmetic3A_173 = vector.broadcast %shift_right_arithmetic3A_172 : i32 to vector<16xi32>
    %shift_right_arithmetic3A_174 = arith.shrsi %get3A_171, %shift_right_arithmetic3A_173 : vector<16xi32>
    %swap3A_175 = arith.constant 1 : i32
    %swap3A_176 = arith.index_cast %swap3A_175 : i32 to index
    %swap3A_177 = arith.constant 112 : index
    %swap3A_178 = tpu.vector_load %arg7[%swap3A_176, %swap3A_177] {strides = array<i32>} : memref<4x128xi32, #tpu.memory_space<vmem>>, vector<16xi32>,
    tpu.vector_store %arg7[%swap3A_176, %swap3A_177], %shift_right_arithmetic3A_174 {strides = array<i32>} : memref<4x128xi32, #tpu.memory_space<vmem>>, vector<16xi32>,
    %get3A_179 = arith.constant 256 : index
    %get3A_180 = tpu.vector_load %arg6[%get3A_179] {strides = array<i32>} : memref<512xi32, #tpu.memory_space<vmem>>, vector<16xi32>,
    %shift_right_arithmetic3A_181 = arith.constant 1 : i32
    %shift_right_arithmetic3A_182 = vector.broadcast %shift_right_arithmetic3A_181 : i32 to vector<16xi32>
    %shift_right_arithmetic3A_183 = arith.shrsi %get3A_180, %shift_right_arithmetic3A_182 : vector<16xi32>
    %swap3A_184 = arith.constant 2 : i32
    %swap3A_185 = arith.index_cast %swap3A_184 : i32 to index
    %swap3A_186 = arith.constant 0 : index
    %swap3A_187 = tpu.vector_load %arg7[%swap3A_185, %swap3A_186] {strides = array<i32>} : memref<4x128xi32, #tpu.memory_space<vmem>>, vector<16xi32>,
    tpu.vector_store %arg7[%swap3A_185, %swap3A_186], %shift_right_arithmetic3A_183 {strides = array<i32>} : memref<4x128xi32, #tpu.memory_space<vmem>>, vector<16xi32>,
    %get3A_188 = arith.constant 272 : index
    %get3A_189 = tpu.vector_load %arg6[%get3A_188] {strides = array<i32>} : memref<512xi32, #tpu.memory_space<vmem>>, vector<16xi32>,
    %shift_right_arithmetic3A_190 = arith.constant 1 : i32
    %shift_right_arithmetic3A_191 = vector.broadcast %shift_right_arithmetic3A_190 : i32 to vector<16xi32>
    %shift_right_arithmetic3A_192 = arith.shrsi %get3A_189, %shift_right_arithmetic3A_191 : vector<16xi32>
    %swap3A_193 = arith.constant 2 : i32
    %swap3A_194 = arith.index_cast %swap3A_193 : i32 to index
    %swap3A_195 = arith.constant 16 : index
    %swap3A_196 = tpu.vector_load %arg7[%swap3A_194, %swap3A_195] {strides = array<i32>} : memref<4x128xi32, #tpu.memory_space<vmem>>, vector<16xi32>,
    tpu.vector_store %arg7[%swap3A_194, %swap3A_195], %shift_right_arithmetic3A_192 {strides = array<i32>} : memref<4x128xi32, #tpu.memory_space<vmem>>, vector<16xi32>,
    %get3A_197 = arith.constant 288 : index
    %get3A_198 = tpu.vector_load %arg6[%get3A_197] {strides = array<i32>} : memref<512xi32, #tpu.memory_space<vmem>>, vector<16xi32>,
    %shift_right_arithmetic3A_199 = arith.constant 1 : i32
    %shift_right_arithmetic3A_200 = vector.broadcast %shift_right_arithmetic3A_199 : i32 to vector<16xi32>
    %shift_right_arithmetic3A_201 = arith.shrsi %get3A_198, %shift_right_arithmetic3A_200 : vector<16xi32>
    %swap3A_202 = arith.constant 2 : i32
    %swap3A_203 = arith.index_cast %swap3A_202 : i32 to index
    %swap3A_204 = arith.constant 32 : index
    %swap3A_205 = tpu.vector_load %arg7[%swap3A_203, %swap3A_204] {strides = array<i32>} : memref<4x128xi32, #tpu.memory_space<vmem>>, vector<16xi32>,
    tpu.vector_store %arg7[%swap3A_203, %swap3A_204], %shift_right_arithmetic3A_201 {strides = array<i32>} : memref<4x128xi32, #tpu.memory_space<vmem>>, vector<16xi32>,
    %get3A_206 = arith.constant 304 : index
    %get3A_207 = tpu.vector_load %arg6[%get3A_206] {strides = array<i32>} : memref<512xi32, #tpu.memory_space<vmem>>, vector<16xi32>,
    %shift_right_arithmetic3A_208 = arith.constant 1 : i32
    %shift_right_arithmetic3A_209 = vector.broadcast %shift_right_arithmetic3A_208 : i32 to vector<16xi32>
    %shift_right_arithmetic3A_210 = arith.shrsi %get3A_207, %shift_right_arithmetic3A_209 : vector<16xi32>
    %swap3A_211 = arith.constant 2 : i32
    %swap3A_212 = arith.index_cast %swap3A_211 : i32 to index
    %swap3A_213 = arith.constant 48 : index
    %swap3A_214 = tpu.vector_load %arg7[%swap3A_212, %swap3A_213] {strides = array<i32>} : memref<4x128xi32, #tpu.memory_space<vmem>>, vector<16xi32>,
    tpu.vector_store %arg7[%swap3A_212, %swap3A_213], %shift_right_arithmetic3A_210 {strides = array<i32>} : memref<4x128xi32, #tpu.memory_space<vmem>>, vector<16xi32>,
    %get3A_215 = arith.constant 320 : index
    %get3A_216 = tpu.vector_load %arg6[%get3A_215] {strides = array<i32>} : memref<512xi32, #tpu.memory_space<vmem>>, vector<16xi32>,
    %shift_right_arithmetic3A_217 = arith.constant 1 : i32
    %shift_right_arithmetic3A_218 = vector.broadcast %shift_right_arithmetic3A_217 : i32 to vector<16xi32>
    %shift_right_arithmetic3A_219 = arith.shrsi %get3A_216, %shift_right_arithmetic3A_218 : vector<16xi32>
    %swap3A_220 = arith.constant 2 : i32
    %swap3A_221 = arith.index_cast %swap3A_220 : i32 to index
    %swap3A_222 = arith.constant 64 : index
    %swap3A_223 = tpu.vector_load %arg7[%swap3A_221, %swap3A_222] {strides = array<i32>} : memref<4x128xi32, #tpu.memory_space<vmem>>, vector<16xi32>,
    tpu.vector_store %arg7[%swap3A_221, %swap3A_222], %shift_right_arithmetic3A_219 {strides = array<i32>} : memref<4x128xi32, #tpu.memory_space<vmem>>, vector<16xi32>,
    %get3A_224 = arith.constant 336 : index
    %get3A_225 = tpu.vector_load %arg6[%get3A_224] {strides = array<i32>} : memref<512xi32, #tpu.memory_space<vmem>>, vector<16xi32>,
    %shift_right_arithmetic3A_226 = arith.constant 1 : i32
    %shift_right_arithmetic3A_227 = vector.broadcast %shift_right_arithmetic3A_226 : i32 to vector<16xi32>
    %shift_right_arithmetic3A_228 = arith.shrsi %get3A_225, %shift_right_arithmetic3A_227 : vector<16xi32>
    %swap3A_229 = arith.constant 2 : i32
    %swap3A_230 = arith.index_cast %swap3A_229 : i32 to index
    %swap3A_231 = arith.constant 80 : index
    %swap3A_232 = tpu.vector_load %arg7[%swap3A_230, %swap3A_231] {strides = array<i32>} : memref<4x128xi32, #tpu.memory_space<vmem>>, vector<16xi32>,
    tpu.vector_store %arg7[%swap3A_230, %swap3A_231], %shift_right_arithmetic3A_228 {strides = array<i32>} : memref<4x128xi32, #tpu.memory_space<vmem>>, vector<16xi32>,
    %get3A_233 = arith.constant 352 : index
    %get3A_234 = tpu.vector_load %arg6[%get3A_233] {strides = array<i32>} : memref<512xi32, #tpu.memory_space<vmem>>, vector<16xi32>,
    %shift_right_arithmetic3A_235 = arith.constant 1 : i32
    %shift_right_arithmetic3A_236 = vector.broadcast %shift_right_arithmetic3A_235 : i32 to vector<16xi32>
    %shift_right_arithmetic3A_237 = arith.shrsi %get3A_234, %shift_right_arithmetic3A_236 : vector<16xi32>
    %swap3A_238 = arith.constant 2 : i32
    %swap3A_239 = arith.index_cast %swap3A_238 : i32 to index
    %swap3A_240 = arith.constant 96 : index
    %swap3A_241 = tpu.vector_load %arg7[%swap3A_239, %swap3A_240] {strides = array<i32>} : memref<4x128xi32, #tpu.memory_space<vmem>>, vector<16xi32>,
    tpu.vector_store %arg7[%swap3A_239, %swap3A_240], %shift_right_arithmetic3A_237 {strides = array<i32>} : memref<4x128xi32, #tpu.memory_space<vmem>>, vector<16xi32>,
    %get3A_242 = arith.constant 368 : index
    %get3A_243 = tpu.vector_load %arg6[%get3A_242] {strides = array<i32>} : memref<512xi32, #tpu.memory_space<vmem>>, vector<16xi32>,
    %shift_right_arithmetic3A_244 = arith.constant 1 : i32
    %shift_right_arithmetic3A_245 = vector.broadcast %shift_right_arithmetic3A_244 : i32 to vector<16xi32>
    %shift_right_arithmetic3A_246 = arith.shrsi %get3A_243, %shift_right_arithmetic3A_245 : vector<16xi32>
    %swap3A_247 = arith.constant 2 : i32
    %swap3A_248 = arith.index_cast %swap3A_247 : i32 to index
    %swap3A_249 = arith.constant 112 : index
    %swap3A_250 = tpu.vector_load %arg7[%swap3A_248, %swap3A_249] {strides = array<i32>} : memref<4x128xi32, #tpu.memory_space<vmem>>, vector<16xi32>,
    tpu.vector_store %arg7[%swap3A_248, %swap3A_249], %shift_right_arithmetic3A_246 {strides = array<i32>} : memref<4x128xi32, #tpu.memory_space<vmem>>, vector<16xi32>,
    %get3A_251 = arith.constant 384 : index
    %get3A_252 = tpu.vector_load %arg6[%get3A_251] {strides = array<i32>} : memref<512xi32, #tpu.memory_space<vmem>>, vector<16xi32>,
    %shift_right_arithmetic3A_253 = arith.constant 1 : i32
    %shift_right_arithmetic3A_254 = vector.broadcast %shift_right_arithmetic3A_253 : i32 to vector<16xi32>
    %shift_right_arithmetic3A_255 = arith.shrsi %get3A_252, %shift_right_arithmetic3A_254 : vector<16xi32>
    %swap3A_256 = arith.constant 3 : i32
    %swap3A_257 = arith.index_cast %swap3A_256 : i32 to index
    %swap3A_258 = arith.constant 0 : index
    %swap3A_259 = tpu.vector_load %arg7[%swap3A_257, %swap3A_258] {strides = array<i32>} : memref<4x128xi32, #tpu.memory_space<vmem>>, vector<16xi32>,
    tpu.vector_store %arg7[%swap3A_257, %swap3A_258], %shift_right_arithmetic3A_255 {strides = array<i32>} : memref<4x128xi32, #tpu.memory_space<vmem>>, vector<16xi32>,
    %get3A_260 = arith.constant 400 : index
    %get3A_261 = tpu.vector_load %arg6[%get3A_260] {strides = array<i32>} : memref<512xi32, #tpu.memory_space<vmem>>, vector<16xi32>,
    %shift_right_arithmetic3A_262 = arith.constant 1 : i32
    %shift_right_arithmetic3A_263 = vector.broadcast %shift_right_arithmetic3A_262 : i32 to vector<16xi32>
    %shift_right_arithmetic3A_264 = arith.shrsi %get3A_261, %shift_right_arithmetic3A_263 : vector<16xi32>
    %swap3A_265 = arith.constant 3 : i32
    %swap3A_266 = arith.index_cast %swap3A_265 : i32 to index
    %swap3A_267 = arith.constant 16 : index
    %swap3A_268 = tpu.vector_load %arg7[%swap3A_266, %swap3A_267] {strides = array<i32>} : memref<4x128xi32, #tpu.memory_space<vmem>>, vector<16xi32>,
    tpu.vector_store %arg7[%swap3A_266, %swap3A_267], %shift_right_arithmetic3A_264 {strides = array<i32>} : memref<4x128xi32, #tpu.memory_space<vmem>>, vector<16xi32>,
    %get3A_269 = arith.constant 416 : index
    %get3A_270 = tpu.vector_load %arg6[%get3A_269] {strides = array<i32>} : memref<512xi32, #tpu.memory_space<vmem>>, vector<16xi32>,
    %shift_right_arithmetic3A_271 = arith.constant 1 : i32
    %shift_right_arithmetic3A_272 = vector.broadcast %shift_right_arithmetic3A_271 : i32 to vector<16xi32>
    %shift_right_arithmetic3A_273 = arith.shrsi %get3A_270, %shift_right_arithmetic3A_272 : vector<16xi32>
    %swap3A_274 = arith.constant 3 : i32
    %swap3A_275 = arith.index_cast %swap3A_274 : i32 to index
    %swap3A_276 = arith.constant 32 : index
    %swap3A_277 = tpu.vector_load %arg7[%swap3A_275, %swap3A_276] {strides = array<i32>} : memref<4x128xi32, #tpu.memory_space<vmem>>, vector<16xi32>,
    tpu.vector_store %arg7[%swap3A_275, %swap3A_276], %shift_right_arithmetic3A_273 {strides = array<i32>} : memref<4x128xi32, #tpu.memory_space<vmem>>, vector<16xi32>,
    %get3A_278 = arith.constant 432 : index
    %get3A_279 = tpu.vector_load %arg6[%get3A_278] {strides = array<i32>} : memref<512xi32, #tpu.memory_space<vmem>>, vector<16xi32>,
    %shift_right_arithmetic3A_280 = arith.constant 1 : i32
    %shift_right_arithmetic3A_281 = vector.broadcast %shift_right_arithmetic3A_280 : i32 to vector<16xi32>
    %shift_right_arithmetic3A_282 = arith.shrsi %get3A_279, %shift_right_arithmetic3A_281 : vector<16xi32>
    %swap3A_283 = arith.constant 3 : i32
    %swap3A_284 = arith.index_cast %swap3A_283 : i32 to index
    %swap3A_285 = arith.constant 48 : index
    %swap3A_286 = tpu.vector_load %arg7[%swap3A_284, %swap3A_285] {strides = array<i32>} : memref<4x128xi32, #tpu.memory_space<vmem>>, vector<16xi32>,
    tpu.vector_store %arg7[%swap3A_284, %swap3A_285], %shift_right_arithmetic3A_282 {strides = array<i32>} : memref<4x128xi32, #tpu.memory_space<vmem>>, vector<16xi32>,
    %get3A_287 = arith.constant 448 : index
    %get3A_288 = tpu.vector_load %arg6[%get3A_287] {strides = array<i32>} : memref<512xi32, #tpu.memory_space<vmem>>, vector<16xi32>,
    %shift_right_arithmetic3A_289 = arith.constant 1 : i32
    %shift_right_arithmetic3A_290 = vector.broadcast %shift_right_arithmetic3A_289 : i32 to vector<16xi32>
    %shift_right_arithmetic3A_291 = arith.shrsi %get3A_288, %shift_right_arithmetic3A_290 : vector<16xi32>
    %swap3A_292 = arith.constant 3 : i32
    %swap3A_293 = arith.index_cast %swap3A_292 : i32 to index
    %swap3A_294 = arith.constant 64 : index
    %swap3A_295 = tpu.vector_load %arg7[%swap3A_293, %swap3A_294] {strides = array<i32>} : memref<4x128xi32, #tpu.memory_space<vmem>>, vector<16xi32>,
    tpu.vector_store %arg7[%swap3A_293, %swap3A_294], %shift_right_arithmetic3A_291 {strides = array<i32>} : memref<4x128xi32, #tpu.memory_space<vmem>>, vector<16xi32>,
    %get3A_296 = arith.constant 464 : index
    %get3A_297 = tpu.vector_load %arg6[%get3A_296] {strides = array<i32>} : memref<512xi32, #tpu.memory_space<vmem>>, vector<16xi32>,
    %shift_right_arithmetic3A_298 = arith.constant 1 : i32
    %shift_right_arithmetic3A_299 = vector.broadcast %shift_right_arithmetic3A_298 : i32 to vector<16xi32>
    %shift_right_arithmetic3A_300 = arith.shrsi %get3A_297, %shift_right_arithmetic3A_299 : vector<16xi32>
    %swap3A_301 = arith.constant 3 : i32
    %swap3A_302 = arith.index_cast %swap3A_301 : i32 to index
    %swap3A_303 = arith.constant 80 : index
    %swap3A_304 = tpu.vector_load %arg7[%swap3A_302, %swap3A_303] {strides = array<i32>} : memref<4x128xi32, #tpu.memory_space<vmem>>, vector<16xi32>,
    tpu.vector_store %arg7[%swap3A_302, %swap3A_303], %shift_right_arithmetic3A_300 {strides = array<i32>} : memref<4x128xi32, #tpu.memory_space<vmem>>, vector<16xi32>,
    %get3A_305 = arith.constant 480 : index
    %get3A_306 = tpu.vector_load %arg6[%get3A_305] {strides = array<i32>} : memref<512xi32, #tpu.memory_space<vmem>>, vector<16xi32>,
    %shift_right_arithmetic3A_307 = arith.constant 1 : i32
    %shift_right_arithmetic3A_308 = vector.broadcast %shift_right_arithmetic3A_307 : i32 to vector<16xi32>
    %shift_right_arithmetic3A_309 = arith.shrsi %get3A_306, %shift_right_arithmetic3A_308 : vector<16xi32>
    %swap3A_310 = arith.constant 3 : i32
    %swap3A_311 = arith.index_cast %swap3A_310 : i32 to index
    %swap3A_312 = arith.constant 96 : index
    %swap3A_313 = tpu.vector_load %arg7[%swap3A_311, %swap3A_312] {strides = array<i32>} : memref<4x128xi32, #tpu.memory_space<vmem>>, vector<16xi32>,
    tpu.vector_store %arg7[%swap3A_311, %swap3A_312], %shift_right_arithmetic3A_309 {strides = array<i32>} : memref<4x128xi32, #tpu.memory_space<vmem>>, vector<16xi32>,
    %get3A_314 = arith.constant 496 : index
    %get3A_315 = tpu.vector_load %arg6[%get3A_314] {strides = array<i32>} : memref<512xi32, #tpu.memory_space<vmem>>, vector<16xi32>,
    %shift_right_arithmetic3A_316 = arith.constant 1 : i32
    %shift_right_arithmetic3A_317 = vector.broadcast %shift_right_arithmetic3A_316 : i32 to vector<16xi32>
    %shift_right_arithmetic3A_318 = arith.shrsi %get3A_315, %shift_right_arithmetic3A_317 : vector<16xi32>
    %swap3A_319 = arith.constant 3 : i32
    %swap3A_320 = arith.index_cast %swap3A_319 : i32 to index
    %swap3A_321 = arith.constant 112 : index
    %swap3A_322 = tpu.vector_load %arg7[%swap3A_320, %swap3A_321] {strides = array<i32>} : memref<4x128xi32, #tpu.memory_space<vmem>>, vector<16xi32>,
    tpu.vector_store %arg7[%swap3A_320, %swap3A_321], %shift_right_arithmetic3A_318 {strides = array<i32>} : memref<4x128xi32, #tpu.memory_space<vmem>>, vector<16xi32>,
    %dma_start3A_323 = arith.constant 0 : i32
    %dma_start3A_324 = arith.constant 0 : i32
    %dma_start3A_325 = arith.constant 0 : i32
    %dma_start3A_326 = tpu.memref_slice %arg8[%dma_start3A_324, %dma_start3A_325] : memref<256x128xf32, #tpu.memory_space<vmem>> -> memref<128x128xf32, #tpu.memory_space<vmem>>
    %dma_start3A_327 = arith.constant 0 : i32
    %dma_start3A_328 = tpu.memref_slice %arg7[%dma_start3A_323, %dma_start3A_327] : memref<4x128xi32, #tpu.memory_space<vmem>> -> memref<1x128xi32, #tpu.memory_space<vmem>>
    %dma_start3A_329 = tpu.memref_squeeze %dma_start3A_328 : memref<1x128xi32, #tpu.memory_space<vmem>> -> memref<128xi32, #tpu.memory_space<vmem>>
    %dma_start3A_330 = arith.constant 0 : i32
    %dma_start3A_331 = arith.constant 0 : i32
    %dma_start3A_332 = tpu.memref_slice %arg3[%dma_start3A_330, %dma_start3A_331] : memref<500x128xf32, #tpu.memory_space<hbm>> -> memref<500x128xf32, #tpu.memory_space<hbm>>
    tpu.enqueue_indirect_dma source(%dma_start3A_332 : memref<500x128xf32, #tpu.memory_space<hbm>>) target(%dma_start3A_326 : memref<128x128xf32, #tpu.memory_space<vmem>>) offsets(%dma_start3A_329 : memref<128xi32, #tpu.memory_space<vmem>>) semaphore(%arg15 : memref<!tpu.dma_semaphore, #tpu.memory_space<semaphore_mem>>)
    %dma_start3A_333 = arith.constant 1 : i32
    %dma_start3A_334 = arith.constant 128 : i32
    %dma_start3A_335 = arith.constant 0 : i32
    %dma_start3A_336 = tpu.memref_slice %arg8[%dma_start3A_334, %dma_start3A_335] : memref<256x128xf32, #tpu.memory_space<vmem>> -> memref<128x128xf32, #tpu.memory_space<vmem>>
    %dma_start3A_337 = arith.constant 0 : i32
    %dma_start3A_338 = tpu.memref_slice %arg7[%dma_start3A_333, %dma_start3A_337] : memref<4x128xi32, #tpu.memory_space<vmem>> -> memref<1x128xi32, #tpu.memory_space<vmem>>
    %dma_start3A_339 = tpu.memref_squeeze %dma_start3A_338 : memref<1x128xi32, #tpu.memory_space<vmem>> -> memref<128xi32, #tpu.memory_space<vmem>>
    %dma_start3A_340 = arith.constant 0 : i32
    %dma_start3A_341 = arith.constant 0 : i32
    %dma_start3A_342 = tpu.memref_slice %arg3[%dma_start3A_340, %dma_start3A_341] : memref<500x128xf32, #tpu.memory_space<hbm>> -> memref<500x128xf32, #tpu.memory_space<hbm>>
    tpu.enqueue_indirect_dma source(%dma_start3A_342 : memref<500x128xf32, #tpu.memory_space<hbm>>) target(%dma_start3A_336 : memref<128x128xf32, #tpu.memory_space<vmem>>) offsets(%dma_start3A_339 : memref<128xi32, #tpu.memory_space<vmem>>) semaphore(%arg15 : memref<!tpu.dma_semaphore, #tpu.memory_space<semaphore_mem>>)
    %dma_wait3A = arith.constant 0 : i32
    %dma_wait3A_343 = tpu.memref_slice %arg4[%dma_wait3A, %add3A_7] : memref<64x100000xf32, #tpu.memory_space<hbm>> -> memref<64x256xf32, #tpu.memory_space<hbm>>
    %dma_wait3A_344 = arith.constant 0 : i32
    %dma_wait3A_345 = tpu.memref_slice %arg4[%dma_wait3A_344, %add3A_7] : memref<64x100000xf32, #tpu.memory_space<hbm>> -> memref<64x256xf32, #tpu.memory_space<hbm>>
    tpu.wait_dma2 semaphore(%arg16 : memref<!tpu.dma_semaphore, #tpu.memory_space<semaphore_mem>>) src(%dma_wait3A_345 : memref<64x256xf32, #tpu.memory_space<hbm>>) dst(%arg10 : memref<64x256xf32, #tpu.memory_space<vmem>>)
    %min3A_346 = arith.constant 0 : i32
    %min3A_347 = arith.constant 2944 : i32
    %min3A_348 = arith.minsi %min3A_346, %min3A_347 : i32
    %multiple_of3A_349 = tpu.assume_multiple %min3A_348, 128 : i32
    %add3A_350 = arith.addi %mul3A_4, %multiple_of3A_349 : i32
    %add3A_351 = arith.constant 16384 : i32
    %add3A_352 = arith.addi %add3A_351, %add3A_350 : i32
    %dma_start3A_353 = arith.constant 0 : i32
    %dma_start3A_354 = tpu.memref_slice %arg5[%dma_start3A_353, %add3A_352] : memref<64x116384xf32, #tpu.memory_space<hbm>> -> memref<64x256xf32, #tpu.memory_space<hbm>>
    %dma_start3A_355 = arith.constant 0 : i32
    %dma_start3A_356 = tpu.memref_slice %arg5[%dma_start3A_355, %add3A_352] : memref<64x116384xf32, #tpu.memory_space<hbm>> -> memref<64x256xf32, #tpu.memory_space<hbm>>
    tpu.enqueue_dma source(%arg10 : memref<64x256xf32, #tpu.memory_space<vmem>>) target(%dma_start3A_356 : memref<64x256xf32, #tpu.memory_space<hbm>>) target_semaphore(%arg17 : memref<!tpu.dma_semaphore, #tpu.memory_space<semaphore_mem>>)
    %dma_wait3A_357 = arith.constant 0 : i32
    %dma_wait3A_358 = tpu.memref_slice %arg4[%dma_wait3A_357, %add3A_15] : memref<64x100000xf32, #tpu.memory_space<hbm>> -> memref<64x256xf32, #tpu.memory_space<hbm>>
    %dma_wait3A_359 = arith.constant 0 : i32
    %dma_wait3A_360 = tpu.memref_slice %arg4[%dma_wait3A_359, %add3A_15] : memref<64x100000xf32, #tpu.memory_space<hbm>> -> memref<64x256xf32, #tpu.memory_space<hbm>>
    tpu.wait_dma2 semaphore(%arg16 : memref<!tpu.dma_semaphore, #tpu.memory_space<semaphore_mem>>) src(%dma_wait3A_360 : memref<64x256xf32, #tpu.memory_space<hbm>>) dst(%arg11 : memref<64x256xf32, #tpu.memory_space<vmem>>)
    %min3A_361 = arith.constant 256 : i32
    %min3A_362 = arith.constant 2944 : i32
    %min3A_363 = arith.minsi %min3A_361, %min3A_362 : i32
    %multiple_of3A_364 = tpu.assume_multiple %min3A_363, 128 : i32
    %add3A_365 = arith.addi %mul3A_4, %multiple_of3A_364 : i32
    %add3A_366 = arith.constant 16384 : i32
    %add3A_367 = arith.addi %add3A_366, %add3A_365 : i32
    %dma_start3A_368 = arith.constant 0 : i32
    %dma_start3A_369 = tpu.memref_slice %arg5[%dma_start3A_368, %add3A_367] : memref<64x116384xf32, #tpu.memory_space<hbm>> -> memref<64x256xf32, #tpu.memory_space<hbm>>
    %dma_start3A_370 = arith.constant 0 : i32
    %dma_start3A_371 = tpu.memref_slice %arg5[%dma_start3A_370, %add3A_367] : memref<64x116384xf32, #tpu.memory_space<hbm>> -> memref<64x256xf32, #tpu.memory_space<hbm>>
    tpu.enqueue_dma source(%arg11 : memref<64x256xf32, #tpu.memory_space<vmem>>) target(%dma_start3A_371 : memref<64x256xf32, #tpu.memory_space<hbm>>) target_semaphore(%arg17 : memref<!tpu.dma_semaphore, #tpu.memory_space<semaphore_mem>>)
    %dma_wait3A_372 = arith.constant 0 : i32
    %dma_wait3A_373 = arith.constant 0 : i32
    %dma_wait3A_374 = arith.constant 0 : i32
    %dma_wait3A_375 = tpu.memref_slice %arg8[%dma_wait3A_373, %dma_wait3A_374] : memref<256x128xf32, #tpu.memory_space<vmem>> -> memref<128x128xf32, #tpu.memory_space<vmem>>
    %dma_wait3A_376 = arith.constant 0 : i32
    %dma_wait3A_377 = tpu.memref_slice %arg7[%dma_wait3A_372, %dma_wait3A_376] : memref<4x128xi32, #tpu.memory_space<vmem>> -> memref<1x128xi32, #tpu.memory_space<vmem>>
    %dma_wait3A_378 = tpu.memref_squeeze %dma_wait3A_377 : memref<1x128xi32, #tpu.memory_space<vmem>> -> memref<128xi32, #tpu.memory_space<vmem>>
    %dma_wait3A_379 = arith.constant 0 : i32
    %dma_wait3A_380 = arith.constant 0 : i32
    %dma_wait3A_381 = tpu.memref_slice %arg3[%dma_wait3A_379, %dma_wait3A_380] : memref<500x128xf32, #tpu.memory_space<hbm>> -> memref<500x128xf32, #tpu.memory_space<hbm>>
    tpu.wait_indirect_dma semaphore(%arg15 : memref<!tpu.dma_semaphore, #tpu.memory_space<semaphore_mem>>) src(%dma_wait3A_381 : memref<500x128xf32, #tpu.memory_space<hbm>>) dst(%dma_wait3A_375 : memref<128x128xf32, #tpu.memory_space<vmem>>)
    %dma_wait3A_382 = arith.constant 1 : i32
    %dma_wait3A_383 = arith.constant 128 : i32
    %dma_wait3A_384 = arith.constant 0 : i32
    %dma_wait3A_385 = tpu.memref_slice %arg8[%dma_wait3A_383, %dma_wait3A_384] : memref<256x128xf32, #tpu.memory_space<vmem>> -> memref<128x128xf32, #tpu.memory_space<vmem>>
    %dma_wait3A_386 = arith.constant 0 : i32
    %dma_wait3A_387 = tpu.memref_slice %arg7[%dma_wait3A_382, %dma_wait3A_386] : memref<4x128xi32, #tpu.memory_space<vmem>> -> memref<1x128xi32, #tpu.memory_space<vmem>>
    %dma_wait3A_388 = tpu.memref_squeeze %dma_wait3A_387 : memref<1x128xi32, #tpu.memory_space<vmem>> -> memref<128xi32, #tpu.memory_space<vmem>>
    %dma_wait3A_389 = arith.constant 0 : i32
    %dma_wait3A_390 = arith.constant 0 : i32
    %dma_wait3A_391 = tpu.memref_slice %arg3[%dma_wait3A_389, %dma_wait3A_390] : memref<500x128xf32, #tpu.memory_space<hbm>> -> memref<500x128xf32, #tpu.memory_space<hbm>>
    tpu.wait_indirect_dma semaphore(%arg15 : memref<!tpu.dma_semaphore, #tpu.memory_space<semaphore_mem>>) src(%dma_wait3A_391 : memref<500x128xf32, #tpu.memory_space<hbm>>) dst(%dma_wait3A_385 : memref<128x128xf32, #tpu.memory_space<vmem>>)
    %scan3A = arith.constant 0 : i32
    %scan3A_392 = arith.constant 0 : i32
    %scan3A_393 = arith.constant 16 : i32
    %scan3A_394 = arith.addi %scan3A_392, %scan3A_393 : i32
    %scan3A_395 = arith.constant 2 : i32
    %scan3A_396 = scf.for %scan3A_762 = %scan3A_392 to %scan3A_394 step %scan3A_395 iter_args(%scan3A_763 = %scan3A) -> (i32)  : i32 {
      %iota3A = tpu.iota {dimensions = array<i32: 0>} : vector<16xi32>
      %mul3A_764 = arith.constant 16 : i32
      %mul3A_765 = arith.muli %scan3A_762, %mul3A_764 : i32
      %add3A_766 = vector.broadcast %mul3A_765 : i32 to vector<16xi32>
      %add3A_767 = arith.addi %iota3A, %add3A_766 : vector<16xi32>
      %mul3A_768 = arith.constant 16 : i32
      %mul3A_769 = arith.muli %scan3A_762, %mul3A_768 : i32
      %add3A_770 = arith.constant 0 : i32
      %add3A_771 = arith.addi %add3A_770, %mul3A_769 : i32
      %get3A_772 = arith.index_cast %add3A_771 : i32 to index
      %get3A_773 = tpu.vector_load %arg6[%get3A_772] {strides = array<i32>} : memref<512xi32, #tpu.memory_space<vmem>>, vector<16xi32>,
      %and3A_774 = arith.constant 1 : i32
      %and3A_775 = vector.broadcast %and3A_774 : i32 to vector<16xi32>
      %and3A_776 = arith.andi %get3A_773, %and3A_775 : vector<16xi32>
      %mul3A_777 = arith.constant 64 : i32
      %mul3A_778 = vector.broadcast %mul3A_777 : i32 to vector<16xi32>
      %mul3A_779 = arith.muli %and3A_776, %mul3A_778 : vector<16xi32>
      %add3A_780 = arith.constant 0 : i32
      %add3A_781 = vector.broadcast %add3A_780 : i32 to vector<16xi32>
      %add3A_782 = arith.addi %iota3A, %add3A_781 : vector<16xi32>
      %and3A_783 = arith.constant 63 : i32
      %and3A_784 = vector.broadcast %and3A_783 : i32 to vector<16xi32>
      %and3A_785 = arith.andi %add3A_782, %and3A_784 : vector<16xi32>
      %add3A_786 = arith.addi %mul3A_779, %and3A_785 : vector<16xi32>
      %gather3A = tpu.vector_load_idx %arg8[%add3A_767, %add3A_786] : memref<256x128xf32, #tpu.memory_space<vmem>>[vector<16xi32>, vector<16xi32>], vector<16xf32>,
      tpu.vector_store_idx %arg9[%and3A_785, %add3A_767], %gather3A : memref<64x256xf32, #tpu.memory_space<vmem>>[vector<16xi32>, vector<16xi32>], vector<16xf32>,
      %add3A_787 = arith.constant 1 : i32
      %add3A_788 = vector.broadcast %add3A_787 : i32 to vector<16xi32>
      %add3A_789 = arith.addi %iota3A, %add3A_788 : vector<16xi32>
      %and3A_790 = arith.constant 63 : i32
      %and3A_791 = vector.broadcast %and3A_790 : i32 to vector<16xi32>
      %and3A_792 = arith.andi %add3A_789, %and3A_791 : vector<16xi32>
      %add3A_793 = arith.addi %mul3A_779, %and3A_792 : vector<16xi32>
      %gather3A_794 = tpu.vector_load_idx %arg8[%add3A_767, %add3A_793] : memref<256x128xf32, #tpu.memory_space<vmem>>[vector<16xi32>, vector<16xi32>], vector<16xf32>,
      tpu.vector_store_idx %arg9[%and3A_792, %add3A_767], %gather3A_794 : memref<64x256xf32, #tpu.memory_space<vmem>>[vector<16xi32>, vector<16xi32>], vector<16xf32>,
      %add3A_795 = arith.constant 2 : i32
      %add3A_796 = vector.broadcast %add3A_795 : i32 to vector<16xi32>
      %add3A_797 = arith.addi %iota3A, %add3A_796 : vector<16xi32>
      %and3A_798 = arith.constant 63 : i32
      %and3A_799 = vector.broadcast %and3A_798 : i32 to vector<16xi32>
      %and3A_800 = arith.andi %add3A_797, %and3A_799 : vector<16xi32>
      %add3A_801 = arith.addi %mul3A_779, %and3A_800 : vector<16xi32>
      %gather3A_802 = tpu.vector_load_idx %arg8[%add3A_767, %add3A_801] : memref<256x128xf32, #tpu.memory_space<vmem>>[vector<16xi32>, vector<16xi32>], vector<16xf32>,
      tpu.vector_store_idx %arg9[%and3A_800, %add3A_767], %gather3A_802 : memref<64x256xf32, #tpu.memory_space<vmem>>[vector<16xi32>, vector<16xi32>], vector<16xf32>,
      %add3A_803 = arith.constant 3 : i32
      %add3A_804 = vector.broadcast %add3A_803 : i32 to vector<16xi32>
      %add3A_805 = arith.addi %iota3A, %add3A_804 : vector<16xi32>
      %and3A_806 = arith.constant 63 : i32
      %and3A_807 = vector.broadcast %and3A_806 : i32 to vector<16xi32>
      %and3A_808 = arith.andi %add3A_805, %and3A_807 : vector<16xi32>
      %add3A_809 = arith.addi %mul3A_779, %and3A_808 : vector<16xi32>
      %gather3A_810 = tpu.vector_load_idx %arg8[%add3A_767, %add3A_809] : memref<256x128xf32, #tpu.memory_space<vmem>>[vector<16xi32>, vector<16xi32>], vector<16xf32>,
      tpu.vector_store_idx %arg9[%and3A_808, %add3A_767], %gather3A_810 : memref<64x256xf32, #tpu.memory_space<vmem>>[vector<16xi32>, vector<16xi32>], vector<16xf32>,
      %add3A_811 = arith.constant 4 : i32
      %add3A_812 = vector.broadcast %add3A_811 : i32 to vector<16xi32>
      %add3A_813 = arith.addi %iota3A, %add3A_812 : vector<16xi32>
      %and3A_814 = arith.constant 63 : i32
      %and3A_815 = vector.broadcast %and3A_814 : i32 to vector<16xi32>
      %and3A_816 = arith.andi %add3A_813, %and3A_815 : vector<16xi32>
      %add3A_817 = arith.addi %mul3A_779, %and3A_816 : vector<16xi32>
      %gather3A_818 = tpu.vector_load_idx %arg8[%add3A_767, %add3A_817] : memref<256x128xf32, #tpu.memory_space<vmem>>[vector<16xi32>, vector<16xi32>], vector<16xf32>,
      tpu.vector_store_idx %arg9[%and3A_816, %add3A_767], %gather3A_818 : memref<64x256xf32, #tpu.memory_space<vmem>>[vector<16xi32>, vector<16xi32>], vector<16xf32>,
      %add3A_819 = arith.constant 5 : i32
      %add3A_820 = vector.broadcast %add3A_819 : i32 to vector<16xi32>
      %add3A_821 = arith.addi %iota3A, %add3A_820 : vector<16xi32>
      %and3A_822 = arith.constant 63 : i32
      %and3A_823 = vector.broadcast %and3A_822 : i32 to vector<16xi32>
      %and3A_824 = arith.andi %add3A_821, %and3A_823 : vector<16xi32>
      %add3A_825 = arith.addi %mul3A_779, %and3A_824 : vector<16xi32>
      %gather3A_826 = tpu.vector_load_idx %arg8[%add3A_767, %add3A_825] : memref<256x128xf32, #tpu.memory_space<vmem>>[vector<16xi32>, vector<16xi32>], vector<16xf32>,
      tpu.vector_store_idx %arg9[%and3A_824, %add3A_767], %gather3A_826 : memref<64x256xf32, #tpu.memory_space<vmem>>[vector<16xi32>, vector<16xi32>], vector<16xf32>,
      %add3A_827 = arith.constant 6 : i32
      %add3A_828 = vector.broadcast %add3A_827 : i32 to vector<16xi32>
      %add3A_829 = arith.addi %iota3A, %add3A_828 : vector<16xi32>
      %and3A_830 = arith.constant 63 : i32
      %and3A_831 = vector.broadcast %and3A_830 : i32 to vector<16xi32>
      %and3A_832 = arith.andi %add3A_829, %and3A_831 : vector<16xi32>
      %add3A_833 = arith.addi %mul3A_779, %and3A_832 : vector<16xi32>
      %gather3A_834 = tpu.vector_load_idx %arg8[%add3A_767, %add3A_833] : memref<256x128xf32, #tpu.memory_space<vmem>>[vector<16xi32>, vector<16xi32>], vector<16xf32>,
      tpu.vector_store_idx %arg9[%and3A_832, %add3A_767], %gather3A_834 : memref<64x256xf32, #tpu.memory_space<vmem>>[vector<16xi32>, vector<16xi32>], vector<16xf32>,
      %add3A_835 = arith.constant 7 : i32
      %add3A_836 = vector.broadcast %add3A_835 : i32 to vector<16xi32>
      %add3A_837 = arith.addi %iota3A, %add3A_836 : vector<16xi32>
      %and3A_838 = arith.constant 63 : i32
      %and3A_839 = vector.broadcast %and3A_838 : i32 to vector<16xi32>
      %and3A_840 = arith.andi %add3A_837, %and3A_839 : vector<16xi32>
      %add3A_841 = arith.addi %mul3A_779, %and3A_840 : vector<16xi32>
      %gather3A_842 = tpu.vector_load_idx %arg8[%add3A_767, %add3A_841] : memref<256x128xf32, #tpu.memory_space<vmem>>[vector<16xi32>, vector<16xi32>], vector<16xf32>,
      tpu.vector_store_idx %arg9[%and3A_840, %add3A_767], %gather3A_842 : memref<64x256xf32, #tpu.memory_space<vmem>>[vector<16xi32>, vector<16xi32>], vector<16xf32>,
      %add3A_843 = arith.constant 8 : i32
      %add3A_844 = vector.broadcast %add3A_843 : i32 to vector<16xi32>
      %add3A_845 = arith.addi %iota3A, %add3A_844 : vector<16xi32>
      %and3A_846 = arith.constant 63 : i32
      %and3A_847 = vector.broadcast %and3A_846 : i32 to vector<16xi32>
      %and3A_848 = arith.andi %add3A_845, %and3A_847 : vector<16xi32>
      %add3A_849 = arith.addi %mul3A_779, %and3A_848 : vector<16xi32>
      %gather3A_850 = tpu.vector_load_idx %arg8[%add3A_767, %add3A_849] : memref<256x128xf32, #tpu.memory_space<vmem>>[vector<16xi32>, vector<16xi32>], vector<16xf32>,
      tpu.vector_store_idx %arg9[%and3A_848, %add3A_767], %gather3A_850 : memref<64x256xf32, #tpu.memory_space<vmem>>[vector<16xi32>, vector<16xi32>], vector<16xf32>,
      %add3A_851 = arith.constant 9 : i32
      %add3A_852 = vector.broadcast %add3A_851 : i32 to vector<16xi32>
      %add3A_853 = arith.addi %iota3A, %add3A_852 : vector<16xi32>
      %and3A_854 = arith.constant 63 : i32
      %and3A_855 = vector.broadcast %and3A_854 : i32 to vector<16xi32>
      %and3A_856 = arith.andi %add3A_853, %and3A_855 : vector<16xi32>
      %add3A_857 = arith.addi %mul3A_779, %and3A_856 : vector<16xi32>
      %gather3A_858 = tpu.vector_load_idx %arg8[%add3A_767, %add3A_857] : memref<256x128xf32, #tpu.memory_space<vmem>>[vector<16xi32>, vector<16xi32>], vector<16xf32>,
      tpu.vector_store_idx %arg9[%and3A_856, %add3A_767], %gather3A_858 : memref<64x256xf32, #tpu.memory_space<vmem>>[vector<16xi32>, vector<16xi32>], vector<16xf32>,
      %add3A_859 = arith.constant 10 : i32
      %add3A_860 = vector.broadcast %add3A_859 : i32 to vector<16xi32>
      %add3A_861 = arith.addi %iota3A, %add3A_860 : vector<16xi32>
      %and3A_862 = arith.constant 63 : i32
      %and3A_863 = vector.broadcast %and3A_862 : i32 to vector<16xi32>
      %and3A_864 = arith.andi %add3A_861, %and3A_863 : vector<16xi32>
      %add3A_865 = arith.addi %mul3A_779, %and3A_864 : vector<16xi32>
      %gather3A_866 = tpu.vector_load_idx %arg8[%add3A_767, %add3A_865] : memref<256x128xf32, #tpu.memory_space<vmem>>[vector<16xi32>, vector<16xi32>], vector<16xf32>,
      tpu.vector_store_idx %arg9[%and3A_864, %add3A_767], %gather3A_866 : memref<64x256xf32, #tpu.memory_space<vmem>>[vector<16xi32>, vector<16xi32>], vector<16xf32>,
      %add3A_867 = arith.constant 11 : i32
      %add3A_868 = vector.broadcast %add3A_867 : i32 to vector<16xi32>
      %add3A_869 = arith.addi %iota3A, %add3A_868 : vector<16xi32>
      %and3A_870 = arith.constant 63 : i32
      %and3A_871 = vector.broadcast %and3A_870 : i32 to vector<16xi32>
      %and3A_872 = arith.andi %add3A_869, %and3A_871 : vector<16xi32>
      %add3A_873 = arith.addi %mul3A_779, %and3A_872 : vector<16xi32>
      %gather3A_874 = tpu.vector_load_idx %arg8[%add3A_767, %add3A_873] : memref<256x128xf32, #tpu.memory_space<vmem>>[vector<16xi32>, vector<16xi32>], vector<16xf32>,
      tpu.vector_store_idx %arg9[%and3A_872, %add3A_767], %gather3A_874 : memref<64x256xf32, #tpu.memory_space<vmem>>[vector<16xi32>, vector<16xi32>], vector<16xf32>,
      %add3A_875 = arith.constant 12 : i32
      %add3A_876 = vector.broadcast %add3A_875 : i32 to vector<16xi32>
      %add3A_877 = arith.addi %iota3A, %add3A_876 : vector<16xi32>
      %and3A_878 = arith.constant 63 : i32
      %and3A_879 = vector.broadcast %and3A_878 : i32 to vector<16xi32>
      %and3A_880 = arith.andi %add3A_877, %and3A_879 : vector<16xi32>
      %add3A_881 = arith.addi %mul3A_779, %and3A_880 : vector<16xi32>
      %gather3A_882 = tpu.vector_load_idx %arg8[%add3A_767, %add3A_881] : memref<256x128xf32, #tpu.memory_space<vmem>>[vector<16xi32>, vector<16xi32>], vector<16xf32>,
      tpu.vector_store_idx %arg9[%and3A_880, %add3A_767], %gather3A_882 : memref<64x256xf32, #tpu.memory_space<vmem>>[vector<16xi32>, vector<16xi32>], vector<16xf32>,
      %add3A_883 = arith.constant 13 : i32
      %add3A_884 = vector.broadcast %add3A_883 : i32 to vector<16xi32>
      %add3A_885 = arith.addi %iota3A, %add3A_884 : vector<16xi32>
      %and3A_886 = arith.constant 63 : i32
      %and3A_887 = vector.broadcast %and3A_886 : i32 to vector<16xi32>
      %and3A_888 = arith.andi %add3A_885, %and3A_887 : vector<16xi32>
      %add3A_889 = arith.addi %mul3A_779, %and3A_888 : vector<16xi32>
      %gather3A_890 = tpu.vector_load_idx %arg8[%add3A_767, %add3A_889] : memref<256x128xf32, #tpu.memory_space<vmem>>[vector<16xi32>, vector<16xi32>], vector<16xf32>,
      tpu.vector_store_idx %arg9[%and3A_888, %add3A_767], %gather3A_890 : memref<64x256xf32, #tpu.memory_space<vmem>>[vector<16xi32>, vector<16xi32>], vector<16xf32>,
      %add3A_891 = arith.constant 14 : i32
      %add3A_892 = vector.broadcast %add3A_891 : i32 to vector<16xi32>
      %add3A_893 = arith.addi %iota3A, %add3A_892 : vector<16xi32>
      %and3A_894 = arith.constant 63 : i32
      %and3A_895 = vector.broadcast %and3A_894 : i32 to vector<16xi32>
      %and3A_896 = arith.andi %add3A_893, %and3A_895 : vector<16xi32>
      %add3A_897 = arith.addi %mul3A_779, %and3A_896 : vector<16xi32>
      %gather3A_898 = tpu.vector_load_idx %arg8[%add3A_767, %add3A_897] : memref<256x128xf32, #tpu.memory_space<vmem>>[vector<16xi32>, vector<16xi32>], vector<16xf32>,
      tpu.vector_store_idx %arg9[%and3A_896, %add3A_767], %gather3A_898 : memref<64x256xf32, #tpu.memory_space<vmem>>[vector<16xi32>, vector<16xi32>], vector<16xf32>,
      %add3A_899 = arith.constant 15 : i32
      %add3A_900 = vector.broadcast %add3A_899 : i32 to vector<16xi32>
      %add3A_901 = arith.addi %iota3A, %add3A_900 : vector<16xi32>
      %and3A_902 = arith.constant 63 : i32
      %and3A_903 = vector.broadcast %and3A_902 : i32 to vector<16xi32>
      %and3A_904 = arith.andi %add3A_901, %and3A_903 : vector<16xi32>
      %add3A_905 = arith.addi %mul3A_779, %and3A_904 : vector<16xi32>
      %gather3A_906 = tpu.vector_load_idx %arg8[%add3A_767, %add3A_905] : memref<256x128xf32, #tpu.memory_space<vmem>>[vector<16xi32>, vector<16xi32>], vector<16xf32>,
      tpu.vector_store_idx %arg9[%and3A_904, %add3A_767], %gather3A_906 : memref<64x256xf32, #tpu.memory_space<vmem>>[vector<16xi32>, vector<16xi32>], vector<16xf32>,
      %add3A_907 = arith.constant 16 : i32
      %add3A_908 = vector.broadcast %add3A_907 : i32 to vector<16xi32>
      %add3A_909 = arith.addi %iota3A, %add3A_908 : vector<16xi32>
      %and3A_910 = arith.constant 63 : i32
      %and3A_911 = vector.broadcast %and3A_910 : i32 to vector<16xi32>
      %and3A_912 = arith.andi %add3A_909, %and3A_911 : vector<16xi32>
      %add3A_913 = arith.addi %mul3A_779, %and3A_912 : vector<16xi32>
      %gather3A_914 = tpu.vector_load_idx %arg8[%add3A_767, %add3A_913] : memref<256x128xf32, #tpu.memory_space<vmem>>[vector<16xi32>, vector<16xi32>], vector<16xf32>,
      tpu.vector_store_idx %arg9[%and3A_912, %add3A_767], %gather3A_914 : memref<64x256xf32, #tpu.memory_space<vmem>>[vector<16xi32>, vector<16xi32>], vector<16xf32>,
      %add3A_915 = arith.constant 17 : i32
      %add3A_916 = vector.broadcast %add3A_915 : i32 to vector<16xi32>
      %add3A_917 = arith.addi %iota3A, %add3A_916 : vector<16xi32>
      %and3A_918 = arith.constant 63 : i32
      %and3A_919 = vector.broadcast %and3A_918 : i32 to vector<16xi32>
      %and3A_920 = arith.andi %add3A_917, %and3A_919 : vector<16xi32>
      %add3A_921 = arith.addi %mul3A_779, %and3A_920 : vector<16xi32>
      %gather3A_922 = tpu.vector_load_idx %arg8[%add3A_767, %add3A_921] : memref<256x128xf32, #tpu.memory_space<vmem>>[vector<16xi32>, vector<16xi32>], vector<16xf32>,
      tpu.vector_store_idx %arg9[%and3A_920, %add3A_767], %gather3A_922 : memref<64x256xf32, #tpu.memory_space<vmem>>[vector<16xi32>, vector<16xi32>], vector<16xf32>,
      %add3A_923 = arith.constant 18 : i32
      %add3A_924 = vector.broadcast %add3A_923 : i32 to vector<16xi32>
      %add3A_925 = arith.addi %iota3A, %add3A_924 : vector<16xi32>
      %and3A_926 = arith.constant 63 : i32
      %and3A_927 = vector.broadcast %and3A_926 : i32 to vector<16xi32>
      %and3A_928 = arith.andi %add3A_925, %and3A_927 : vector<16xi32>
      %add3A_929 = arith.addi %mul3A_779, %and3A_928 : vector<16xi32>
      %gather3A_930 = tpu.vector_load_idx %arg8[%add3A_767, %add3A_929] : memref<256x128xf32, #tpu.memory_space<vmem>>[vector<16xi32>, vector<16xi32>], vector<16xf32>,
      tpu.vector_store_idx %arg9[%and3A_928, %add3A_767], %gather3A_930 : memref<64x256xf32, #tpu.memory_space<vmem>>[vector<16xi32>, vector<16xi32>], vector<16xf32>,
      %add3A_931 = arith.constant 19 : i32
      %add3A_932 = vector.broadcast %add3A_931 : i32 to vector<16xi32>
      %add3A_933 = arith.addi %iota3A, %add3A_932 : vector<16xi32>
      %and3A_934 = arith.constant 63 : i32
      %and3A_935 = vector.broadcast %and3A_934 : i32 to vector<16xi32>
      %and3A_936 = arith.andi %add3A_933, %and3A_935 : vector<16xi32>
      %add3A_937 = arith.addi %mul3A_779, %and3A_936 : vector<16xi32>
      %gather3A_938 = tpu.vector_load_idx %arg8[%add3A_767, %add3A_937] : memref<256x128xf32, #tpu.memory_space<vmem>>[vector<16xi32>, vector<16xi32>], vector<16xf32>,
      tpu.vector_store_idx %arg9[%and3A_936, %add3A_767], %gather3A_938 : memref<64x256xf32, #tpu.memory_space<vmem>>[vector<16xi32>, vector<16xi32>], vector<16xf32>,
      %add3A_939 = arith.constant 20 : i32
      %add3A_940 = vector.broadcast %add3A_939 : i32 to vector<16xi32>
      %add3A_941 = arith.addi %iota3A, %add3A_940 : vector<16xi32>
      %and3A_942 = arith.constant 63 : i32
      %and3A_943 = vector.broadcast %and3A_942 : i32 to vector<16xi32>
      %and3A_944 = arith.andi %add3A_941, %and3A_943 : vector<16xi32>
      %add3A_945 = arith.addi %mul3A_779, %and3A_944 : vector<16xi32>
      %gather3A_946 = tpu.vector_load_idx %arg8[%add3A_767, %add3A_945] : memref<256x128xf32, #tpu.memory_space<vmem>>[vector<16xi32>, vector<16xi32>], vector<16xf32>,
      tpu.vector_store_idx %arg9[%and3A_944, %add3A_767], %gather3A_946 : memref<64x256xf32, #tpu.memory_space<vmem>>[vector<16xi32>, vector<16xi32>], vector<16xf32>,
      %add3A_947 = arith.constant 21 : i32
      %add3A_948 = vector.broadcast %add3A_947 : i32 to vector<16xi32>
      %add3A_949 = arith.addi %iota3A, %add3A_948 : vector<16xi32>
      %and3A_950 = arith.constant 63 : i32
      %and3A_951 = vector.broadcast %and3A_950 : i32 to vector<16xi32>
      %and3A_952 = arith.andi %add3A_949, %and3A_951 : vector<16xi32>
      %add3A_953 = arith.addi %mul3A_779, %and3A_952 : vector<16xi32>
      %gather3A_954 = tpu.vector_load_idx %arg8[%add3A_767, %add3A_953] : memref<256x128xf32, #tpu.memory_space<vmem>>[vector<16xi32>, vector<16xi32>], vector<16xf32>,
      tpu.vector_store_idx %arg9[%and3A_952, %add3A_767], %gather3A_954 : memref<64x256xf32, #tpu.memory_space<vmem>>[vector<16xi32>, vector<16xi32>], vector<16xf32>,
      %add3A_955 = arith.constant 22 : i32
      %add3A_956 = vector.broadcast %add3A_955 : i32 to vector<16xi32>
      %add3A_957 = arith.addi %iota3A, %add3A_956 : vector<16xi32>
      %and3A_958 = arith.constant 63 : i32
      %and3A_959 = vector.broadcast %and3A_958 : i32 to vector<16xi32>
      %and3A_960 = arith.andi %add3A_957, %and3A_959 : vector<16xi32>
      %add3A_961 = arith.addi %mul3A_779, %and3A_960 : vector<16xi32>
      %gather3A_962 = tpu.vector_load_idx %arg8[%add3A_767, %add3A_961] : memref<256x128xf32, #tpu.memory_space<vmem>>[vector<16xi32>, vector<16xi32>], vector<16xf32>,
      tpu.vector_store_idx %arg9[%and3A_960, %add3A_767], %gather3A_962 : memref<64x256xf32, #tpu.memory_space<vmem>>[vector<16xi32>, vector<16xi32>], vector<16xf32>,
      %add3A_963 = arith.constant 23 : i32
      %add3A_964 = vector.broadcast %add3A_963 : i32 to vector<16xi32>
      %add3A_965 = arith.addi %iota3A, %add3A_964 : vector<16xi32>
      %and3A_966 = arith.constant 63 : i32
      %and3A_967 = vector.broadcast %and3A_966 : i32 to vector<16xi32>
      %and3A_968 = arith.andi %add3A_965, %and3A_967 : vector<16xi32>
      %add3A_969 = arith.addi %mul3A_779, %and3A_968 : vector<16xi32>
      %gather3A_970 = tpu.vector_load_idx %arg8[%add3A_767, %add3A_969] : memref<256x128xf32, #tpu.memory_space<vmem>>[vector<16xi32>, vector<16xi32>], vector<16xf32>,
      tpu.vector_store_idx %arg9[%and3A_968, %add3A_767], %gather3A_970 : memref<64x256xf32, #tpu.memory_space<vmem>>[vector<16xi32>, vector<16xi32>], vector<16xf32>,
      %add3A_971 = arith.constant 24 : i32
      %add3A_972 = vector.broadcast %add3A_971 : i32 to vector<16xi32>
      %add3A_973 = arith.addi %iota3A, %add3A_972 : vector<16xi32>
      %and3A_974 = arith.constant 63 : i32
      %and3A_975 = vector.broadcast %and3A_974 : i32 to vector<16xi32>
      %and3A_976 = arith.andi %add3A_973, %and3A_975 : vector<16xi32>
      %add3A_977 = arith.addi %mul3A_779, %and3A_976 : vector<16xi32>
      %gather3A_978 = tpu.vector_load_idx %arg8[%add3A_767, %add3A_977] : memref<256x128xf32, #tpu.memory_space<vmem>>[vector<16xi32>, vector<16xi32>], vector<16xf32>,
      tpu.vector_store_idx %arg9[%and3A_976, %add3A_767], %gather3A_978 : memref<64x256xf32, #tpu.memory_space<vmem>>[vector<16xi32>, vector<16xi32>], vector<16xf32>,
      %add3A_979 = arith.constant 25 : i32
      %add3A_980 = vector.broadcast %add3A_979 : i32 to vector<16xi32>
      %add3A_981 = arith.addi %iota3A, %add3A_980 : vector<16xi32>
      %and3A_982 = arith.constant 63 : i32
      %and3A_983 = vector.broadcast %and3A_982 : i32 to vector<16xi32>
      %and3A_984 = arith.andi %add3A_981, %and3A_983 : vector<16xi32>
      %add3A_985 = arith.addi %mul3A_779, %and3A_984 : vector<16xi32>
      %gather3A_986 = tpu.vector_load_idx %arg8[%add3A_767, %add3A_985] : memref<256x128xf32, #tpu.memory_space<vmem>>[vector<16xi32>, vector<16xi32>], vector<16xf32>,
      tpu.vector_store_idx %arg9[%and3A_984, %add3A_767], %gather3A_986 : memref<64x256xf32, #tpu.memory_space<vmem>>[vector<16xi32>, vector<16xi32>], vector<16xf32>,
      %add3A_987 = arith.constant 26 : i32
      %add3A_988 = vector.broadcast %add3A_987 : i32 to vector<16xi32>
      %add3A_989 = arith.addi %iota3A, %add3A_988 : vector<16xi32>
      %and3A_990 = arith.constant 63 : i32
      %and3A_991 = vector.broadcast %and3A_990 : i32 to vector<16xi32>
      %and3A_992 = arith.andi %add3A_989, %and3A_991 : vector<16xi32>
      %add3A_993 = arith.addi %mul3A_779, %and3A_992 : vector<16xi32>
      %gather3A_994 = tpu.vector_load_idx %arg8[%add3A_767, %add3A_993] : memref<256x128xf32, #tpu.memory_space<vmem>>[vector<16xi32>, vector<16xi32>], vector<16xf32>,
      tpu.vector_store_idx %arg9[%and3A_992, %add3A_767], %gather3A_994 : memref<64x256xf32, #tpu.memory_space<vmem>>[vector<16xi32>, vector<16xi32>], vector<16xf32>,
      %add3A_995 = arith.constant 27 : i32
      %add3A_996 = vector.broadcast %add3A_995 : i32 to vector<16xi32>
      %add3A_997 = arith.addi %iota3A, %add3A_996 : vector<16xi32>
      %and3A_998 = arith.constant 63 : i32
      %and3A_999 = vector.broadcast %and3A_998 : i32 to vector<16xi32>
      %and3A_1000 = arith.andi %add3A_997, %and3A_999 : vector<16xi32>
      %add3A_1001 = arith.addi %mul3A_779, %and3A_1000 : vector<16xi32>
      %gather3A_1002 = tpu.vector_load_idx %arg8[%add3A_767, %add3A_1001] : memref<256x128xf32, #tpu.memory_space<vmem>>[vector<16xi32>, vector<16xi32>], vector<16xf32>,
      tpu.vector_store_idx %arg9[%and3A_1000, %add3A_767], %gather3A_1002 : memref<64x256xf32, #tpu.memory_space<vmem>>[vector<16xi32>, vector<16xi32>], vector<16xf32>,
      %add3A_1003 = arith.constant 28 : i32
      %add3A_1004 = vector.broadcast %add3A_1003 : i32 to vector<16xi32>
      %add3A_1005 = arith.addi %iota3A, %add3A_1004 : vector<16xi32>
      %and3A_1006 = arith.constant 63 : i32
      %and3A_1007 = vector.broadcast %and3A_1006 : i32 to vector<16xi32>
      %and3A_1008 = arith.andi %add3A_1005, %and3A_1007 : vector<16xi32>
      %add3A_1009 = arith.addi %mul3A_779, %and3A_1008 : vector<16xi32>
      %gather3A_1010 = tpu.vector_load_idx %arg8[%add3A_767, %add3A_1009] : memref<256x128xf32, #tpu.memory_space<vmem>>[vector<16xi32>, vector<16xi32>], vector<16xf32>,
      tpu.vector_store_idx %arg9[%and3A_1008, %add3A_767], %gather3A_1010 : memref<64x256xf32, #tpu.memory_space<vmem>>[vector<16xi32>, vector<16xi32>], vector<16xf32>,
      %add3A_1011 = arith.constant 29 : i32
      %add3A_1012 = vector.broadcast %add3A_1011 : i32 to vector<16xi32>
      %add3A_1013 = arith.addi %iota3A, %add3A_1012 : vector<16xi32>
      %and3A_1014 = arith.constant 63 : i32
      %and3A_1015 = vector.broadcast %and3A_1014 : i32 to vector<16xi32>
      %and3A_1016 = arith.andi %add3A_1013, %and3A_1015 : vector<16xi32>
      %add3A_1017 = arith.addi %mul3A_779, %and3A_1016 : vector<16xi32>
      %gather3A_1018 = tpu.vector_load_idx %arg8[%add3A_767, %add3A_1017] : memref<256x128xf32, #tpu.memory_space<vmem>>[vector<16xi32>, vector<16xi32>], vector<16xf32>,
      tpu.vector_store_idx %arg9[%and3A_1016, %add3A_767], %gather3A_1018 : memref<64x256xf32, #tpu.memory_space<vmem>>[vector<16xi32>, vector<16xi32>], vector<16xf32>,
      %add3A_1019 = arith.constant 30 : i32
      %add3A_1020 = vector.broadcast %add3A_1019 : i32 to vector<16xi32>
      %add3A_1021 = arith.addi %iota3A, %add3A_1020 : vector<16xi32>
      %and3A_1022 = arith.constant 63 : i32
      %and3A_1023 = vector.broadcast %and3A_1022 : i32 to vector<16xi32>
      %and3A_1024 = arith.andi %add3A_1021, %and3A_1023 : vector<16xi32>
      %add3A_1025 = arith.addi %mul3A_779, %and3A_1024 : vector<16xi32>
      %gather3A_1026 = tpu.vector_load_idx %arg8[%add3A_767, %add3A_1025] : memref<256x128xf32, #tpu.memory_space<vmem>>[vector<16xi32>, vector<16xi32>], vector<16xf32>,
      tpu.vector_store_idx %arg9[%and3A_1024, %add3A_767], %gather3A_1026 : memref<64x256xf32, #tpu.memory_space<vmem>>[vector<16xi32>, vector<16xi32>], vector<16xf32>,
      %add3A_1027 = arith.constant 31 : i32
      %add3A_1028 = vector.broadcast %add3A_1027 : i32 to vector<16xi32>
      %add3A_1029 = arith.addi %iota3A, %add3A_1028 : vector<16xi32>
      %and3A_1030 = arith.constant 63 : i32
      %and3A_1031 = vector.broadcast %and3A_1030 : i32 to vector<16xi32>
      %and3A_1032 = arith.andi %add3A_1029, %and3A_1031 : vector<16xi32>
      %add3A_1033 = arith.addi %mul3A_779, %and3A_1032 : vector<16xi32>
      %gather3A_1034 = tpu.vector_load_idx %arg8[%add3A_767, %add3A_1033] : memref<256x128xf32, #tpu.memory_space<vmem>>[vector<16xi32>, vector<16xi32>], vector<16xf32>,
      tpu.vector_store_idx %arg9[%and3A_1032, %add3A_767], %gather3A_1034 : memref<64x256xf32, #tpu.memory_space<vmem>>[vector<16xi32>, vector<16xi32>], vector<16xf32>,
      %add3A_1035 = arith.constant 32 : i32
      %add3A_1036 = vector.broadcast %add3A_1035 : i32 to vector<16xi32>
      %add3A_1037 = arith.addi %iota3A, %add3A_1036 : vector<16xi32>
      %and3A_1038 = arith.constant 63 : i32
      %and3A_1039 = vector.broadcast %and3A_1038 : i32 to vector<16xi32>
      %and3A_1040 = arith.andi %add3A_1037, %and3A_1039 : vector<16xi32>
      %add3A_1041 = arith.addi %mul3A_779, %and3A_1040 : vector<16xi32>
      %gather3A_1042 = tpu.vector_load_idx %arg8[%add3A_767, %add3A_1041] : memref<256x128xf32, #tpu.memory_space<vmem>>[vector<16xi32>, vector<16xi32>], vector<16xf32>,
      tpu.vector_store_idx %arg9[%and3A_1040, %add3A_767], %gather3A_1042 : memref<64x256xf32, #tpu.memory_space<vmem>>[vector<16xi32>, vector<16xi32>], vector<16xf32>,
      %add3A_1043 = arith.constant 33 : i32
      %add3A_1044 = vector.broadcast %add3A_1043 : i32 to vector<16xi32>
      %add3A_1045 = arith.addi %iota3A, %add3A_1044 : vector<16xi32>
      %and3A_1046 = arith.constant 63 : i32
      %and3A_1047 = vector.broadcast %and3A_1046 : i32 to vector<16xi32>
      %and3A_1048 = arith.andi %add3A_1045, %and3A_1047 : vector<16xi32>
      %add3A_1049 = arith.addi %mul3A_779, %and3A_1048 : vector<16xi32>
      %gather3A_1050 = tpu.vector_load_idx %arg8[%add3A_767, %add3A_1049] : memref<256x128xf32, #tpu.memory_space<vmem>>[vector<16xi32>, vector<16xi32>], vector<16xf32>,
      tpu.vector_store_idx %arg9[%and3A_1048, %add3A_767], %gather3A_1050 : memref<64x256xf32, #tpu.memory_space<vmem>>[vector<16xi32>, vector<16xi32>], vector<16xf32>,
      %add3A_1051 = arith.constant 34 : i32
      %add3A_1052 = vector.broadcast %add3A_1051 : i32 to vector<16xi32>
      %add3A_1053 = arith.addi %iota3A, %add3A_1052 : vector<16xi32>
      %and3A_1054 = arith.constant 63 : i32
      %and3A_1055 = vector.broadcast %and3A_1054 : i32 to vector<16xi32>
      %and3A_1056 = arith.andi %add3A_1053, %and3A_1055 : vector<16xi32>
      %add3A_1057 = arith.addi %mul3A_779, %and3A_1056 : vector<16xi32>
      %gather3A_1058 = tpu.vector_load_idx %arg8[%add3A_767, %add3A_1057] : memref<256x128xf32, #tpu.memory_space<vmem>>[vector<16xi32>, vector<16xi32>], vector<16xf32>,
      tpu.vector_store_idx %arg9[%and3A_1056, %add3A_767], %gather3A_1058 : memref<64x256xf32, #tpu.memory_space<vmem>>[vector<16xi32>, vector<16xi32>], vector<16xf32>,
      %add3A_1059 = arith.constant 35 : i32
      %add3A_1060 = vector.broadcast %add3A_1059 : i32 to vector<16xi32>
      %add3A_1061 = arith.addi %iota3A, %add3A_1060 : vector<16xi32>
      %and3A_1062 = arith.constant 63 : i32
      %and3A_1063 = vector.broadcast %and3A_1062 : i32 to vector<16xi32>
      %and3A_1064 = arith.andi %add3A_1061, %and3A_1063 : vector<16xi32>
      %add3A_1065 = arith.addi %mul3A_779, %and3A_1064 : vector<16xi32>
      %gather3A_1066 = tpu.vector_load_idx %arg8[%add3A_767, %add3A_1065] : memref<256x128xf32, #tpu.memory_space<vmem>>[vector<16xi32>, vector<16xi32>], vector<16xf32>,
      tpu.vector_store_idx %arg9[%and3A_1064, %add3A_767], %gather3A_1066 : memref<64x256xf32, #tpu.memory_space<vmem>>[vector<16xi32>, vector<16xi32>], vector<16xf32>,
      %add3A_1067 = arith.constant 36 : i32
      %add3A_1068 = vector.broadcast %add3A_1067 : i32 to vector<16xi32>
      %add3A_1069 = arith.addi %iota3A, %add3A_1068 : vector<16xi32>
      %and3A_1070 = arith.constant 63 : i32
      %and3A_1071 = vector.broadcast %and3A_1070 : i32 to vector<16xi32>
      %and3A_1072 = arith.andi %add3A_1069, %and3A_1071 : vector<16xi32>
      %add3A_1073 = arith.addi %mul3A_779, %and3A_1072 : vector<16xi32>
      %gather3A_1074 = tpu.vector_load_idx %arg8[%add3A_767, %add3A_1073] : memref<256x128xf32, #tpu.memory_space<vmem>>[vector<16xi32>, vector<16xi32>], vector<16xf32>,
      tpu.vector_store_idx %arg9[%and3A_1072, %add3A_767], %gather3A_1074 : memref<64x256xf32, #tpu.memory_space<vmem>>[vector<16xi32>, vector<16xi32>], vector<16xf32>,
      %add3A_1075 = arith.constant 37 : i32
      %add3A_1076 = vector.broadcast %add3A_1075 : i32 to vector<16xi32>
      %add3A_1077 = arith.addi %iota3A, %add3A_1076 : vector<16xi32>
      %and3A_1078 = arith.constant 63 : i32
      %and3A_1079 = vector.broadcast %and3A_1078 : i32 to vector<16xi32>
      %and3A_1080 = arith.andi %add3A_1077, %and3A_1079 : vector<16xi32>
      %add3A_1081 = arith.addi %mul3A_779, %and3A_1080 : vector<16xi32>
      %gather3A_1082 = tpu.vector_load_idx %arg8[%add3A_767, %add3A_1081] : memref<256x128xf32, #tpu.memory_space<vmem>>[vector<16xi32>, vector<16xi32>], vector<16xf32>,
      tpu.vector_store_idx %arg9[%and3A_1080, %add3A_767], %gather3A_1082 : memref<64x256xf32, #tpu.memory_space<vmem>>[vector<16xi32>, vector<16xi32>], vector<16xf32>,
      %add3A_1083 = arith.constant 38 : i32
      %add3A_1084 = vector.broadcast %add3A_1083 : i32 to vector<16xi32>
      %add3A_1085 = arith.addi %iota3A, %add3A_1084 : vector<16xi32>
      %and3A_1086 = arith.constant 63 : i32
      %and3A_1087 = vector.broadcast %and3A_1086 : i32 to vector<16xi32>
      %and3A_1088 = arith.andi %add3A_1085, %and3A_1087 : vector<16xi32>
      %add3A_1089 = arith.addi %mul3A_779, %and3A_1088 : vector<16xi32>
      %gather3A_1090 = tpu.vector_load_idx %arg8[%add3A_767, %add3A_1089] : memref<256x128xf32, #tpu.memory_space<vmem>>[vector<16xi32>, vector<16xi32>], vector<16xf32>,
      tpu.vector_store_idx %arg9[%and3A_1088, %add3A_767], %gather3A_1090 : memref<64x256xf32, #tpu.memory_space<vmem>>[vector<16xi32>, vector<16xi32>], vector<16xf32>,
      %add3A_1091 = arith.constant 39 : i32
      %add3A_1092 = vector.broadcast %add3A_1091 : i32 to vector<16xi32>
      %add3A_1093 = arith.addi %iota3A, %add3A_1092 : vector<16xi32>
      %and3A_1094 = arith.constant 63 : i32
      %and3A_1095 = vector.broadcast %and3A_1094 : i32 to vector<16xi32>
      %and3A_1096 = arith.andi %add3A_1093, %and3A_1095 : vector<16xi32>
      %add3A_1097 = arith.addi %mul3A_779, %and3A_1096 : vector<16xi32>
      %gather3A_1098 = tpu.vector_load_idx %arg8[%add3A_767, %add3A_1097] : memref<256x128xf32, #tpu.memory_space<vmem>>[vector<16xi32>, vector<16xi32>], vector<16xf32>,
      tpu.vector_store_idx %arg9[%and3A_1096, %add3A_767], %gather3A_1098 : memref<64x256xf32, #tpu.memory_space<vmem>>[vector<16xi32>, vector<16xi32>], vector<16xf32>,
      %add3A_1099 = arith.constant 40 : i32
      %add3A_1100 = vector.broadcast %add3A_1099 : i32 to vector<16xi32>
      %add3A_1101 = arith.addi %iota3A, %add3A_1100 : vector<16xi32>
      %and3A_1102 = arith.constant 63 : i32
      %and3A_1103 = vector.broadcast %and3A_1102 : i32 to vector<16xi32>
      %and3A_1104 = arith.andi %add3A_1101, %and3A_1103 : vector<16xi32>
      %add3A_1105 = arith.addi %mul3A_779, %and3A_1104 : vector<16xi32>
      %gather3A_1106 = tpu.vector_load_idx %arg8[%add3A_767, %add3A_1105] : memref<256x128xf32, #tpu.memory_space<vmem>>[vector<16xi32>, vector<16xi32>], vector<16xf32>,
      tpu.vector_store_idx %arg9[%and3A_1104, %add3A_767], %gather3A_1106 : memref<64x256xf32, #tpu.memory_space<vmem>>[vector<16xi32>, vector<16xi32>], vector<16xf32>,
      %add3A_1107 = arith.constant 41 : i32
      %add3A_1108 = vector.broadcast %add3A_1107 : i32 to vector<16xi32>
      %add3A_1109 = arith.addi %iota3A, %add3A_1108 : vector<16xi32>
      %and3A_1110 = arith.constant 63 : i32
      %and3A_1111 = vector.broadcast %and3A_1110 : i32 to vector<16xi32>
      %and3A_1112 = arith.andi %add3A_1109, %and3A_1111 : vector<16xi32>
      %add3A_1113 = arith.addi %mul3A_779, %and3A_1112 : vector<16xi32>
      %gather3A_1114 = tpu.vector_load_idx %arg8[%add3A_767, %add3A_1113] : memref<256x128xf32, #tpu.memory_space<vmem>>[vector<16xi32>, vector<16xi32>], vector<16xf32>,
      tpu.vector_store_idx %arg9[%and3A_1112, %add3A_767], %gather3A_1114 : memref<64x256xf32, #tpu.memory_space<vmem>>[vector<16xi32>, vector<16xi32>], vector<16xf32>,
      %add3A_1115 = arith.constant 42 : i32
      %add3A_1116 = vector.broadcast %add3A_1115 : i32 to vector<16xi32>
      %add3A_1117 = arith.addi %iota3A, %add3A_1116 : vector<16xi32>
      %and3A_1118 = arith.constant 63 : i32
      %and3A_1119 = vector.broadcast %and3A_1118 : i32 to vector<16xi32>
      %and3A_1120 = arith.andi %add3A_1117, %and3A_1119 : vector<16xi32>
      %add3A_1121 = arith.addi %mul3A_779, %and3A_1120 : vector<16xi32>
      %gather3A_1122 = tpu.vector_load_idx %arg8[%add3A_767, %add3A_1121] : memref<256x128xf32, #tpu.memory_space<vmem>>[vector<16xi32>, vector<16xi32>], vector<16xf32>,
      tpu.vector_store_idx %arg9[%and3A_1120, %add3A_767], %gather3A_1122 : memref<64x256xf32, #tpu.memory_space<vmem>>[vector<16xi32>, vector<16xi32>], vector<16xf32>,
      %add3A_1123 = arith.constant 43 : i32
      %add3A_1124 = vector.broadcast %add3A_1123 : i32 to vector<16xi32>
      %add3A_1125 = arith.addi %iota3A, %add3A_1124 : vector<16xi32>
      %and3A_1126 = arith.constant 63 : i32
      %and3A_1127 = vector.broadcast %and3A_1126 : i32 to vector<16xi32>
      %and3A_1128 = arith.andi %add3A_1125, %and3A_1127 : vector<16xi32>
      %add3A_1129 = arith.addi %mul3A_779, %and3A_1128 : vector<16xi32>
      %gather3A_1130 = tpu.vector_load_idx %arg8[%add3A_767, %add3A_1129] : memref<256x128xf32, #tpu.memory_space<vmem>>[vector<16xi32>, vector<16xi32>], vector<16xf32>,
      tpu.vector_store_idx %arg9[%and3A_1128, %add3A_767], %gather3A_1130 : memref<64x256xf32, #tpu.memory_space<vmem>>[vector<16xi32>, vector<16xi32>], vector<16xf32>,
      %add3A_1131 = arith.constant 44 : i32
      %add3A_1132 = vector.broadcast %add3A_1131 : i32 to vector<16xi32>
      %add3A_1133 = arith.addi %iota3A, %add3A_1132 : vector<16xi32>
      %and3A_1134 = arith.constant 63 : i32
      %and3A_1135 = vector.broadcast %and3A_1134 : i32 to vector<16xi32>
      %and3A_1136 = arith.andi %add3A_1133, %and3A_1135 : vector<16xi32>
      %add3A_1137 = arith.addi %mul3A_779, %and3A_1136 : vector<16xi32>
      %gather3A_1138 = tpu.vector_load_idx %arg8[%add3A_767, %add3A_1137] : memref<256x128xf32, #tpu.memory_space<vmem>>[vector<16xi32>, vector<16xi32>], vector<16xf32>,
      tpu.vector_store_idx %arg9[%and3A_1136, %add3A_767], %gather3A_1138 : memref<64x256xf32, #tpu.memory_space<vmem>>[vector<16xi32>, vector<16xi32>], vector<16xf32>,
      %add3A_1139 = arith.constant 45 : i32
      %add3A_1140 = vector.broadcast %add3A_1139 : i32 to vector<16xi32>
      %add3A_1141 = arith.addi %iota3A, %add3A_1140 : vector<16xi32>
      %and3A_1142 = arith.constant 63 : i32
      %and3A_1143 = vector.broadcast %and3A_1142 : i32 to vector<16xi32>
      %and3A_1144 = arith.andi %add3A_1141, %and3A_1143 : vector<16xi32>
      %add3A_1145 = arith.addi %mul3A_779, %and3A_1144 : vector<16xi32>
      %gather3A_1146 = tpu.vector_load_idx %arg8[%add3A_767, %add3A_1145] : memref<256x128xf32, #tpu.memory_space<vmem>>[vector<16xi32>, vector<16xi32>], vector<16xf32>,
      tpu.vector_store_idx %arg9[%and3A_1144, %add3A_767], %gather3A_1146 : memref<64x256xf32, #tpu.memory_space<vmem>>[vector<16xi32>, vector<16xi32>], vector<16xf32>,
      %add3A_1147 = arith.constant 46 : i32
      %add3A_1148 = vector.broadcast %add3A_1147 : i32 to vector<16xi32>
      %add3A_1149 = arith.addi %iota3A, %add3A_1148 : vector<16xi32>
      %and3A_1150 = arith.constant 63 : i32
      %and3A_1151 = vector.broadcast %and3A_1150 : i32 to vector<16xi32>
      %and3A_1152 = arith.andi %add3A_1149, %and3A_1151 : vector<16xi32>
      %add3A_1153 = arith.addi %mul3A_779, %and3A_1152 : vector<16xi32>
      %gather3A_1154 = tpu.vector_load_idx %arg8[%add3A_767, %add3A_1153] : memref<256x128xf32, #tpu.memory_space<vmem>>[vector<16xi32>, vector<16xi32>], vector<16xf32>,
      tpu.vector_store_idx %arg9[%and3A_1152, %add3A_767], %gather3A_1154 : memref<64x256xf32, #tpu.memory_space<vmem>>[vector<16xi32>, vector<16xi32>], vector<16xf32>,
      %add3A_1155 = arith.constant 47 : i32
      %add3A_1156 = vector.broadcast %add3A_1155 : i32 to vector<16xi32>
      %add3A_1157 = arith.addi %iota3A, %add3A_1156 : vector<16xi32>
      %and3A_1158 = arith.constant 63 : i32
      %and3A_1159 = vector.broadcast %and3A_1158 : i32 to vector<16xi32>
      %and3A_1160 = arith.andi %add3A_1157, %and3A_1159 : vector<16xi32>
      %add3A_1161 = arith.addi %mul3A_779, %and3A_1160 : vector<16xi32>
      %gather3A_1162 = tpu.vector_load_idx %arg8[%add3A_767, %add3A_1161] : memref<256x128xf32, #tpu.memory_space<vmem>>[vector<16xi32>, vector<16xi32>], vector<16xf32>,
      tpu.vector_store_idx %arg9[%and3A_1160, %add3A_767], %gather3A_1162 : memref<64x256xf32, #tpu.memory_space<vmem>>[vector<16xi32>, vector<16xi32>], vector<16xf32>,
      %add3A_1163 = arith.constant 48 : i32
      %add3A_1164 = vector.broadcast %add3A_1163 : i32 to vector<16xi32>
      %add3A_1165 = arith.addi %iota3A, %add3A_1164 : vector<16xi32>
      %and3A_1166 = arith.constant 63 : i32
      %and3A_1167 = vector.broadcast %and3A_1166 : i32 to vector<16xi32>
      %and3A_1168 = arith.andi %add3A_1165, %and3A_1167 : vector<16xi32>
      %add3A_1169 = arith.addi %mul3A_779, %and3A_1168 : vector<16xi32>
      %gather3A_1170 = tpu.vector_load_idx %arg8[%add3A_767, %add3A_1169] : memref<256x128xf32, #tpu.memory_space<vmem>>[vector<16xi32>, vector<16xi32>], vector<16xf32>,
      tpu.vector_store_idx %arg9[%and3A_1168, %add3A_767], %gather3A_1170 : memref<64x256xf32, #tpu.memory_space<vmem>>[vector<16xi32>, vector<16xi32>], vector<16xf32>,
      %add3A_1171 = arith.constant 49 : i32
      %add3A_1172 = vector.broadcast %add3A_1171 : i32 to vector<16xi32>
      %add3A_1173 = arith.addi %iota3A, %add3A_1172 : vector<16xi32>
      %and3A_1174 = arith.constant 63 : i32
      %and3A_1175 = vector.broadcast %and3A_1174 : i32 to vector<16xi32>
      %and3A_1176 = arith.andi %add3A_1173, %and3A_1175 : vector<16xi32>
      %add3A_1177 = arith.addi %mul3A_779, %and3A_1176 : vector<16xi32>
      %gather3A_1178 = tpu.vector_load_idx %arg8[%add3A_767, %add3A_1177] : memref<256x128xf32, #tpu.memory_space<vmem>>[vector<16xi32>, vector<16xi32>], vector<16xf32>,
      tpu.vector_store_idx %arg9[%and3A_1176, %add3A_767], %gather3A_1178 : memref<64x256xf32, #tpu.memory_space<vmem>>[vector<16xi32>, vector<16xi32>], vector<16xf32>,
      %add3A_1179 = arith.constant 50 : i32
      %add3A_1180 = vector.broadcast %add3A_1179 : i32 to vector<16xi32>
      %add3A_1181 = arith.addi %iota3A, %add3A_1180 : vector<16xi32>
      %and3A_1182 = arith.constant 63 : i32
      %and3A_1183 = vector.broadcast %and3A_1182 : i32 to vector<16xi32>
      %and3A_1184 = arith.andi %add3A_1181, %and3A_1183 : vector<16xi32>
      %add3A_1185 = arith.addi %mul3A_779, %and3A_1184 : vector<16xi32>
      %gather3A_1186 = tpu.vector_load_idx %arg8[%add3A_767, %add3A_1185] : memref<256x128xf32, #tpu.memory_space<vmem>>[vector<16xi32>, vector<16xi32>], vector<16xf32>,
      tpu.vector_store_idx %arg9[%and3A_1184, %add3A_767], %gather3A_1186 : memref<64x256xf32, #tpu.memory_space<vmem>>[vector<16xi32>, vector<16xi32>], vector<16xf32>,
      %add3A_1187 = arith.constant 51 : i32
      %add3A_1188 = vector.broadcast %add3A_1187 : i32 to vector<16xi32>
      %add3A_1189 = arith.addi %iota3A, %add3A_1188 : vector<16xi32>
      %and3A_1190 = arith.constant 63 : i32
      %and3A_1191 = vector.broadcast %and3A_1190 : i32 to vector<16xi32>
      %and3A_1192 = arith.andi %add3A_1189, %and3A_1191 : vector<16xi32>
      %add3A_1193 = arith.addi %mul3A_779, %and3A_1192 : vector<16xi32>
      %gather3A_1194 = tpu.vector_load_idx %arg8[%add3A_767, %add3A_1193] : memref<256x128xf32, #tpu.memory_space<vmem>>[vector<16xi32>, vector<16xi32>], vector<16xf32>,
      tpu.vector_store_idx %arg9[%and3A_1192, %add3A_767], %gather3A_1194 : memref<64x256xf32, #tpu.memory_space<vmem>>[vector<16xi32>, vector<16xi32>], vector<16xf32>,
      %add3A_1195 = arith.constant 52 : i32
      %add3A_1196 = vector.broadcast %add3A_1195 : i32 to vector<16xi32>
      %add3A_1197 = arith.addi %iota3A, %add3A_1196 : vector<16xi32>
      %and3A_1198 = arith.constant 63 : i32
      %and3A_1199 = vector.broadcast %and3A_1198 : i32 to vector<16xi32>
      %and3A_1200 = arith.andi %add3A_1197, %and3A_1199 : vector<16xi32>
      %add3A_1201 = arith.addi %mul3A_779, %and3A_1200 : vector<16xi32>
      %gather3A_1202 = tpu.vector_load_idx %arg8[%add3A_767, %add3A_1201] : memref<256x128xf32, #tpu.memory_space<vmem>>[vector<16xi32>, vector<16xi32>], vector<16xf32>,
      tpu.vector_store_idx %arg9[%and3A_1200, %add3A_767], %gather3A_1202 : memref<64x256xf32, #tpu.memory_space<vmem>>[vector<16xi32>, vector<16xi32>], vector<16xf32>,
      %add3A_1203 = arith.constant 53 : i32
      %add3A_1204 = vector.broadcast %add3A_1203 : i32 to vector<16xi32>
      %add3A_1205 = arith.addi %iota3A, %add3A_1204 : vector<16xi32>
      %and3A_1206 = arith.constant 63 : i32
      %and3A_1207 = vector.broadcast %and3A_1206 : i32 to vector<16xi32>
      %and3A_1208 = arith.andi %add3A_1205, %and3A_1207 : vector<16xi32>
      %add3A_1209 = arith.addi %mul3A_779, %and3A_1208 : vector<16xi32>
      %gather3A_1210 = tpu.vector_load_idx %arg8[%add3A_767, %add3A_1209] : memref<256x128xf32, #tpu.memory_space<vmem>>[vector<16xi32>, vector<16xi32>], vector<16xf32>,
      tpu.vector_store_idx %arg9[%and3A_1208, %add3A_767], %gather3A_1210 : memref<64x256xf32, #tpu.memory_space<vmem>>[vector<16xi32>, vector<16xi32>], vector<16xf32>,
      %add3A_1211 = arith.constant 54 : i32
      %add3A_1212 = vector.broadcast %add3A_1211 : i32 to vector<16xi32>
      %add3A_1213 = arith.addi %iota3A, %add3A_1212 : vector<16xi32>
      %and3A_1214 = arith.constant 63 : i32
      %and3A_1215 = vector.broadcast %and3A_1214 : i32 to vector<16xi32>
      %and3A_1216 = arith.andi %add3A_1213, %and3A_1215 : vector<16xi32>
      %add3A_1217 = arith.addi %mul3A_779, %and3A_1216 : vector<16xi32>
      %gather3A_1218 = tpu.vector_load_idx %arg8[%add3A_767, %add3A_1217] : memref<256x128xf32, #tpu.memory_space<vmem>>[vector<16xi32>, vector<16xi32>], vector<16xf32>,
      tpu.vector_store_idx %arg9[%and3A_1216, %add3A_767], %gather3A_1218 : memref<64x256xf32, #tpu.memory_space<vmem>>[vector<16xi32>, vector<16xi32>], vector<16xf32>,
      %add3A_1219 = arith.constant 55 : i32
      %add3A_1220 = vector.broadcast %add3A_1219 : i32 to vector<16xi32>
      %add3A_1221 = arith.addi %iota3A, %add3A_1220 : vector<16xi32>
      %and3A_1222 = arith.constant 63 : i32
      %and3A_1223 = vector.broadcast %and3A_1222 : i32 to vector<16xi32>
      %and3A_1224 = arith.andi %add3A_1221, %and3A_1223 : vector<16xi32>
      %add3A_1225 = arith.addi %mul3A_779, %and3A_1224 : vector<16xi32>
      %gather3A_1226 = tpu.vector_load_idx %arg8[%add3A_767, %add3A_1225] : memref<256x128xf32, #tpu.memory_space<vmem>>[vector<16xi32>, vector<16xi32>], vector<16xf32>,
      tpu.vector_store_idx %arg9[%and3A_1224, %add3A_767], %gather3A_1226 : memref<64x256xf32, #tpu.memory_space<vmem>>[vector<16xi32>, vector<16xi32>], vector<16xf32>,
      %add3A_1227 = arith.constant 56 : i32
      %add3A_1228 = vector.broadcast %add3A_1227 : i32 to vector<16xi32>
      %add3A_1229 = arith.addi %iota3A, %add3A_1228 : vector<16xi32>
      %and3A_1230 = arith.constant 63 : i32
      %and3A_1231 = vector.broadcast %and3A_1230 : i32 to vector<16xi32>
      %and3A_1232 = arith.andi %add3A_1229, %and3A_1231 : vector<16xi32>
      %add3A_1233 = arith.addi %mul3A_779, %and3A_1232 : vector<16xi32>
      %gather3A_1234 = tpu.vector_load_idx %arg8[%add3A_767, %add3A_1233] : memref<256x128xf32, #tpu.memory_space<vmem>>[vector<16xi32>, vector<16xi32>], vector<16xf32>,
      tpu.vector_store_idx %arg9[%and3A_1232, %add3A_767], %gather3A_1234 : memref<64x256xf32, #tpu.memory_space<vmem>>[vector<16xi32>, vector<16xi32>], vector<16xf32>,
      %add3A_1235 = arith.constant 57 : i32
      %add3A_1236 = vector.broadcast %add3A_1235 : i32 to vector<16xi32>
      %add3A_1237 = arith.addi %iota3A, %add3A_1236 : vector<16xi32>
      %and3A_1238 = arith.constant 63 : i32
      %and3A_1239 = vector.broadcast %and3A_1238 : i32 to vector<16xi32>
      %and3A_1240 = arith.andi %add3A_1237, %and3A_1239 : vector<16xi32>
      %add3A_1241 = arith.addi %mul3A_779, %and3A_1240 : vector<16xi32>
      %gather3A_1242 = tpu.vector_load_idx %arg8[%add3A_767, %add3A_1241] : memref<256x128xf32, #tpu.memory_space<vmem>>[vector<16xi32>, vector<16xi32>], vector<16xf32>,
      tpu.vector_store_idx %arg9[%and3A_1240, %add3A_767], %gather3A_1242 : memref<64x256xf32, #tpu.memory_space<vmem>>[vector<16xi32>, vector<16xi32>], vector<16xf32>,
      %add3A_1243 = arith.constant 58 : i32
      %add3A_1244 = vector.broadcast %add3A_1243 : i32 to vector<16xi32>
      %add3A_1245 = arith.addi %iota3A, %add3A_1244 : vector<16xi32>
      %and3A_1246 = arith.constant 63 : i32
      %and3A_1247 = vector.broadcast %and3A_1246 : i32 to vector<16xi32>
      %and3A_1248 = arith.andi %add3A_1245, %and3A_1247 : vector<16xi32>
      %add3A_1249 = arith.addi %mul3A_779, %and3A_1248 : vector<16xi32>
      %gather3A_1250 = tpu.vector_load_idx %arg8[%add3A_767, %add3A_1249] : memref<256x128xf32, #tpu.memory_space<vmem>>[vector<16xi32>, vector<16xi32>], vector<16xf32>,
      tpu.vector_store_idx %arg9[%and3A_1248, %add3A_767], %gather3A_1250 : memref<64x256xf32, #tpu.memory_space<vmem>>[vector<16xi32>, vector<16xi32>], vector<16xf32>,
      %add3A_1251 = arith.constant 59 : i32
      %add3A_1252 = vector.broadcast %add3A_1251 : i32 to vector<16xi32>
      %add3A_1253 = arith.addi %iota3A, %add3A_1252 : vector<16xi32>
      %and3A_1254 = arith.constant 63 : i32
      %and3A_1255 = vector.broadcast %and3A_1254 : i32 to vector<16xi32>
      %and3A_1256 = arith.andi %add3A_1253, %and3A_1255 : vector<16xi32>
      %add3A_1257 = arith.addi %mul3A_779, %and3A_1256 : vector<16xi32>
      %gather3A_1258 = tpu.vector_load_idx %arg8[%add3A_767, %add3A_1257] : memref<256x128xf32, #tpu.memory_space<vmem>>[vector<16xi32>, vector<16xi32>], vector<16xf32>,
      tpu.vector_store_idx %arg9[%and3A_1256, %add3A_767], %gather3A_1258 : memref<64x256xf32, #tpu.memory_space<vmem>>[vector<16xi32>, vector<16xi32>], vector<16xf32>,
      %add3A_1259 = arith.constant 60 : i32
      %add3A_1260 = vector.broadcast %add3A_1259 : i32 to vector<16xi32>
      %add3A_1261 = arith.addi %iota3A, %add3A_1260 : vector<16xi32>
      %and3A_1262 = arith.constant 63 : i32
      %and3A_1263 = vector.broadcast %and3A_1262 : i32 to vector<16xi32>
      %and3A_1264 = arith.andi %add3A_1261, %and3A_1263 : vector<16xi32>
      %add3A_1265 = arith.addi %mul3A_779, %and3A_1264 : vector<16xi32>
      %gather3A_1266 = tpu.vector_load_idx %arg8[%add3A_767, %add3A_1265] : memref<256x128xf32, #tpu.memory_space<vmem>>[vector<16xi32>, vector<16xi32>], vector<16xf32>,
      tpu.vector_store_idx %arg9[%and3A_1264, %add3A_767], %gather3A_1266 : memref<64x256xf32, #tpu.memory_space<vmem>>[vector<16xi32>, vector<16xi32>], vector<16xf32>,
      %add3A_1267 = arith.constant 61 : i32
      %add3A_1268 = vector.broadcast %add3A_1267 : i32 to vector<16xi32>
      %add3A_1269 = arith.addi %iota3A, %add3A_1268 : vector<16xi32>
      %and3A_1270 = arith.constant 63 : i32
      %and3A_1271 = vector.broadcast %and3A_1270 : i32 to vector<16xi32>
      %and3A_1272 = arith.andi %add3A_1269, %and3A_1271 : vector<16xi32>
      %add3A_1273 = arith.addi %mul3A_779, %and3A_1272 : vector<16xi32>
      %gather3A_1274 = tpu.vector_load_idx %arg8[%add3A_767, %add3A_1273] : memref<256x128xf32, #tpu.memory_space<vmem>>[vector<16xi32>, vector<16xi32>], vector<16xf32>,
      tpu.vector_store_idx %arg9[%and3A_1272, %add3A_767], %gather3A_1274 : memref<64x256xf32, #tpu.memory_space<vmem>>[vector<16xi32>, vector<16xi32>], vector<16xf32>,
      %add3A_1275 = arith.constant 62 : i32
      %add3A_1276 = vector.broadcast %add3A_1275 : i32 to vector<16xi32>
      %add3A_1277 = arith.addi %iota3A, %add3A_1276 : vector<16xi32>
      %and3A_1278 = arith.constant 63 : i32
      %and3A_1279 = vector.broadcast %and3A_1278 : i32 to vector<16xi32>
      %and3A_1280 = arith.andi %add3A_1277, %and3A_1279 : vector<16xi32>
      %add3A_1281 = arith.addi %mul3A_779, %and3A_1280 : vector<16xi32>
      %gather3A_1282 = tpu.vector_load_idx %arg8[%add3A_767, %add3A_1281] : memref<256x128xf32, #tpu.memory_space<vmem>>[vector<16xi32>, vector<16xi32>], vector<16xf32>,
      tpu.vector_store_idx %arg9[%and3A_1280, %add3A_767], %gather3A_1282 : memref<64x256xf32, #tpu.memory_space<vmem>>[vector<16xi32>, vector<16xi32>], vector<16xf32>,
      %add3A_1283 = arith.constant 63 : i32
      %add3A_1284 = vector.broadcast %add3A_1283 : i32 to vector<16xi32>
      %add3A_1285 = arith.addi %iota3A, %add3A_1284 : vector<16xi32>
      %and3A_1286 = arith.constant 63 : i32
      %and3A_1287 = vector.broadcast %and3A_1286 : i32 to vector<16xi32>
      %and3A_1288 = arith.andi %add3A_1285, %and3A_1287 : vector<16xi32>
      %add3A_1289 = arith.addi %mul3A_779, %and3A_1288 : vector<16xi32>
      %gather3A_1290 = tpu.vector_load_idx %arg8[%add3A_767, %add3A_1289] : memref<256x128xf32, #tpu.memory_space<vmem>>[vector<16xi32>, vector<16xi32>], vector<16xf32>,
      tpu.vector_store_idx %arg9[%and3A_1288, %add3A_767], %gather3A_1290 : memref<64x256xf32, #tpu.memory_space<vmem>>[vector<16xi32>, vector<16xi32>], vector<16xf32>,
      %scan3A_1291 = arith.constant 0 : i32
      %scan3A_1292 = arith.constant 1 : i32
      %scan3A_1293 = arith.addi %scan3A_762, %scan3A_1292 : i32
      %iota3A_1294 = tpu.iota {dimensions = array<i32: 0>} : vector<16xi32>
      %mul3A_1295 = arith.constant 16 : i32
      %mul3A_1296 = arith.muli %scan3A_1293, %mul3A_1295 : i32
      %add3A_1297 = vector.broadcast %mul3A_1296 : i32 to vector<16xi32>
      %add3A_1298 = arith.addi %iota3A_1294, %add3A_1297 : vector<16xi32>
      %mul3A_1299 = arith.constant 16 : i32
      %mul3A_1300 = arith.muli %scan3A_1293, %mul3A_1299 : i32
      %add3A_1301 = arith.constant 0 : i32
      %add3A_1302 = arith.addi %add3A_1301, %mul3A_1300 : i32
      %get3A_1303 = arith.index_cast %add3A_1302 : i32 to index
      %get3A_1304 = tpu.vector_load %arg6[%get3A_1303] {strides = array<i32>} : memref<512xi32, #tpu.memory_space<vmem>>, vector<16xi32>,
      %and3A_1305 = arith.constant 1 : i32
      %and3A_1306 = vector.broadcast %and3A_1305 : i32 to vector<16xi32>
      %and3A_1307 = arith.andi %get3A_1304, %and3A_1306 : vector<16xi32>
      %mul3A_1308 = arith.constant 64 : i32
      %mul3A_1309 = vector.broadcast %mul3A_1308 : i32 to vector<16xi32>
      %mul3A_1310 = arith.muli %and3A_1307, %mul3A_1309 : vector<16xi32>
      %add3A_1311 = arith.constant 0 : i32
      %add3A_1312 = vector.broadcast %add3A_1311 : i32 to vector<16xi32>
      %add3A_1313 = arith.addi %iota3A_1294, %add3A_1312 : vector<16xi32>
      %and3A_1314 = arith.constant 63 : i32
      %and3A_1315 = vector.broadcast %and3A_1314 : i32 to vector<16xi32>
      %and3A_1316 = arith.andi %add3A_1313, %and3A_1315 : vector<16xi32>
      %add3A_1317 = arith.addi %mul3A_1310, %and3A_1316 : vector<16xi32>
      %gather3A_1318 = tpu.vector_load_idx %arg8[%add3A_1298, %add3A_1317] : memref<256x128xf32, #tpu.memory_space<vmem>>[vector<16xi32>, vector<16xi32>], vector<16xf32>,
      tpu.vector_store_idx %arg9[%and3A_1316, %add3A_1298], %gather3A_1318 : memref<64x256xf32, #tpu.memory_space<vmem>>[vector<16xi32>, vector<16xi32>], vector<16xf32>,
      %add3A_1319 = arith.constant 1 : i32
      %add3A_1320 = vector.broadcast %add3A_1319 : i32 to vector<16xi32>
      %add3A_1321 = arith.addi %iota3A_1294, %add3A_1320 : vector<16xi32>
      %and3A_1322 = arith.constant 63 : i32
      %and3A_1323 = vector.broadcast %and3A_1322 : i32 to vector<16xi32>
      %and3A_1324 = arith.andi %add3A_1321, %and3A_1323 : vector<16xi32>
      %add3A_1325 = arith.addi %mul3A_1310, %and3A_1324 : vector<16xi32>
      %gather3A_1326 = tpu.vector_load_idx %arg8[%add3A_1298, %add3A_1325] : memref<256x128xf32, #tpu.memory_space<vmem>>[vector<16xi32>, vector<16xi32>], vector<16xf32>,
      tpu.vector_store_idx %arg9[%and3A_1324, %add3A_1298], %gather3A_1326 : memref<64x256xf32, #tpu.memory_space<vmem>>[vector<16xi32>, vector<16xi32>], vector<16xf32>,
      %add3A_1327 = arith.constant 2 : i32
      %add3A_1328 = vector.broadcast %add3A_1327 : i32 to vector<16xi32>
      %add3A_1329 = arith.addi %iota3A_1294, %add3A_1328 : vector<16xi32>
      %and3A_1330 = arith.constant 63 : i32
      %and3A_1331 = vector.broadcast %and3A_1330 : i32 to vector<16xi32>
      %and3A_1332 = arith.andi %add3A_1329, %and3A_1331 : vector<16xi32>
      %add3A_1333 = arith.addi %mul3A_1310, %and3A_1332 : vector<16xi32>
      %gather3A_1334 = tpu.vector_load_idx %arg8[%add3A_1298, %add3A_1333] : memref<256x128xf32, #tpu.memory_space<vmem>>[vector<16xi32>, vector<16xi32>], vector<16xf32>,
      tpu.vector_store_idx %arg9[%and3A_1332, %add3A_1298], %gather3A_1334 : memref<64x256xf32, #tpu.memory_space<vmem>>[vector<16xi32>, vector<16xi32>], vector<16xf32>,
      %add3A_1335 = arith.constant 3 : i32
      %add3A_1336 = vector.broadcast %add3A_1335 : i32 to vector<16xi32>
      %add3A_1337 = arith.addi %iota3A_1294, %add3A_1336 : vector<16xi32>
      %and3A_1338 = arith.constant 63 : i32
      %and3A_1339 = vector.broadcast %and3A_1338 : i32 to vector<16xi32>
      %and3A_1340 = arith.andi %add3A_1337, %and3A_1339 : vector<16xi32>
      %add3A_1341 = arith.addi %mul3A_1310, %and3A_1340 : vector<16xi32>
      %gather3A_1342 = tpu.vector_load_idx %arg8[%add3A_1298, %add3A_1341] : memref<256x128xf32, #tpu.memory_space<vmem>>[vector<16xi32>, vector<16xi32>], vector<16xf32>,
      tpu.vector_store_idx %arg9[%and3A_1340, %add3A_1298], %gather3A_1342 : memref<64x256xf32, #tpu.memory_space<vmem>>[vector<16xi32>, vector<16xi32>], vector<16xf32>,
      %add3A_1343 = arith.constant 4 : i32
      %add3A_1344 = vector.broadcast %add3A_1343 : i32 to vector<16xi32>
      %add3A_1345 = arith.addi %iota3A_1294, %add3A_1344 : vector<16xi32>
      %and3A_1346 = arith.constant 63 : i32
      %and3A_1347 = vector.broadcast %and3A_1346 : i32 to vector<16xi32>
      %and3A_1348 = arith.andi %add3A_1345, %and3A_1347 : vector<16xi32>
      %add3A_1349 = arith.addi %mul3A_1310, %and3A_1348 : vector<16xi32>
      %gather3A_1350 = tpu.vector_load_idx %arg8[%add3A_1298, %add3A_1349] : memref<256x128xf32, #tpu.memory_space<vmem>>[vector<16xi32>, vector<16xi32>], vector<16xf32>,
      tpu.vector_store_idx %arg9[%and3A_1348, %add3A_1298], %gather3A_1350 : memref<64x256xf32, #tpu.memory_space<vmem>>[vector<16xi32>, vector<16xi32>], vector<16xf32>,
      %add3A_1351 = arith.constant 5 : i32
      %add3A_1352 = vector.broadcast %add3A_1351 : i32 to vector<16xi32>
      %add3A_1353 = arith.addi %iota3A_1294, %add3A_1352 : vector<16xi32>
      %and3A_1354 = arith.constant 63 : i32
      %and3A_1355 = vector.broadcast %and3A_1354 : i32 to vector<16xi32>
      %and3A_1356 = arith.andi %add3A_1353, %and3A_1355 : vector<16xi32>
      %add3A_1357 = arith.addi %mul3A_1310, %and3A_1356 : vector<16xi32>
      %gather3A_1358 = tpu.vector_load_idx %arg8[%add3A_1298, %add3A_1357] : memref<256x128xf32, #tpu.memory_space<vmem>>[vector<16xi32>, vector<16xi32>], vector<16xf32>,
      tpu.vector_store_idx %arg9[%and3A_1356, %add3A_1298], %gather3A_1358 : memref<64x256xf32, #tpu.memory_space<vmem>>[vector<16xi32>, vector<16xi32>], vector<16xf32>,
      %add3A_1359 = arith.constant 6 : i32
      %add3A_1360 = vector.broadcast %add3A_1359 : i32 to vector<16xi32>
      %add3A_1361 = arith.addi %iota3A_1294, %add3A_1360 : vector<16xi32>
      %and3A_1362 = arith.constant 63 : i32
      %and3A_1363 = vector.broadcast %and3A_1362 : i32 to vector<16xi32>
      %and3A_1364 = arith.andi %add3A_1361, %and3A_1363 : vector<16xi32>
      %add3A_1365 = arith.addi %mul3A_1310, %and3A_1364 : vector<16xi32>
      %gather3A_1366 = tpu.vector_load_idx %arg8[%add3A_1298, %add3A_1365] : memref<256x128xf32, #tpu.memory_space<vmem>>[vector<16xi32>, vector<16xi32>], vector<16xf32>,
      tpu.vector_store_idx %arg9[%and3A_1364, %add3A_1298], %gather3A_1366 : memref<64x256xf32, #tpu.memory_space<vmem>>[vector<16xi32>, vector<16xi32>], vector<16xf32>,
      %add3A_1367 = arith.constant 7 : i32
      %add3A_1368 = vector.broadcast %add3A_1367 : i32 to vector<16xi32>
      %add3A_1369 = arith.addi %iota3A_1294, %add3A_1368 : vector<16xi32>
      %and3A_1370 = arith.constant 63 : i32
      %and3A_1371 = vector.broadcast %and3A_1370 : i32 to vector<16xi32>
      %and3A_1372 = arith.andi %add3A_1369, %and3A_1371 : vector<16xi32>
      %add3A_1373 = arith.addi %mul3A_1310, %and3A_1372 : vector<16xi32>
      %gather3A_1374 = tpu.vector_load_idx %arg8[%add3A_1298, %add3A_1373] : memref<256x128xf32, #tpu.memory_space<vmem>>[vector<16xi32>, vector<16xi32>], vector<16xf32>,
      tpu.vector_store_idx %arg9[%and3A_1372, %add3A_1298], %gather3A_1374 : memref<64x256xf32, #tpu.memory_space<vmem>>[vector<16xi32>, vector<16xi32>], vector<16xf32>,
      %add3A_1375 = arith.constant 8 : i32
      %add3A_1376 = vector.broadcast %add3A_1375 : i32 to vector<16xi32>
      %add3A_1377 = arith.addi %iota3A_1294, %add3A_1376 : vector<16xi32>
      %and3A_1378 = arith.constant 63 : i32
      %and3A_1379 = vector.broadcast %and3A_1378 : i32 to vector<16xi32>
      %and3A_1380 = arith.andi %add3A_1377, %and3A_1379 : vector<16xi32>
      %add3A_1381 = arith.addi %mul3A_1310, %and3A_1380 : vector<16xi32>
      %gather3A_1382 = tpu.vector_load_idx %arg8[%add3A_1298, %add3A_1381] : memref<256x128xf32, #tpu.memory_space<vmem>>[vector<16xi32>, vector<16xi32>], vector<16xf32>,
      tpu.vector_store_idx %arg9[%and3A_1380, %add3A_1298], %gather3A_1382 : memref<64x256xf32, #tpu.memory_space<vmem>>[vector<16xi32>, vector<16xi32>], vector<16xf32>,
      %add3A_1383 = arith.constant 9 : i32
      %add3A_1384 = vector.broadcast %add3A_1383 : i32 to vector<16xi32>
      %add3A_1385 = arith.addi %iota3A_1294, %add3A_1384 : vector<16xi32>
      %and3A_1386 = arith.constant 63 : i32
      %and3A_1387 = vector.broadcast %and3A_1386 : i32 to vector<16xi32>
      %and3A_1388 = arith.andi %add3A_1385, %and3A_1387 : vector<16xi32>
      %add3A_1389 = arith.addi %mul3A_1310, %and3A_1388 : vector<16xi32>
      %gather3A_1390 = tpu.vector_load_idx %arg8[%add3A_1298, %add3A_1389] : memref<256x128xf32, #tpu.memory_space<vmem>>[vector<16xi32>, vector<16xi32>], vector<16xf32>,
      tpu.vector_store_idx %arg9[%and3A_1388, %add3A_1298], %gather3A_1390 : memref<64x256xf32, #tpu.memory_space<vmem>>[vector<16xi32>, vector<16xi32>], vector<16xf32>,
      %add3A_1391 = arith.constant 10 : i32
      %add3A_1392 = vector.broadcast %add3A_1391 : i32 to vector<16xi32>
      %add3A_1393 = arith.addi %iota3A_1294, %add3A_1392 : vector<16xi32>
      %and3A_1394 = arith.constant 63 : i32
      %and3A_1395 = vector.broadcast %and3A_1394 : i32 to vector<16xi32>
      %and3A_1396 = arith.andi %add3A_1393, %and3A_1395 : vector<16xi32>
      %add3A_1397 = arith.addi %mul3A_1310, %and3A_1396 : vector<16xi32>
      %gather3A_1398 = tpu.vector_load_idx %arg8[%add3A_1298, %add3A_1397] : memref<256x128xf32, #tpu.memory_space<vmem>>[vector<16xi32>, vector<16xi32>], vector<16xf32>,
      tpu.vector_store_idx %arg9[%and3A_1396, %add3A_1298], %gather3A_1398 : memref<64x256xf32, #tpu.memory_space<vmem>>[vector<16xi32>, vector<16xi32>], vector<16xf32>,
      %add3A_1399 = arith.constant 11 : i32
      %add3A_1400 = vector.broadcast %add3A_1399 : i32 to vector<16xi32>
      %add3A_1401 = arith.addi %iota3A_1294, %add3A_1400 : vector<16xi32>
      %and3A_1402 = arith.constant 63 : i32
      %and3A_1403 = vector.broadcast %and3A_1402 : i32 to vector<16xi32>
      %and3A_1404 = arith.andi %add3A_1401, %and3A_1403 : vector<16xi32>
      %add3A_1405 = arith.addi %mul3A_1310, %and3A_1404 : vector<16xi32>
      %gather3A_1406 = tpu.vector_load_idx %arg8[%add3A_1298, %add3A_1405] : memref<256x128xf32, #tpu.memory_space<vmem>>[vector<16xi32>, vector<16xi32>], vector<16xf32>,
      tpu.vector_store_idx %arg9[%and3A_1404, %add3A_1298], %gather3A_1406 : memref<64x256xf32, #tpu.memory_space<vmem>>[vector<16xi32>, vector<16xi32>], vector<16xf32>,
      %add3A_1407 = arith.constant 12 : i32
      %add3A_1408 = vector.broadcast %add3A_1407 : i32 to vector<16xi32>
      %add3A_1409 = arith.addi %iota3A_1294, %add3A_1408 : vector<16xi32>
      %and3A_1410 = arith.constant 63 : i32
      %and3A_1411 = vector.broadcast %and3A_1410 : i32 to vector<16xi32>
      %and3A_1412 = arith.andi %add3A_1409, %and3A_1411 : vector<16xi32>
      %add3A_1413 = arith.addi %mul3A_1310, %and3A_1412 : vector<16xi32>
      %gather3A_1414 = tpu.vector_load_idx %arg8[%add3A_1298, %add3A_1413] : memref<256x128xf32, #tpu.memory_space<vmem>>[vector<16xi32>, vector<16xi32>], vector<16xf32>,
      tpu.vector_store_idx %arg9[%and3A_1412, %add3A_1298], %gather3A_1414 : memref<64x256xf32, #tpu.memory_space<vmem>>[vector<16xi32>, vector<16xi32>], vector<16xf32>,
      %add3A_1415 = arith.constant 13 : i32
      %add3A_1416 = vector.broadcast %add3A_1415 : i32 to vector<16xi32>
      %add3A_1417 = arith.addi %iota3A_1294, %add3A_1416 : vector<16xi32>
      %and3A_1418 = arith.constant 63 : i32
      %and3A_1419 = vector.broadcast %and3A_1418 : i32 to vector<16xi32>
      %and3A_1420 = arith.andi %add3A_1417, %and3A_1419 : vector<16xi32>
      %add3A_1421 = arith.addi %mul3A_1310, %and3A_1420 : vector<16xi32>
      %gather3A_1422 = tpu.vector_load_idx %arg8[%add3A_1298, %add3A_1421] : memref<256x128xf32, #tpu.memory_space<vmem>>[vector<16xi32>, vector<16xi32>], vector<16xf32>,
      tpu.vector_store_idx %arg9[%and3A_1420, %add3A_1298], %gather3A_1422 : memref<64x256xf32, #tpu.memory_space<vmem>>[vector<16xi32>, vector<16xi32>], vector<16xf32>,
      %add3A_1423 = arith.constant 14 : i32
      %add3A_1424 = vector.broadcast %add3A_1423 : i32 to vector<16xi32>
      %add3A_1425 = arith.addi %iota3A_1294, %add3A_1424 : vector<16xi32>
      %and3A_1426 = arith.constant 63 : i32
      %and3A_1427 = vector.broadcast %and3A_1426 : i32 to vector<16xi32>
      %and3A_1428 = arith.andi %add3A_1425, %and3A_1427 : vector<16xi32>
      %add3A_1429 = arith.addi %mul3A_1310, %and3A_1428 : vector<16xi32>
      %gather3A_1430 = tpu.vector_load_idx %arg8[%add3A_1298, %add3A_1429] : memref<256x128xf32, #tpu.memory_space<vmem>>[vector<16xi32>, vector<16xi32>], vector<16xf32>,
      tpu.vector_store_idx %arg9[%and3A_1428, %add3A_1298], %gather3A_1430 : memref<64x256xf32, #tpu.memory_space<vmem>>[vector<16xi32>, vector<16xi32>], vector<16xf32>,
      %add3A_1431 = arith.constant 15 : i32
      %add3A_1432 = vector.broadcast %add3A_1431 : i32 to vector<16xi32>
      %add3A_1433 = arith.addi %iota3A_1294, %add3A_1432 : vector<16xi32>
      %and3A_1434 = arith.constant 63 : i32
      %and3A_1435 = vector.broadcast %and3A_1434 : i32 to vector<16xi32>
      %and3A_1436 = arith.andi %add3A_1433, %and3A_1435 : vector<16xi32>
      %add3A_1437 = arith.addi %mul3A_1310, %and3A_1436 : vector<16xi32>
      %gather3A_1438 = tpu.vector_load_idx %arg8[%add3A_1298, %add3A_1437] : memref<256x128xf32, #tpu.memory_space<vmem>>[vector<16xi32>, vector<16xi32>], vector<16xf32>,
      tpu.vector_store_idx %arg9[%and3A_1436, %add3A_1298], %gather3A_1438 : memref<64x256xf32, #tpu.memory_space<vmem>>[vector<16xi32>, vector<16xi32>], vector<16xf32>,
      %add3A_1439 = arith.constant 16 : i32
      %add3A_1440 = vector.broadcast %add3A_1439 : i32 to vector<16xi32>
      %add3A_1441 = arith.addi %iota3A_1294, %add3A_1440 : vector<16xi32>
      %and3A_1442 = arith.constant 63 : i32
      %and3A_1443 = vector.broadcast %and3A_1442 : i32 to vector<16xi32>
      %and3A_1444 = arith.andi %add3A_1441, %and3A_1443 : vector<16xi32>
      %add3A_1445 = arith.addi %mul3A_1310, %and3A_1444 : vector<16xi32>
      %gather3A_1446 = tpu.vector_load_idx %arg8[%add3A_1298, %add3A_1445] : memref<256x128xf32, #tpu.memory_space<vmem>>[vector<16xi32>, vector<16xi32>], vector<16xf32>,
      tpu.vector_store_idx %arg9[%and3A_1444, %add3A_1298], %gather3A_1446 : memref<64x256xf32, #tpu.memory_space<vmem>>[vector<16xi32>, vector<16xi32>], vector<16xf32>,
      %add3A_1447 = arith.constant 17 : i32
      %add3A_1448 = vector.broadcast %add3A_1447 : i32 to vector<16xi32>
      %add3A_1449 = arith.addi %iota3A_1294, %add3A_1448 : vector<16xi32>
      %and3A_1450 = arith.constant 63 : i32
      %and3A_1451 = vector.broadcast %and3A_1450 : i32 to vector<16xi32>
      %and3A_1452 = arith.andi %add3A_1449, %and3A_1451 : vector<16xi32>
      %add3A_1453 = arith.addi %mul3A_1310, %and3A_1452 : vector<16xi32>
      %gather3A_1454 = tpu.vector_load_idx %arg8[%add3A_1298, %add3A_1453] : memref<256x128xf32, #tpu.memory_space<vmem>>[vector<16xi32>, vector<16xi32>], vector<16xf32>,
      tpu.vector_store_idx %arg9[%and3A_1452, %add3A_1298], %gather3A_1454 : memref<64x256xf32, #tpu.memory_space<vmem>>[vector<16xi32>, vector<16xi32>], vector<16xf32>,
      %add3A_1455 = arith.constant 18 : i32
      %add3A_1456 = vector.broadcast %add3A_1455 : i32 to vector<16xi32>
      %add3A_1457 = arith.addi %iota3A_1294, %add3A_1456 : vector<16xi32>
      %and3A_1458 = arith.constant 63 : i32
      %and3A_1459 = vector.broadcast %and3A_1458 : i32 to vector<16xi32>
      %and3A_1460 = arith.andi %add3A_1457, %and3A_1459 : vector<16xi32>
      %add3A_1461 = arith.addi %mul3A_1310, %and3A_1460 : vector<16xi32>
      %gather3A_1462 = tpu.vector_load_idx %arg8[%add3A_1298, %add3A_1461] : memref<256x128xf32, #tpu.memory_space<vmem>>[vector<16xi32>, vector<16xi32>], vector<16xf32>,
      tpu.vector_store_idx %arg9[%and3A_1460, %add3A_1298], %gather3A_1462 : memref<64x256xf32, #tpu.memory_space<vmem>>[vector<16xi32>, vector<16xi32>], vector<16xf32>,
      %add3A_1463 = arith.constant 19 : i32
      %add3A_1464 = vector.broadcast %add3A_1463 : i32 to vector<16xi32>
      %add3A_1465 = arith.addi %iota3A_1294, %add3A_1464 : vector<16xi32>
      %and3A_1466 = arith.constant 63 : i32
      %and3A_1467 = vector.broadcast %and3A_1466 : i32 to vector<16xi32>
      %and3A_1468 = arith.andi %add3A_1465, %and3A_1467 : vector<16xi32>
      %add3A_1469 = arith.addi %mul3A_1310, %and3A_1468 : vector<16xi32>
      %gather3A_1470 = tpu.vector_load_idx %arg8[%add3A_1298, %add3A_1469] : memref<256x128xf32, #tpu.memory_space<vmem>>[vector<16xi32>, vector<16xi32>], vector<16xf32>,
      tpu.vector_store_idx %arg9[%and3A_1468, %add3A_1298], %gather3A_1470 : memref<64x256xf32, #tpu.memory_space<vmem>>[vector<16xi32>, vector<16xi32>], vector<16xf32>,
      %add3A_1471 = arith.constant 20 : i32
      %add3A_1472 = vector.broadcast %add3A_1471 : i32 to vector<16xi32>
      %add3A_1473 = arith.addi %iota3A_1294, %add3A_1472 : vector<16xi32>
      %and3A_1474 = arith.constant 63 : i32
      %and3A_1475 = vector.broadcast %and3A_1474 : i32 to vector<16xi32>
      %and3A_1476 = arith.andi %add3A_1473, %and3A_1475 : vector<16xi32>
      %add3A_1477 = arith.addi %mul3A_1310, %and3A_1476 : vector<16xi32>
      %gather3A_1478 = tpu.vector_load_idx %arg8[%add3A_1298, %add3A_1477] : memref<256x128xf32, #tpu.memory_space<vmem>>[vector<16xi32>, vector<16xi32>], vector<16xf32>,
      tpu.vector_store_idx %arg9[%and3A_1476, %add3A_1298], %gather3A_1478 : memref<64x256xf32, #tpu.memory_space<vmem>>[vector<16xi32>, vector<16xi32>], vector<16xf32>,
      %add3A_1479 = arith.constant 21 : i32
      %add3A_1480 = vector.broadcast %add3A_1479 : i32 to vector<16xi32>
      %add3A_1481 = arith.addi %iota3A_1294, %add3A_1480 : vector<16xi32>
      %and3A_1482 = arith.constant 63 : i32
      %and3A_1483 = vector.broadcast %and3A_1482 : i32 to vector<16xi32>
      %and3A_1484 = arith.andi %add3A_1481, %and3A_1483 : vector<16xi32>
      %add3A_1485 = arith.addi %mul3A_1310, %and3A_1484 : vector<16xi32>
      %gather3A_1486 = tpu.vector_load_idx %arg8[%add3A_1298, %add3A_1485] : memref<256x128xf32, #tpu.memory_space<vmem>>[vector<16xi32>, vector<16xi32>], vector<16xf32>,
      tpu.vector_store_idx %arg9[%and3A_1484, %add3A_1298], %gather3A_1486 : memref<64x256xf32, #tpu.memory_space<vmem>>[vector<16xi32>, vector<16xi32>], vector<16xf32>,
      %add3A_1487 = arith.constant 22 : i32
      %add3A_1488 = vector.broadcast %add3A_1487 : i32 to vector<16xi32>
      %add3A_1489 = arith.addi %iota3A_1294, %add3A_1488 : vector<16xi32>
      %and3A_1490 = arith.constant 63 : i32
      %and3A_1491 = vector.broadcast %and3A_1490 : i32 to vector<16xi32>
      %and3A_1492 = arith.andi %add3A_1489, %and3A_1491 : vector<16xi32>
      %add3A_1493 = arith.addi %mul3A_1310, %and3A_1492 : vector<16xi32>
      %gather3A_1494 = tpu.vector_load_idx %arg8[%add3A_1298, %add3A_1493] : memref<256x128xf32, #tpu.memory_space<vmem>>[vector<16xi32>, vector<16xi32>], vector<16xf32>,
      tpu.vector_store_idx %arg9[%and3A_1492, %add3A_1298], %gather3A_1494 : memref<64x256xf32, #tpu.memory_space<vmem>>[vector<16xi32>, vector<16xi32>], vector<16xf32>,
      %add3A_1495 = arith.constant 23 : i32
      %add3A_1496 = vector.broadcast %add3A_1495 : i32 to vector<16xi32>
      %add3A_1497 = arith.addi %iota3A_1294, %add3A_1496 : vector<16xi32>
      %and3A_1498 = arith.constant 63 : i32
      %and3A_1499 = vector.broadcast %and3A_1498 : i32 to vector<16xi32>
      %and3A_1500 = arith.andi %add3A_1497, %and3A_1499 : vector<16xi32>
      %add3A_1501 = arith.addi %mul3A_1310, %and3A_1500 : vector<16xi32>
      %gather3A_1502 = tpu.vector_load_idx %arg8[%add3A_1298, %add3A_1501] : memref<256x128xf32, #tpu.memory_space<vmem>>[vector<16xi32>, vector<16xi32>], vector<16xf32>,
      tpu.vector_store_idx %arg9[%and3A_1500, %add3A_1298], %gather3A_1502 : memref<64x256xf32, #tpu.memory_space<vmem>>[vector<16xi32>, vector<16xi32>], vector<16xf32>,
      %add3A_1503 = arith.constant 24 : i32
      %add3A_1504 = vector.broadcast %add3A_1503 : i32 to vector<16xi32>
      %add3A_1505 = arith.addi %iota3A_1294, %add3A_1504 : vector<16xi32>
      %and3A_1506 = arith.constant 63 : i32
      %and3A_1507 = vector.broadcast %and3A_1506 : i32 to vector<16xi32>
      %and3A_1508 = arith.andi %add3A_1505, %and3A_1507 : vector<16xi32>
      %add3A_1509 = arith.addi %mul3A_1310, %and3A_1508 : vector<16xi32>
      %gather3A_1510 = tpu.vector_load_idx %arg8[%add3A_1298, %add3A_1509] : memref<256x128xf32, #tpu.memory_space<vmem>>[vector<16xi32>, vector<16xi32>], vector<16xf32>,
      tpu.vector_store_idx %arg9[%and3A_1508, %add3A_1298], %gather3A_1510 : memref<64x256xf32, #tpu.memory_space<vmem>>[vector<16xi32>, vector<16xi32>], vector<16xf32>,
      %add3A_1511 = arith.constant 25 : i32
      %add3A_1512 = vector.broadcast %add3A_1511 : i32 to vector<16xi32>
      %add3A_1513 = arith.addi %iota3A_1294, %add3A_1512 : vector<16xi32>
      %and3A_1514 = arith.constant 63 : i32
      %and3A_1515 = vector.broadcast %and3A_1514 : i32 to vector<16xi32>
      %and3A_1516 = arith.andi %add3A_1513, %and3A_1515 : vector<16xi32>
      %add3A_1517 = arith.addi %mul3A_1310, %and3A_1516 : vector<16xi32>
      %gather3A_1518 = tpu.vector_load_idx %arg8[%add3A_1298, %add3A_1517] : memref<256x128xf32, #tpu.memory_space<vmem>>[vector<16xi32>, vector<16xi32>], vector<16xf32>,
      tpu.vector_store_idx %arg9[%and3A_1516, %add3A_1298], %gather3A_1518 : memref<64x256xf32, #tpu.memory_space<vmem>>[vector<16xi32>, vector<16xi32>], vector<16xf32>,
      %add3A_1519 = arith.constant 26 : i32
      %add3A_1520 = vector.broadcast %add3A_1519 : i32 to vector<16xi32>
      %add3A_1521 = arith.addi %iota3A_1294, %add3A_1520 : vector<16xi32>
      %and3A_1522 = arith.constant 63 : i32
      %and3A_1523 = vector.broadcast %and3A_1522 : i32 to vector<16xi32>
      %and3A_1524 = arith.andi %add3A_1521, %and3A_1523 : vector<16xi32>
      %add3A_1525 = arith.addi %mul3A_1310, %and3A_1524 : vector<16xi32>
      %gather3A_1526 = tpu.vector_load_idx %arg8[%add3A_1298, %add3A_1525] : memref<256x128xf32, #tpu.memory_space<vmem>>[vector<16xi32>, vector<16xi32>], vector<16xf32>,
      tpu.vector_store_idx %arg9[%and3A_1524, %add3A_1298], %gather3A_1526 : memref<64x256xf32, #tpu.memory_space<vmem>>[vector<16xi32>, vector<16xi32>], vector<16xf32>,
      %add3A_1527 = arith.constant 27 : i32
      %add3A_1528 = vector.broadcast %add3A_1527 : i32 to vector<16xi32>
      %add3A_1529 = arith.addi %iota3A_1294, %add3A_1528 : vector<16xi32>
      %and3A_1530 = arith.constant 63 : i32
      %and3A_1531 = vector.broadcast %and3A_1530 : i32 to vector<16xi32>
      %and3A_1532 = arith.andi %add3A_1529, %and3A_1531 : vector<16xi32>
      %add3A_1533 = arith.addi %mul3A_1310, %and3A_1532 : vector<16xi32>
      %gather3A_1534 = tpu.vector_load_idx %arg8[%add3A_1298, %add3A_1533] : memref<256x128xf32, #tpu.memory_space<vmem>>[vector<16xi32>, vector<16xi32>], vector<16xf32>,
      tpu.vector_store_idx %arg9[%and3A_1532, %add3A_1298], %gather3A_1534 : memref<64x256xf32, #tpu.memory_space<vmem>>[vector<16xi32>, vector<16xi32>], vector<16xf32>,
      %add3A_1535 = arith.constant 28 : i32
      %add3A_1536 = vector.broadcast %add3A_1535 : i32 to vector<16xi32>
      %add3A_1537 = arith.addi %iota3A_1294, %add3A_1536 : vector<16xi32>
      %and3A_1538 = arith.constant 63 : i32
      %and3A_1539 = vector.broadcast %and3A_1538 : i32 to vector<16xi32>
      %and3A_1540 = arith.andi %add3A_1537, %and3A_1539 : vector<16xi32>
      %add3A_1541 = arith.addi %mul3A_1310, %and3A_1540 : vector<16xi32>
      %gather3A_1542 = tpu.vector_load_idx %arg8[%add3A_1298, %add3A_1541] : memref<256x128xf32, #tpu.memory_space<vmem>>[vector<16xi32>, vector<16xi32>], vector<16xf32>,
      tpu.vector_store_idx %arg9[%and3A_1540, %add3A_1298], %gather3A_1542 : memref<64x256xf32, #tpu.memory_space<vmem>>[vector<16xi32>, vector<16xi32>], vector<16xf32>,
      %add3A_1543 = arith.constant 29 : i32
      %add3A_1544 = vector.broadcast %add3A_1543 : i32 to vector<16xi32>
      %add3A_1545 = arith.addi %iota3A_1294, %add3A_1544 : vector<16xi32>
      %and3A_1546 = arith.constant 63 : i32
      %and3A_1547 = vector.broadcast %and3A_1546 : i32 to vector<16xi32>
      %and3A_1548 = arith.andi %add3A_1545, %and3A_1547 : vector<16xi32>
      %add3A_1549 = arith.addi %mul3A_1310, %and3A_1548 : vector<16xi32>
      %gather3A_1550 = tpu.vector_load_idx %arg8[%add3A_1298, %add3A_1549] : memref<256x128xf32, #tpu.memory_space<vmem>>[vector<16xi32>, vector<16xi32>], vector<16xf32>,
      tpu.vector_store_idx %arg9[%and3A_1548, %add3A_1298], %gather3A_1550 : memref<64x256xf32, #tpu.memory_space<vmem>>[vector<16xi32>, vector<16xi32>], vector<16xf32>,
      %add3A_1551 = arith.constant 30 : i32
      %add3A_1552 = vector.broadcast %add3A_1551 : i32 to vector<16xi32>
      %add3A_1553 = arith.addi %iota3A_1294, %add3A_1552 : vector<16xi32>
      %and3A_1554 = arith.constant 63 : i32
      %and3A_1555 = vector.broadcast %and3A_1554 : i32 to vector<16xi32>
      %and3A_1556 = arith.andi %add3A_1553, %and3A_1555 : vector<16xi32>
      %add3A_1557 = arith.addi %mul3A_1310, %and3A_1556 : vector<16xi32>
      %gather3A_1558 = tpu.vector_load_idx %arg8[%add3A_1298, %add3A_1557] : memref<256x128xf32, #tpu.memory_space<vmem>>[vector<16xi32>, vector<16xi32>], vector<16xf32>,
      tpu.vector_store_idx %arg9[%and3A_1556, %add3A_1298], %gather3A_1558 : memref<64x256xf32, #tpu.memory_space<vmem>>[vector<16xi32>, vector<16xi32>], vector<16xf32>,
      %add3A_1559 = arith.constant 31 : i32
      %add3A_1560 = vector.broadcast %add3A_1559 : i32 to vector<16xi32>
      %add3A_1561 = arith.addi %iota3A_1294, %add3A_1560 : vector<16xi32>
      %and3A_1562 = arith.constant 63 : i32
      %and3A_1563 = vector.broadcast %and3A_1562 : i32 to vector<16xi32>
      %and3A_1564 = arith.andi %add3A_1561, %and3A_1563 : vector<16xi32>
      %add3A_1565 = arith.addi %mul3A_1310, %and3A_1564 : vector<16xi32>
      %gather3A_1566 = tpu.vector_load_idx %arg8[%add3A_1298, %add3A_1565] : memref<256x128xf32, #tpu.memory_space<vmem>>[vector<16xi32>, vector<16xi32>], vector<16xf32>,
      tpu.vector_store_idx %arg9[%and3A_1564, %add3A_1298], %gather3A_1566 : memref<64x256xf32, #tpu.memory_space<vmem>>[vector<16xi32>, vector<16xi32>], vector<16xf32>,
      %add3A_1567 = arith.constant 32 : i32
      %add3A_1568 = vector.broadcast %add3A_1567 : i32 to vector<16xi32>
      %add3A_1569 = arith.addi %iota3A_1294, %add3A_1568 : vector<16xi32>
      %and3A_1570 = arith.constant 63 : i32
      %and3A_1571 = vector.broadcast %and3A_1570 : i32 to vector<16xi32>
      %and3A_1572 = arith.andi %add3A_1569, %and3A_1571 : vector<16xi32>
      %add3A_1573 = arith.addi %mul3A_1310, %and3A_1572 : vector<16xi32>
      %gather3A_1574 = tpu.vector_load_idx %arg8[%add3A_1298, %add3A_1573] : memref<256x128xf32, #tpu.memory_space<vmem>>[vector<16xi32>, vector<16xi32>], vector<16xf32>,
      tpu.vector_store_idx %arg9[%and3A_1572, %add3A_1298], %gather3A_1574 : memref<64x256xf32, #tpu.memory_space<vmem>>[vector<16xi32>, vector<16xi32>], vector<16xf32>,
      %add3A_1575 = arith.constant 33 : i32
      %add3A_1576 = vector.broadcast %add3A_1575 : i32 to vector<16xi32>
      %add3A_1577 = arith.addi %iota3A_1294, %add3A_1576 : vector<16xi32>
      %and3A_1578 = arith.constant 63 : i32
      %and3A_1579 = vector.broadcast %and3A_1578 : i32 to vector<16xi32>
      %and3A_1580 = arith.andi %add3A_1577, %and3A_1579 : vector<16xi32>
      %add3A_1581 = arith.addi %mul3A_1310, %and3A_1580 : vector<16xi32>
      %gather3A_1582 = tpu.vector_load_idx %arg8[%add3A_1298, %add3A_1581] : memref<256x128xf32, #tpu.memory_space<vmem>>[vector<16xi32>, vector<16xi32>], vector<16xf32>,
      tpu.vector_store_idx %arg9[%and3A_1580, %add3A_1298], %gather3A_1582 : memref<64x256xf32, #tpu.memory_space<vmem>>[vector<16xi32>, vector<16xi32>], vector<16xf32>,
      %add3A_1583 = arith.constant 34 : i32
      %add3A_1584 = vector.broadcast %add3A_1583 : i32 to vector<16xi32>
      %add3A_1585 = arith.addi %iota3A_1294, %add3A_1584 : vector<16xi32>
      %and3A_1586 = arith.constant 63 : i32
      %and3A_1587 = vector.broadcast %and3A_1586 : i32 to vector<16xi32>
      %and3A_1588 = arith.andi %add3A_1585, %and3A_1587 : vector<16xi32>
      %add3A_1589 = arith.addi %mul3A_1310, %and3A_1588 : vector<16xi32>
      %gather3A_1590 = tpu.vector_load_idx %arg8[%add3A_1298, %add3A_1589] : memref<256x128xf32, #tpu.memory_space<vmem>>[vector<16xi32>, vector<16xi32>], vector<16xf32>,
      tpu.vector_store_idx %arg9[%and3A_1588, %add3A_1298], %gather3A_1590 : memref<64x256xf32, #tpu.memory_space<vmem>>[vector<16xi32>, vector<16xi32>], vector<16xf32>,
      %add3A_1591 = arith.constant 35 : i32
      %add3A_1592 = vector.broadcast %add3A_1591 : i32 to vector<16xi32>
      %add3A_1593 = arith.addi %iota3A_1294, %add3A_1592 : vector<16xi32>
      %and3A_1594 = arith.constant 63 : i32
      %and3A_1595 = vector.broadcast %and3A_1594 : i32 to vector<16xi32>
      %and3A_1596 = arith.andi %add3A_1593, %and3A_1595 : vector<16xi32>
      %add3A_1597 = arith.addi %mul3A_1310, %and3A_1596 : vector<16xi32>
      %gather3A_1598 = tpu.vector_load_idx %arg8[%add3A_1298, %add3A_1597] : memref<256x128xf32, #tpu.memory_space<vmem>>[vector<16xi32>, vector<16xi32>], vector<16xf32>,
      tpu.vector_store_idx %arg9[%and3A_1596, %add3A_1298], %gather3A_1598 : memref<64x256xf32, #tpu.memory_space<vmem>>[vector<16xi32>, vector<16xi32>], vector<16xf32>,
      %add3A_1599 = arith.constant 36 : i32
      %add3A_1600 = vector.broadcast %add3A_1599 : i32 to vector<16xi32>
      %add3A_1601 = arith.addi %iota3A_1294, %add3A_1600 : vector<16xi32>
      %and3A_1602 = arith.constant 63 : i32
      %and3A_1603 = vector.broadcast %and3A_1602 : i32 to vector<16xi32>
      %and3A_1604 = arith.andi %add3A_1601, %and3A_1603 : vector<16xi32>
      %add3A_1605 = arith.addi %mul3A_1310, %and3A_1604 : vector<16xi32>
      %gather3A_1606 = tpu.vector_load_idx %arg8[%add3A_1298, %add3A_1605] : memref<256x128xf32, #tpu.memory_space<vmem>>[vector<16xi32>, vector<16xi32>], vector<16xf32>,
      tpu.vector_store_idx %arg9[%and3A_1604, %add3A_1298], %gather3A_1606 : memref<64x256xf32, #tpu.memory_space<vmem>>[vector<16xi32>, vector<16xi32>], vector<16xf32>,
      %add3A_1607 = arith.constant 37 : i32
      %add3A_1608 = vector.broadcast %add3A_1607 : i32 to vector<16xi32>
      %add3A_1609 = arith.addi %iota3A_1294, %add3A_1608 : vector<16xi32>
      %and3A_1610 = arith.constant 63 : i32
      %and3A_1611 = vector.broadcast %and3A_1610 : i32 to vector<16xi32>
      %and3A_1612 = arith.andi %add3A_1609, %and3A_1611 : vector<16xi32>
      %add3A_1613 = arith.addi %mul3A_1310, %and3A_1612 : vector<16xi32>
      %gather3A_1614 = tpu.vector_load_idx %arg8[%add3A_1298, %add3A_1613] : memref<256x128xf32, #tpu.memory_space<vmem>>[vector<16xi32>, vector<16xi32>], vector<16xf32>,
      tpu.vector_store_idx %arg9[%and3A_1612, %add3A_1298], %gather3A_1614 : memref<64x256xf32, #tpu.memory_space<vmem>>[vector<16xi32>, vector<16xi32>], vector<16xf32>,
      %add3A_1615 = arith.constant 38 : i32
      %add3A_1616 = vector.broadcast %add3A_1615 : i32 to vector<16xi32>
      %add3A_1617 = arith.addi %iota3A_1294, %add3A_1616 : vector<16xi32>
      %and3A_1618 = arith.constant 63 : i32
      %and3A_1619 = vector.broadcast %and3A_1618 : i32 to vector<16xi32>
      %and3A_1620 = arith.andi %add3A_1617, %and3A_1619 : vector<16xi32>
      %add3A_1621 = arith.addi %mul3A_1310, %and3A_1620 : vector<16xi32>
      %gather3A_1622 = tpu.vector_load_idx %arg8[%add3A_1298, %add3A_1621] : memref<256x128xf32, #tpu.memory_space<vmem>>[vector<16xi32>, vector<16xi32>], vector<16xf32>,
      tpu.vector_store_idx %arg9[%and3A_1620, %add3A_1298], %gather3A_1622 : memref<64x256xf32, #tpu.memory_space<vmem>>[vector<16xi32>, vector<16xi32>], vector<16xf32>,
      %add3A_1623 = arith.constant 39 : i32
      %add3A_1624 = vector.broadcast %add3A_1623 : i32 to vector<16xi32>
      %add3A_1625 = arith.addi %iota3A_1294, %add3A_1624 : vector<16xi32>
      %and3A_1626 = arith.constant 63 : i32
      %and3A_1627 = vector.broadcast %and3A_1626 : i32 to vector<16xi32>
      %and3A_1628 = arith.andi %add3A_1625, %and3A_1627 : vector<16xi32>
      %add3A_1629 = arith.addi %mul3A_1310, %and3A_1628 : vector<16xi32>
      %gather3A_1630 = tpu.vector_load_idx %arg8[%add3A_1298, %add3A_1629] : memref<256x128xf32, #tpu.memory_space<vmem>>[vector<16xi32>, vector<16xi32>], vector<16xf32>,
      tpu.vector_store_idx %arg9[%and3A_1628, %add3A_1298], %gather3A_1630 : memref<64x256xf32, #tpu.memory_space<vmem>>[vector<16xi32>, vector<16xi32>], vector<16xf32>,
      %add3A_1631 = arith.constant 40 : i32
      %add3A_1632 = vector.broadcast %add3A_1631 : i32 to vector<16xi32>
      %add3A_1633 = arith.addi %iota3A_1294, %add3A_1632 : vector<16xi32>
      %and3A_1634 = arith.constant 63 : i32
      %and3A_1635 = vector.broadcast %and3A_1634 : i32 to vector<16xi32>
      %and3A_1636 = arith.andi %add3A_1633, %and3A_1635 : vector<16xi32>
      %add3A_1637 = arith.addi %mul3A_1310, %and3A_1636 : vector<16xi32>
      %gather3A_1638 = tpu.vector_load_idx %arg8[%add3A_1298, %add3A_1637] : memref<256x128xf32, #tpu.memory_space<vmem>>[vector<16xi32>, vector<16xi32>], vector<16xf32>,
      tpu.vector_store_idx %arg9[%and3A_1636, %add3A_1298], %gather3A_1638 : memref<64x256xf32, #tpu.memory_space<vmem>>[vector<16xi32>, vector<16xi32>], vector<16xf32>,
      %add3A_1639 = arith.constant 41 : i32
      %add3A_1640 = vector.broadcast %add3A_1639 : i32 to vector<16xi32>
      %add3A_1641 = arith.addi %iota3A_1294, %add3A_1640 : vector<16xi32>
      %and3A_1642 = arith.constant 63 : i32
      %and3A_1643 = vector.broadcast %and3A_1642 : i32 to vector<16xi32>
      %and3A_1644 = arith.andi %add3A_1641, %and3A_1643 : vector<16xi32>
      %add3A_1645 = arith.addi %mul3A_1310, %and3A_1644 : vector<16xi32>
      %gather3A_1646 = tpu.vector_load_idx %arg8[%add3A_1298, %add3A_1645] : memref<256x128xf32, #tpu.memory_space<vmem>>[vector<16xi32>, vector<16xi32>], vector<16xf32>,
      tpu.vector_store_idx %arg9[%and3A_1644, %add3A_1298], %gather3A_1646 : memref<64x256xf32, #tpu.memory_space<vmem>>[vector<16xi32>, vector<16xi32>], vector<16xf32>,
      %add3A_1647 = arith.constant 42 : i32
      %add3A_1648 = vector.broadcast %add3A_1647 : i32 to vector<16xi32>
      %add3A_1649 = arith.addi %iota3A_1294, %add3A_1648 : vector<16xi32>
      %and3A_1650 = arith.constant 63 : i32
      %and3A_1651 = vector.broadcast %and3A_1650 : i32 to vector<16xi32>
      %and3A_1652 = arith.andi %add3A_1649, %and3A_1651 : vector<16xi32>
      %add3A_1653 = arith.addi %mul3A_1310, %and3A_1652 : vector<16xi32>
      %gather3A_1654 = tpu.vector_load_idx %arg8[%add3A_1298, %add3A_1653] : memref<256x128xf32, #tpu.memory_space<vmem>>[vector<16xi32>, vector<16xi32>], vector<16xf32>,
      tpu.vector_store_idx %arg9[%and3A_1652, %add3A_1298], %gather3A_1654 : memref<64x256xf32, #tpu.memory_space<vmem>>[vector<16xi32>, vector<16xi32>], vector<16xf32>,
      %add3A_1655 = arith.constant 43 : i32
      %add3A_1656 = vector.broadcast %add3A_1655 : i32 to vector<16xi32>
      %add3A_1657 = arith.addi %iota3A_1294, %add3A_1656 : vector<16xi32>
      %and3A_1658 = arith.constant 63 : i32
      %and3A_1659 = vector.broadcast %and3A_1658 : i32 to vector<16xi32>
      %and3A_1660 = arith.andi %add3A_1657, %and3A_1659 : vector<16xi32>
      %add3A_1661 = arith.addi %mul3A_1310, %and3A_1660 : vector<16xi32>
      %gather3A_1662 = tpu.vector_load_idx %arg8[%add3A_1298, %add3A_1661] : memref<256x128xf32, #tpu.memory_space<vmem>>[vector<16xi32>, vector<16xi32>], vector<16xf32>,
      tpu.vector_store_idx %arg9[%and3A_1660, %add3A_1298], %gather3A_1662 : memref<64x256xf32, #tpu.memory_space<vmem>>[vector<16xi32>, vector<16xi32>], vector<16xf32>,
      %add3A_1663 = arith.constant 44 : i32
      %add3A_1664 = vector.broadcast %add3A_1663 : i32 to vector<16xi32>
      %add3A_1665 = arith.addi %iota3A_1294, %add3A_1664 : vector<16xi32>
      %and3A_1666 = arith.constant 63 : i32
      %and3A_1667 = vector.broadcast %and3A_1666 : i32 to vector<16xi32>
      %and3A_1668 = arith.andi %add3A_1665, %and3A_1667 : vector<16xi32>
      %add3A_1669 = arith.addi %mul3A_1310, %and3A_1668 : vector<16xi32>
      %gather3A_1670 = tpu.vector_load_idx %arg8[%add3A_1298, %add3A_1669] : memref<256x128xf32, #tpu.memory_space<vmem>>[vector<16xi32>, vector<16xi32>], vector<16xf32>,
      tpu.vector_store_idx %arg9[%and3A_1668, %add3A_1298], %gather3A_1670 : memref<64x256xf32, #tpu.memory_space<vmem>>[vector<16xi32>, vector<16xi32>], vector<16xf32>,
      %add3A_1671 = arith.constant 45 : i32
      %add3A_1672 = vector.broadcast %add3A_1671 : i32 to vector<16xi32>
      %add3A_1673 = arith.addi %iota3A_1294, %add3A_1672 : vector<16xi32>
      %and3A_1674 = arith.constant 63 : i32
      %and3A_1675 = vector.broadcast %and3A_1674 : i32 to vector<16xi32>
      %and3A_1676 = arith.andi %add3A_1673, %and3A_1675 : vector<16xi32>
      %add3A_1677 = arith.addi %mul3A_1310, %and3A_1676 : vector<16xi32>
      %gather3A_1678 = tpu.vector_load_idx %arg8[%add3A_1298, %add3A_1677] : memref<256x128xf32, #tpu.memory_space<vmem>>[vector<16xi32>, vector<16xi32>], vector<16xf32>,
      tpu.vector_store_idx %arg9[%and3A_1676, %add3A_1298], %gather3A_1678 : memref<64x256xf32, #tpu.memory_space<vmem>>[vector<16xi32>, vector<16xi32>], vector<16xf32>,
      %add3A_1679 = arith.constant 46 : i32
      %add3A_1680 = vector.broadcast %add3A_1679 : i32 to vector<16xi32>
      %add3A_1681 = arith.addi %iota3A_1294, %add3A_1680 : vector<16xi32>
      %and3A_1682 = arith.constant 63 : i32
      %and3A_1683 = vector.broadcast %and3A_1682 : i32 to vector<16xi32>
      %and3A_1684 = arith.andi %add3A_1681, %and3A_1683 : vector<16xi32>
      %add3A_1685 = arith.addi %mul3A_1310, %and3A_1684 : vector<16xi32>
      %gather3A_1686 = tpu.vector_load_idx %arg8[%add3A_1298, %add3A_1685] : memref<256x128xf32, #tpu.memory_space<vmem>>[vector<16xi32>, vector<16xi32>], vector<16xf32>,
      tpu.vector_store_idx %arg9[%and3A_1684, %add3A_1298], %gather3A_1686 : memref<64x256xf32, #tpu.memory_space<vmem>>[vector<16xi32>, vector<16xi32>], vector<16xf32>,
      %add3A_1687 = arith.constant 47 : i32
      %add3A_1688 = vector.broadcast %add3A_1687 : i32 to vector<16xi32>
      %add3A_1689 = arith.addi %iota3A_1294, %add3A_1688 : vector<16xi32>
      %and3A_1690 = arith.constant 63 : i32
      %and3A_1691 = vector.broadcast %and3A_1690 : i32 to vector<16xi32>
      %and3A_1692 = arith.andi %add3A_1689, %and3A_1691 : vector<16xi32>
      %add3A_1693 = arith.addi %mul3A_1310, %and3A_1692 : vector<16xi32>
      %gather3A_1694 = tpu.vector_load_idx %arg8[%add3A_1298, %add3A_1693] : memref<256x128xf32, #tpu.memory_space<vmem>>[vector<16xi32>, vector<16xi32>], vector<16xf32>,
      tpu.vector_store_idx %arg9[%and3A_1692, %add3A_1298], %gather3A_1694 : memref<64x256xf32, #tpu.memory_space<vmem>>[vector<16xi32>, vector<16xi32>], vector<16xf32>,
      %add3A_1695 = arith.constant 48 : i32
      %add3A_1696 = vector.broadcast %add3A_1695 : i32 to vector<16xi32>
      %add3A_1697 = arith.addi %iota3A_1294, %add3A_1696 : vector<16xi32>
      %and3A_1698 = arith.constant 63 : i32
      %and3A_1699 = vector.broadcast %and3A_1698 : i32 to vector<16xi32>
      %and3A_1700 = arith.andi %add3A_1697, %and3A_1699 : vector<16xi32>
      %add3A_1701 = arith.addi %mul3A_1310, %and3A_1700 : vector<16xi32>
      %gather3A_1702 = tpu.vector_load_idx %arg8[%add3A_1298, %add3A_1701] : memref<256x128xf32, #tpu.memory_space<vmem>>[vector<16xi32>, vector<16xi32>], vector<16xf32>,
      tpu.vector_store_idx %arg9[%and3A_1700, %add3A_1298], %gather3A_1702 : memref<64x256xf32, #tpu.memory_space<vmem>>[vector<16xi32>, vector<16xi32>], vector<16xf32>,
      %add3A_1703 = arith.constant 49 : i32
      %add3A_1704 = vector.broadcast %add3A_1703 : i32 to vector<16xi32>
      %add3A_1705 = arith.addi %iota3A_1294, %add3A_1704 : vector<16xi32>
      %and3A_1706 = arith.constant 63 : i32
      %and3A_1707 = vector.broadcast %and3A_1706 : i32 to vector<16xi32>
      %and3A_1708 = arith.andi %add3A_1705, %and3A_1707 : vector<16xi32>
      %add3A_1709 = arith.addi %mul3A_1310, %and3A_1708 : vector<16xi32>
      %gather3A_1710 = tpu.vector_load_idx %arg8[%add3A_1298, %add3A_1709] : memref<256x128xf32, #tpu.memory_space<vmem>>[vector<16xi32>, vector<16xi32>], vector<16xf32>,
      tpu.vector_store_idx %arg9[%and3A_1708, %add3A_1298], %gather3A_1710 : memref<64x256xf32, #tpu.memory_space<vmem>>[vector<16xi32>, vector<16xi32>], vector<16xf32>,
      %add3A_1711 = arith.constant 50 : i32
      %add3A_1712 = vector.broadcast %add3A_1711 : i32 to vector<16xi32>
      %add3A_1713 = arith.addi %iota3A_1294, %add3A_1712 : vector<16xi32>
      %and3A_1714 = arith.constant 63 : i32
      %and3A_1715 = vector.broadcast %and3A_1714 : i32 to vector<16xi32>
      %and3A_1716 = arith.andi %add3A_1713, %and3A_1715 : vector<16xi32>
      %add3A_1717 = arith.addi %mul3A_1310, %and3A_1716 : vector<16xi32>
      %gather3A_1718 = tpu.vector_load_idx %arg8[%add3A_1298, %add3A_1717] : memref<256x128xf32, #tpu.memory_space<vmem>>[vector<16xi32>, vector<16xi32>], vector<16xf32>,
      tpu.vector_store_idx %arg9[%and3A_1716, %add3A_1298], %gather3A_1718 : memref<64x256xf32, #tpu.memory_space<vmem>>[vector<16xi32>, vector<16xi32>], vector<16xf32>,
      %add3A_1719 = arith.constant 51 : i32
      %add3A_1720 = vector.broadcast %add3A_1719 : i32 to vector<16xi32>
      %add3A_1721 = arith.addi %iota3A_1294, %add3A_1720 : vector<16xi32>
      %and3A_1722 = arith.constant 63 : i32
      %and3A_1723 = vector.broadcast %and3A_1722 : i32 to vector<16xi32>
      %and3A_1724 = arith.andi %add3A_1721, %and3A_1723 : vector<16xi32>
      %add3A_1725 = arith.addi %mul3A_1310, %and3A_1724 : vector<16xi32>
      %gather3A_1726 = tpu.vector_load_idx %arg8[%add3A_1298, %add3A_1725] : memref<256x128xf32, #tpu.memory_space<vmem>>[vector<16xi32>, vector<16xi32>], vector<16xf32>,
      tpu.vector_store_idx %arg9[%and3A_1724, %add3A_1298], %gather3A_1726 : memref<64x256xf32, #tpu.memory_space<vmem>>[vector<16xi32>, vector<16xi32>], vector<16xf32>,
      %add3A_1727 = arith.constant 52 : i32
      %add3A_1728 = vector.broadcast %add3A_1727 : i32 to vector<16xi32>
      %add3A_1729 = arith.addi %iota3A_1294, %add3A_1728 : vector<16xi32>
      %and3A_1730 = arith.constant 63 : i32
      %and3A_1731 = vector.broadcast %and3A_1730 : i32 to vector<16xi32>
      %and3A_1732 = arith.andi %add3A_1729, %and3A_1731 : vector<16xi32>
      %add3A_1733 = arith.addi %mul3A_1310, %and3A_1732 : vector<16xi32>
      %gather3A_1734 = tpu.vector_load_idx %arg8[%add3A_1298, %add3A_1733] : memref<256x128xf32, #tpu.memory_space<vmem>>[vector<16xi32>, vector<16xi32>], vector<16xf32>,
      tpu.vector_store_idx %arg9[%and3A_1732, %add3A_1298], %gather3A_1734 : memref<64x256xf32, #tpu.memory_space<vmem>>[vector<16xi32>, vector<16xi32>], vector<16xf32>,
      %add3A_1735 = arith.constant 53 : i32
      %add3A_1736 = vector.broadcast %add3A_1735 : i32 to vector<16xi32>
      %add3A_1737 = arith.addi %iota3A_1294, %add3A_1736 : vector<16xi32>
      %and3A_1738 = arith.constant 63 : i32
      %and3A_1739 = vector.broadcast %and3A_1738 : i32 to vector<16xi32>
      %and3A_1740 = arith.andi %add3A_1737, %and3A_1739 : vector<16xi32>
      %add3A_1741 = arith.addi %mul3A_1310, %and3A_1740 : vector<16xi32>
      %gather3A_1742 = tpu.vector_load_idx %arg8[%add3A_1298, %add3A_1741] : memref<256x128xf32, #tpu.memory_space<vmem>>[vector<16xi32>, vector<16xi32>], vector<16xf32>,
      tpu.vector_store_idx %arg9[%and3A_1740, %add3A_1298], %gather3A_1742 : memref<64x256xf32, #tpu.memory_space<vmem>>[vector<16xi32>, vector<16xi32>], vector<16xf32>,
      %add3A_1743 = arith.constant 54 : i32
      %add3A_1744 = vector.broadcast %add3A_1743 : i32 to vector<16xi32>
      %add3A_1745 = arith.addi %iota3A_1294, %add3A_1744 : vector<16xi32>
      %and3A_1746 = arith.constant 63 : i32
      %and3A_1747 = vector.broadcast %and3A_1746 : i32 to vector<16xi32>
      %and3A_1748 = arith.andi %add3A_1745, %and3A_1747 : vector<16xi32>
      %add3A_1749 = arith.addi %mul3A_1310, %and3A_1748 : vector<16xi32>
      %gather3A_1750 = tpu.vector_load_idx %arg8[%add3A_1298, %add3A_1749] : memref<256x128xf32, #tpu.memory_space<vmem>>[vector<16xi32>, vector<16xi32>], vector<16xf32>,
      tpu.vector_store_idx %arg9[%and3A_1748, %add3A_1298], %gather3A_1750 : memref<64x256xf32, #tpu.memory_space<vmem>>[vector<16xi32>, vector<16xi32>], vector<16xf32>,
      %add3A_1751 = arith.constant 55 : i32
      %add3A_1752 = vector.broadcast %add3A_1751 : i32 to vector<16xi32>
      %add3A_1753 = arith.addi %iota3A_1294, %add3A_1752 : vector<16xi32>
      %and3A_1754 = arith.constant 63 : i32
      %and3A_1755 = vector.broadcast %and3A_1754 : i32 to vector<16xi32>
      %and3A_1756 = arith.andi %add3A_1753, %and3A_1755 : vector<16xi32>
      %add3A_1757 = arith.addi %mul3A_1310, %and3A_1756 : vector<16xi32>
      %gather3A_1758 = tpu.vector_load_idx %arg8[%add3A_1298, %add3A_1757] : memref<256x128xf32, #tpu.memory_space<vmem>>[vector<16xi32>, vector<16xi32>], vector<16xf32>,
      tpu.vector_store_idx %arg9[%and3A_1756, %add3A_1298], %gather3A_1758 : memref<64x256xf32, #tpu.memory_space<vmem>>[vector<16xi32>, vector<16xi32>], vector<16xf32>,
      %add3A_1759 = arith.constant 56 : i32
      %add3A_1760 = vector.broadcast %add3A_1759 : i32 to vector<16xi32>
      %add3A_1761 = arith.addi %iota3A_1294, %add3A_1760 : vector<16xi32>
      %and3A_1762 = arith.constant 63 : i32
      %and3A_1763 = vector.broadcast %and3A_1762 : i32 to vector<16xi32>
      %and3A_1764 = arith.andi %add3A_1761, %and3A_1763 : vector<16xi32>
      %add3A_1765 = arith.addi %mul3A_1310, %and3A_1764 : vector<16xi32>
      %gather3A_1766 = tpu.vector_load_idx %arg8[%add3A_1298, %add3A_1765] : memref<256x128xf32, #tpu.memory_space<vmem>>[vector<16xi32>, vector<16xi32>], vector<16xf32>,
      tpu.vector_store_idx %arg9[%and3A_1764, %add3A_1298], %gather3A_1766 : memref<64x256xf32, #tpu.memory_space<vmem>>[vector<16xi32>, vector<16xi32>], vector<16xf32>,
      %add3A_1767 = arith.constant 57 : i32
      %add3A_1768 = vector.broadcast %add3A_1767 : i32 to vector<16xi32>
      %add3A_1769 = arith.addi %iota3A_1294, %add3A_1768 : vector<16xi32>
      %and3A_1770 = arith.constant 63 : i32
      %and3A_1771 = vector.broadcast %and3A_1770 : i32 to vector<16xi32>
      %and3A_1772 = arith.andi %add3A_1769, %and3A_1771 : vector<16xi32>
      %add3A_1773 = arith.addi %mul3A_1310, %and3A_1772 : vector<16xi32>
      %gather3A_1774 = tpu.vector_load_idx %arg8[%add3A_1298, %add3A_1773] : memref<256x128xf32, #tpu.memory_space<vmem>>[vector<16xi32>, vector<16xi32>], vector<16xf32>,
      tpu.vector_store_idx %arg9[%and3A_1772, %add3A_1298], %gather3A_1774 : memref<64x256xf32, #tpu.memory_space<vmem>>[vector<16xi32>, vector<16xi32>], vector<16xf32>,
      %add3A_1775 = arith.constant 58 : i32
      %add3A_1776 = vector.broadcast %add3A_1775 : i32 to vector<16xi32>
      %add3A_1777 = arith.addi %iota3A_1294, %add3A_1776 : vector<16xi32>
      %and3A_1778 = arith.constant 63 : i32
      %and3A_1779 = vector.broadcast %and3A_1778 : i32 to vector<16xi32>
      %and3A_1780 = arith.andi %add3A_1777, %and3A_1779 : vector<16xi32>
      %add3A_1781 = arith.addi %mul3A_1310, %and3A_1780 : vector<16xi32>
      %gather3A_1782 = tpu.vector_load_idx %arg8[%add3A_1298, %add3A_1781] : memref<256x128xf32, #tpu.memory_space<vmem>>[vector<16xi32>, vector<16xi32>], vector<16xf32>,
      tpu.vector_store_idx %arg9[%and3A_1780, %add3A_1298], %gather3A_1782 : memref<64x256xf32, #tpu.memory_space<vmem>>[vector<16xi32>, vector<16xi32>], vector<16xf32>,
      %add3A_1783 = arith.constant 59 : i32
      %add3A_1784 = vector.broadcast %add3A_1783 : i32 to vector<16xi32>
      %add3A_1785 = arith.addi %iota3A_1294, %add3A_1784 : vector<16xi32>
      %and3A_1786 = arith.constant 63 : i32
      %and3A_1787 = vector.broadcast %and3A_1786 : i32 to vector<16xi32>
      %and3A_1788 = arith.andi %add3A_1785, %and3A_1787 : vector<16xi32>
      %add3A_1789 = arith.addi %mul3A_1310, %and3A_1788 : vector<16xi32>
      %gather3A_1790 = tpu.vector_load_idx %arg8[%add3A_1298, %add3A_1789] : memref<256x128xf32, #tpu.memory_space<vmem>>[vector<16xi32>, vector<16xi32>], vector<16xf32>,
      tpu.vector_store_idx %arg9[%and3A_1788, %add3A_1298], %gather3A_1790 : memref<64x256xf32, #tpu.memory_space<vmem>>[vector<16xi32>, vector<16xi32>], vector<16xf32>,
      %add3A_1791 = arith.constant 60 : i32
      %add3A_1792 = vector.broadcast %add3A_1791 : i32 to vector<16xi32>
      %add3A_1793 = arith.addi %iota3A_1294, %add3A_1792 : vector<16xi32>
      %and3A_1794 = arith.constant 63 : i32
      %and3A_1795 = vector.broadcast %and3A_1794 : i32 to vector<16xi32>
      %and3A_1796 = arith.andi %add3A_1793, %and3A_1795 : vector<16xi32>
      %add3A_1797 = arith.addi %mul3A_1310, %and3A_1796 : vector<16xi32>
      %gather3A_1798 = tpu.vector_load_idx %arg8[%add3A_1298, %add3A_1797] : memref<256x128xf32, #tpu.memory_space<vmem>>[vector<16xi32>, vector<16xi32>], vector<16xf32>,
      tpu.vector_store_idx %arg9[%and3A_1796, %add3A_1298], %gather3A_1798 : memref<64x256xf32, #tpu.memory_space<vmem>>[vector<16xi32>, vector<16xi32>], vector<16xf32>,
      %add3A_1799 = arith.constant 61 : i32
      %add3A_1800 = vector.broadcast %add3A_1799 : i32 to vector<16xi32>
      %add3A_1801 = arith.addi %iota3A_1294, %add3A_1800 : vector<16xi32>
      %and3A_1802 = arith.constant 63 : i32
      %and3A_1803 = vector.broadcast %and3A_1802 : i32 to vector<16xi32>
      %and3A_1804 = arith.andi %add3A_1801, %and3A_1803 : vector<16xi32>
      %add3A_1805 = arith.addi %mul3A_1310, %and3A_1804 : vector<16xi32>
      %gather3A_1806 = tpu.vector_load_idx %arg8[%add3A_1298, %add3A_1805] : memref<256x128xf32, #tpu.memory_space<vmem>>[vector<16xi32>, vector<16xi32>], vector<16xf32>,
      tpu.vector_store_idx %arg9[%and3A_1804, %add3A_1298], %gather3A_1806 : memref<64x256xf32, #tpu.memory_space<vmem>>[vector<16xi32>, vector<16xi32>], vector<16xf32>,
      %add3A_1807 = arith.constant 62 : i32
      %add3A_1808 = vector.broadcast %add3A_1807 : i32 to vector<16xi32>
      %add3A_1809 = arith.addi %iota3A_1294, %add3A_1808 : vector<16xi32>
      %and3A_1810 = arith.constant 63 : i32
      %and3A_1811 = vector.broadcast %and3A_1810 : i32 to vector<16xi32>
      %and3A_1812 = arith.andi %add3A_1809, %and3A_1811 : vector<16xi32>
      %add3A_1813 = arith.addi %mul3A_1310, %and3A_1812 : vector<16xi32>
      %gather3A_1814 = tpu.vector_load_idx %arg8[%add3A_1298, %add3A_1813] : memref<256x128xf32, #tpu.memory_space<vmem>>[vector<16xi32>, vector<16xi32>], vector<16xf32>,
      tpu.vector_store_idx %arg9[%and3A_1812, %add3A_1298], %gather3A_1814 : memref<64x256xf32, #tpu.memory_space<vmem>>[vector<16xi32>, vector<16xi32>], vector<16xf32>,
      %add3A_1815 = arith.constant 63 : i32
      %add3A_1816 = vector.broadcast %add3A_1815 : i32 to vector<16xi32>
      %add3A_1817 = arith.addi %iota3A_1294, %add3A_1816 : vector<16xi32>
      %and3A_1818 = arith.constant 63 : i32
      %and3A_1819 = vector.broadcast %and3A_1818 : i32 to vector<16xi32>
      %and3A_1820 = arith.andi %add3A_1817, %and3A_1819 : vector<16xi32>
      %add3A_1821 = arith.addi %mul3A_1310, %and3A_1820 : vector<16xi32>
      %gather3A_1822 = tpu.vector_load_idx %arg8[%add3A_1298, %add3A_1821] : memref<256x128xf32, #tpu.memory_space<vmem>>[vector<16xi32>, vector<16xi32>], vector<16xf32>,
      tpu.vector_store_idx %arg9[%and3A_1820, %add3A_1298], %gather3A_1822 : memref<64x256xf32, #tpu.memory_space<vmem>>[vector<16xi32>, vector<16xi32>], vector<16xf32>,
      %scan3A_1823 = arith.constant 0 : i32
      scf.yield %scan3A_1823 : i32
    }
    %scan3A_397 = arith.constant 16 : i32
    %add3A_398 = arith.constant 0 : i32
    %add3A_399 = arith.addi %mul3A_2, %add3A_398 : i32
    %dma_start3A_400 = arith.constant 0 : i32
    %dma_start3A_401 = tpu.memref_slice %arg5[%dma_start3A_400, %add3A_399] : memref<64x116384xf32, #tpu.memory_space<hbm>> -> memref<64x256xf32, #tpu.memory_space<hbm>>
    %dma_start3A_402 = arith.constant 0 : i32
    %dma_start3A_403 = tpu.memref_slice %arg5[%dma_start3A_402, %add3A_399] : memref<64x116384xf32, #tpu.memory_space<hbm>> -> memref<64x256xf32, #tpu.memory_space<hbm>>
    tpu.enqueue_dma source(%arg9 : memref<64x256xf32, #tpu.memory_space<vmem>>) target(%dma_start3A_403 : memref<64x256xf32, #tpu.memory_space<hbm>>) target_semaphore(%arg18 : memref<!tpu.dma_semaphore, #tpu.memory_space<semaphore_mem>>)
    %dma_start3A_404 = arith.constant 2 : i32
    %dma_start3A_405 = arith.constant 0 : i32
    %dma_start3A_406 = arith.constant 0 : i32
    %dma_start3A_407 = tpu.memref_slice %arg8[%dma_start3A_405, %dma_start3A_406] : memref<256x128xf32, #tpu.memory_space<vmem>> -> memref<128x128xf32, #tpu.memory_space<vmem>>
    %dma_start3A_408 = arith.constant 0 : i32
    %dma_start3A_409 = tpu.memref_slice %arg7[%dma_start3A_404, %dma_start3A_408] : memref<4x128xi32, #tpu.memory_space<vmem>> -> memref<1x128xi32, #tpu.memory_space<vmem>>
    %dma_start3A_410 = tpu.memref_squeeze %dma_start3A_409 : memref<1x128xi32, #tpu.memory_space<vmem>> -> memref<128xi32, #tpu.memory_space<vmem>>
    %dma_start3A_411 = arith.constant 0 : i32
    %dma_start3A_412 = arith.constant 0 : i32
    %dma_start3A_413 = tpu.memref_slice %arg3[%dma_start3A_411, %dma_start3A_412] : memref<500x128xf32, #tpu.memory_space<hbm>> -> memref<500x128xf32, #tpu.memory_space<hbm>>
    tpu.enqueue_indirect_dma source(%dma_start3A_413 : memref<500x128xf32, #tpu.memory_space<hbm>>) target(%dma_start3A_407 : memref<128x128xf32, #tpu.memory_space<vmem>>) offsets(%dma_start3A_410 : memref<128xi32, #tpu.memory_space<vmem>>) semaphore(%arg15 : memref<!tpu.dma_semaphore, #tpu.memory_space<semaphore_mem>>)
    %dma_start3A_414 = arith.constant 3 : i32
    %dma_start3A_415 = arith.constant 128 : i32
    %dma_start3A_416 = arith.constant 0 : i32
    %dma_start3A_417 = tpu.memref_slice %arg8[%dma_start3A_415, %dma_start3A_416] : memref<256x128xf32, #tpu.memory_space<vmem>> -> memref<128x128xf32, #tpu.memory_space<vmem>>
    %dma_start3A_418 = arith.constant 0 : i32
    %dma_start3A_419 = tpu.memref_slice %arg7[%dma_start3A_414, %dma_start3A_418] : memref<4x128xi32, #tpu.memory_space<vmem>> -> memref<1x128xi32, #tpu.memory_space<vmem>>
    %dma_start3A_420 = tpu.memref_squeeze %dma_start3A_419 : memref<1x128xi32, #tpu.memory_space<vmem>> -> memref<128xi32, #tpu.memory_space<vmem>>
    %dma_start3A_421 = arith.constant 0 : i32
    %dma_start3A_422 = arith.constant 0 : i32
    %dma_start3A_423 = tpu.memref_slice %arg3[%dma_start3A_421, %dma_start3A_422] : memref<500x128xf32, #tpu.memory_space<hbm>> -> memref<500x128xf32, #tpu.memory_space<hbm>>
    tpu.enqueue_indirect_dma source(%dma_start3A_423 : memref<500x128xf32, #tpu.memory_space<hbm>>) target(%dma_start3A_417 : memref<128x128xf32, #tpu.memory_space<vmem>>) offsets(%dma_start3A_420 : memref<128xi32, #tpu.memory_space<vmem>>) semaphore(%arg15 : memref<!tpu.dma_semaphore, #tpu.memory_space<semaphore_mem>>)
    %dma_wait3A_424 = arith.constant 0 : i32
    %dma_wait3A_425 = tpu.memref_slice %arg4[%dma_wait3A_424, %add3A_24] : memref<64x100000xf32, #tpu.memory_space<hbm>> -> memref<64x256xf32, #tpu.memory_space<hbm>>
    %dma_wait3A_426 = arith.constant 0 : i32
    %dma_wait3A_427 = tpu.memref_slice %arg4[%dma_wait3A_426, %add3A_24] : memref<64x100000xf32, #tpu.memory_space<hbm>> -> memref<64x256xf32, #tpu.memory_space<hbm>>
    tpu.wait_dma2 semaphore(%arg16 : memref<!tpu.dma_semaphore, #tpu.memory_space<semaphore_mem>>) src(%dma_wait3A_427 : memref<64x256xf32, #tpu.memory_space<hbm>>) dst(%arg12 : memref<64x256xf32, #tpu.memory_space<vmem>>)
    %min3A_428 = arith.constant 512 : i32
    %min3A_429 = arith.constant 2944 : i32
    %min3A_430 = arith.minsi %min3A_428, %min3A_429 : i32
    %multiple_of3A_431 = tpu.assume_multiple %min3A_430, 128 : i32
    %add3A_432 = arith.addi %mul3A_4, %multiple_of3A_431 : i32
    %add3A_433 = arith.constant 16384 : i32
    %add3A_434 = arith.addi %add3A_433, %add3A_432 : i32
    %dma_start3A_435 = arith.constant 0 : i32
    %dma_start3A_436 = tpu.memref_slice %arg5[%dma_start3A_435, %add3A_434] : memref<64x116384xf32, #tpu.memory_space<hbm>> -> memref<64x256xf32, #tpu.memory_space<hbm>>
    %dma_start3A_437 = arith.constant 0 : i32
    %dma_start3A_438 = tpu.memref_slice %arg5[%dma_start3A_437, %add3A_434] : memref<64x116384xf32, #tpu.memory_space<hbm>> -> memref<64x256xf32, #tpu.memory_space<hbm>>
    tpu.enqueue_dma source(%arg12 : memref<64x256xf32, #tpu.memory_space<vmem>>) target(%dma_start3A_438 : memref<64x256xf32, #tpu.memory_space<hbm>>) target_semaphore(%arg17 : memref<!tpu.dma_semaphore, #tpu.memory_space<semaphore_mem>>)
    %dma_wait3A_439 = arith.constant 0 : i32
    %dma_wait3A_440 = tpu.memref_slice %arg4[%dma_wait3A_439, %add3A_33] : memref<64x100000xf32, #tpu.memory_space<hbm>> -> memref<64x256xf32, #tpu.memory_space<hbm>>
    %dma_wait3A_441 = arith.constant 0 : i32
    %dma_wait3A_442 = tpu.memref_slice %arg4[%dma_wait3A_441, %add3A_33] : memref<64x100000xf32, #tpu.memory_space<hbm>> -> memref<64x256xf32, #tpu.memory_space<hbm>>
    tpu.wait_dma2 semaphore(%arg16 : memref<!tpu.dma_semaphore, #tpu.memory_space<semaphore_mem>>) src(%dma_wait3A_442 : memref<64x256xf32, #tpu.memory_space<hbm>>) dst(%arg13 : memref<64x256xf32, #tpu.memory_space<vmem>>)
    %min3A_443 = arith.constant 768 : i32
    %min3A_444 = arith.constant 2944 : i32
    %min3A_445 = arith.minsi %min3A_443, %min3A_444 : i32
    %multiple_of3A_446 = tpu.assume_multiple %min3A_445, 128 : i32
    %add3A_447 = arith.addi %mul3A_4, %multiple_of3A_446 : i32
    %add3A_448 = arith.constant 16384 : i32
    %add3A_449 = arith.addi %add3A_448, %add3A_447 : i32
    %dma_start3A_450 = arith.constant 0 : i32
    %dma_start3A_451 = tpu.memref_slice %arg5[%dma_start3A_450, %add3A_449] : memref<64x116384xf32, #tpu.memory_space<hbm>> -> memref<64x256xf32, #tpu.memory_space<hbm>>
    %dma_start3A_452 = arith.constant 0 : i32
    %dma_start3A_453 = tpu.memref_slice %arg5[%dma_start3A_452, %add3A_449] : memref<64x116384xf32, #tpu.memory_space<hbm>> -> memref<64x256xf32, #tpu.memory_space<hbm>>
    tpu.enqueue_dma source(%arg13 : memref<64x256xf32, #tpu.memory_space<vmem>>) target(%dma_start3A_453 : memref<64x256xf32, #tpu.memory_space<hbm>>) target_semaphore(%arg17 : memref<!tpu.dma_semaphore, #tpu.memory_space<semaphore_mem>>)
    %dma_wait3A_454 = arith.constant 0 : i32
    %dma_wait3A_455 = tpu.memref_slice %arg5[%dma_wait3A_454, %add3A_352] : memref<64x116384xf32, #tpu.memory_space<hbm>> -> memref<64x256xf32, #tpu.memory_space<hbm>>
    %dma_wait3A_456 = arith.constant 0 : i32
    %dma_wait3A_457 = tpu.memref_slice %arg5[%dma_wait3A_456, %add3A_352] : memref<64x116384xf32, #tpu.memory_space<hbm>> -> memref<64x256xf32, #tpu.memory_space<hbm>>
    tpu.wait_dma2 semaphore(%arg17 : memref<!tpu.dma_semaphore, #tpu.memory_space<semaphore_mem>>) src(%arg10 : memref<64x256xf32, #tpu.memory_space<vmem>>) dst(%dma_wait3A_457 : memref<64x256xf32, #tpu.memory_space<hbm>>)
    %min3A_458 = arith.constant 1024 : i32
    %min3A_459 = arith.constant 2944 : i32
    %min3A_460 = arith.minsi %min3A_458, %min3A_459 : i32
    %multiple_of3A_461 = tpu.assume_multiple %min3A_460, 128 : i32
    %add3A_462 = arith.addi %mul3A_4, %multiple_of3A_461 : i32
    %dma_start3A_463 = arith.constant 0 : i32
    %dma_start3A_464 = tpu.memref_slice %arg4[%dma_start3A_463, %add3A_462] : memref<64x100000xf32, #tpu.memory_space<hbm>> -> memref<64x256xf32, #tpu.memory_space<hbm>>
    %dma_start3A_465 = arith.constant 0 : i32
    %dma_start3A_466 = tpu.memref_slice %arg4[%dma_start3A_465, %add3A_462] : memref<64x100000xf32, #tpu.memory_space<hbm>> -> memref<64x256xf32, #tpu.memory_space<hbm>>
    tpu.enqueue_dma source(%dma_start3A_466 : memref<64x256xf32, #tpu.memory_space<hbm>>) target(%arg10 : memref<64x256xf32, #tpu.memory_space<vmem>>) target_semaphore(%arg16 : memref<!tpu.dma_semaphore, #tpu.memory_space<semaphore_mem>>)
    %dma_wait3A_467 = arith.constant 0 : i32
    %dma_wait3A_468 = tpu.memref_slice %arg5[%dma_wait3A_467, %add3A_367] : memref<64x116384xf32, #tpu.memory_space<hbm>> -> memref<64x256xf32, #tpu.memory_space<hbm>>
    %dma_wait3A_469 = arith.constant 0 : i32
    %dma_wait3A_470 = tpu.memref_slice %arg5[%dma_wait3A_469, %add3A_367] : memref<64x116384xf32, #tpu.memory_space<hbm>> -> memref<64x256xf32, #tpu.memory_space<hbm>>
    tpu.wait_dma2 semaphore(%arg17 : memref<!tpu.dma_semaphore, #tpu.memory_space<semaphore_mem>>) src(%arg11 : memref<64x256xf32, #tpu.memory_space<vmem>>) dst(%dma_wait3A_470 : memref<64x256xf32, #tpu.memory_space<hbm>>)
    %min3A_471 = arith.constant 1280 : i32
    %min3A_472 = arith.constant 2944 : i32
    %min3A_473 = arith.minsi %min3A_471, %min3A_472 : i32
    %multiple_of3A_474 = tpu.assume_multiple %min3A_473, 128 : i32
    %add3A_475 = arith.addi %mul3A_4, %multiple_of3A_474 : i32
    %dma_start3A_476 = arith.constant 0 : i32
    %dma_start3A_477 = tpu.memref_slice %arg4[%dma_start3A_476, %add3A_475] : memref<64x100000xf32, #tpu.memory_space<hbm>> -> memref<64x256xf32, #tpu.memory_space<hbm>>
    %dma_start3A_478 = arith.constant 0 : i32
    %dma_start3A_479 = tpu.memref_slice %arg4[%dma_start3A_478, %add3A_475] : memref<64x100000xf32, #tpu.memory_space<hbm>> -> memref<64x256xf32, #tpu.memory_space<hbm>>
    tpu.enqueue_dma source(%dma_start3A_479 : memref<64x256xf32, #tpu.memory_space<hbm>>) target(%arg11 : memref<64x256xf32, #tpu.memory_space<vmem>>) target_semaphore(%arg16 : memref<!tpu.dma_semaphore, #tpu.memory_space<semaphore_mem>>)
    %dma_wait3A_480 = arith.constant 2 : i32
    %dma_wait3A_481 = arith.constant 0 : i32
    %dma_wait3A_482 = arith.constant 0 : i32
    %dma_wait3A_483 = tpu.memref_slice %arg8[%dma_wait3A_481, %dma_wait3A_482] : memref<256x128xf32, #tpu.memory_space<vmem>> -> memref<128x128xf32, #tpu.memory_space<vmem>>
    %dma_wait3A_484 = arith.constant 0 : i32
    %dma_wait3A_485 = tpu.memref_slice %arg7[%dma_wait3A_480, %dma_wait3A_484] : memref<4x128xi32, #tpu.memory_space<vmem>> -> memref<1x128xi32, #tpu.memory_space<vmem>>
    %dma_wait3A_486 = tpu.memref_squeeze %dma_wait3A_485 : memref<1x128xi32, #tpu.memory_space<vmem>> -> memref<128xi32, #tpu.memory_space<vmem>>
    %dma_wait3A_487 = arith.constant 0 : i32
    %dma_wait3A_488 = arith.constant 0 : i32
    %dma_wait3A_489 = tpu.memref_slice %arg3[%dma_wait3A_487, %dma_wait3A_488] : memref<500x128xf32, #tpu.memory_space<hbm>> -> memref<500x128xf32, #tpu.memory_space<hbm>>
    tpu.wait_indirect_dma semaphore(%arg15 : memref<!tpu.dma_semaphore, #tpu.memory_space<semaphore_mem>>) src(%dma_wait3A_489 : memref<500x128xf32, #tpu.memory_space<hbm>>) dst(%dma_wait3A_483 : memref<128x128xf32, #tpu.memory_space<vmem>>)
    %dma_wait3A_490 = arith.constant 3 : i32
    %dma_wait3A_491 = arith.constant 128 : i32
    %dma_wait3A_492 = arith.constant 0 : i32
    %dma_wait3A_493 = tpu.memref_slice %arg8[%dma_wait3A_491, %dma_wait3A_492] : memref<256x128xf32, #tpu.memory_space<vmem>> -> memref<128x128xf32, #tpu.memory_space<vmem>>
    %dma_wait3A_494 = arith.constant 0 : i32
    %dma_wait3A_495 = tpu.memref_slice %arg7[%dma_wait3A_490, %dma_wait3A_494] : memref<4x128xi32, #tpu.memory_space<vmem>> -> memref<1x128xi32, #tpu.memory_space<vmem>>
    %dma_wait3A_496 = tpu.memref_squeeze %dma_wait3A_495 : memref<1x128xi32, #tpu.memory_space<vmem>> -> memref<128xi32, #tpu.memory_space<vmem>>
    %dma_wait3A_497 = arith.constant 0 : i32
    %dma_wait3A_498 = arith.constant 0 : i32
    %dma_wait3A_499 = tpu.memref_slice %arg3[%dma_wait3A_497, %dma_wait3A_498] : memref<500x128xf32, #tpu.memory_space<hbm>> -> memref<500x128xf32, #tpu.memory_space<hbm>>
    tpu.wait_indirect_dma semaphore(%arg15 : memref<!tpu.dma_semaphore, #tpu.memory_space<semaphore_mem>>) src(%dma_wait3A_499 : memref<500x128xf32, #tpu.memory_space<hbm>>) dst(%dma_wait3A_493 : memref<128x128xf32, #tpu.memory_space<vmem>>)
    %dma_wait3A_500 = arith.constant 0 : i32
    %dma_wait3A_501 = tpu.memref_slice %arg5[%dma_wait3A_500, %add3A_399] : memref<64x116384xf32, #tpu.memory_space<hbm>> -> memref<64x256xf32, #tpu.memory_space<hbm>>
    %dma_wait3A_502 = arith.constant 0 : i32
    %dma_wait3A_503 = tpu.memref_slice %arg5[%dma_wait3A_502, %add3A_399] : memref<64x116384xf32, #tpu.memory_space<hbm>> -> memref<64x256xf32, #tpu.memory_space<hbm>>
    tpu.wait_dma2 semaphore(%arg18 : memref<!tpu.dma_semaphore, #tpu.memory_space<semaphore_mem>>) src(%arg9 : memref<64x256xf32, #tpu.memory_space<vmem>>) dst(%dma_wait3A_503 : memref<64x256xf32, #tpu.memory_space<hbm>>)
    %scan3A_504 = arith.constant 0 : i32
    %scan3A_505 = arith.constant 0 : i32
    %scan3A_506 = arith.constant 16 : i32
    %scan3A_507 = arith.addi %scan3A_505, %scan3A_506 : i32
    %scan3A_508 = arith.constant 2 : i32
    %scan3A_509 = scf.for %scan3A_762 = %scan3A_505 to %scan3A_507 step %scan3A_508 iter_args(%scan3A_763 = %scan3A_504) -> (i32)  : i32 {
      %iota3A = tpu.iota {dimensions = array<i32: 0>} : vector<16xi32>
      %mul3A_764 = arith.constant 16 : i32
      %mul3A_765 = arith.muli %scan3A_762, %mul3A_764 : i32
      %add3A_766 = vector.broadcast %mul3A_765 : i32 to vector<16xi32>
      %add3A_767 = arith.addi %iota3A, %add3A_766 : vector<16xi32>
      %mul3A_768 = arith.constant 16 : i32
      %mul3A_769 = arith.muli %scan3A_762, %mul3A_768 : i32
      %add3A_770 = arith.constant 256 : i32
      %add3A_771 = arith.addi %add3A_770, %mul3A_769 : i32
      %get3A_772 = arith.index_cast %add3A_771 : i32 to index
      %get3A_773 = tpu.vector_load %arg6[%get3A_772] {strides = array<i32>} : memref<512xi32, #tpu.memory_space<vmem>>, vector<16xi32>,
      %and3A_774 = arith.constant 1 : i32
      %and3A_775 = vector.broadcast %and3A_774 : i32 to vector<16xi32>
      %and3A_776 = arith.andi %get3A_773, %and3A_775 : vector<16xi32>
      %mul3A_777 = arith.constant 64 : i32
      %mul3A_778 = vector.broadcast %mul3A_777 : i32 to vector<16xi32>
      %mul3A_779 = arith.muli %and3A_776, %mul3A_778 : vector<16xi32>
      %add3A_780 = arith.constant 0 : i32
      %add3A_781 = vector.broadcast %add3A_780 : i32 to vector<16xi32>
      %add3A_782 = arith.addi %iota3A, %add3A_781 : vector<16xi32>
      %and3A_783 = arith.constant 63 : i32
      %and3A_784 = vector.broadcast %and3A_783 : i32 to vector<16xi32>
      %and3A_785 = arith.andi %add3A_782, %and3A_784 : vector<16xi32>
      %add3A_786 = arith.addi %mul3A_779, %and3A_785 : vector<16xi32>
      %gather3A = tpu.vector_load_idx %arg8[%add3A_767, %add3A_786] : memref<256x128xf32, #tpu.memory_space<vmem>>[vector<16xi32>, vector<16xi32>], vector<16xf32>,
      tpu.vector_store_idx %arg9[%and3A_785, %add3A_767], %gather3A : memref<64x256xf32, #tpu.memory_space<vmem>>[vector<16xi32>, vector<16xi32>], vector<16xf32>,
      %add3A_787 = arith.constant 1 : i32
      %add3A_788 = vector.broadcast %add3A_787 : i32 to vector<16xi32>
      %add3A_789 = arith.addi %iota3A, %add3A_788 : vector<16xi32>
      %and3A_790 = arith.constant 63 : i32
      %and3A_791 = vector.broadcast %and3A_790 : i32 to vector<16xi32>
      %and3A_792 = arith.andi %add3A_789, %and3A_791 : vector<16xi32>
      %add3A_793 = arith.addi %mul3A_779, %and3A_792 : vector<16xi32>
      %gather3A_794 = tpu.vector_load_idx %arg8[%add3A_767, %add3A_793] : memref<256x128xf32, #tpu.memory_space<vmem>>[vector<16xi32>, vector<16xi32>], vector<16xf32>,
      tpu.vector_store_idx %arg9[%and3A_792, %add3A_767], %gather3A_794 : memref<64x256xf32, #tpu.memory_space<vmem>>[vector<16xi32>, vector<16xi32>], vector<16xf32>,
      %add3A_795 = arith.constant 2 : i32
      %add3A_796 = vector.broadcast %add3A_795 : i32 to vector<16xi32>
      %add3A_797 = arith.addi %iota3A, %add3A_796 : vector<16xi32>
      %and3A_798 = arith.constant 63 : i32
      %and3A_799 = vector.broadcast %and3A_798 : i32 to vector<16xi32>
      %and3A_800 = arith.andi %add3A_797, %and3A_799 : vector<16xi32>
      %add3A_801 = arith.addi %mul3A_779, %and3A_800 : vector<16xi32>
      %gather3A_802 = tpu.vector_load_idx %arg8[%add3A_767, %add3A_801] : memref<256x128xf32, #tpu.memory_space<vmem>>[vector<16xi32>, vector<16xi32>], vector<16xf32>,
      tpu.vector_store_idx %arg9[%and3A_800, %add3A_767], %gather3A_802 : memref<64x256xf32, #tpu.memory_space<vmem>>[vector<16xi32>, vector<16xi32>], vector<16xf32>,
      %add3A_803 = arith.constant 3 : i32
      %add3A_804 = vector.broadcast %add3A_803 : i32 to vector<16xi32>
      %add3A_805 = arith.addi %iota3A, %add3A_804 : vector<16xi32>
      %and3A_806 = arith.constant 63 : i32
      %and3A_807 = vector.broadcast %and3A_806 : i32 to vector<16xi32>
      %and3A_808 = arith.andi %add3A_805, %and3A_807 : vector<16xi32>
      %add3A_809 = arith.addi %mul3A_779, %and3A_808 : vector<16xi32>
      %gather3A_810 = tpu.vector_load_idx %arg8[%add3A_767, %add3A_809] : memref<256x128xf32, #tpu.memory_space<vmem>>[vector<16xi32>, vector<16xi32>], vector<16xf32>,
      tpu.vector_store_idx %arg9[%and3A_808, %add3A_767], %gather3A_810 : memref<64x256xf32, #tpu.memory_space<vmem>>[vector<16xi32>, vector<16xi32>], vector<16xf32>,
      %add3A_811 = arith.constant 4 : i32
      %add3A_812 = vector.broadcast %add3A_811 : i32 to vector<16xi32>
      %add3A_813 = arith.addi %iota3A, %add3A_812 : vector<16xi32>
      %and3A_814 = arith.constant 63 : i32
      %and3A_815 = vector.broadcast %and3A_814 : i32 to vector<16xi32>
      %and3A_816 = arith.andi %add3A_813, %and3A_815 : vector<16xi32>
      %add3A_817 = arith.addi %mul3A_779, %and3A_816 : vector<16xi32>
      %gather3A_818 = tpu.vector_load_idx %arg8[%add3A_767, %add3A_817] : memref<256x128xf32, #tpu.memory_space<vmem>>[vector<16xi32>, vector<16xi32>], vector<16xf32>,
      tpu.vector_store_idx %arg9[%and3A_816, %add3A_767], %gather3A_818 : memref<64x256xf32, #tpu.memory_space<vmem>>[vector<16xi32>, vector<16xi32>], vector<16xf32>,
      %add3A_819 = arith.constant 5 : i32
      %add3A_820 = vector.broadcast %add3A_819 : i32 to vector<16xi32>
      %add3A_821 = arith.addi %iota3A, %add3A_820 : vector<16xi32>
      %and3A_822 = arith.constant 63 : i32
      %and3A_823 = vector.broadcast %and3A_822 : i32 to vector<16xi32>
      %and3A_824 = arith.andi %add3A_821, %and3A_823 : vector<16xi32>
      %add3A_825 = arith.addi %mul3A_779, %and3A_824 : vector<16xi32>
      %gather3A_826 = tpu.vector_load_idx %arg8[%add3A_767, %add3A_825] : memref<256x128xf32, #tpu.memory_space<vmem>>[vector<16xi32>, vector<16xi32>], vector<16xf32>,
      tpu.vector_store_idx %arg9[%and3A_824, %add3A_767], %gather3A_826 : memref<64x256xf32, #tpu.memory_space<vmem>>[vector<16xi32>, vector<16xi32>], vector<16xf32>,
      %add3A_827 = arith.constant 6 : i32
      %add3A_828 = vector.broadcast %add3A_827 : i32 to vector<16xi32>
      %add3A_829 = arith.addi %iota3A, %add3A_828 : vector<16xi32>
      %and3A_830 = arith.constant 63 : i32
      %and3A_831 = vector.broadcast %and3A_830 : i32 to vector<16xi32>
      %and3A_832 = arith.andi %add3A_829, %and3A_831 : vector<16xi32>
      %add3A_833 = arith.addi %mul3A_779, %and3A_832 : vector<16xi32>
      %gather3A_834 = tpu.vector_load_idx %arg8[%add3A_767, %add3A_833] : memref<256x128xf32, #tpu.memory_space<vmem>>[vector<16xi32>, vector<16xi32>], vector<16xf32>,
      tpu.vector_store_idx %arg9[%and3A_832, %add3A_767], %gather3A_834 : memref<64x256xf32, #tpu.memory_space<vmem>>[vector<16xi32>, vector<16xi32>], vector<16xf32>,
      %add3A_835 = arith.constant 7 : i32
      %add3A_836 = vector.broadcast %add3A_835 : i32 to vector<16xi32>
      %add3A_837 = arith.addi %iota3A, %add3A_836 : vector<16xi32>
      %and3A_838 = arith.constant 63 : i32
      %and3A_839 = vector.broadcast %and3A_838 : i32 to vector<16xi32>
      %and3A_840 = arith.andi %add3A_837, %and3A_839 : vector<16xi32>
      %add3A_841 = arith.addi %mul3A_779, %and3A_840 : vector<16xi32>
      %gather3A_842 = tpu.vector_load_idx %arg8[%add3A_767, %add3A_841] : memref<256x128xf32, #tpu.memory_space<vmem>>[vector<16xi32>, vector<16xi32>], vector<16xf32>,
      tpu.vector_store_idx %arg9[%and3A_840, %add3A_767], %gather3A_842 : memref<64x256xf32, #tpu.memory_space<vmem>>[vector<16xi32>, vector<16xi32>], vector<16xf32>,
      %add3A_843 = arith.constant 8 : i32
      %add3A_844 = vector.broadcast %add3A_843 : i32 to vector<16xi32>
      %add3A_845 = arith.addi %iota3A, %add3A_844 : vector<16xi32>
      %and3A_846 = arith.constant 63 : i32
      %and3A_847 = vector.broadcast %and3A_846 : i32 to vector<16xi32>
      %and3A_848 = arith.andi %add3A_845, %and3A_847 : vector<16xi32>
      %add3A_849 = arith.addi %mul3A_779, %and3A_848 : vector<16xi32>
      %gather3A_850 = tpu.vector_load_idx %arg8[%add3A_767, %add3A_849] : memref<256x128xf32, #tpu.memory_space<vmem>>[vector<16xi32>, vector<16xi32>], vector<16xf32>,
      tpu.vector_store_idx %arg9[%and3A_848, %add3A_767], %gather3A_850 : memref<64x256xf32, #tpu.memory_space<vmem>>[vector<16xi32>, vector<16xi32>], vector<16xf32>,
      %add3A_851 = arith.constant 9 : i32
      %add3A_852 = vector.broadcast %add3A_851 : i32 to vector<16xi32>
      %add3A_853 = arith.addi %iota3A, %add3A_852 : vector<16xi32>
      %and3A_854 = arith.constant 63 : i32
      %and3A_855 = vector.broadcast %and3A_854 : i32 to vector<16xi32>
      %and3A_856 = arith.andi %add3A_853, %and3A_855 : vector<16xi32>
      %add3A_857 = arith.addi %mul3A_779, %and3A_856 : vector<16xi32>
      %gather3A_858 = tpu.vector_load_idx %arg8[%add3A_767, %add3A_857] : memref<256x128xf32, #tpu.memory_space<vmem>>[vector<16xi32>, vector<16xi32>], vector<16xf32>,
      tpu.vector_store_idx %arg9[%and3A_856, %add3A_767], %gather3A_858 : memref<64x256xf32, #tpu.memory_space<vmem>>[vector<16xi32>, vector<16xi32>], vector<16xf32>,
      %add3A_859 = arith.constant 10 : i32
      %add3A_860 = vector.broadcast %add3A_859 : i32 to vector<16xi32>
      %add3A_861 = arith.addi %iota3A, %add3A_860 : vector<16xi32>
      %and3A_862 = arith.constant 63 : i32
      %and3A_863 = vector.broadcast %and3A_862 : i32 to vector<16xi32>
      %and3A_864 = arith.andi %add3A_861, %and3A_863 : vector<16xi32>
      %add3A_865 = arith.addi %mul3A_779, %and3A_864 : vector<16xi32>
      %gather3A_866 = tpu.vector_load_idx %arg8[%add3A_767, %add3A_865] : memref<256x128xf32, #tpu.memory_space<vmem>>[vector<16xi32>, vector<16xi32>], vector<16xf32>,
      tpu.vector_store_idx %arg9[%and3A_864, %add3A_767], %gather3A_866 : memref<64x256xf32, #tpu.memory_space<vmem>>[vector<16xi32>, vector<16xi32>], vector<16xf32>,
      %add3A_867 = arith.constant 11 : i32
      %add3A_868 = vector.broadcast %add3A_867 : i32 to vector<16xi32>
      %add3A_869 = arith.addi %iota3A, %add3A_868 : vector<16xi32>
      %and3A_870 = arith.constant 63 : i32
      %and3A_871 = vector.broadcast %and3A_870 : i32 to vector<16xi32>
      %and3A_872 = arith.andi %add3A_869, %and3A_871 : vector<16xi32>
      %add3A_873 = arith.addi %mul3A_779, %and3A_872 : vector<16xi32>
      %gather3A_874 = tpu.vector_load_idx %arg8[%add3A_767, %add3A_873] : memref<256x128xf32, #tpu.memory_space<vmem>>[vector<16xi32>, vector<16xi32>], vector<16xf32>,
      tpu.vector_store_idx %arg9[%and3A_872, %add3A_767], %gather3A_874 : memref<64x256xf32, #tpu.memory_space<vmem>>[vector<16xi32>, vector<16xi32>], vector<16xf32>,
      %add3A_875 = arith.constant 12 : i32
      %add3A_876 = vector.broadcast %add3A_875 : i32 to vector<16xi32>
      %add3A_877 = arith.addi %iota3A, %add3A_876 : vector<16xi32>
      %and3A_878 = arith.constant 63 : i32
      %and3A_879 = vector.broadcast %and3A_878 : i32 to vector<16xi32>
      %and3A_880 = arith.andi %add3A_877, %and3A_879 : vector<16xi32>
      %add3A_881 = arith.addi %mul3A_779, %and3A_880 : vector<16xi32>
      %gather3A_882 = tpu.vector_load_idx %arg8[%add3A_767, %add3A_881] : memref<256x128xf32, #tpu.memory_space<vmem>>[vector<16xi32>, vector<16xi32>], vector<16xf32>,
      tpu.vector_store_idx %arg9[%and3A_880, %add3A_767], %gather3A_882 : memref<64x256xf32, #tpu.memory_space<vmem>>[vector<16xi32>, vector<16xi32>], vector<16xf32>,
      %add3A_883 = arith.constant 13 : i32
      %add3A_884 = vector.broadcast %add3A_883 : i32 to vector<16xi32>
      %add3A_885 = arith.addi %iota3A, %add3A_884 : vector<16xi32>
      %and3A_886 = arith.constant 63 : i32
      %and3A_887 = vector.broadcast %and3A_886 : i32 to vector<16xi32>
      %and3A_888 = arith.andi %add3A_885, %and3A_887 : vector<16xi32>
      %add3A_889 = arith.addi %mul3A_779, %and3A_888 : vector<16xi32>
      %gather3A_890 = tpu.vector_load_idx %arg8[%add3A_767, %add3A_889] : memref<256x128xf32, #tpu.memory_space<vmem>>[vector<16xi32>, vector<16xi32>], vector<16xf32>,
      tpu.vector_store_idx %arg9[%and3A_888, %add3A_767], %gather3A_890 : memref<64x256xf32, #tpu.memory_space<vmem>>[vector<16xi32>, vector<16xi32>], vector<16xf32>,
      %add3A_891 = arith.constant 14 : i32
      %add3A_892 = vector.broadcast %add3A_891 : i32 to vector<16xi32>
      %add3A_893 = arith.addi %iota3A, %add3A_892 : vector<16xi32>
      %and3A_894 = arith.constant 63 : i32
      %and3A_895 = vector.broadcast %and3A_894 : i32 to vector<16xi32>
      %and3A_896 = arith.andi %add3A_893, %and3A_895 : vector<16xi32>
      %add3A_897 = arith.addi %mul3A_779, %and3A_896 : vector<16xi32>
      %gather3A_898 = tpu.vector_load_idx %arg8[%add3A_767, %add3A_897] : memref<256x128xf32, #tpu.memory_space<vmem>>[vector<16xi32>, vector<16xi32>], vector<16xf32>,
      tpu.vector_store_idx %arg9[%and3A_896, %add3A_767], %gather3A_898 : memref<64x256xf32, #tpu.memory_space<vmem>>[vector<16xi32>, vector<16xi32>], vector<16xf32>,
      %add3A_899 = arith.constant 15 : i32
      %add3A_900 = vector.broadcast %add3A_899 : i32 to vector<16xi32>
      %add3A_901 = arith.addi %iota3A, %add3A_900 : vector<16xi32>
      %and3A_902 = arith.constant 63 : i32
      %and3A_903 = vector.broadcast %and3A_902 : i32 to vector<16xi32>
      %and3A_904 = arith.andi %add3A_901, %and3A_903 : vector<16xi32>
      %add3A_905 = arith.addi %mul3A_779, %and3A_904 : vector<16xi32>
      %gather3A_906 = tpu.vector_load_idx %arg8[%add3A_767, %add3A_905] : memref<256x128xf32, #tpu.memory_space<vmem>>[vector<16xi32>, vector<16xi32>], vector<16xf32>,
      tpu.vector_store_idx %arg9[%and3A_904, %add3A_767], %gather3A_906 : memref<64x256xf32, #tpu.memory_space<vmem>>[vector<16xi32>, vector<16xi32>], vector<16xf32>,
      %add3A_907 = arith.constant 16 : i32
      %add3A_908 = vector.broadcast %add3A_907 : i32 to vector<16xi32>
      %add3A_909 = arith.addi %iota3A, %add3A_908 : vector<16xi32>
      %and3A_910 = arith.constant 63 : i32
      %and3A_911 = vector.broadcast %and3A_910 : i32 to vector<16xi32>
      %and3A_912 = arith.andi %add3A_909, %and3A_911 : vector<16xi32>
      %add3A_913 = arith.addi %mul3A_779, %and3A_912 : vector<16xi32>
      %gather3A_914 = tpu.vector_load_idx %arg8[%add3A_767, %add3A_913] : memref<256x128xf32, #tpu.memory_space<vmem>>[vector<16xi32>, vector<16xi32>], vector<16xf32>,
      tpu.vector_store_idx %arg9[%and3A_912, %add3A_767], %gather3A_914 : memref<64x256xf32, #tpu.memory_space<vmem>>[vector<16xi32>, vector<16xi32>], vector<16xf32>,
      %add3A_915 = arith.constant 17 : i32
      %add3A_916 = vector.broadcast %add3A_915 : i32 to vector<16xi32>
      %add3A_917 = arith.addi %iota3A, %add3A_916 : vector<16xi32>
      %and3A_918 = arith.constant 63 : i32
      %and3A_919 = vector.broadcast %and3A_918 : i32 to vector<16xi32>
      %and3A_920 = arith.andi %add3A_917, %and3A_919 : vector<16xi32>
      %add3A_921 = arith.addi %mul3A_779, %and3A_920 : vector<16xi32>
      %gather3A_922 = tpu.vector_load_idx %arg8[%add3A_767, %add3A_921] : memref<256x128xf32, #tpu.memory_space<vmem>>[vector<16xi32>, vector<16xi32>], vector<16xf32>,
      tpu.vector_store_idx %arg9[%and3A_920, %add3A_767], %gather3A_922 : memref<64x256xf32, #tpu.memory_space<vmem>>[vector<16xi32>, vector<16xi32>], vector<16xf32>,
      %add3A_923 = arith.constant 18 : i32
      %add3A_924 = vector.broadcast %add3A_923 : i32 to vector<16xi32>
      %add3A_925 = arith.addi %iota3A, %add3A_924 : vector<16xi32>
      %and3A_926 = arith.constant 63 : i32
      %and3A_927 = vector.broadcast %and3A_926 : i32 to vector<16xi32>
      %and3A_928 = arith.andi %add3A_925, %and3A_927 : vector<16xi32>
      %add3A_929 = arith.addi %mul3A_779, %and3A_928 : vector<16xi32>
      %gather3A_930 = tpu.vector_load_idx %arg8[%add3A_767, %add3A_929] : memref<256x128xf32, #tpu.memory_space<vmem>>[vector<16xi32>, vector<16xi32>], vector<16xf32>,
      tpu.vector_store_idx %arg9[%and3A_928, %add3A_767], %gather3A_930 : memref<64x256xf32, #tpu.memory_space<vmem>>[vector<16xi32>, vector<16xi32>], vector<16xf32>,
      %add3A_931 = arith.constant 19 : i32
      %add3A_932 = vector.broadcast %add3A_931 : i32 to vector<16xi32>
      %add3A_933 = arith.addi %iota3A, %add3A_932 : vector<16xi32>
      %and3A_934 = arith.constant 63 : i32
      %and3A_935 = vector.broadcast %and3A_934 : i32 to vector<16xi32>
      %and3A_936 = arith.andi %add3A_933, %and3A_935 : vector<16xi32>
      %add3A_937 = arith.addi %mul3A_779, %and3A_936 : vector<16xi32>
      %gather3A_938 = tpu.vector_load_idx %arg8[%add3A_767, %add3A_937] : memref<256x128xf32, #tpu.memory_space<vmem>>[vector<16xi32>, vector<16xi32>], vector<16xf32>,
      tpu.vector_store_idx %arg9[%and3A_936, %add3A_767], %gather3A_938 : memref<64x256xf32, #tpu.memory_space<vmem>>[vector<16xi32>, vector<16xi32>], vector<16xf32>,
      %add3A_939 = arith.constant 20 : i32
      %add3A_940 = vector.broadcast %add3A_939 : i32 to vector<16xi32>
      %add3A_941 = arith.addi %iota3A, %add3A_940 : vector<16xi32>
      %and3A_942 = arith.constant 63 : i32
      %and3A_943 = vector.broadcast %and3A_942 : i32 to vector<16xi32>
      %and3A_944 = arith.andi %add3A_941, %and3A_943 : vector<16xi32>
      %add3A_945 = arith.addi %mul3A_779, %and3A_944 : vector<16xi32>
      %gather3A_946 = tpu.vector_load_idx %arg8[%add3A_767, %add3A_945] : memref<256x128xf32, #tpu.memory_space<vmem>>[vector<16xi32>, vector<16xi32>], vector<16xf32>,
      tpu.vector_store_idx %arg9[%and3A_944, %add3A_767], %gather3A_946 : memref<64x256xf32, #tpu.memory_space<vmem>>[vector<16xi32>, vector<16xi32>], vector<16xf32>,
      %add3A_947 = arith.constant 21 : i32
      %add3A_948 = vector.broadcast %add3A_947 : i32 to vector<16xi32>
      %add3A_949 = arith.addi %iota3A, %add3A_948 : vector<16xi32>
      %and3A_950 = arith.constant 63 : i32
      %and3A_951 = vector.broadcast %and3A_950 : i32 to vector<16xi32>
      %and3A_952 = arith.andi %add3A_949, %and3A_951 : vector<16xi32>
      %add3A_953 = arith.addi %mul3A_779, %and3A_952 : vector<16xi32>
      %gather3A_954 = tpu.vector_load_idx %arg8[%add3A_767, %add3A_953] : memref<256x128xf32, #tpu.memory_space<vmem>>[vector<16xi32>, vector<16xi32>], vector<16xf32>,
      tpu.vector_store_idx %arg9[%and3A_952, %add3A_767], %gather3A_954 : memref<64x256xf32, #tpu.memory_space<vmem>>[vector<16xi32>, vector<16xi32>], vector<16xf32>,
      %add3A_955 = arith.constant 22 : i32
      %add3A_956 = vector.broadcast %add3A_955 : i32 to vector<16xi32>
      %add3A_957 = arith.addi %iota3A, %add3A_956 : vector<16xi32>
      %and3A_958 = arith.constant 63 : i32
      %and3A_959 = vector.broadcast %and3A_958 : i32 to vector<16xi32>
      %and3A_960 = arith.andi %add3A_957, %and3A_959 : vector<16xi32>
      %add3A_961 = arith.addi %mul3A_779, %and3A_960 : vector<16xi32>
      %gather3A_962 = tpu.vector_load_idx %arg8[%add3A_767, %add3A_961] : memref<256x128xf32, #tpu.memory_space<vmem>>[vector<16xi32>, vector<16xi32>], vector<16xf32>,
      tpu.vector_store_idx %arg9[%and3A_960, %add3A_767], %gather3A_962 : memref<64x256xf32, #tpu.memory_space<vmem>>[vector<16xi32>, vector<16xi32>], vector<16xf32>,
      %add3A_963 = arith.constant 23 : i32
      %add3A_964 = vector.broadcast %add3A_963 : i32 to vector<16xi32>
      %add3A_965 = arith.addi %iota3A, %add3A_964 : vector<16xi32>
      %and3A_966 = arith.constant 63 : i32
      %and3A_967 = vector.broadcast %and3A_966 : i32 to vector<16xi32>
      %and3A_968 = arith.andi %add3A_965, %and3A_967 : vector<16xi32>
      %add3A_969 = arith.addi %mul3A_779, %and3A_968 : vector<16xi32>
      %gather3A_970 = tpu.vector_load_idx %arg8[%add3A_767, %add3A_969] : memref<256x128xf32, #tpu.memory_space<vmem>>[vector<16xi32>, vector<16xi32>], vector<16xf32>,
      tpu.vector_store_idx %arg9[%and3A_968, %add3A_767], %gather3A_970 : memref<64x256xf32, #tpu.memory_space<vmem>>[vector<16xi32>, vector<16xi32>], vector<16xf32>,
      %add3A_971 = arith.constant 24 : i32
      %add3A_972 = vector.broadcast %add3A_971 : i32 to vector<16xi32>
      %add3A_973 = arith.addi %iota3A, %add3A_972 : vector<16xi32>
      %and3A_974 = arith.constant 63 : i32
      %and3A_975 = vector.broadcast %and3A_974 : i32 to vector<16xi32>
      %and3A_976 = arith.andi %add3A_973, %and3A_975 : vector<16xi32>
      %add3A_977 = arith.addi %mul3A_779, %and3A_976 : vector<16xi32>
      %gather3A_978 = tpu.vector_load_idx %arg8[%add3A_767, %add3A_977] : memref<256x128xf32, #tpu.memory_space<vmem>>[vector<16xi32>, vector<16xi32>], vector<16xf32>,
      tpu.vector_store_idx %arg9[%and3A_976, %add3A_767], %gather3A_978 : memref<64x256xf32, #tpu.memory_space<vmem>>[vector<16xi32>, vector<16xi32>], vector<16xf32>,
      %add3A_979 = arith.constant 25 : i32
      %add3A_980 = vector.broadcast %add3A_979 : i32 to vector<16xi32>
      %add3A_981 = arith.addi %iota3A, %add3A_980 : vector<16xi32>
      %and3A_982 = arith.constant 63 : i32
      %and3A_983 = vector.broadcast %and3A_982 : i32 to vector<16xi32>
      %and3A_984 = arith.andi %add3A_981, %and3A_983 : vector<16xi32>
      %add3A_985 = arith.addi %mul3A_779, %and3A_984 : vector<16xi32>
      %gather3A_986 = tpu.vector_load_idx %arg8[%add3A_767, %add3A_985] : memref<256x128xf32, #tpu.memory_space<vmem>>[vector<16xi32>, vector<16xi32>], vector<16xf32>,
      tpu.vector_store_idx %arg9[%and3A_984, %add3A_767], %gather3A_986 : memref<64x256xf32, #tpu.memory_space<vmem>>[vector<16xi32>, vector<16xi32>], vector<16xf32>,
      %add3A_987 = arith.constant 26 : i32
      %add3A_988 = vector.broadcast %add3A_987 : i32 to vector<16xi32>
      %add3A_989 = arith.addi %iota3A, %add3A_988 : vector<16xi32>
      %and3A_990 = arith.constant 63 : i32
      %and3A_991 = vector.broadcast %and3A_990 : i32 to vector<16xi32>
      %and3A_992 = arith.andi %add3A_989, %and3A_991 : vector<16xi32>
      %add3A_993 = arith.addi %mul3A_779, %and3A_992 : vector<16xi32>
      %gather3A_994 = tpu.vector_load_idx %arg8[%add3A_767, %add3A_993] : memref<256x128xf32, #tpu.memory_space<vmem>>[vector<16xi32>, vector<16xi32>], vector<16xf32>,
      tpu.vector_store_idx %arg9[%and3A_992, %add3A_767], %gather3A_994 : memref<64x256xf32, #tpu.memory_space<vmem>>[vector<16xi32>, vector<16xi32>], vector<16xf32>,
      %add3A_995 = arith.constant 27 : i32
      %add3A_996 = vector.broadcast %add3A_995 : i32 to vector<16xi32>
      %add3A_997 = arith.addi %iota3A, %add3A_996 : vector<16xi32>
      %and3A_998 = arith.constant 63 : i32
      %and3A_999 = vector.broadcast %and3A_998 : i32 to vector<16xi32>
      %and3A_1000 = arith.andi %add3A_997, %and3A_999 : vector<16xi32>
      %add3A_1001 = arith.addi %mul3A_779, %and3A_1000 : vector<16xi32>
      %gather3A_1002 = tpu.vector_load_idx %arg8[%add3A_767, %add3A_1001] : memref<256x128xf32, #tpu.memory_space<vmem>>[vector<16xi32>, vector<16xi32>], vector<16xf32>,
      tpu.vector_store_idx %arg9[%and3A_1000, %add3A_767], %gather3A_1002 : memref<64x256xf32, #tpu.memory_space<vmem>>[vector<16xi32>, vector<16xi32>], vector<16xf32>,
      %add3A_1003 = arith.constant 28 : i32
      %add3A_1004 = vector.broadcast %add3A_1003 : i32 to vector<16xi32>
      %add3A_1005 = arith.addi %iota3A, %add3A_1004 : vector<16xi32>
      %and3A_1006 = arith.constant 63 : i32
      %and3A_1007 = vector.broadcast %and3A_1006 : i32 to vector<16xi32>
      %and3A_1008 = arith.andi %add3A_1005, %and3A_1007 : vector<16xi32>
      %add3A_1009 = arith.addi %mul3A_779, %and3A_1008 : vector<16xi32>
      %gather3A_1010 = tpu.vector_load_idx %arg8[%add3A_767, %add3A_1009] : memref<256x128xf32, #tpu.memory_space<vmem>>[vector<16xi32>, vector<16xi32>], vector<16xf32>,
      tpu.vector_store_idx %arg9[%and3A_1008, %add3A_767], %gather3A_1010 : memref<64x256xf32, #tpu.memory_space<vmem>>[vector<16xi32>, vector<16xi32>], vector<16xf32>,
      %add3A_1011 = arith.constant 29 : i32
      %add3A_1012 = vector.broadcast %add3A_1011 : i32 to vector<16xi32>
      %add3A_1013 = arith.addi %iota3A, %add3A_1012 : vector<16xi32>
      %and3A_1014 = arith.constant 63 : i32
      %and3A_1015 = vector.broadcast %and3A_1014 : i32 to vector<16xi32>
      %and3A_1016 = arith.andi %add3A_1013, %and3A_1015 : vector<16xi32>
      %add3A_1017 = arith.addi %mul3A_779, %and3A_1016 : vector<16xi32>
      %gather3A_1018 = tpu.vector_load_idx %arg8[%add3A_767, %add3A_1017] : memref<256x128xf32, #tpu.memory_space<vmem>>[vector<16xi32>, vector<16xi32>], vector<16xf32>,
      tpu.vector_store_idx %arg9[%and3A_1016, %add3A_767], %gather3A_1018 : memref<64x256xf32, #tpu.memory_space<vmem>>[vector<16xi32>, vector<16xi32>], vector<16xf32>,
      %add3A_1019 = arith.constant 30 : i32
      %add3A_1020 = vector.broadcast %add3A_1019 : i32 to vector<16xi32>
      %add3A_1021 = arith.addi %iota3A, %add3A_1020 : vector<16xi32>
      %and3A_1022 = arith.constant 63 : i32
      %and3A_1023 = vector.broadcast %and3A_1022 : i32 to vector<16xi32>
      %and3A_1024 = arith.andi %add3A_1021, %and3A_1023 : vector<16xi32>
      %add3A_1025 = arith.addi %mul3A_779, %and3A_1024 : vector<16xi32>
      %gather3A_1026 = tpu.vector_load_idx %arg8[%add3A_767, %add3A_1025] : memref<256x128xf32, #tpu.memory_space<vmem>>[vector<16xi32>, vector<16xi32>], vector<16xf32>,
      tpu.vector_store_idx %arg9[%and3A_1024, %add3A_767], %gather3A_1026 : memref<64x256xf32, #tpu.memory_space<vmem>>[vector<16xi32>, vector<16xi32>], vector<16xf32>,
      %add3A_1027 = arith.constant 31 : i32
      %add3A_1028 = vector.broadcast %add3A_1027 : i32 to vector<16xi32>
      %add3A_1029 = arith.addi %iota3A, %add3A_1028 : vector<16xi32>
      %and3A_1030 = arith.constant 63 : i32
      %and3A_1031 = vector.broadcast %and3A_1030 : i32 to vector<16xi32>
      %and3A_1032 = arith.andi %add3A_1029, %and3A_1031 : vector<16xi32>
      %add3A_1033 = arith.addi %mul3A_779, %and3A_1032 : vector<16xi32>
      %gather3A_1034 = tpu.vector_load_idx %arg8[%add3A_767, %add3A_1033] : memref<256x128xf32, #tpu.memory_space<vmem>>[vector<16xi32>, vector<16xi32>], vector<16xf32>,
      tpu.vector_store_idx %arg9[%and3A_1032, %add3A_767], %gather3A_1034 : memref<64x256xf32, #tpu.memory_space<vmem>>[vector<16xi32>, vector<16xi32>], vector<16xf32>,
      %add3A_1035 = arith.constant 32 : i32
      %add3A_1036 = vector.broadcast %add3A_1035 : i32 to vector<16xi32>
      %add3A_1037 = arith.addi %iota3A, %add3A_1036 : vector<16xi32>
      %and3A_1038 = arith.constant 63 : i32
      %and3A_1039 = vector.broadcast %and3A_1038 : i32 to vector<16xi32>
      %and3A_1040 = arith.andi %add3A_1037, %and3A_1039 : vector<16xi32>
      %add3A_1041 = arith.addi %mul3A_779, %and3A_1040 : vector<16xi32>
      %gather3A_1042 = tpu.vector_load_idx %arg8[%add3A_767, %add3A_1041] : memref<256x128xf32, #tpu.memory_space<vmem>>[vector<16xi32>, vector<16xi32>], vector<16xf32>,
      tpu.vector_store_idx %arg9[%and3A_1040, %add3A_767], %gather3A_1042 : memref<64x256xf32, #tpu.memory_space<vmem>>[vector<16xi32>, vector<16xi32>], vector<16xf32>,
      %add3A_1043 = arith.constant 33 : i32
      %add3A_1044 = vector.broadcast %add3A_1043 : i32 to vector<16xi32>
      %add3A_1045 = arith.addi %iota3A, %add3A_1044 : vector<16xi32>
      %and3A_1046 = arith.constant 63 : i32
      %and3A_1047 = vector.broadcast %and3A_1046 : i32 to vector<16xi32>
      %and3A_1048 = arith.andi %add3A_1045, %and3A_1047 : vector<16xi32>
      %add3A_1049 = arith.addi %mul3A_779, %and3A_1048 : vector<16xi32>
      %gather3A_1050 = tpu.vector_load_idx %arg8[%add3A_767, %add3A_1049] : memref<256x128xf32, #tpu.memory_space<vmem>>[vector<16xi32>, vector<16xi32>], vector<16xf32>,
      tpu.vector_store_idx %arg9[%and3A_1048, %add3A_767], %gather3A_1050 : memref<64x256xf32, #tpu.memory_space<vmem>>[vector<16xi32>, vector<16xi32>], vector<16xf32>,
      %add3A_1051 = arith.constant 34 : i32
      %add3A_1052 = vector.broadcast %add3A_1051 : i32 to vector<16xi32>
      %add3A_1053 = arith.addi %iota3A, %add3A_1052 : vector<16xi32>
      %and3A_1054 = arith.constant 63 : i32
      %and3A_1055 = vector.broadcast %and3A_1054 : i32 to vector<16xi32>
      %and3A_1056 = arith.andi %add3A_1053, %and3A_1055 : vector<16xi32>
      %add3A_1057 = arith.addi %mul3A_779, %and3A_1056 : vector<16xi32>
      %gather3A_1058 = tpu.vector_load_idx %arg8[%add3A_767, %add3A_1057] : memref<256x128xf32, #tpu.memory_space<vmem>>[vector<16xi32>, vector<16xi32>], vector<16xf32>,
      tpu.vector_store_idx %arg9[%and3A_1056, %add3A_767], %gather3A_1058 : memref<64x256xf32, #tpu.memory_space<vmem>>[vector<16xi32>, vector<16xi32>], vector<16xf32>,
      %add3A_1059 = arith.constant 35 : i32
      %add3A_1060 = vector.broadcast %add3A_1059 : i32 to vector<16xi32>
      %add3A_1061 = arith.addi %iota3A, %add3A_1060 : vector<16xi32>
      %and3A_1062 = arith.constant 63 : i32
      %and3A_1063 = vector.broadcast %and3A_1062 : i32 to vector<16xi32>
      %and3A_1064 = arith.andi %add3A_1061, %and3A_1063 : vector<16xi32>
      %add3A_1065 = arith.addi %mul3A_779, %and3A_1064 : vector<16xi32>
      %gather3A_1066 = tpu.vector_load_idx %arg8[%add3A_767, %add3A_1065] : memref<256x128xf32, #tpu.memory_space<vmem>>[vector<16xi32>, vector<16xi32>], vector<16xf32>,
      tpu.vector_store_idx %arg9[%and3A_1064, %add3A_767], %gather3A_1066 : memref<64x256xf32, #tpu.memory_space<vmem>>[vector<16xi32>, vector<16xi32>], vector<16xf32>,
      %add3A_1067 = arith.constant 36 : i32
      %add3A_1068 = vector.broadcast %add3A_1067 : i32 to vector<16xi32>
      %add3A_1069 = arith.addi %iota3A, %add3A_1068 : vector<16xi32>
      %and3A_1070 = arith.constant 63 : i32
      %and3A_1071 = vector.broadcast %and3A_1070 : i32 to vector<16xi32>
      %and3A_1072 = arith.andi %add3A_1069, %and3A_1071 : vector<16xi32>
      %add3A_1073 = arith.addi %mul3A_779, %and3A_1072 : vector<16xi32>
      %gather3A_1074 = tpu.vector_load_idx %arg8[%add3A_767, %add3A_1073] : memref<256x128xf32, #tpu.memory_space<vmem>>[vector<16xi32>, vector<16xi32>], vector<16xf32>,
      tpu.vector_store_idx %arg9[%and3A_1072, %add3A_767], %gather3A_1074 : memref<64x256xf32, #tpu.memory_space<vmem>>[vector<16xi32>, vector<16xi32>], vector<16xf32>,
      %add3A_1075 = arith.constant 37 : i32
      %add3A_1076 = vector.broadcast %add3A_1075 : i32 to vector<16xi32>
      %add3A_1077 = arith.addi %iota3A, %add3A_1076 : vector<16xi32>
      %and3A_1078 = arith.constant 63 : i32
      %and3A_1079 = vector.broadcast %and3A_1078 : i32 to vector<16xi32>
      %and3A_1080 = arith.andi %add3A_1077, %and3A_1079 : vector<16xi32>
      %add3A_1081 = arith.addi %mul3A_779, %and3A_1080 : vector<16xi32>
      %gather3A_1082 = tpu.vector_load_idx %arg8[%add3A_767, %add3A_1081] : memref<256x128xf32, #tpu.memory_space<vmem>>[vector<16xi32>, vector<16xi32>], vector<16xf32>,
      tpu.vector_store_idx %arg9[%and3A_1080, %add3A_767], %gather3A_1082 : memref<64x256xf32, #tpu.memory_space<vmem>>[vector<16xi32>, vector<16xi32>], vector<16xf32>,
      %add3A_1083 = arith.constant 38 : i32
      %add3A_1084 = vector.broadcast %add3A_1083 : i32 to vector<16xi32>
      %add3A_1085 = arith.addi %iota3A, %add3A_1084 : vector<16xi32>
      %and3A_1086 = arith.constant 63 : i32
      %and3A_1087 = vector.broadcast %and3A_1086 : i32 to vector<16xi32>
      %and3A_1088 = arith.andi %add3A_1085, %and3A_1087 : vector<16xi32>
      %add3A_1089 = arith.addi %mul3A_779, %and3A_1088 : vector<16xi32>
      %gather3A_1090 = tpu.vector_load_idx %arg8[%add3A_767, %add3A_1089] : memref<256x128xf32, #tpu.memory_space<vmem>>[vector<16xi32>, vector<16xi32>], vector<16xf32>,
      tpu.vector_store_idx %arg9[%and3A_1088, %add3A_767], %gather3A_1090 : memref<64x256xf32, #tpu.memory_space<vmem>>[vector<16xi32>, vector<16xi32>], vector<16xf32>,
      %add3A_1091 = arith.constant 39 : i32
      %add3A_1092 = vector.broadcast %add3A_1091 : i32 to vector<16xi32>
      %add3A_1093 = arith.addi %iota3A, %add3A_1092 : vector<16xi32>
      %and3A_1094 = arith.constant 63 : i32
      %and3A_1095 = vector.broadcast %and3A_1094 : i32 to vector<16xi32>
      %and3A_1096 = arith.andi %add3A_1093, %and3A_1095 : vector<16xi32>
      %add3A_1097 = arith.addi %mul3A_779, %and3A_1096 : vector<16xi32>
      %gather3A_1098 = tpu.vector_load_idx %arg8[%add3A_767, %add3A_1097] : memref<256x128xf32, #tpu.memory_space<vmem>>[vector<16xi32>, vector<16xi32>], vector<16xf32>,
      tpu.vector_store_idx %arg9[%and3A_1096, %add3A_767], %gather3A_1098 : memref<64x256xf32, #tpu.memory_space<vmem>>[vector<16xi32>, vector<16xi32>], vector<16xf32>,
      %add3A_1099 = arith.constant 40 : i32
      %add3A_1100 = vector.broadcast %add3A_1099 : i32 to vector<16xi32>
      %add3A_1101 = arith.addi %iota3A, %add3A_1100 : vector<16xi32>
      %and3A_1102 = arith.constant 63 : i32
      %and3A_1103 = vector.broadcast %and3A_1102 : i32 to vector<16xi32>
      %and3A_1104 = arith.andi %add3A_1101, %and3A_1103 : vector<16xi32>
      %add3A_1105 = arith.addi %mul3A_779, %and3A_1104 : vector<16xi32>
      %gather3A_1106 = tpu.vector_load_idx %arg8[%add3A_767, %add3A_1105] : memref<256x128xf32, #tpu.memory_space<vmem>>[vector<16xi32>, vector<16xi32>], vector<16xf32>,
      tpu.vector_store_idx %arg9[%and3A_1104, %add3A_767], %gather3A_1106 : memref<64x256xf32, #tpu.memory_space<vmem>>[vector<16xi32>, vector<16xi32>], vector<16xf32>,
      %add3A_1107 = arith.constant 41 : i32
      %add3A_1108 = vector.broadcast %add3A_1107 : i32 to vector<16xi32>
      %add3A_1109 = arith.addi %iota3A, %add3A_1108 : vector<16xi32>
      %and3A_1110 = arith.constant 63 : i32
      %and3A_1111 = vector.broadcast %and3A_1110 : i32 to vector<16xi32>
      %and3A_1112 = arith.andi %add3A_1109, %and3A_1111 : vector<16xi32>
      %add3A_1113 = arith.addi %mul3A_779, %and3A_1112 : vector<16xi32>
      %gather3A_1114 = tpu.vector_load_idx %arg8[%add3A_767, %add3A_1113] : memref<256x128xf32, #tpu.memory_space<vmem>>[vector<16xi32>, vector<16xi32>], vector<16xf32>,
      tpu.vector_store_idx %arg9[%and3A_1112, %add3A_767], %gather3A_1114 : memref<64x256xf32, #tpu.memory_space<vmem>>[vector<16xi32>, vector<16xi32>], vector<16xf32>,
      %add3A_1115 = arith.constant 42 : i32
      %add3A_1116 = vector.broadcast %add3A_1115 : i32 to vector<16xi32>
      %add3A_1117 = arith.addi %iota3A, %add3A_1116 : vector<16xi32>
      %and3A_1118 = arith.constant 63 : i32
      %and3A_1119 = vector.broadcast %and3A_1118 : i32 to vector<16xi32>
      %and3A_1120 = arith.andi %add3A_1117, %and3A_1119 : vector<16xi32>
      %add3A_1121 = arith.addi %mul3A_779, %and3A_1120 : vector<16xi32>
      %gather3A_1122 = tpu.vector_load_idx %arg8[%add3A_767, %add3A_1121] : memref<256x128xf32, #tpu.memory_space<vmem>>[vector<16xi32>, vector<16xi32>], vector<16xf32>,
      tpu.vector_store_idx %arg9[%and3A_1120, %add3A_767], %gather3A_1122 : memref<64x256xf32, #tpu.memory_space<vmem>>[vector<16xi32>, vector<16xi32>], vector<16xf32>,
      %add3A_1123 = arith.constant 43 : i32
      %add3A_1124 = vector.broadcast %add3A_1123 : i32 to vector<16xi32>
      %add3A_1125 = arith.addi %iota3A, %add3A_1124 : vector<16xi32>
      %and3A_1126 = arith.constant 63 : i32
      %and3A_1127 = vector.broadcast %and3A_1126 : i32 to vector<16xi32>
      %and3A_1128 = arith.andi %add3A_1125, %and3A_1127 : vector<16xi32>
      %add3A_1129 = arith.addi %mul3A_779, %and3A_1128 : vector<16xi32>
      %gather3A_1130 = tpu.vector_load_idx %arg8[%add3A_767, %add3A_1129] : memref<256x128xf32, #tpu.memory_space<vmem>>[vector<16xi32>, vector<16xi32>], vector<16xf32>,
      tpu.vector_store_idx %arg9[%and3A_1128, %add3A_767], %gather3A_1130 : memref<64x256xf32, #tpu.memory_space<vmem>>[vector<16xi32>, vector<16xi32>], vector<16xf32>,
      %add3A_1131 = arith.constant 44 : i32
      %add3A_1132 = vector.broadcast %add3A_1131 : i32 to vector<16xi32>
      %add3A_1133 = arith.addi %iota3A, %add3A_1132 : vector<16xi32>
      %and3A_1134 = arith.constant 63 : i32
      %and3A_1135 = vector.broadcast %and3A_1134 : i32 to vector<16xi32>
      %and3A_1136 = arith.andi %add3A_1133, %and3A_1135 : vector<16xi32>
      %add3A_1137 = arith.addi %mul3A_779, %and3A_1136 : vector<16xi32>
      %gather3A_1138 = tpu.vector_load_idx %arg8[%add3A_767, %add3A_1137] : memref<256x128xf32, #tpu.memory_space<vmem>>[vector<16xi32>, vector<16xi32>], vector<16xf32>,
      tpu.vector_store_idx %arg9[%and3A_1136, %add3A_767], %gather3A_1138 : memref<64x256xf32, #tpu.memory_space<vmem>>[vector<16xi32>, vector<16xi32>], vector<16xf32>,
      %add3A_1139 = arith.constant 45 : i32
      %add3A_1140 = vector.broadcast %add3A_1139 : i32 to vector<16xi32>
      %add3A_1141 = arith.addi %iota3A, %add3A_1140 : vector<16xi32>
      %and3A_1142 = arith.constant 63 : i32
      %and3A_1143 = vector.broadcast %and3A_1142 : i32 to vector<16xi32>
      %and3A_1144 = arith.andi %add3A_1141, %and3A_1143 : vector<16xi32>
      %add3A_1145 = arith.addi %mul3A_779, %and3A_1144 : vector<16xi32>
      %gather3A_1146 = tpu.vector_load_idx %arg8[%add3A_767, %add3A_1145] : memref<256x128xf32, #tpu.memory_space<vmem>>[vector<16xi32>, vector<16xi32>], vector<16xf32>,
      tpu.vector_store_idx %arg9[%and3A_1144, %add3A_767], %gather3A_1146 : memref<64x256xf32, #tpu.memory_space<vmem>>[vector<16xi32>, vector<16xi32>], vector<16xf32>,
      %add3A_1147 = arith.constant 46 : i32
      %add3A_1148 = vector.broadcast %add3A_1147 : i32 to vector<16xi32>
      %add3A_1149 = arith.addi %iota3A, %add3A_1148 : vector<16xi32>
      %and3A_1150 = arith.constant 63 : i32
      %and3A_1151 = vector.broadcast %and3A_1150 : i32 to vector<16xi32>
      %and3A_1152 = arith.andi %add3A_1149, %and3A_1151 : vector<16xi32>
      %add3A_1153 = arith.addi %mul3A_779, %and3A_1152 : vector<16xi32>
      %gather3A_1154 = tpu.vector_load_idx %arg8[%add3A_767, %add3A_1153] : memref<256x128xf32, #tpu.memory_space<vmem>>[vector<16xi32>, vector<16xi32>], vector<16xf32>,
      tpu.vector_store_idx %arg9[%and3A_1152, %add3A_767], %gather3A_1154 : memref<64x256xf32, #tpu.memory_space<vmem>>[vector<16xi32>, vector<16xi32>], vector<16xf32>,
      %add3A_1155 = arith.constant 47 : i32
      %add3A_1156 = vector.broadcast %add3A_1155 : i32 to vector<16xi32>
      %add3A_1157 = arith.addi %iota3A, %add3A_1156 : vector<16xi32>
      %and3A_1158 = arith.constant 63 : i32
      %and3A_1159 = vector.broadcast %and3A_1158 : i32 to vector<16xi32>
      %and3A_1160 = arith.andi %add3A_1157, %and3A_1159 : vector<16xi32>
      %add3A_1161 = arith.addi %mul3A_779, %and3A_1160 : vector<16xi32>
      %gather3A_1162 = tpu.vector_load_idx %arg8[%add3A_767, %add3A_1161] : memref<256x128xf32, #tpu.memory_space<vmem>>[vector<16xi32>, vector<16xi32>], vector<16xf32>,
      tpu.vector_store_idx %arg9[%and3A_1160, %add3A_767], %gather3A_1162 : memref<64x256xf32, #tpu.memory_space<vmem>>[vector<16xi32>, vector<16xi32>], vector<16xf32>,
      %add3A_1163 = arith.constant 48 : i32
      %add3A_1164 = vector.broadcast %add3A_1163 : i32 to vector<16xi32>
      %add3A_1165 = arith.addi %iota3A, %add3A_1164 : vector<16xi32>
      %and3A_1166 = arith.constant 63 : i32
      %and3A_1167 = vector.broadcast %and3A_1166 : i32 to vector<16xi32>
      %and3A_1168 = arith.andi %add3A_1165, %and3A_1167 : vector<16xi32>
      %add3A_1169 = arith.addi %mul3A_779, %and3A_1168 : vector<16xi32>
      %gather3A_1170 = tpu.vector_load_idx %arg8[%add3A_767, %add3A_1169] : memref<256x128xf32, #tpu.memory_space<vmem>>[vector<16xi32>, vector<16xi32>], vector<16xf32>,
      tpu.vector_store_idx %arg9[%and3A_1168, %add3A_767], %gather3A_1170 : memref<64x256xf32, #tpu.memory_space<vmem>>[vector<16xi32>, vector<16xi32>], vector<16xf32>,
      %add3A_1171 = arith.constant 49 : i32
      %add3A_1172 = vector.broadcast %add3A_1171 : i32 to vector<16xi32>
      %add3A_1173 = arith.addi %iota3A, %add3A_1172 : vector<16xi32>
      %and3A_1174 = arith.constant 63 : i32
      %and3A_1175 = vector.broadcast %and3A_1174 : i32 to vector<16xi32>
      %and3A_1176 = arith.andi %add3A_1173, %and3A_1175 : vector<16xi32>
      %add3A_1177 = arith.addi %mul3A_779, %and3A_1176 : vector<16xi32>
      %gather3A_1178 = tpu.vector_load_idx %arg8[%add3A_767, %add3A_1177] : memref<256x128xf32, #tpu.memory_space<vmem>>[vector<16xi32>, vector<16xi32>], vector<16xf32>,
      tpu.vector_store_idx %arg9[%and3A_1176, %add3A_767], %gather3A_1178 : memref<64x256xf32, #tpu.memory_space<vmem>>[vector<16xi32>, vector<16xi32>], vector<16xf32>,
      %add3A_1179 = arith.constant 50 : i32
      %add3A_1180 = vector.broadcast %add3A_1179 : i32 to vector<16xi32>
      %add3A_1181 = arith.addi %iota3A, %add3A_1180 : vector<16xi32>
      %and3A_1182 = arith.constant 63 : i32
      %and3A_1183 = vector.broadcast %and3A_1182 : i32 to vector<16xi32>
      %and3A_1184 = arith.andi %add3A_1181, %and3A_1183 : vector<16xi32>
      %add3A_1185 = arith.addi %mul3A_779, %and3A_1184 : vector<16xi32>
      %gather3A_1186 = tpu.vector_load_idx %arg8[%add3A_767, %add3A_1185] : memref<256x128xf32, #tpu.memory_space<vmem>>[vector<16xi32>, vector<16xi32>], vector<16xf32>,
      tpu.vector_store_idx %arg9[%and3A_1184, %add3A_767], %gather3A_1186 : memref<64x256xf32, #tpu.memory_space<vmem>>[vector<16xi32>, vector<16xi32>], vector<16xf32>,
      %add3A_1187 = arith.constant 51 : i32
      %add3A_1188 = vector.broadcast %add3A_1187 : i32 to vector<16xi32>
      %add3A_1189 = arith.addi %iota3A, %add3A_1188 : vector<16xi32>
      %and3A_1190 = arith.constant 63 : i32
      %and3A_1191 = vector.broadcast %and3A_1190 : i32 to vector<16xi32>
      %and3A_1192 = arith.andi %add3A_1189, %and3A_1191 : vector<16xi32>
      %add3A_1193 = arith.addi %mul3A_779, %and3A_1192 : vector<16xi32>
      %gather3A_1194 = tpu.vector_load_idx %arg8[%add3A_767, %add3A_1193] : memref<256x128xf32, #tpu.memory_space<vmem>>[vector<16xi32>, vector<16xi32>], vector<16xf32>,
      tpu.vector_store_idx %arg9[%and3A_1192, %add3A_767], %gather3A_1194 : memref<64x256xf32, #tpu.memory_space<vmem>>[vector<16xi32>, vector<16xi32>], vector<16xf32>,
      %add3A_1195 = arith.constant 52 : i32
      %add3A_1196 = vector.broadcast %add3A_1195 : i32 to vector<16xi32>
      %add3A_1197 = arith.addi %iota3A, %add3A_1196 : vector<16xi32>
      %and3A_1198 = arith.constant 63 : i32
      %and3A_1199 = vector.broadcast %and3A_1198 : i32 to vector<16xi32>
      %and3A_1200 = arith.andi %add3A_1197, %and3A_1199 : vector<16xi32>
      %add3A_1201 = arith.addi %mul3A_779, %and3A_1200 : vector<16xi32>
      %gather3A_1202 = tpu.vector_load_idx %arg8[%add3A_767, %add3A_1201] : memref<256x128xf32, #tpu.memory_space<vmem>>[vector<16xi32>, vector<16xi32>], vector<16xf32>,
      tpu.vector_store_idx %arg9[%and3A_1200, %add3A_767], %gather3A_1202 : memref<64x256xf32, #tpu.memory_space<vmem>>[vector<16xi32>, vector<16xi32>], vector<16xf32>,
      %add3A_1203 = arith.constant 53 : i32
      %add3A_1204 = vector.broadcast %add3A_1203 : i32 to vector<16xi32>
      %add3A_1205 = arith.addi %iota3A, %add3A_1204 : vector<16xi32>
      %and3A_1206 = arith.constant 63 : i32
      %and3A_1207 = vector.broadcast %and3A_1206 : i32 to vector<16xi32>
      %and3A_1208 = arith.andi %add3A_1205, %and3A_1207 : vector<16xi32>
      %add3A_1209 = arith.addi %mul3A_779, %and3A_1208 : vector<16xi32>
      %gather3A_1210 = tpu.vector_load_idx %arg8[%add3A_767, %add3A_1209] : memref<256x128xf32, #tpu.memory_space<vmem>>[vector<16xi32>, vector<16xi32>], vector<16xf32>,
      tpu.vector_store_idx %arg9[%and3A_1208, %add3A_767], %gather3A_1210 : memref<64x256xf32, #tpu.memory_space<vmem>>[vector<16xi32>, vector<16xi32>], vector<16xf32>,
      %add3A_1211 = arith.constant 54 : i32
      %add3A_1212 = vector.broadcast %add3A_1211 : i32 to vector<16xi32>
      %add3A_1213 = arith.addi %iota3A, %add3A_1212 : vector<16xi32>
      %and3A_1214 = arith.constant 63 : i32
      %and3A_1215 = vector.broadcast %and3A_1214 : i32 to vector<16xi32>
      %and3A_1216 = arith.andi %add3A_1213, %and3A_1215 : vector<16xi32>
      %add3A_1217 = arith.addi %mul3A_779, %and3A_1216 : vector<16xi32>
      %gather3A_1218 = tpu.vector_load_idx %arg8[%add3A_767, %add3A_1217] : memref<256x128xf32, #tpu.memory_space<vmem>>[vector<16xi32>, vector<16xi32>], vector<16xf32>,
      tpu.vector_store_idx %arg9[%and3A_1216, %add3A_767], %gather3A_1218 : memref<64x256xf32, #tpu.memory_space<vmem>>[vector<16xi32>, vector<16xi32>], vector<16xf32>,
      %add3A_1219 = arith.constant 55 : i32
      %add3A_1220 = vector.broadcast %add3A_1219 : i32 to vector<16xi32>
      %add3A_1221 = arith.addi %iota3A, %add3A_1220 : vector<16xi32>
      %and3A_1222 = arith.constant 63 : i32
      %and3A_1223 = vector.broadcast %and3A_1222 : i32 to vector<16xi32>
      %and3A_1224 = arith.andi %add3A_1221, %and3A_1223 : vector<16xi32>
      %add3A_1225 = arith.addi %mul3A_779, %and3A_1224 : vector<16xi32>
      %gather3A_1226 = tpu.vector_load_idx %arg8[%add3A_767, %add3A_1225] : memref<256x128xf32, #tpu.memory_space<vmem>>[vector<16xi32>, vector<16xi32>], vector<16xf32>,
      tpu.vector_store_idx %arg9[%and3A_1224, %add3A_767], %gather3A_1226 : memref<64x256xf32, #tpu.memory_space<vmem>>[vector<16xi32>, vector<16xi32>], vector<16xf32>,
      %add3A_1227 = arith.constant 56 : i32
      %add3A_1228 = vector.broadcast %add3A_1227 : i32 to vector<16xi32>
      %add3A_1229 = arith.addi %iota3A, %add3A_1228 : vector<16xi32>
      %and3A_1230 = arith.constant 63 : i32
      %and3A_1231 = vector.broadcast %and3A_1230 : i32 to vector<16xi32>
      %and3A_1232 = arith.andi %add3A_1229, %and3A_1231 : vector<16xi32>
      %add3A_1233 = arith.addi %mul3A_779, %and3A_1232 : vector<16xi32>
      %gather3A_1234 = tpu.vector_load_idx %arg8[%add3A_767, %add3A_1233] : memref<256x128xf32, #tpu.memory_space<vmem>>[vector<16xi32>, vector<16xi32>], vector<16xf32>,
      tpu.vector_store_idx %arg9[%and3A_1232, %add3A_767], %gather3A_1234 : memref<64x256xf32, #tpu.memory_space<vmem>>[vector<16xi32>, vector<16xi32>], vector<16xf32>,
      %add3A_1235 = arith.constant 57 : i32
      %add3A_1236 = vector.broadcast %add3A_1235 : i32 to vector<16xi32>
      %add3A_1237 = arith.addi %iota3A, %add3A_1236 : vector<16xi32>
      %and3A_1238 = arith.constant 63 : i32
      %and3A_1239 = vector.broadcast %and3A_1238 : i32 to vector<16xi32>
      %and3A_1240 = arith.andi %add3A_1237, %and3A_1239 : vector<16xi32>
      %add3A_1241 = arith.addi %mul3A_779, %and3A_1240 : vector<16xi32>
      %gather3A_1242 = tpu.vector_load_idx %arg8[%add3A_767, %add3A_1241] : memref<256x128xf32, #tpu.memory_space<vmem>>[vector<16xi32>, vector<16xi32>], vector<16xf32>,
      tpu.vector_store_idx %arg9[%and3A_1240, %add3A_767], %gather3A_1242 : memref<64x256xf32, #tpu.memory_space<vmem>>[vector<16xi32>, vector<16xi32>], vector<16xf32>,
      %add3A_1243 = arith.constant 58 : i32
      %add3A_1244 = vector.broadcast %add3A_1243 : i32 to vector<16xi32>
      %add3A_1245 = arith.addi %iota3A, %add3A_1244 : vector<16xi32>
      %and3A_1246 = arith.constant 63 : i32
      %and3A_1247 = vector.broadcast %and3A_1246 : i32 to vector<16xi32>
      %and3A_1248 = arith.andi %add3A_1245, %and3A_1247 : vector<16xi32>
      %add3A_1249 = arith.addi %mul3A_779, %and3A_1248 : vector<16xi32>
      %gather3A_1250 = tpu.vector_load_idx %arg8[%add3A_767, %add3A_1249] : memref<256x128xf32, #tpu.memory_space<vmem>>[vector<16xi32>, vector<16xi32>], vector<16xf32>,
      tpu.vector_store_idx %arg9[%and3A_1248, %add3A_767], %gather3A_1250 : memref<64x256xf32, #tpu.memory_space<vmem>>[vector<16xi32>, vector<16xi32>], vector<16xf32>,
      %add3A_1251 = arith.constant 59 : i32
      %add3A_1252 = vector.broadcast %add3A_1251 : i32 to vector<16xi32>
      %add3A_1253 = arith.addi %iota3A, %add3A_1252 : vector<16xi32>
      %and3A_1254 = arith.constant 63 : i32
      %and3A_1255 = vector.broadcast %and3A_1254 : i32 to vector<16xi32>
      %and3A_1256 = arith.andi %add3A_1253, %and3A_1255 : vector<16xi32>
      %add3A_1257 = arith.addi %mul3A_779, %and3A_1256 : vector<16xi32>
      %gather3A_1258 = tpu.vector_load_idx %arg8[%add3A_767, %add3A_1257] : memref<256x128xf32, #tpu.memory_space<vmem>>[vector<16xi32>, vector<16xi32>], vector<16xf32>,
      tpu.vector_store_idx %arg9[%and3A_1256, %add3A_767], %gather3A_1258 : memref<64x256xf32, #tpu.memory_space<vmem>>[vector<16xi32>, vector<16xi32>], vector<16xf32>,
      %add3A_1259 = arith.constant 60 : i32
      %add3A_1260 = vector.broadcast %add3A_1259 : i32 to vector<16xi32>
      %add3A_1261 = arith.addi %iota3A, %add3A_1260 : vector<16xi32>
      %and3A_1262 = arith.constant 63 : i32
      %and3A_1263 = vector.broadcast %and3A_1262 : i32 to vector<16xi32>
      %and3A_1264 = arith.andi %add3A_1261, %and3A_1263 : vector<16xi32>
      %add3A_1265 = arith.addi %mul3A_779, %and3A_1264 : vector<16xi32>
      %gather3A_1266 = tpu.vector_load_idx %arg8[%add3A_767, %add3A_1265] : memref<256x128xf32, #tpu.memory_space<vmem>>[vector<16xi32>, vector<16xi32>], vector<16xf32>,
      tpu.vector_store_idx %arg9[%and3A_1264, %add3A_767], %gather3A_1266 : memref<64x256xf32, #tpu.memory_space<vmem>>[vector<16xi32>, vector<16xi32>], vector<16xf32>,
      %add3A_1267 = arith.constant 61 : i32
      %add3A_1268 = vector.broadcast %add3A_1267 : i32 to vector<16xi32>
      %add3A_1269 = arith.addi %iota3A, %add3A_1268 : vector<16xi32>
      %and3A_1270 = arith.constant 63 : i32
      %and3A_1271 = vector.broadcast %and3A_1270 : i32 to vector<16xi32>
      %and3A_1272 = arith.andi %add3A_1269, %and3A_1271 : vector<16xi32>
      %add3A_1273 = arith.addi %mul3A_779, %and3A_1272 : vector<16xi32>
      %gather3A_1274 = tpu.vector_load_idx %arg8[%add3A_767, %add3A_1273] : memref<256x128xf32, #tpu.memory_space<vmem>>[vector<16xi32>, vector<16xi32>], vector<16xf32>,
      tpu.vector_store_idx %arg9[%and3A_1272, %add3A_767], %gather3A_1274 : memref<64x256xf32, #tpu.memory_space<vmem>>[vector<16xi32>, vector<16xi32>], vector<16xf32>,
      %add3A_1275 = arith.constant 62 : i32
      %add3A_1276 = vector.broadcast %add3A_1275 : i32 to vector<16xi32>
      %add3A_1277 = arith.addi %iota3A, %add3A_1276 : vector<16xi32>
      %and3A_1278 = arith.constant 63 : i32
      %and3A_1279 = vector.broadcast %and3A_1278 : i32 to vector<16xi32>
      %and3A_1280 = arith.andi %add3A_1277, %and3A_1279 : vector<16xi32>
      %add3A_1281 = arith.addi %mul3A_779, %and3A_1280 : vector<16xi32>
      %gather3A_1282 = tpu.vector_load_idx %arg8[%add3A_767, %add3A_1281] : memref<256x128xf32, #tpu.memory_space<vmem>>[vector<16xi32>, vector<16xi32>], vector<16xf32>,
      tpu.vector_store_idx %arg9[%and3A_1280, %add3A_767], %gather3A_1282 : memref<64x256xf32, #tpu.memory_space<vmem>>[vector<16xi32>, vector<16xi32>], vector<16xf32>,
      %add3A_1283 = arith.constant 63 : i32
      %add3A_1284 = vector.broadcast %add3A_1283 : i32 to vector<16xi32>
      %add3A_1285 = arith.addi %iota3A, %add3A_1284 : vector<16xi32>
      %and3A_1286 = arith.constant 63 : i32
      %and3A_1287 = vector.broadcast %and3A_1286 : i32 to vector<16xi32>
      %and3A_1288 = arith.andi %add3A_1285, %and3A_1287 : vector<16xi32>
      %add3A_1289 = arith.addi %mul3A_779, %and3A_1288 : vector<16xi32>
      %gather3A_1290 = tpu.vector_load_idx %arg8[%add3A_767, %add3A_1289] : memref<256x128xf32, #tpu.memory_space<vmem>>[vector<16xi32>, vector<16xi32>], vector<16xf32>,
      tpu.vector_store_idx %arg9[%and3A_1288, %add3A_767], %gather3A_1290 : memref<64x256xf32, #tpu.memory_space<vmem>>[vector<16xi32>, vector<16xi32>], vector<16xf32>,
      %scan3A_1291 = arith.constant 0 : i32
      %scan3A_1292 = arith.constant 1 : i32
      %scan3A_1293 = arith.addi %scan3A_762, %scan3A_1292 : i32
      %iota3A_1294 = tpu.iota {dimensions = array<i32: 0>} : vector<16xi32>
      %mul3A_1295 = arith.constant 16 : i32
      %mul3A_1296 = arith.muli %scan3A_1293, %mul3A_1295 : i32
      %add3A_1297 = vector.broadcast %mul3A_1296 : i32 to vector<16xi32>
      %add3A_1298 = arith.addi %iota3A_1294, %add3A_1297 : vector<16xi32>
      %mul3A_1299 = arith.constant 16 : i32
      %mul3A_1300 = arith.muli %scan3A_1293, %mul3A_1299 : i32
      %add3A_1301 = arith.constant 256 : i32
      %add3A_1302 = arith.addi %add3A_1301, %mul3A_1300 : i32
      %get3A_1303 = arith.index_cast %add3A_1302 : i32 to index
      %get3A_1304 = tpu.vector_load %arg6[%get3A_1303] {strides = array<i32>} : memref<512xi32, #tpu.memory_space<vmem>>, vector<16xi32>,
      %and3A_1305 = arith.constant 1 : i32
      %and3A_1306 = vector.broadcast %and3A_1305 : i32 to vector<16xi32>
      %and3A_1307 = arith.andi %get3A_1304, %and3A_1306 : vector<16xi32>
      %mul3A_1308 = arith.constant 64 : i32
      %mul3A_1309 = vector.broadcast %mul3A_1308 : i32 to vector<16xi32>
      %mul3A_1310 = arith.muli %and3A_1307, %mul3A_1309 : vector<16xi32>
      %add3A_1311 = arith.constant 0 : i32
      %add3A_1312 = vector.broadcast %add3A_1311 : i32 to vector<16xi32>
      %add3A_1313 = arith.addi %iota3A_1294, %add3A_1312 : vector<16xi32>
      %and3A_1314 = arith.constant 63 : i32
      %and3A_1315 = vector.broadcast %and3A_1314 : i32 to vector<16xi32>
      %and3A_1316 = arith.andi %add3A_1313, %and3A_1315 : vector<16xi32>
      %add3A_1317 = arith.addi %mul3A_1310, %and3A_1316 : vector<16xi32>
      %gather3A_1318 = tpu.vector_load_idx %arg8[%add3A_1298, %add3A_1317] : memref<256x128xf32, #tpu.memory_space<vmem>>[vector<16xi32>, vector<16xi32>], vector<16xf32>,
      tpu.vector_store_idx %arg9[%and3A_1316, %add3A_1298], %gather3A_1318 : memref<64x256xf32, #tpu.memory_space<vmem>>[vector<16xi32>, vector<16xi32>], vector<16xf32>,
      %add3A_1319 = arith.constant 1 : i32
      %add3A_1320 = vector.broadcast %add3A_1319 : i32 to vector<16xi32>
      %add3A_1321 = arith.addi %iota3A_1294, %add3A_1320 : vector<16xi32>
      %and3A_1322 = arith.constant 63 : i32
      %and3A_1323 = vector.broadcast %and3A_1322 : i32 to vector<16xi32>
      %and3A_1324 = arith.andi %add3A_1321, %and3A_1323 : vector<16xi32>
      %add3A_1325 = arith.addi %mul3A_1310, %and3A_1324 : vector<16xi32>
      %gather3A_1326 = tpu.vector_load_idx %arg8[%add3A_1298, %add3A_1325] : memref<256x128xf32, #tpu.memory_space<vmem>>[vector<16xi32>, vector<16xi32>], vector<16xf32>,
      tpu.vector_store_idx %arg9[%and3A_1324, %add3A_1298], %gather3A_1326 : memref<64x256xf32, #tpu.memory_space<vmem>>[vector<16xi32>, vector<16xi32>], vector<16xf32>,
      %add3A_1327 = arith.constant 2 : i32
      %add3A_1328 = vector.broadcast %add3A_1327 : i32 to vector<16xi32>
      %add3A_1329 = arith.addi %iota3A_1294, %add3A_1328 : vector<16xi32>
      %and3A_1330 = arith.constant 63 : i32
      %and3A_1331 = vector.broadcast %and3A_1330 : i32 to vector<16xi32>
      %and3A_1332 = arith.andi %add3A_1329, %and3A_1331 : vector<16xi32>
      %add3A_1333 = arith.addi %mul3A_1310, %and3A_1332 : vector<16xi32>
      %gather3A_1334 = tpu.vector_load_idx %arg8[%add3A_1298, %add3A_1333] : memref<256x128xf32, #tpu.memory_space<vmem>>[vector<16xi32>, vector<16xi32>], vector<16xf32>,
      tpu.vector_store_idx %arg9[%and3A_1332, %add3A_1298], %gather3A_1334 : memref<64x256xf32, #tpu.memory_space<vmem>>[vector<16xi32>, vector<16xi32>], vector<16xf32>,
      %add3A_1335 = arith.constant 3 : i32
      %add3A_1336 = vector.broadcast %add3A_1335 : i32 to vector<16xi32>
      %add3A_1337 = arith.addi %iota3A_1294, %add3A_1336 : vector<16xi32>
      %and3A_1338 = arith.constant 63 : i32
      %and3A_1339 = vector.broadcast %and3A_1338 : i32 to vector<16xi32>
      %and3A_1340 = arith.andi %add3A_1337, %and3A_1339 : vector<16xi32>
      %add3A_1341 = arith.addi %mul3A_1310, %and3A_1340 : vector<16xi32>
      %gather3A_1342 = tpu.vector_load_idx %arg8[%add3A_1298, %add3A_1341] : memref<256x128xf32, #tpu.memory_space<vmem>>[vector<16xi32>, vector<16xi32>], vector<16xf32>,
      tpu.vector_store_idx %arg9[%and3A_1340, %add3A_1298], %gather3A_1342 : memref<64x256xf32, #tpu.memory_space<vmem>>[vector<16xi32>, vector<16xi32>], vector<16xf32>,
      %add3A_1343 = arith.constant 4 : i32
      %add3A_1344 = vector.broadcast %add3A_1343 : i32 to vector<16xi32>
      %add3A_1345 = arith.addi %iota3A_1294, %add3A_1344 : vector<16xi32>
      %and3A_1346 = arith.constant 63 : i32
      %and3A_1347 = vector.broadcast %and3A_1346 : i32 to vector<16xi32>
      %and3A_1348 = arith.andi %add3A_1345, %and3A_1347 : vector<16xi32>
      %add3A_1349 = arith.addi %mul3A_1310, %and3A_1348 : vector<16xi32>
      %gather3A_1350 = tpu.vector_load_idx %arg8[%add3A_1298, %add3A_1349] : memref<256x128xf32, #tpu.memory_space<vmem>>[vector<16xi32>, vector<16xi32>], vector<16xf32>,
      tpu.vector_store_idx %arg9[%and3A_1348, %add3A_1298], %gather3A_1350 : memref<64x256xf32, #tpu.memory_space<vmem>>[vector<16xi32>, vector<16xi32>], vector<16xf32>,
      %add3A_1351 = arith.constant 5 : i32
      %add3A_1352 = vector.broadcast %add3A_1351 : i32 to vector<16xi32>
      %add3A_1353 = arith.addi %iota3A_1294, %add3A_1352 : vector<16xi32>
      %and3A_1354 = arith.constant 63 : i32
      %and3A_1355 = vector.broadcast %and3A_1354 : i32 to vector<16xi32>
      %and3A_1356 = arith.andi %add3A_1353, %and3A_1355 : vector<16xi32>
      %add3A_1357 = arith.addi %mul3A_1310, %and3A_1356 : vector<16xi32>
      %gather3A_1358 = tpu.vector_load_idx %arg8[%add3A_1298, %add3A_1357] : memref<256x128xf32, #tpu.memory_space<vmem>>[vector<16xi32>, vector<16xi32>], vector<16xf32>,
      tpu.vector_store_idx %arg9[%and3A_1356, %add3A_1298], %gather3A_1358 : memref<64x256xf32, #tpu.memory_space<vmem>>[vector<16xi32>, vector<16xi32>], vector<16xf32>,
      %add3A_1359 = arith.constant 6 : i32
      %add3A_1360 = vector.broadcast %add3A_1359 : i32 to vector<16xi32>
      %add3A_1361 = arith.addi %iota3A_1294, %add3A_1360 : vector<16xi32>
      %and3A_1362 = arith.constant 63 : i32
      %and3A_1363 = vector.broadcast %and3A_1362 : i32 to vector<16xi32>
      %and3A_1364 = arith.andi %add3A_1361, %and3A_1363 : vector<16xi32>
      %add3A_1365 = arith.addi %mul3A_1310, %and3A_1364 : vector<16xi32>
      %gather3A_1366 = tpu.vector_load_idx %arg8[%add3A_1298, %add3A_1365] : memref<256x128xf32, #tpu.memory_space<vmem>>[vector<16xi32>, vector<16xi32>], vector<16xf32>,
      tpu.vector_store_idx %arg9[%and3A_1364, %add3A_1298], %gather3A_1366 : memref<64x256xf32, #tpu.memory_space<vmem>>[vector<16xi32>, vector<16xi32>], vector<16xf32>,
      %add3A_1367 = arith.constant 7 : i32
      %add3A_1368 = vector.broadcast %add3A_1367 : i32 to vector<16xi32>
      %add3A_1369 = arith.addi %iota3A_1294, %add3A_1368 : vector<16xi32>
      %and3A_1370 = arith.constant 63 : i32
      %and3A_1371 = vector.broadcast %and3A_1370 : i32 to vector<16xi32>
      %and3A_1372 = arith.andi %add3A_1369, %and3A_1371 : vector<16xi32>
      %add3A_1373 = arith.addi %mul3A_1310, %and3A_1372 : vector<16xi32>
      %gather3A_1374 = tpu.vector_load_idx %arg8[%add3A_1298, %add3A_1373] : memref<256x128xf32, #tpu.memory_space<vmem>>[vector<16xi32>, vector<16xi32>], vector<16xf32>,
      tpu.vector_store_idx %arg9[%and3A_1372, %add3A_1298], %gather3A_1374 : memref<64x256xf32, #tpu.memory_space<vmem>>[vector<16xi32>, vector<16xi32>], vector<16xf32>,
      %add3A_1375 = arith.constant 8 : i32
      %add3A_1376 = vector.broadcast %add3A_1375 : i32 to vector<16xi32>
      %add3A_1377 = arith.addi %iota3A_1294, %add3A_1376 : vector<16xi32>
      %and3A_1378 = arith.constant 63 : i32
      %and3A_1379 = vector.broadcast %and3A_1378 : i32 to vector<16xi32>
      %and3A_1380 = arith.andi %add3A_1377, %and3A_1379 : vector<16xi32>
      %add3A_1381 = arith.addi %mul3A_1310, %and3A_1380 : vector<16xi32>
      %gather3A_1382 = tpu.vector_load_idx %arg8[%add3A_1298, %add3A_1381] : memref<256x128xf32, #tpu.memory_space<vmem>>[vector<16xi32>, vector<16xi32>], vector<16xf32>,
      tpu.vector_store_idx %arg9[%and3A_1380, %add3A_1298], %gather3A_1382 : memref<64x256xf32, #tpu.memory_space<vmem>>[vector<16xi32>, vector<16xi32>], vector<16xf32>,
      %add3A_1383 = arith.constant 9 : i32
      %add3A_1384 = vector.broadcast %add3A_1383 : i32 to vector<16xi32>
      %add3A_1385 = arith.addi %iota3A_1294, %add3A_1384 : vector<16xi32>
      %and3A_1386 = arith.constant 63 : i32
      %and3A_1387 = vector.broadcast %and3A_1386 : i32 to vector<16xi32>
      %and3A_1388 = arith.andi %add3A_1385, %and3A_1387 : vector<16xi32>
      %add3A_1389 = arith.addi %mul3A_1310, %and3A_1388 : vector<16xi32>
      %gather3A_1390 = tpu.vector_load_idx %arg8[%add3A_1298, %add3A_1389] : memref<256x128xf32, #tpu.memory_space<vmem>>[vector<16xi32>, vector<16xi32>], vector<16xf32>,
      tpu.vector_store_idx %arg9[%and3A_1388, %add3A_1298], %gather3A_1390 : memref<64x256xf32, #tpu.memory_space<vmem>>[vector<16xi32>, vector<16xi32>], vector<16xf32>,
      %add3A_1391 = arith.constant 10 : i32
      %add3A_1392 = vector.broadcast %add3A_1391 : i32 to vector<16xi32>
      %add3A_1393 = arith.addi %iota3A_1294, %add3A_1392 : vector<16xi32>
      %and3A_1394 = arith.constant 63 : i32
      %and3A_1395 = vector.broadcast %and3A_1394 : i32 to vector<16xi32>
      %and3A_1396 = arith.andi %add3A_1393, %and3A_1395 : vector<16xi32>
      %add3A_1397 = arith.addi %mul3A_1310, %and3A_1396 : vector<16xi32>
      %gather3A_1398 = tpu.vector_load_idx %arg8[%add3A_1298, %add3A_1397] : memref<256x128xf32, #tpu.memory_space<vmem>>[vector<16xi32>, vector<16xi32>], vector<16xf32>,
      tpu.vector_store_idx %arg9[%and3A_1396, %add3A_1298], %gather3A_1398 : memref<64x256xf32, #tpu.memory_space<vmem>>[vector<16xi32>, vector<16xi32>], vector<16xf32>,
      %add3A_1399 = arith.constant 11 : i32
      %add3A_1400 = vector.broadcast %add3A_1399 : i32 to vector<16xi32>
      %add3A_1401 = arith.addi %iota3A_1294, %add3A_1400 : vector<16xi32>
      %and3A_1402 = arith.constant 63 : i32
      %and3A_1403 = vector.broadcast %and3A_1402 : i32 to vector<16xi32>
      %and3A_1404 = arith.andi %add3A_1401, %and3A_1403 : vector<16xi32>
      %add3A_1405 = arith.addi %mul3A_1310, %and3A_1404 : vector<16xi32>
      %gather3A_1406 = tpu.vector_load_idx %arg8[%add3A_1298, %add3A_1405] : memref<256x128xf32, #tpu.memory_space<vmem>>[vector<16xi32>, vector<16xi32>], vector<16xf32>,
      tpu.vector_store_idx %arg9[%and3A_1404, %add3A_1298], %gather3A_1406 : memref<64x256xf32, #tpu.memory_space<vmem>>[vector<16xi32>, vector<16xi32>], vector<16xf32>,
      %add3A_1407 = arith.constant 12 : i32
      %add3A_1408 = vector.broadcast %add3A_1407 : i32 to vector<16xi32>
      %add3A_1409 = arith.addi %iota3A_1294, %add3A_1408 : vector<16xi32>
      %and3A_1410 = arith.constant 63 : i32
      %and3A_1411 = vector.broadcast %and3A_1410 : i32 to vector<16xi32>
      %and3A_1412 = arith.andi %add3A_1409, %and3A_1411 : vector<16xi32>
      %add3A_1413 = arith.addi %mul3A_1310, %and3A_1412 : vector<16xi32>
      %gather3A_1414 = tpu.vector_load_idx %arg8[%add3A_1298, %add3A_1413] : memref<256x128xf32, #tpu.memory_space<vmem>>[vector<16xi32>, vector<16xi32>], vector<16xf32>,
      tpu.vector_store_idx %arg9[%and3A_1412, %add3A_1298], %gather3A_1414 : memref<64x256xf32, #tpu.memory_space<vmem>>[vector<16xi32>, vector<16xi32>], vector<16xf32>,
      %add3A_1415 = arith.constant 13 : i32
      %add3A_1416 = vector.broadcast %add3A_1415 : i32 to vector<16xi32>
      %add3A_1417 = arith.addi %iota3A_1294, %add3A_1416 : vector<16xi32>
      %and3A_1418 = arith.constant 63 : i32
      %and3A_1419 = vector.broadcast %and3A_1418 : i32 to vector<16xi32>
      %and3A_1420 = arith.andi %add3A_1417, %and3A_1419 : vector<16xi32>
      %add3A_1421 = arith.addi %mul3A_1310, %and3A_1420 : vector<16xi32>
      %gather3A_1422 = tpu.vector_load_idx %arg8[%add3A_1298, %add3A_1421] : memref<256x128xf32, #tpu.memory_space<vmem>>[vector<16xi32>, vector<16xi32>], vector<16xf32>,
      tpu.vector_store_idx %arg9[%and3A_1420, %add3A_1298], %gather3A_1422 : memref<64x256xf32, #tpu.memory_space<vmem>>[vector<16xi32>, vector<16xi32>], vector<16xf32>,
      %add3A_1423 = arith.constant 14 : i32
      %add3A_1424 = vector.broadcast %add3A_1423 : i32 to vector<16xi32>
      %add3A_1425 = arith.addi %iota3A_1294, %add3A_1424 : vector<16xi32>
      %and3A_1426 = arith.constant 63 : i32
      %and3A_1427 = vector.broadcast %and3A_1426 : i32 to vector<16xi32>
      %and3A_1428 = arith.andi %add3A_1425, %and3A_1427 : vector<16xi32>
      %add3A_1429 = arith.addi %mul3A_1310, %and3A_1428 : vector<16xi32>
      %gather3A_1430 = tpu.vector_load_idx %arg8[%add3A_1298, %add3A_1429] : memref<256x128xf32, #tpu.memory_space<vmem>>[vector<16xi32>, vector<16xi32>], vector<16xf32>,
      tpu.vector_store_idx %arg9[%and3A_1428, %add3A_1298], %gather3A_1430 : memref<64x256xf32, #tpu.memory_space<vmem>>[vector<16xi32>, vector<16xi32>], vector<16xf32>,
      %add3A_1431 = arith.constant 15 : i32
      %add3A_1432 = vector.broadcast %add3A_1431 : i32 to vector<16xi32>
      %add3A_1433 = arith.addi %iota3A_1294, %add3A_1432 : vector<16xi32>
      %and3A_1434 = arith.constant 63 : i32
      %and3A_1435 = vector.broadcast %and3A_1434 : i32 to vector<16xi32>
      %and3A_1436 = arith.andi %add3A_1433, %and3A_1435 : vector<16xi32>
      %add3A_1437 = arith.addi %mul3A_1310, %and3A_1436 : vector<16xi32>
      %gather3A_1438 = tpu.vector_load_idx %arg8[%add3A_1298, %add3A_1437] : memref<256x128xf32, #tpu.memory_space<vmem>>[vector<16xi32>, vector<16xi32>], vector<16xf32>,
      tpu.vector_store_idx %arg9[%and3A_1436, %add3A_1298], %gather3A_1438 : memref<64x256xf32, #tpu.memory_space<vmem>>[vector<16xi32>, vector<16xi32>], vector<16xf32>,
      %add3A_1439 = arith.constant 16 : i32
      %add3A_1440 = vector.broadcast %add3A_1439 : i32 to vector<16xi32>
      %add3A_1441 = arith.addi %iota3A_1294, %add3A_1440 : vector<16xi32>
      %and3A_1442 = arith.constant 63 : i32
      %and3A_1443 = vector.broadcast %and3A_1442 : i32 to vector<16xi32>
      %and3A_1444 = arith.andi %add3A_1441, %and3A_1443 : vector<16xi32>
      %add3A_1445 = arith.addi %mul3A_1310, %and3A_1444 : vector<16xi32>
      %gather3A_1446 = tpu.vector_load_idx %arg8[%add3A_1298, %add3A_1445] : memref<256x128xf32, #tpu.memory_space<vmem>>[vector<16xi32>, vector<16xi32>], vector<16xf32>,
      tpu.vector_store_idx %arg9[%and3A_1444, %add3A_1298], %gather3A_1446 : memref<64x256xf32, #tpu.memory_space<vmem>>[vector<16xi32>, vector<16xi32>], vector<16xf32>,
      %add3A_1447 = arith.constant 17 : i32
      %add3A_1448 = vector.broadcast %add3A_1447 : i32 to vector<16xi32>
      %add3A_1449 = arith.addi %iota3A_1294, %add3A_1448 : vector<16xi32>
      %and3A_1450 = arith.constant 63 : i32
      %and3A_1451 = vector.broadcast %and3A_1450 : i32 to vector<16xi32>
      %and3A_1452 = arith.andi %add3A_1449, %and3A_1451 : vector<16xi32>
      %add3A_1453 = arith.addi %mul3A_1310, %and3A_1452 : vector<16xi32>
      %gather3A_1454 = tpu.vector_load_idx %arg8[%add3A_1298, %add3A_1453] : memref<256x128xf32, #tpu.memory_space<vmem>>[vector<16xi32>, vector<16xi32>], vector<16xf32>,
      tpu.vector_store_idx %arg9[%and3A_1452, %add3A_1298], %gather3A_1454 : memref<64x256xf32, #tpu.memory_space<vmem>>[vector<16xi32>, vector<16xi32>], vector<16xf32>,
      %add3A_1455 = arith.constant 18 : i32
      %add3A_1456 = vector.broadcast %add3A_1455 : i32 to vector<16xi32>
      %add3A_1457 = arith.addi %iota3A_1294, %add3A_1456 : vector<16xi32>
      %and3A_1458 = arith.constant 63 : i32
      %and3A_1459 = vector.broadcast %and3A_1458 : i32 to vector<16xi32>
      %and3A_1460 = arith.andi %add3A_1457, %and3A_1459 : vector<16xi32>
      %add3A_1461 = arith.addi %mul3A_1310, %and3A_1460 : vector<16xi32>
      %gather3A_1462 = tpu.vector_load_idx %arg8[%add3A_1298, %add3A_1461] : memref<256x128xf32, #tpu.memory_space<vmem>>[vector<16xi32>, vector<16xi32>], vector<16xf32>,
      tpu.vector_store_idx %arg9[%and3A_1460, %add3A_1298], %gather3A_1462 : memref<64x256xf32, #tpu.memory_space<vmem>>[vector<16xi32>, vector<16xi32>], vector<16xf32>,
      %add3A_1463 = arith.constant 19 : i32
      %add3A_1464 = vector.broadcast %add3A_1463 : i32 to vector<16xi32>
      %add3A_1465 = arith.addi %iota3A_1294, %add3A_1464 : vector<16xi32>
      %and3A_1466 = arith.constant 63 : i32
      %and3A_1467 = vector.broadcast %and3A_1466 : i32 to vector<16xi32>
      %and3A_1468 = arith.andi %add3A_1465, %and3A_1467 : vector<16xi32>
      %add3A_1469 = arith.addi %mul3A_1310, %and3A_1468 : vector<16xi32>
      %gather3A_1470 = tpu.vector_load_idx %arg8[%add3A_1298, %add3A_1469] : memref<256x128xf32, #tpu.memory_space<vmem>>[vector<16xi32>, vector<16xi32>], vector<16xf32>,
      tpu.vector_store_idx %arg9[%and3A_1468, %add3A_1298], %gather3A_1470 : memref<64x256xf32, #tpu.memory_space<vmem>>[vector<16xi32>, vector<16xi32>], vector<16xf32>,
      %add3A_1471 = arith.constant 20 : i32
      %add3A_1472 = vector.broadcast %add3A_1471 : i32 to vector<16xi32>
      %add3A_1473 = arith.addi %iota3A_1294, %add3A_1472 : vector<16xi32>
      %and3A_1474 = arith.constant 63 : i32
      %and3A_1475 = vector.broadcast %and3A_1474 : i32 to vector<16xi32>
      %and3A_1476 = arith.andi %add3A_1473, %and3A_1475 : vector<16xi32>
      %add3A_1477 = arith.addi %mul3A_1310, %and3A_1476 : vector<16xi32>
      %gather3A_1478 = tpu.vector_load_idx %arg8[%add3A_1298, %add3A_1477] : memref<256x128xf32, #tpu.memory_space<vmem>>[vector<16xi32>, vector<16xi32>], vector<16xf32>,
      tpu.vector_store_idx %arg9[%and3A_1476, %add3A_1298], %gather3A_1478 : memref<64x256xf32, #tpu.memory_space<vmem>>[vector<16xi32>, vector<16xi32>], vector<16xf32>,
      %add3A_1479 = arith.constant 21 : i32
      %add3A_1480 = vector.broadcast %add3A_1479 : i32 to vector<16xi32>
      %add3A_1481 = arith.addi %iota3A_1294, %add3A_1480 : vector<16xi32>
      %and3A_1482 = arith.constant 63 : i32
      %and3A_1483 = vector.broadcast %and3A_1482 : i32 to vector<16xi32>
      %and3A_1484 = arith.andi %add3A_1481, %and3A_1483 : vector<16xi32>
      %add3A_1485 = arith.addi %mul3A_1310, %and3A_1484 : vector<16xi32>
      %gather3A_1486 = tpu.vector_load_idx %arg8[%add3A_1298, %add3A_1485] : memref<256x128xf32, #tpu.memory_space<vmem>>[vector<16xi32>, vector<16xi32>], vector<16xf32>,
      tpu.vector_store_idx %arg9[%and3A_1484, %add3A_1298], %gather3A_1486 : memref<64x256xf32, #tpu.memory_space<vmem>>[vector<16xi32>, vector<16xi32>], vector<16xf32>,
      %add3A_1487 = arith.constant 22 : i32
      %add3A_1488 = vector.broadcast %add3A_1487 : i32 to vector<16xi32>
      %add3A_1489 = arith.addi %iota3A_1294, %add3A_1488 : vector<16xi32>
      %and3A_1490 = arith.constant 63 : i32
      %and3A_1491 = vector.broadcast %and3A_1490 : i32 to vector<16xi32>
      %and3A_1492 = arith.andi %add3A_1489, %and3A_1491 : vector<16xi32>
      %add3A_1493 = arith.addi %mul3A_1310, %and3A_1492 : vector<16xi32>
      %gather3A_1494 = tpu.vector_load_idx %arg8[%add3A_1298, %add3A_1493] : memref<256x128xf32, #tpu.memory_space<vmem>>[vector<16xi32>, vector<16xi32>], vector<16xf32>,
      tpu.vector_store_idx %arg9[%and3A_1492, %add3A_1298], %gather3A_1494 : memref<64x256xf32, #tpu.memory_space<vmem>>[vector<16xi32>, vector<16xi32>], vector<16xf32>,
      %add3A_1495 = arith.constant 23 : i32
      %add3A_1496 = vector.broadcast %add3A_1495 : i32 to vector<16xi32>
      %add3A_1497 = arith.addi %iota3A_1294, %add3A_1496 : vector<16xi32>
      %and3A_1498 = arith.constant 63 : i32
      %and3A_1499 = vector.broadcast %and3A_1498 : i32 to vector<16xi32>
      %and3A_1500 = arith.andi %add3A_1497, %and3A_1499 : vector<16xi32>
      %add3A_1501 = arith.addi %mul3A_1310, %and3A_1500 : vector<16xi32>
      %gather3A_1502 = tpu.vector_load_idx %arg8[%add3A_1298, %add3A_1501] : memref<256x128xf32, #tpu.memory_space<vmem>>[vector<16xi32>, vector<16xi32>], vector<16xf32>,
      tpu.vector_store_idx %arg9[%and3A_1500, %add3A_1298], %gather3A_1502 : memref<64x256xf32, #tpu.memory_space<vmem>>[vector<16xi32>, vector<16xi32>], vector<16xf32>,
      %add3A_1503 = arith.constant 24 : i32
      %add3A_1504 = vector.broadcast %add3A_1503 : i32 to vector<16xi32>
      %add3A_1505 = arith.addi %iota3A_1294, %add3A_1504 : vector<16xi32>
      %and3A_1506 = arith.constant 63 : i32
      %and3A_1507 = vector.broadcast %and3A_1506 : i32 to vector<16xi32>
      %and3A_1508 = arith.andi %add3A_1505, %and3A_1507 : vector<16xi32>
      %add3A_1509 = arith.addi %mul3A_1310, %and3A_1508 : vector<16xi32>
      %gather3A_1510 = tpu.vector_load_idx %arg8[%add3A_1298, %add3A_1509] : memref<256x128xf32, #tpu.memory_space<vmem>>[vector<16xi32>, vector<16xi32>], vector<16xf32>,
      tpu.vector_store_idx %arg9[%and3A_1508, %add3A_1298], %gather3A_1510 : memref<64x256xf32, #tpu.memory_space<vmem>>[vector<16xi32>, vector<16xi32>], vector<16xf32>,
      %add3A_1511 = arith.constant 25 : i32
      %add3A_1512 = vector.broadcast %add3A_1511 : i32 to vector<16xi32>
      %add3A_1513 = arith.addi %iota3A_1294, %add3A_1512 : vector<16xi32>
      %and3A_1514 = arith.constant 63 : i32
      %and3A_1515 = vector.broadcast %and3A_1514 : i32 to vector<16xi32>
      %and3A_1516 = arith.andi %add3A_1513, %and3A_1515 : vector<16xi32>
      %add3A_1517 = arith.addi %mul3A_1310, %and3A_1516 : vector<16xi32>
      %gather3A_1518 = tpu.vector_load_idx %arg8[%add3A_1298, %add3A_1517] : memref<256x128xf32, #tpu.memory_space<vmem>>[vector<16xi32>, vector<16xi32>], vector<16xf32>,
      tpu.vector_store_idx %arg9[%and3A_1516, %add3A_1298], %gather3A_1518 : memref<64x256xf32, #tpu.memory_space<vmem>>[vector<16xi32>, vector<16xi32>], vector<16xf32>,
      %add3A_1519 = arith.constant 26 : i32
      %add3A_1520 = vector.broadcast %add3A_1519 : i32 to vector<16xi32>
      %add3A_1521 = arith.addi %iota3A_1294, %add3A_1520 : vector<16xi32>
      %and3A_1522 = arith.constant 63 : i32
      %and3A_1523 = vector.broadcast %and3A_1522 : i32 to vector<16xi32>
      %and3A_1524 = arith.andi %add3A_1521, %and3A_1523 : vector<16xi32>
      %add3A_1525 = arith.addi %mul3A_1310, %and3A_1524 : vector<16xi32>
      %gather3A_1526 = tpu.vector_load_idx %arg8[%add3A_1298, %add3A_1525] : memref<256x128xf32, #tpu.memory_space<vmem>>[vector<16xi32>, vector<16xi32>], vector<16xf32>,
      tpu.vector_store_idx %arg9[%and3A_1524, %add3A_1298], %gather3A_1526 : memref<64x256xf32, #tpu.memory_space<vmem>>[vector<16xi32>, vector<16xi32>], vector<16xf32>,
      %add3A_1527 = arith.constant 27 : i32
      %add3A_1528 = vector.broadcast %add3A_1527 : i32 to vector<16xi32>
      %add3A_1529 = arith.addi %iota3A_1294, %add3A_1528 : vector<16xi32>
      %and3A_1530 = arith.constant 63 : i32
      %and3A_1531 = vector.broadcast %and3A_1530 : i32 to vector<16xi32>
      %and3A_1532 = arith.andi %add3A_1529, %and3A_1531 : vector<16xi32>
      %add3A_1533 = arith.addi %mul3A_1310, %and3A_1532 : vector<16xi32>
      %gather3A_1534 = tpu.vector_load_idx %arg8[%add3A_1298, %add3A_1533] : memref<256x128xf32, #tpu.memory_space<vmem>>[vector<16xi32>, vector<16xi32>], vector<16xf32>,
      tpu.vector_store_idx %arg9[%and3A_1532, %add3A_1298], %gather3A_1534 : memref<64x256xf32, #tpu.memory_space<vmem>>[vector<16xi32>, vector<16xi32>], vector<16xf32>,
      %add3A_1535 = arith.constant 28 : i32
      %add3A_1536 = vector.broadcast %add3A_1535 : i32 to vector<16xi32>
      %add3A_1537 = arith.addi %iota3A_1294, %add3A_1536 : vector<16xi32>
      %and3A_1538 = arith.constant 63 : i32
      %and3A_1539 = vector.broadcast %and3A_1538 : i32 to vector<16xi32>
      %and3A_1540 = arith.andi %add3A_1537, %and3A_1539 : vector<16xi32>
      %add3A_1541 = arith.addi %mul3A_1310, %and3A_1540 : vector<16xi32>
      %gather3A_1542 = tpu.vector_load_idx %arg8[%add3A_1298, %add3A_1541] : memref<256x128xf32, #tpu.memory_space<vmem>>[vector<16xi32>, vector<16xi32>], vector<16xf32>,
      tpu.vector_store_idx %arg9[%and3A_1540, %add3A_1298], %gather3A_1542 : memref<64x256xf32, #tpu.memory_space<vmem>>[vector<16xi32>, vector<16xi32>], vector<16xf32>,
      %add3A_1543 = arith.constant 29 : i32
      %add3A_1544 = vector.broadcast %add3A_1543 : i32 to vector<16xi32>
      %add3A_1545 = arith.addi %iota3A_1294, %add3A_1544 : vector<16xi32>
      %and3A_1546 = arith.constant 63 : i32
      %and3A_1547 = vector.broadcast %and3A_1546 : i32 to vector<16xi32>
      %and3A_1548 = arith.andi %add3A_1545, %and3A_1547 : vector<16xi32>
      %add3A_1549 = arith.addi %mul3A_1310, %and3A_1548 : vector<16xi32>
      %gather3A_1550 = tpu.vector_load_idx %arg8[%add3A_1298, %add3A_1549] : memref<256x128xf32, #tpu.memory_space<vmem>>[vector<16xi32>, vector<16xi32>], vector<16xf32>,
      tpu.vector_store_idx %arg9[%and3A_1548, %add3A_1298], %gather3A_1550 : memref<64x256xf32, #tpu.memory_space<vmem>>[vector<16xi32>, vector<16xi32>], vector<16xf32>,
      %add3A_1551 = arith.constant 30 : i32
      %add3A_1552 = vector.broadcast %add3A_1551 : i32 to vector<16xi32>
      %add3A_1553 = arith.addi %iota3A_1294, %add3A_1552 : vector<16xi32>
      %and3A_1554 = arith.constant 63 : i32
      %and3A_1555 = vector.broadcast %and3A_1554 : i32 to vector<16xi32>
      %and3A_1556 = arith.andi %add3A_1553, %and3A_1555 : vector<16xi32>
      %add3A_1557 = arith.addi %mul3A_1310, %and3A_1556 : vector<16xi32>
      %gather3A_1558 = tpu.vector_load_idx %arg8[%add3A_1298, %add3A_1557] : memref<256x128xf32, #tpu.memory_space<vmem>>[vector<16xi32>, vector<16xi32>], vector<16xf32>,
      tpu.vector_store_idx %arg9[%and3A_1556, %add3A_1298], %gather3A_1558 : memref<64x256xf32, #tpu.memory_space<vmem>>[vector<16xi32>, vector<16xi32>], vector<16xf32>,
      %add3A_1559 = arith.constant 31 : i32
      %add3A_1560 = vector.broadcast %add3A_1559 : i32 to vector<16xi32>
      %add3A_1561 = arith.addi %iota3A_1294, %add3A_1560 : vector<16xi32>
      %and3A_1562 = arith.constant 63 : i32
      %and3A_1563 = vector.broadcast %and3A_1562 : i32 to vector<16xi32>
      %and3A_1564 = arith.andi %add3A_1561, %and3A_1563 : vector<16xi32>
      %add3A_1565 = arith.addi %mul3A_1310, %and3A_1564 : vector<16xi32>
      %gather3A_1566 = tpu.vector_load_idx %arg8[%add3A_1298, %add3A_1565] : memref<256x128xf32, #tpu.memory_space<vmem>>[vector<16xi32>, vector<16xi32>], vector<16xf32>,
      tpu.vector_store_idx %arg9[%and3A_1564, %add3A_1298], %gather3A_1566 : memref<64x256xf32, #tpu.memory_space<vmem>>[vector<16xi32>, vector<16xi32>], vector<16xf32>,
      %add3A_1567 = arith.constant 32 : i32
      %add3A_1568 = vector.broadcast %add3A_1567 : i32 to vector<16xi32>
      %add3A_1569 = arith.addi %iota3A_1294, %add3A_1568 : vector<16xi32>
      %and3A_1570 = arith.constant 63 : i32
      %and3A_1571 = vector.broadcast %and3A_1570 : i32 to vector<16xi32>
      %and3A_1572 = arith.andi %add3A_1569, %and3A_1571 : vector<16xi32>
      %add3A_1573 = arith.addi %mul3A_1310, %and3A_1572 : vector<16xi32>
      %gather3A_1574 = tpu.vector_load_idx %arg8[%add3A_1298, %add3A_1573] : memref<256x128xf32, #tpu.memory_space<vmem>>[vector<16xi32>, vector<16xi32>], vector<16xf32>,
      tpu.vector_store_idx %arg9[%and3A_1572, %add3A_1298], %gather3A_1574 : memref<64x256xf32, #tpu.memory_space<vmem>>[vector<16xi32>, vector<16xi32>], vector<16xf32>,
      %add3A_1575 = arith.constant 33 : i32
      %add3A_1576 = vector.broadcast %add3A_1575 : i32 to vector<16xi32>
      %add3A_1577 = arith.addi %iota3A_1294, %add3A_1576 : vector<16xi32>
      %and3A_1578 = arith.constant 63 : i32
      %and3A_1579 = vector.broadcast %and3A_1578 : i32 to vector<16xi32>
      %and3A_1580 = arith.andi %add3A_1577, %and3A_1579 : vector<16xi32>
      %add3A_1581 = arith.addi %mul3A_1310, %and3A_1580 : vector<16xi32>
      %gather3A_1582 = tpu.vector_load_idx %arg8[%add3A_1298, %add3A_1581] : memref<256x128xf32, #tpu.memory_space<vmem>>[vector<16xi32>, vector<16xi32>], vector<16xf32>,
      tpu.vector_store_idx %arg9[%and3A_1580, %add3A_1298], %gather3A_1582 : memref<64x256xf32, #tpu.memory_space<vmem>>[vector<16xi32>, vector<16xi32>], vector<16xf32>,
      %add3A_1583 = arith.constant 34 : i32
      %add3A_1584 = vector.broadcast %add3A_1583 : i32 to vector<16xi32>
      %add3A_1585 = arith.addi %iota3A_1294, %add3A_1584 : vector<16xi32>
      %and3A_1586 = arith.constant 63 : i32
      %and3A_1587 = vector.broadcast %and3A_1586 : i32 to vector<16xi32>
      %and3A_1588 = arith.andi %add3A_1585, %and3A_1587 : vector<16xi32>
      %add3A_1589 = arith.addi %mul3A_1310, %and3A_1588 : vector<16xi32>
      %gather3A_1590 = tpu.vector_load_idx %arg8[%add3A_1298, %add3A_1589] : memref<256x128xf32, #tpu.memory_space<vmem>>[vector<16xi32>, vector<16xi32>], vector<16xf32>,
      tpu.vector_store_idx %arg9[%and3A_1588, %add3A_1298], %gather3A_1590 : memref<64x256xf32, #tpu.memory_space<vmem>>[vector<16xi32>, vector<16xi32>], vector<16xf32>,
      %add3A_1591 = arith.constant 35 : i32
      %add3A_1592 = vector.broadcast %add3A_1591 : i32 to vector<16xi32>
      %add3A_1593 = arith.addi %iota3A_1294, %add3A_1592 : vector<16xi32>
      %and3A_1594 = arith.constant 63 : i32
      %and3A_1595 = vector.broadcast %and3A_1594 : i32 to vector<16xi32>
      %and3A_1596 = arith.andi %add3A_1593, %and3A_1595 : vector<16xi32>
      %add3A_1597 = arith.addi %mul3A_1310, %and3A_1596 : vector<16xi32>
      %gather3A_1598 = tpu.vector_load_idx %arg8[%add3A_1298, %add3A_1597] : memref<256x128xf32, #tpu.memory_space<vmem>>[vector<16xi32>, vector<16xi32>], vector<16xf32>,
      tpu.vector_store_idx %arg9[%and3A_1596, %add3A_1298], %gather3A_1598 : memref<64x256xf32, #tpu.memory_space<vmem>>[vector<16xi32>, vector<16xi32>], vector<16xf32>,
      %add3A_1599 = arith.constant 36 : i32
      %add3A_1600 = vector.broadcast %add3A_1599 : i32 to vector<16xi32>
      %add3A_1601 = arith.addi %iota3A_1294, %add3A_1600 : vector<16xi32>
      %and3A_1602 = arith.constant 63 : i32
      %and3A_1603 = vector.broadcast %and3A_1602 : i32 to vector<16xi32>
      %and3A_1604 = arith.andi %add3A_1601, %and3A_1603 : vector<16xi32>
      %add3A_1605 = arith.addi %mul3A_1310, %and3A_1604 : vector<16xi32>
      %gather3A_1606 = tpu.vector_load_idx %arg8[%add3A_1298, %add3A_1605] : memref<256x128xf32, #tpu.memory_space<vmem>>[vector<16xi32>, vector<16xi32>], vector<16xf32>,
      tpu.vector_store_idx %arg9[%and3A_1604, %add3A_1298], %gather3A_1606 : memref<64x256xf32, #tpu.memory_space<vmem>>[vector<16xi32>, vector<16xi32>], vector<16xf32>,
      %add3A_1607 = arith.constant 37 : i32
      %add3A_1608 = vector.broadcast %add3A_1607 : i32 to vector<16xi32>
      %add3A_1609 = arith.addi %iota3A_1294, %add3A_1608 : vector<16xi32>
      %and3A_1610 = arith.constant 63 : i32
      %and3A_1611 = vector.broadcast %and3A_1610 : i32 to vector<16xi32>
      %and3A_1612 = arith.andi %add3A_1609, %and3A_1611 : vector<16xi32>
      %add3A_1613 = arith.addi %mul3A_1310, %and3A_1612 : vector<16xi32>
      %gather3A_1614 = tpu.vector_load_idx %arg8[%add3A_1298, %add3A_1613] : memref<256x128xf32, #tpu.memory_space<vmem>>[vector<16xi32>, vector<16xi32>], vector<16xf32>,
      tpu.vector_store_idx %arg9[%and3A_1612, %add3A_1298], %gather3A_1614 : memref<64x256xf32, #tpu.memory_space<vmem>>[vector<16xi32>, vector<16xi32>], vector<16xf32>,
      %add3A_1615 = arith.constant 38 : i32
      %add3A_1616 = vector.broadcast %add3A_1615 : i32 to vector<16xi32>
      %add3A_1617 = arith.addi %iota3A_1294, %add3A_1616 : vector<16xi32>
      %and3A_1618 = arith.constant 63 : i32
      %and3A_1619 = vector.broadcast %and3A_1618 : i32 to vector<16xi32>
      %and3A_1620 = arith.andi %add3A_1617, %and3A_1619 : vector<16xi32>
      %add3A_1621 = arith.addi %mul3A_1310, %and3A_1620 : vector<16xi32>
      %gather3A_1622 = tpu.vector_load_idx %arg8[%add3A_1298, %add3A_1621] : memref<256x128xf32, #tpu.memory_space<vmem>>[vector<16xi32>, vector<16xi32>], vector<16xf32>,
      tpu.vector_store_idx %arg9[%and3A_1620, %add3A_1298], %gather3A_1622 : memref<64x256xf32, #tpu.memory_space<vmem>>[vector<16xi32>, vector<16xi32>], vector<16xf32>,
      %add3A_1623 = arith.constant 39 : i32
      %add3A_1624 = vector.broadcast %add3A_1623 : i32 to vector<16xi32>
      %add3A_1625 = arith.addi %iota3A_1294, %add3A_1624 : vector<16xi32>
      %and3A_1626 = arith.constant 63 : i32
      %and3A_1627 = vector.broadcast %and3A_1626 : i32 to vector<16xi32>
      %and3A_1628 = arith.andi %add3A_1625, %and3A_1627 : vector<16xi32>
      %add3A_1629 = arith.addi %mul3A_1310, %and3A_1628 : vector<16xi32>
      %gather3A_1630 = tpu.vector_load_idx %arg8[%add3A_1298, %add3A_1629] : memref<256x128xf32, #tpu.memory_space<vmem>>[vector<16xi32>, vector<16xi32>], vector<16xf32>,
      tpu.vector_store_idx %arg9[%and3A_1628, %add3A_1298], %gather3A_1630 : memref<64x256xf32, #tpu.memory_space<vmem>>[vector<16xi32>, vector<16xi32>], vector<16xf32>,
      %add3A_1631 = arith.constant 40 : i32
      %add3A_1632 = vector.broadcast %add3A_1631 : i32 to vector<16xi32>
      %add3A_1633 = arith.addi %iota3A_1294, %add3A_1632 : vector<16xi32>
      %and3A_1634 = arith.constant 63 : i32
      %and3A_1635 = vector.broadcast %and3A_1634 : i32 to vector<16xi32>
      %and3A_1636 = arith.andi %add3A_1633, %and3A_1635 : vector<16xi32>
      %add3A_1637 = arith.addi %mul3A_1310, %and3A_1636 : vector<16xi32>
      %gather3A_1638 = tpu.vector_load_idx %arg8[%add3A_1298, %add3A_1637] : memref<256x128xf32, #tpu.memory_space<vmem>>[vector<16xi32>, vector<16xi32>], vector<16xf32>,
      tpu.vector_store_idx %arg9[%and3A_1636, %add3A_1298], %gather3A_1638 : memref<64x256xf32, #tpu.memory_space<vmem>>[vector<16xi32>, vector<16xi32>], vector<16xf32>,
      %add3A_1639 = arith.constant 41 : i32
      %add3A_1640 = vector.broadcast %add3A_1639 : i32 to vector<16xi32>
      %add3A_1641 = arith.addi %iota3A_1294, %add3A_1640 : vector<16xi32>
      %and3A_1642 = arith.constant 63 : i32
      %and3A_1643 = vector.broadcast %and3A_1642 : i32 to vector<16xi32>
      %and3A_1644 = arith.andi %add3A_1641, %and3A_1643 : vector<16xi32>
      %add3A_1645 = arith.addi %mul3A_1310, %and3A_1644 : vector<16xi32>
      %gather3A_1646 = tpu.vector_load_idx %arg8[%add3A_1298, %add3A_1645] : memref<256x128xf32, #tpu.memory_space<vmem>>[vector<16xi32>, vector<16xi32>], vector<16xf32>,
      tpu.vector_store_idx %arg9[%and3A_1644, %add3A_1298], %gather3A_1646 : memref<64x256xf32, #tpu.memory_space<vmem>>[vector<16xi32>, vector<16xi32>], vector<16xf32>,
      %add3A_1647 = arith.constant 42 : i32
      %add3A_1648 = vector.broadcast %add3A_1647 : i32 to vector<16xi32>
      %add3A_1649 = arith.addi %iota3A_1294, %add3A_1648 : vector<16xi32>
      %and3A_1650 = arith.constant 63 : i32
      %and3A_1651 = vector.broadcast %and3A_1650 : i32 to vector<16xi32>
      %and3A_1652 = arith.andi %add3A_1649, %and3A_1651 : vector<16xi32>
      %add3A_1653 = arith.addi %mul3A_1310, %and3A_1652 : vector<16xi32>
      %gather3A_1654 = tpu.vector_load_idx %arg8[%add3A_1298, %add3A_1653] : memref<256x128xf32, #tpu.memory_space<vmem>>[vector<16xi32>, vector<16xi32>], vector<16xf32>,
      tpu.vector_store_idx %arg9[%and3A_1652, %add3A_1298], %gather3A_1654 : memref<64x256xf32, #tpu.memory_space<vmem>>[vector<16xi32>, vector<16xi32>], vector<16xf32>,
      %add3A_1655 = arith.constant 43 : i32
      %add3A_1656 = vector.broadcast %add3A_1655 : i32 to vector<16xi32>
      %add3A_1657 = arith.addi %iota3A_1294, %add3A_1656 : vector<16xi32>
      %and3A_1658 = arith.constant 63 : i32
      %and3A_1659 = vector.broadcast %and3A_1658 : i32 to vector<16xi32>
      %and3A_1660 = arith.andi %add3A_1657, %and3A_1659 : vector<16xi32>
      %add3A_1661 = arith.addi %mul3A_1310, %and3A_1660 : vector<16xi32>
      %gather3A_1662 = tpu.vector_load_idx %arg8[%add3A_1298, %add3A_1661] : memref<256x128xf32, #tpu.memory_space<vmem>>[vector<16xi32>, vector<16xi32>], vector<16xf32>,
      tpu.vector_store_idx %arg9[%and3A_1660, %add3A_1298], %gather3A_1662 : memref<64x256xf32, #tpu.memory_space<vmem>>[vector<16xi32>, vector<16xi32>], vector<16xf32>,
      %add3A_1663 = arith.constant 44 : i32
      %add3A_1664 = vector.broadcast %add3A_1663 : i32 to vector<16xi32>
      %add3A_1665 = arith.addi %iota3A_1294, %add3A_1664 : vector<16xi32>
      %and3A_1666 = arith.constant 63 : i32
      %and3A_1667 = vector.broadcast %and3A_1666 : i32 to vector<16xi32>
      %and3A_1668 = arith.andi %add3A_1665, %and3A_1667 : vector<16xi32>
      %add3A_1669 = arith.addi %mul3A_1310, %and3A_1668 : vector<16xi32>
      %gather3A_1670 = tpu.vector_load_idx %arg8[%add3A_1298, %add3A_1669] : memref<256x128xf32, #tpu.memory_space<vmem>>[vector<16xi32>, vector<16xi32>], vector<16xf32>,
      tpu.vector_store_idx %arg9[%and3A_1668, %add3A_1298], %gather3A_1670 : memref<64x256xf32, #tpu.memory_space<vmem>>[vector<16xi32>, vector<16xi32>], vector<16xf32>,
      %add3A_1671 = arith.constant 45 : i32
      %add3A_1672 = vector.broadcast %add3A_1671 : i32 to vector<16xi32>
      %add3A_1673 = arith.addi %iota3A_1294, %add3A_1672 : vector<16xi32>
      %and3A_1674 = arith.constant 63 : i32
      %and3A_1675 = vector.broadcast %and3A_1674 : i32 to vector<16xi32>
      %and3A_1676 = arith.andi %add3A_1673, %and3A_1675 : vector<16xi32>
      %add3A_1677 = arith.addi %mul3A_1310, %and3A_1676 : vector<16xi32>
      %gather3A_1678 = tpu.vector_load_idx %arg8[%add3A_1298, %add3A_1677] : memref<256x128xf32, #tpu.memory_space<vmem>>[vector<16xi32>, vector<16xi32>], vector<16xf32>,
      tpu.vector_store_idx %arg9[%and3A_1676, %add3A_1298], %gather3A_1678 : memref<64x256xf32, #tpu.memory_space<vmem>>[vector<16xi32>, vector<16xi32>], vector<16xf32>,
      %add3A_1679 = arith.constant 46 : i32
      %add3A_1680 = vector.broadcast %add3A_1679 : i32 to vector<16xi32>
      %add3A_1681 = arith.addi %iota3A_1294, %add3A_1680 : vector<16xi32>
      %and3A_1682 = arith.constant 63 : i32
      %and3A_1683 = vector.broadcast %and3A_1682 : i32 to vector<16xi32>
      %and3A_1684 = arith.andi %add3A_1681, %and3A_1683 : vector<16xi32>
      %add3A_1685 = arith.addi %mul3A_1310, %and3A_1684 : vector<16xi32>
      %gather3A_1686 = tpu.vector_load_idx %arg8[%add3A_1298, %add3A_1685] : memref<256x128xf32, #tpu.memory_space<vmem>>[vector<16xi32>, vector<16xi32>], vector<16xf32>,
      tpu.vector_store_idx %arg9[%and3A_1684, %add3A_1298], %gather3A_1686 : memref<64x256xf32, #tpu.memory_space<vmem>>[vector<16xi32>, vector<16xi32>], vector<16xf32>,
      %add3A_1687 = arith.constant 47 : i32
      %add3A_1688 = vector.broadcast %add3A_1687 : i32 to vector<16xi32>
      %add3A_1689 = arith.addi %iota3A_1294, %add3A_1688 : vector<16xi32>
      %and3A_1690 = arith.constant 63 : i32
      %and3A_1691 = vector.broadcast %and3A_1690 : i32 to vector<16xi32>
      %and3A_1692 = arith.andi %add3A_1689, %and3A_1691 : vector<16xi32>
      %add3A_1693 = arith.addi %mul3A_1310, %and3A_1692 : vector<16xi32>
      %gather3A_1694 = tpu.vector_load_idx %arg8[%add3A_1298, %add3A_1693] : memref<256x128xf32, #tpu.memory_space<vmem>>[vector<16xi32>, vector<16xi32>], vector<16xf32>,
      tpu.vector_store_idx %arg9[%and3A_1692, %add3A_1298], %gather3A_1694 : memref<64x256xf32, #tpu.memory_space<vmem>>[vector<16xi32>, vector<16xi32>], vector<16xf32>,
      %add3A_1695 = arith.constant 48 : i32
      %add3A_1696 = vector.broadcast %add3A_1695 : i32 to vector<16xi32>
      %add3A_1697 = arith.addi %iota3A_1294, %add3A_1696 : vector<16xi32>
      %and3A_1698 = arith.constant 63 : i32
      %and3A_1699 = vector.broadcast %and3A_1698 : i32 to vector<16xi32>
      %and3A_1700 = arith.andi %add3A_1697, %and3A_1699 : vector<16xi32>
      %add3A_1701 = arith.addi %mul3A_1310, %and3A_1700 : vector<16xi32>
      %gather3A_1702 = tpu.vector_load_idx %arg8[%add3A_1298, %add3A_1701] : memref<256x128xf32, #tpu.memory_space<vmem>>[vector<16xi32>, vector<16xi32>], vector<16xf32>,
      tpu.vector_store_idx %arg9[%and3A_1700, %add3A_1298], %gather3A_1702 : memref<64x256xf32, #tpu.memory_space<vmem>>[vector<16xi32>, vector<16xi32>], vector<16xf32>,
      %add3A_1703 = arith.constant 49 : i32
      %add3A_1704 = vector.broadcast %add3A_1703 : i32 to vector<16xi32>
      %add3A_1705 = arith.addi %iota3A_1294, %add3A_1704 : vector<16xi32>
      %and3A_1706 = arith.constant 63 : i32
      %and3A_1707 = vector.broadcast %and3A_1706 : i32 to vector<16xi32>
      %and3A_1708 = arith.andi %add3A_1705, %and3A_1707 : vector<16xi32>
      %add3A_1709 = arith.addi %mul3A_1310, %and3A_1708 : vector<16xi32>
      %gather3A_1710 = tpu.vector_load_idx %arg8[%add3A_1298, %add3A_1709] : memref<256x128xf32, #tpu.memory_space<vmem>>[vector<16xi32>, vector<16xi32>], vector<16xf32>,
      tpu.vector_store_idx %arg9[%and3A_1708, %add3A_1298], %gather3A_1710 : memref<64x256xf32, #tpu.memory_space<vmem>>[vector<16xi32>, vector<16xi32>], vector<16xf32>,
      %add3A_1711 = arith.constant 50 : i32
      %add3A_1712 = vector.broadcast %add3A_1711 : i32 to vector<16xi32>
      %add3A_1713 = arith.addi %iota3A_1294, %add3A_1712 : vector<16xi32>
      %and3A_1714 = arith.constant 63 : i32
      %and3A_1715 = vector.broadcast %and3A_1714 : i32 to vector<16xi32>
      %and3A_1716 = arith.andi %add3A_1713, %and3A_1715 : vector<16xi32>
      %add3A_1717 = arith.addi %mul3A_1310, %and3A_1716 : vector<16xi32>
      %gather3A_1718 = tpu.vector_load_idx %arg8[%add3A_1298, %add3A_1717] : memref<256x128xf32, #tpu.memory_space<vmem>>[vector<16xi32>, vector<16xi32>], vector<16xf32>,
      tpu.vector_store_idx %arg9[%and3A_1716, %add3A_1298], %gather3A_1718 : memref<64x256xf32, #tpu.memory_space<vmem>>[vector<16xi32>, vector<16xi32>], vector<16xf32>,
      %add3A_1719 = arith.constant 51 : i32
      %add3A_1720 = vector.broadcast %add3A_1719 : i32 to vector<16xi32>
      %add3A_1721 = arith.addi %iota3A_1294, %add3A_1720 : vector<16xi32>
      %and3A_1722 = arith.constant 63 : i32
      %and3A_1723 = vector.broadcast %and3A_1722 : i32 to vector<16xi32>
      %and3A_1724 = arith.andi %add3A_1721, %and3A_1723 : vector<16xi32>
      %add3A_1725 = arith.addi %mul3A_1310, %and3A_1724 : vector<16xi32>
      %gather3A_1726 = tpu.vector_load_idx %arg8[%add3A_1298, %add3A_1725] : memref<256x128xf32, #tpu.memory_space<vmem>>[vector<16xi32>, vector<16xi32>], vector<16xf32>,
      tpu.vector_store_idx %arg9[%and3A_1724, %add3A_1298], %gather3A_1726 : memref<64x256xf32, #tpu.memory_space<vmem>>[vector<16xi32>, vector<16xi32>], vector<16xf32>,
      %add3A_1727 = arith.constant 52 : i32
      %add3A_1728 = vector.broadcast %add3A_1727 : i32 to vector<16xi32>
      %add3A_1729 = arith.addi %iota3A_1294, %add3A_1728 : vector<16xi32>
      %and3A_1730 = arith.constant 63 : i32
      %and3A_1731 = vector.broadcast %and3A_1730 : i32 to vector<16xi32>
      %and3A_1732 = arith.andi %add3A_1729, %and3A_1731 : vector<16xi32>
      %add3A_1733 = arith.addi %mul3A_1310, %and3A_1732 : vector<16xi32>
      %gather3A_1734 = tpu.vector_load_idx %arg8[%add3A_1298, %add3A_1733] : memref<256x128xf32, #tpu.memory_space<vmem>>[vector<16xi32>, vector<16xi32>], vector<16xf32>,
      tpu.vector_store_idx %arg9[%and3A_1732, %add3A_1298], %gather3A_1734 : memref<64x256xf32, #tpu.memory_space<vmem>>[vector<16xi32>, vector<16xi32>], vector<16xf32>,
      %add3A_1735 = arith.constant 53 : i32
      %add3A_1736 = vector.broadcast %add3A_1735 : i32 to vector<16xi32>
      %add3A_1737 = arith.addi %iota3A_1294, %add3A_1736 : vector<16xi32>
      %and3A_1738 = arith.constant 63 : i32
      %and3A_1739 = vector.broadcast %and3A_1738 : i32 to vector<16xi32>
      %and3A_1740 = arith.andi %add3A_1737, %and3A_1739 : vector<16xi32>
      %add3A_1741 = arith.addi %mul3A_1310, %and3A_1740 : vector<16xi32>
      %gather3A_1742 = tpu.vector_load_idx %arg8[%add3A_1298, %add3A_1741] : memref<256x128xf32, #tpu.memory_space<vmem>>[vector<16xi32>, vector<16xi32>], vector<16xf32>,
      tpu.vector_store_idx %arg9[%and3A_1740, %add3A_1298], %gather3A_1742 : memref<64x256xf32, #tpu.memory_space<vmem>>[vector<16xi32>, vector<16xi32>], vector<16xf32>,
      %add3A_1743 = arith.constant 54 : i32
      %add3A_1744 = vector.broadcast %add3A_1743 : i32 to vector<16xi32>
      %add3A_1745 = arith.addi %iota3A_1294, %add3A_1744 : vector<16xi32>
      %and3A_1746 = arith.constant 63 : i32
      %and3A_1747 = vector.broadcast %and3A_1746 : i32 to vector<16xi32>
      %and3A_1748 = arith.andi %add3A_1745, %and3A_1747 : vector<16xi32>
      %add3A_1749 = arith.addi %mul3A_1310, %and3A_1748 : vector<16xi32>
      %gather3A_1750 = tpu.vector_load_idx %arg8[%add3A_1298, %add3A_1749] : memref<256x128xf32, #tpu.memory_space<vmem>>[vector<16xi32>, vector<16xi32>], vector<16xf32>,
      tpu.vector_store_idx %arg9[%and3A_1748, %add3A_1298], %gather3A_1750 : memref<64x256xf32, #tpu.memory_space<vmem>>[vector<16xi32>, vector<16xi32>], vector<16xf32>,
      %add3A_1751 = arith.constant 55 : i32
      %add3A_1752 = vector.broadcast %add3A_1751 : i32 to vector<16xi32>
      %add3A_1753 = arith.addi %iota3A_1294, %add3A_1752 : vector<16xi32>
      %and3A_1754 = arith.constant 63 : i32
      %and3A_1755 = vector.broadcast %and3A_1754 : i32 to vector<16xi32>
      %and3A_1756 = arith.andi %add3A_1753, %and3A_1755 : vector<16xi32>
      %add3A_1757 = arith.addi %mul3A_1310, %and3A_1756 : vector<16xi32>
      %gather3A_1758 = tpu.vector_load_idx %arg8[%add3A_1298, %add3A_1757] : memref<256x128xf32, #tpu.memory_space<vmem>>[vector<16xi32>, vector<16xi32>], vector<16xf32>,
      tpu.vector_store_idx %arg9[%and3A_1756, %add3A_1298], %gather3A_1758 : memref<64x256xf32, #tpu.memory_space<vmem>>[vector<16xi32>, vector<16xi32>], vector<16xf32>,
      %add3A_1759 = arith.constant 56 : i32
      %add3A_1760 = vector.broadcast %add3A_1759 : i32 to vector<16xi32>
      %add3A_1761 = arith.addi %iota3A_1294, %add3A_1760 : vector<16xi32>
      %and3A_1762 = arith.constant 63 : i32
      %and3A_1763 = vector.broadcast %and3A_1762 : i32 to vector<16xi32>
      %and3A_1764 = arith.andi %add3A_1761, %and3A_1763 : vector<16xi32>
      %add3A_1765 = arith.addi %mul3A_1310, %and3A_1764 : vector<16xi32>
      %gather3A_1766 = tpu.vector_load_idx %arg8[%add3A_1298, %add3A_1765] : memref<256x128xf32, #tpu.memory_space<vmem>>[vector<16xi32>, vector<16xi32>], vector<16xf32>,
      tpu.vector_store_idx %arg9[%and3A_1764, %add3A_1298], %gather3A_1766 : memref<64x256xf32, #tpu.memory_space<vmem>>[vector<16xi32>, vector<16xi32>], vector<16xf32>,
      %add3A_1767 = arith.constant 57 : i32
      %add3A_1768 = vector.broadcast %add3A_1767 : i32 to vector<16xi32>
      %add3A_1769 = arith.addi %iota3A_1294, %add3A_1768 : vector<16xi32>
      %and3A_1770 = arith.constant 63 : i32
      %and3A_1771 = vector.broadcast %and3A_1770 : i32 to vector<16xi32>
      %and3A_1772 = arith.andi %add3A_1769, %and3A_1771 : vector<16xi32>
      %add3A_1773 = arith.addi %mul3A_1310, %and3A_1772 : vector<16xi32>
      %gather3A_1774 = tpu.vector_load_idx %arg8[%add3A_1298, %add3A_1773] : memref<256x128xf32, #tpu.memory_space<vmem>>[vector<16xi32>, vector<16xi32>], vector<16xf32>,
      tpu.vector_store_idx %arg9[%and3A_1772, %add3A_1298], %gather3A_1774 : memref<64x256xf32, #tpu.memory_space<vmem>>[vector<16xi32>, vector<16xi32>], vector<16xf32>,
      %add3A_1775 = arith.constant 58 : i32
      %add3A_1776 = vector.broadcast %add3A_1775 : i32 to vector<16xi32>
      %add3A_1777 = arith.addi %iota3A_1294, %add3A_1776 : vector<16xi32>
      %and3A_1778 = arith.constant 63 : i32
      %and3A_1779 = vector.broadcast %and3A_1778 : i32 to vector<16xi32>
      %and3A_1780 = arith.andi %add3A_1777, %and3A_1779 : vector<16xi32>
      %add3A_1781 = arith.addi %mul3A_1310, %and3A_1780 : vector<16xi32>
      %gather3A_1782 = tpu.vector_load_idx %arg8[%add3A_1298, %add3A_1781] : memref<256x128xf32, #tpu.memory_space<vmem>>[vector<16xi32>, vector<16xi32>], vector<16xf32>,
      tpu.vector_store_idx %arg9[%and3A_1780, %add3A_1298], %gather3A_1782 : memref<64x256xf32, #tpu.memory_space<vmem>>[vector<16xi32>, vector<16xi32>], vector<16xf32>,
      %add3A_1783 = arith.constant 59 : i32
      %add3A_1784 = vector.broadcast %add3A_1783 : i32 to vector<16xi32>
      %add3A_1785 = arith.addi %iota3A_1294, %add3A_1784 : vector<16xi32>
      %and3A_1786 = arith.constant 63 : i32
      %and3A_1787 = vector.broadcast %and3A_1786 : i32 to vector<16xi32>
      %and3A_1788 = arith.andi %add3A_1785, %and3A_1787 : vector<16xi32>
      %add3A_1789 = arith.addi %mul3A_1310, %and3A_1788 : vector<16xi32>
      %gather3A_1790 = tpu.vector_load_idx %arg8[%add3A_1298, %add3A_1789] : memref<256x128xf32, #tpu.memory_space<vmem>>[vector<16xi32>, vector<16xi32>], vector<16xf32>,
      tpu.vector_store_idx %arg9[%and3A_1788, %add3A_1298], %gather3A_1790 : memref<64x256xf32, #tpu.memory_space<vmem>>[vector<16xi32>, vector<16xi32>], vector<16xf32>,
      %add3A_1791 = arith.constant 60 : i32
      %add3A_1792 = vector.broadcast %add3A_1791 : i32 to vector<16xi32>
      %add3A_1793 = arith.addi %iota3A_1294, %add3A_1792 : vector<16xi32>
      %and3A_1794 = arith.constant 63 : i32
      %and3A_1795 = vector.broadcast %and3A_1794 : i32 to vector<16xi32>
      %and3A_1796 = arith.andi %add3A_1793, %and3A_1795 : vector<16xi32>
      %add3A_1797 = arith.addi %mul3A_1310, %and3A_1796 : vector<16xi32>
      %gather3A_1798 = tpu.vector_load_idx %arg8[%add3A_1298, %add3A_1797] : memref<256x128xf32, #tpu.memory_space<vmem>>[vector<16xi32>, vector<16xi32>], vector<16xf32>,
      tpu.vector_store_idx %arg9[%and3A_1796, %add3A_1298], %gather3A_1798 : memref<64x256xf32, #tpu.memory_space<vmem>>[vector<16xi32>, vector<16xi32>], vector<16xf32>,
      %add3A_1799 = arith.constant 61 : i32
      %add3A_1800 = vector.broadcast %add3A_1799 : i32 to vector<16xi32>
      %add3A_1801 = arith.addi %iota3A_1294, %add3A_1800 : vector<16xi32>
      %and3A_1802 = arith.constant 63 : i32
      %and3A_1803 = vector.broadcast %and3A_1802 : i32 to vector<16xi32>
      %and3A_1804 = arith.andi %add3A_1801, %and3A_1803 : vector<16xi32>
      %add3A_1805 = arith.addi %mul3A_1310, %and3A_1804 : vector<16xi32>
      %gather3A_1806 = tpu.vector_load_idx %arg8[%add3A_1298, %add3A_1805] : memref<256x128xf32, #tpu.memory_space<vmem>>[vector<16xi32>, vector<16xi32>], vector<16xf32>,
      tpu.vector_store_idx %arg9[%and3A_1804, %add3A_1298], %gather3A_1806 : memref<64x256xf32, #tpu.memory_space<vmem>>[vector<16xi32>, vector<16xi32>], vector<16xf32>,
      %add3A_1807 = arith.constant 62 : i32
      %add3A_1808 = vector.broadcast %add3A_1807 : i32 to vector<16xi32>
      %add3A_1809 = arith.addi %iota3A_1294, %add3A_1808 : vector<16xi32>
      %and3A_1810 = arith.constant 63 : i32
      %and3A_1811 = vector.broadcast %and3A_1810 : i32 to vector<16xi32>
      %and3A_1812 = arith.andi %add3A_1809, %and3A_1811 : vector<16xi32>
      %add3A_1813 = arith.addi %mul3A_1310, %and3A_1812 : vector<16xi32>
      %gather3A_1814 = tpu.vector_load_idx %arg8[%add3A_1298, %add3A_1813] : memref<256x128xf32, #tpu.memory_space<vmem>>[vector<16xi32>, vector<16xi32>], vector<16xf32>,
      tpu.vector_store_idx %arg9[%and3A_1812, %add3A_1298], %gather3A_1814 : memref<64x256xf32, #tpu.memory_space<vmem>>[vector<16xi32>, vector<16xi32>], vector<16xf32>,
      %add3A_1815 = arith.constant 63 : i32
      %add3A_1816 = vector.broadcast %add3A_1815 : i32 to vector<16xi32>
      %add3A_1817 = arith.addi %iota3A_1294, %add3A_1816 : vector<16xi32>
      %and3A_1818 = arith.constant 63 : i32
      %and3A_1819 = vector.broadcast %and3A_1818 : i32 to vector<16xi32>
      %and3A_1820 = arith.andi %add3A_1817, %and3A_1819 : vector<16xi32>
      %add3A_1821 = arith.addi %mul3A_1310, %and3A_1820 : vector<16xi32>
      %gather3A_1822 = tpu.vector_load_idx %arg8[%add3A_1298, %add3A_1821] : memref<256x128xf32, #tpu.memory_space<vmem>>[vector<16xi32>, vector<16xi32>], vector<16xf32>,
      tpu.vector_store_idx %arg9[%and3A_1820, %add3A_1298], %gather3A_1822 : memref<64x256xf32, #tpu.memory_space<vmem>>[vector<16xi32>, vector<16xi32>], vector<16xf32>,
      %scan3A_1823 = arith.constant 0 : i32
      scf.yield %scan3A_1823 : i32
    }
    %scan3A_510 = arith.constant 16 : i32
    %add3A_511 = arith.constant 256 : i32
    %add3A_512 = arith.addi %mul3A_2, %add3A_511 : i32
    %dma_start3A_513 = arith.constant 0 : i32
    %dma_start3A_514 = tpu.memref_slice %arg5[%dma_start3A_513, %add3A_512] : memref<64x116384xf32, #tpu.memory_space<hbm>> -> memref<64x256xf32, #tpu.memory_space<hbm>>
    %dma_start3A_515 = arith.constant 0 : i32
    %dma_start3A_516 = tpu.memref_slice %arg5[%dma_start3A_515, %add3A_512] : memref<64x116384xf32, #tpu.memory_space<hbm>> -> memref<64x256xf32, #tpu.memory_space<hbm>>
    tpu.enqueue_dma source(%arg9 : memref<64x256xf32, #tpu.memory_space<vmem>>) target(%dma_start3A_516 : memref<64x256xf32, #tpu.memory_space<hbm>>) target_semaphore(%arg18 : memref<!tpu.dma_semaphore, #tpu.memory_space<semaphore_mem>>)
    %dma_wait3A_517 = arith.constant 0 : i32
    %dma_wait3A_518 = tpu.memref_slice %arg4[%dma_wait3A_517, %add3A_462] : memref<64x100000xf32, #tpu.memory_space<hbm>> -> memref<64x256xf32, #tpu.memory_space<hbm>>
    %dma_wait3A_519 = arith.constant 0 : i32
    %dma_wait3A_520 = tpu.memref_slice %arg4[%dma_wait3A_519, %add3A_462] : memref<64x100000xf32, #tpu.memory_space<hbm>> -> memref<64x256xf32, #tpu.memory_space<hbm>>
    tpu.wait_dma2 semaphore(%arg16 : memref<!tpu.dma_semaphore, #tpu.memory_space<semaphore_mem>>) src(%dma_wait3A_520 : memref<64x256xf32, #tpu.memory_space<hbm>>) dst(%arg10 : memref<64x256xf32, #tpu.memory_space<vmem>>)
    %min3A_521 = arith.constant 1024 : i32
    %min3A_522 = arith.constant 2944 : i32
    %min3A_523 = arith.minsi %min3A_521, %min3A_522 : i32
    %multiple_of3A_524 = tpu.assume_multiple %min3A_523, 128 : i32
    %add3A_525 = arith.addi %mul3A_4, %multiple_of3A_524 : i32
    %add3A_526 = arith.constant 16384 : i32
    %add3A_527 = arith.addi %add3A_526, %add3A_525 : i32
    %dma_start3A_528 = arith.constant 0 : i32
    %dma_start3A_529 = tpu.memref_slice %arg5[%dma_start3A_528, %add3A_527] : memref<64x116384xf32, #tpu.memory_space<hbm>> -> memref<64x256xf32, #tpu.memory_space<hbm>>
    %dma_start3A_530 = arith.constant 0 : i32
    %dma_start3A_531 = tpu.memref_slice %arg5[%dma_start3A_530, %add3A_527] : memref<64x116384xf32, #tpu.memory_space<hbm>> -> memref<64x256xf32, #tpu.memory_space<hbm>>
    tpu.enqueue_dma source(%arg10 : memref<64x256xf32, #tpu.memory_space<vmem>>) target(%dma_start3A_531 : memref<64x256xf32, #tpu.memory_space<hbm>>) target_semaphore(%arg17 : memref<!tpu.dma_semaphore, #tpu.memory_space<semaphore_mem>>)
    %dma_wait3A_532 = arith.constant 0 : i32
    %dma_wait3A_533 = tpu.memref_slice %arg5[%dma_wait3A_532, %add3A_434] : memref<64x116384xf32, #tpu.memory_space<hbm>> -> memref<64x256xf32, #tpu.memory_space<hbm>>
    %dma_wait3A_534 = arith.constant 0 : i32
    %dma_wait3A_535 = tpu.memref_slice %arg5[%dma_wait3A_534, %add3A_434] : memref<64x116384xf32, #tpu.memory_space<hbm>> -> memref<64x256xf32, #tpu.memory_space<hbm>>
    tpu.wait_dma2 semaphore(%arg17 : memref<!tpu.dma_semaphore, #tpu.memory_space<semaphore_mem>>) src(%arg12 : memref<64x256xf32, #tpu.memory_space<vmem>>) dst(%dma_wait3A_535 : memref<64x256xf32, #tpu.memory_space<hbm>>)
    %min3A_536 = arith.constant 1536 : i32
    %min3A_537 = arith.constant 2944 : i32
    %min3A_538 = arith.minsi %min3A_536, %min3A_537 : i32
    %multiple_of3A_539 = tpu.assume_multiple %min3A_538, 128 : i32
    %add3A_540 = arith.addi %mul3A_4, %multiple_of3A_539 : i32
    %dma_start3A_541 = arith.constant 0 : i32
    %dma_start3A_542 = tpu.memref_slice %arg4[%dma_start3A_541, %add3A_540] : memref<64x100000xf32, #tpu.memory_space<hbm>> -> memref<64x256xf32, #tpu.memory_space<hbm>>
    %dma_start3A_543 = arith.constant 0 : i32
    %dma_start3A_544 = tpu.memref_slice %arg4[%dma_start3A_543, %add3A_540] : memref<64x100000xf32, #tpu.memory_space<hbm>> -> memref<64x256xf32, #tpu.memory_space<hbm>>
    tpu.enqueue_dma source(%dma_start3A_544 : memref<64x256xf32, #tpu.memory_space<hbm>>) target(%arg12 : memref<64x256xf32, #tpu.memory_space<vmem>>) target_semaphore(%arg16 : memref<!tpu.dma_semaphore, #tpu.memory_space<semaphore_mem>>)
    %dma_wait3A_545 = arith.constant 0 : i32
    %dma_wait3A_546 = tpu.memref_slice %arg4[%dma_wait3A_545, %add3A_475] : memref<64x100000xf32, #tpu.memory_space<hbm>> -> memref<64x256xf32, #tpu.memory_space<hbm>>
    %dma_wait3A_547 = arith.constant 0 : i32
    %dma_wait3A_548 = tpu.memref_slice %arg4[%dma_wait3A_547, %add3A_475] : memref<64x100000xf32, #tpu.memory_space<hbm>> -> memref<64x256xf32, #tpu.memory_space<hbm>>
    tpu.wait_dma2 semaphore(%arg16 : memref<!tpu.dma_semaphore, #tpu.memory_space<semaphore_mem>>) src(%dma_wait3A_548 : memref<64x256xf32, #tpu.memory_space<hbm>>) dst(%arg11 : memref<64x256xf32, #tpu.memory_space<vmem>>)
    %min3A_549 = arith.constant 1280 : i32
    %min3A_550 = arith.constant 2944 : i32
    %min3A_551 = arith.minsi %min3A_549, %min3A_550 : i32
    %multiple_of3A_552 = tpu.assume_multiple %min3A_551, 128 : i32
    %add3A_553 = arith.addi %mul3A_4, %multiple_of3A_552 : i32
    %add3A_554 = arith.constant 16384 : i32
    %add3A_555 = arith.addi %add3A_554, %add3A_553 : i32
    %dma_start3A_556 = arith.constant 0 : i32
    %dma_start3A_557 = tpu.memref_slice %arg5[%dma_start3A_556, %add3A_555] : memref<64x116384xf32, #tpu.memory_space<hbm>> -> memref<64x256xf32, #tpu.memory_space<hbm>>
    %dma_start3A_558 = arith.constant 0 : i32
    %dma_start3A_559 = tpu.memref_slice %arg5[%dma_start3A_558, %add3A_555] : memref<64x116384xf32, #tpu.memory_space<hbm>> -> memref<64x256xf32, #tpu.memory_space<hbm>>
    tpu.enqueue_dma source(%arg11 : memref<64x256xf32, #tpu.memory_space<vmem>>) target(%dma_start3A_559 : memref<64x256xf32, #tpu.memory_space<hbm>>) target_semaphore(%arg17 : memref<!tpu.dma_semaphore, #tpu.memory_space<semaphore_mem>>)
    %dma_wait3A_560 = arith.constant 0 : i32
    %dma_wait3A_561 = tpu.memref_slice %arg5[%dma_wait3A_560, %add3A_449] : memref<64x116384xf32, #tpu.memory_space<hbm>> -> memref<64x256xf32, #tpu.memory_space<hbm>>
    %dma_wait3A_562 = arith.constant 0 : i32
    %dma_wait3A_563 = tpu.memref_slice %arg5[%dma_wait3A_562, %add3A_449] : memref<64x116384xf32, #tpu.memory_space<hbm>> -> memref<64x256xf32, #tpu.memory_space<hbm>>
    tpu.wait_dma2 semaphore(%arg17 : memref<!tpu.dma_semaphore, #tpu.memory_space<semaphore_mem>>) src(%arg13 : memref<64x256xf32, #tpu.memory_space<vmem>>) dst(%dma_wait3A_563 : memref<64x256xf32, #tpu.memory_space<hbm>>)
    %min3A_564 = arith.constant 1792 : i32
    %min3A_565 = arith.constant 2944 : i32
    %min3A_566 = arith.minsi %min3A_564, %min3A_565 : i32
    %multiple_of3A_567 = tpu.assume_multiple %min3A_566, 128 : i32
    %add3A_568 = arith.addi %mul3A_4, %multiple_of3A_567 : i32
    %dma_start3A_569 = arith.constant 0 : i32
    %dma_start3A_570 = tpu.memref_slice %arg4[%dma_start3A_569, %add3A_568] : memref<64x100000xf32, #tpu.memory_space<hbm>> -> memref<64x256xf32, #tpu.memory_space<hbm>>
    %dma_start3A_571 = arith.constant 0 : i32
    %dma_start3A_572 = tpu.memref_slice %arg4[%dma_start3A_571, %add3A_568] : memref<64x100000xf32, #tpu.memory_space<hbm>> -> memref<64x256xf32, #tpu.memory_space<hbm>>
    tpu.enqueue_dma source(%dma_start3A_572 : memref<64x256xf32, #tpu.memory_space<hbm>>) target(%arg13 : memref<64x256xf32, #tpu.memory_space<vmem>>) target_semaphore(%arg16 : memref<!tpu.dma_semaphore, #tpu.memory_space<semaphore_mem>>)
    %dma_wait3A_573 = arith.constant 0 : i32
    %dma_wait3A_574 = tpu.memref_slice %arg4[%dma_wait3A_573, %add3A_540] : memref<64x100000xf32, #tpu.memory_space<hbm>> -> memref<64x256xf32, #tpu.memory_space<hbm>>
    %dma_wait3A_575 = arith.constant 0 : i32
    %dma_wait3A_576 = tpu.memref_slice %arg4[%dma_wait3A_575, %add3A_540] : memref<64x100000xf32, #tpu.memory_space<hbm>> -> memref<64x256xf32, #tpu.memory_space<hbm>>
    tpu.wait_dma2 semaphore(%arg16 : memref<!tpu.dma_semaphore, #tpu.memory_space<semaphore_mem>>) src(%dma_wait3A_576 : memref<64x256xf32, #tpu.memory_space<hbm>>) dst(%arg12 : memref<64x256xf32, #tpu.memory_space<vmem>>)
    %min3A_577 = arith.constant 1536 : i32
    %min3A_578 = arith.constant 2944 : i32
    %min3A_579 = arith.minsi %min3A_577, %min3A_578 : i32
    %multiple_of3A_580 = tpu.assume_multiple %min3A_579, 128 : i32
    %add3A_581 = arith.addi %mul3A_4, %multiple_of3A_580 : i32
    %add3A_582 = arith.constant 16384 : i32
    %add3A_583 = arith.addi %add3A_582, %add3A_581 : i32
    %dma_start3A_584 = arith.constant 0 : i32
    %dma_start3A_585 = tpu.memref_slice %arg5[%dma_start3A_584, %add3A_583] : memref<64x116384xf32, #tpu.memory_space<hbm>> -> memref<64x256xf32, #tpu.memory_space<hbm>>
    %dma_start3A_586 = arith.constant 0 : i32
    %dma_start3A_587 = tpu.memref_slice %arg5[%dma_start3A_586, %add3A_583] : memref<64x116384xf32, #tpu.memory_space<hbm>> -> memref<64x256xf32, #tpu.memory_space<hbm>>
    tpu.enqueue_dma source(%arg12 : memref<64x256xf32, #tpu.memory_space<vmem>>) target(%dma_start3A_587 : memref<64x256xf32, #tpu.memory_space<hbm>>) target_semaphore(%arg17 : memref<!tpu.dma_semaphore, #tpu.memory_space<semaphore_mem>>)
    %dma_wait3A_588 = arith.constant 0 : i32
    %dma_wait3A_589 = tpu.memref_slice %arg5[%dma_wait3A_588, %add3A_527] : memref<64x116384xf32, #tpu.memory_space<hbm>> -> memref<64x256xf32, #tpu.memory_space<hbm>>
    %dma_wait3A_590 = arith.constant 0 : i32
    %dma_wait3A_591 = tpu.memref_slice %arg5[%dma_wait3A_590, %add3A_527] : memref<64x116384xf32, #tpu.memory_space<hbm>> -> memref<64x256xf32, #tpu.memory_space<hbm>>
    tpu.wait_dma2 semaphore(%arg17 : memref<!tpu.dma_semaphore, #tpu.memory_space<semaphore_mem>>) src(%arg10 : memref<64x256xf32, #tpu.memory_space<vmem>>) dst(%dma_wait3A_591 : memref<64x256xf32, #tpu.memory_space<hbm>>)
    %min3A_592 = arith.constant 2048 : i32
    %min3A_593 = arith.constant 2944 : i32
    %min3A_594 = arith.minsi %min3A_592, %min3A_593 : i32
    %multiple_of3A_595 = tpu.assume_multiple %min3A_594, 128 : i32
    %add3A_596 = arith.addi %mul3A_4, %multiple_of3A_595 : i32
    %dma_start3A_597 = arith.constant 0 : i32
    %dma_start3A_598 = tpu.memref_slice %arg4[%dma_start3A_597, %add3A_596] : memref<64x100000xf32, #tpu.memory_space<hbm>> -> memref<64x256xf32, #tpu.memory_space<hbm>>
    %dma_start3A_599 = arith.constant 0 : i32
    %dma_start3A_600 = tpu.memref_slice %arg4[%dma_start3A_599, %add3A_596] : memref<64x100000xf32, #tpu.memory_space<hbm>> -> memref<64x256xf32, #tpu.memory_space<hbm>>
    tpu.enqueue_dma source(%dma_start3A_600 : memref<64x256xf32, #tpu.memory_space<hbm>>) target(%arg10 : memref<64x256xf32, #tpu.memory_space<vmem>>) target_semaphore(%arg16 : memref<!tpu.dma_semaphore, #tpu.memory_space<semaphore_mem>>)
    %dma_wait3A_601 = arith.constant 0 : i32
    %dma_wait3A_602 = tpu.memref_slice %arg4[%dma_wait3A_601, %add3A_568] : memref<64x100000xf32, #tpu.memory_space<hbm>> -> memref<64x256xf32, #tpu.memory_space<hbm>>
    %dma_wait3A_603 = arith.constant 0 : i32
    %dma_wait3A_604 = tpu.memref_slice %arg4[%dma_wait3A_603, %add3A_568] : memref<64x100000xf32, #tpu.memory_space<hbm>> -> memref<64x256xf32, #tpu.memory_space<hbm>>
    tpu.wait_dma2 semaphore(%arg16 : memref<!tpu.dma_semaphore, #tpu.memory_space<semaphore_mem>>) src(%dma_wait3A_604 : memref<64x256xf32, #tpu.memory_space<hbm>>) dst(%arg13 : memref<64x256xf32, #tpu.memory_space<vmem>>)
    %min3A_605 = arith.constant 1792 : i32
    %min3A_606 = arith.constant 2944 : i32
    %min3A_607 = arith.minsi %min3A_605, %min3A_606 : i32
    %multiple_of3A_608 = tpu.assume_multiple %min3A_607, 128 : i32
    %add3A_609 = arith.addi %mul3A_4, %multiple_of3A_608 : i32
    %add3A_610 = arith.constant 16384 : i32
    %add3A_611 = arith.addi %add3A_610, %add3A_609 : i32
    %dma_start3A_612 = arith.constant 0 : i32
    %dma_start3A_613 = tpu.memref_slice %arg5[%dma_start3A_612, %add3A_611] : memref<64x116384xf32, #tpu.memory_space<hbm>> -> memref<64x256xf32, #tpu.memory_space<hbm>>
    %dma_start3A_614 = arith.constant 0 : i32
    %dma_start3A_615 = tpu.memref_slice %arg5[%dma_start3A_614, %add3A_611] : memref<64x116384xf32, #tpu.memory_space<hbm>> -> memref<64x256xf32, #tpu.memory_space<hbm>>
    tpu.enqueue_dma source(%arg13 : memref<64x256xf32, #tpu.memory_space<vmem>>) target(%dma_start3A_615 : memref<64x256xf32, #tpu.memory_space<hbm>>) target_semaphore(%arg17 : memref<!tpu.dma_semaphore, #tpu.memory_space<semaphore_mem>>)
    %dma_wait3A_616 = arith.constant 0 : i32
    %dma_wait3A_617 = tpu.memref_slice %arg5[%dma_wait3A_616, %add3A_555] : memref<64x116384xf32, #tpu.memory_space<hbm>> -> memref<64x256xf32, #tpu.memory_space<hbm>>
    %dma_wait3A_618 = arith.constant 0 : i32
    %dma_wait3A_619 = tpu.memref_slice %arg5[%dma_wait3A_618, %add3A_555] : memref<64x116384xf32, #tpu.memory_space<hbm>> -> memref<64x256xf32, #tpu.memory_space<hbm>>
    tpu.wait_dma2 semaphore(%arg17 : memref<!tpu.dma_semaphore, #tpu.memory_space<semaphore_mem>>) src(%arg11 : memref<64x256xf32, #tpu.memory_space<vmem>>) dst(%dma_wait3A_619 : memref<64x256xf32, #tpu.memory_space<hbm>>)
    %min3A_620 = arith.constant 2304 : i32
    %min3A_621 = arith.constant 2944 : i32
    %min3A_622 = arith.minsi %min3A_620, %min3A_621 : i32
    %multiple_of3A_623 = tpu.assume_multiple %min3A_622, 128 : i32
    %add3A_624 = arith.addi %mul3A_4, %multiple_of3A_623 : i32
    %dma_start3A_625 = arith.constant 0 : i32
    %dma_start3A_626 = tpu.memref_slice %arg4[%dma_start3A_625, %add3A_624] : memref<64x100000xf32, #tpu.memory_space<hbm>> -> memref<64x256xf32, #tpu.memory_space<hbm>>
    %dma_start3A_627 = arith.constant 0 : i32
    %dma_start3A_628 = tpu.memref_slice %arg4[%dma_start3A_627, %add3A_624] : memref<64x100000xf32, #tpu.memory_space<hbm>> -> memref<64x256xf32, #tpu.memory_space<hbm>>
    tpu.enqueue_dma source(%dma_start3A_628 : memref<64x256xf32, #tpu.memory_space<hbm>>) target(%arg11 : memref<64x256xf32, #tpu.memory_space<vmem>>) target_semaphore(%arg16 : memref<!tpu.dma_semaphore, #tpu.memory_space<semaphore_mem>>)
    %dma_wait3A_629 = arith.constant 0 : i32
    %dma_wait3A_630 = tpu.memref_slice %arg4[%dma_wait3A_629, %add3A_596] : memref<64x100000xf32, #tpu.memory_space<hbm>> -> memref<64x256xf32, #tpu.memory_space<hbm>>
    %dma_wait3A_631 = arith.constant 0 : i32
    %dma_wait3A_632 = tpu.memref_slice %arg4[%dma_wait3A_631, %add3A_596] : memref<64x100000xf32, #tpu.memory_space<hbm>> -> memref<64x256xf32, #tpu.memory_space<hbm>>
    tpu.wait_dma2 semaphore(%arg16 : memref<!tpu.dma_semaphore, #tpu.memory_space<semaphore_mem>>) src(%dma_wait3A_632 : memref<64x256xf32, #tpu.memory_space<hbm>>) dst(%arg10 : memref<64x256xf32, #tpu.memory_space<vmem>>)
    %min3A_633 = arith.constant 2048 : i32
    %min3A_634 = arith.constant 2944 : i32
    %min3A_635 = arith.minsi %min3A_633, %min3A_634 : i32
    %multiple_of3A_636 = tpu.assume_multiple %min3A_635, 128 : i32
    %add3A_637 = arith.addi %mul3A_4, %multiple_of3A_636 : i32
    %add3A_638 = arith.constant 16384 : i32
    %add3A_639 = arith.addi %add3A_638, %add3A_637 : i32
    %dma_start3A_640 = arith.constant 0 : i32
    %dma_start3A_641 = tpu.memref_slice %arg5[%dma_start3A_640, %add3A_639] : memref<64x116384xf32, #tpu.memory_space<hbm>> -> memref<64x256xf32, #tpu.memory_space<hbm>>
    %dma_start3A_642 = arith.constant 0 : i32
    %dma_start3A_643 = tpu.memref_slice %arg5[%dma_start3A_642, %add3A_639] : memref<64x116384xf32, #tpu.memory_space<hbm>> -> memref<64x256xf32, #tpu.memory_space<hbm>>
    tpu.enqueue_dma source(%arg10 : memref<64x256xf32, #tpu.memory_space<vmem>>) target(%dma_start3A_643 : memref<64x256xf32, #tpu.memory_space<hbm>>) target_semaphore(%arg17 : memref<!tpu.dma_semaphore, #tpu.memory_space<semaphore_mem>>)
    %dma_wait3A_644 = arith.constant 0 : i32
    %dma_wait3A_645 = tpu.memref_slice %arg5[%dma_wait3A_644, %add3A_583] : memref<64x116384xf32, #tpu.memory_space<hbm>> -> memref<64x256xf32, #tpu.memory_space<hbm>>
    %dma_wait3A_646 = arith.constant 0 : i32
    %dma_wait3A_647 = tpu.memref_slice %arg5[%dma_wait3A_646, %add3A_583] : memref<64x116384xf32, #tpu.memory_space<hbm>> -> memref<64x256xf32, #tpu.memory_space<hbm>>
    tpu.wait_dma2 semaphore(%arg17 : memref<!tpu.dma_semaphore, #tpu.memory_space<semaphore_mem>>) src(%arg12 : memref<64x256xf32, #tpu.memory_space<vmem>>) dst(%dma_wait3A_647 : memref<64x256xf32, #tpu.memory_space<hbm>>)
    %min3A_648 = arith.constant 2560 : i32
    %min3A_649 = arith.constant 2944 : i32
    %min3A_650 = arith.minsi %min3A_648, %min3A_649 : i32
    %multiple_of3A_651 = tpu.assume_multiple %min3A_650, 128 : i32
    %add3A_652 = arith.addi %mul3A_4, %multiple_of3A_651 : i32
    %dma_start3A_653 = arith.constant 0 : i32
    %dma_start3A_654 = tpu.memref_slice %arg4[%dma_start3A_653, %add3A_652] : memref<64x100000xf32, #tpu.memory_space<hbm>> -> memref<64x256xf32, #tpu.memory_space<hbm>>
    %dma_start3A_655 = arith.constant 0 : i32
    %dma_start3A_656 = tpu.memref_slice %arg4[%dma_start3A_655, %add3A_652] : memref<64x100000xf32, #tpu.memory_space<hbm>> -> memref<64x256xf32, #tpu.memory_space<hbm>>
    tpu.enqueue_dma source(%dma_start3A_656 : memref<64x256xf32, #tpu.memory_space<hbm>>) target(%arg12 : memref<64x256xf32, #tpu.memory_space<vmem>>) target_semaphore(%arg16 : memref<!tpu.dma_semaphore, #tpu.memory_space<semaphore_mem>>)
    %dma_wait3A_657 = arith.constant 0 : i32
    %dma_wait3A_658 = tpu.memref_slice %arg4[%dma_wait3A_657, %add3A_624] : memref<64x100000xf32, #tpu.memory_space<hbm>> -> memref<64x256xf32, #tpu.memory_space<hbm>>
    %dma_wait3A_659 = arith.constant 0 : i32
    %dma_wait3A_660 = tpu.memref_slice %arg4[%dma_wait3A_659, %add3A_624] : memref<64x100000xf32, #tpu.memory_space<hbm>> -> memref<64x256xf32, #tpu.memory_space<hbm>>
    tpu.wait_dma2 semaphore(%arg16 : memref<!tpu.dma_semaphore, #tpu.memory_space<semaphore_mem>>) src(%dma_wait3A_660 : memref<64x256xf32, #tpu.memory_space<hbm>>) dst(%arg11 : memref<64x256xf32, #tpu.memory_space<vmem>>)
    %min3A_661 = arith.constant 2304 : i32
    %min3A_662 = arith.constant 2944 : i32
    %min3A_663 = arith.minsi %min3A_661, %min3A_662 : i32
    %multiple_of3A_664 = tpu.assume_multiple %min3A_663, 128 : i32
    %add3A_665 = arith.addi %mul3A_4, %multiple_of3A_664 : i32
    %add3A_666 = arith.constant 16384 : i32
    %add3A_667 = arith.addi %add3A_666, %add3A_665 : i32
    %dma_start3A_668 = arith.constant 0 : i32
    %dma_start3A_669 = tpu.memref_slice %arg5[%dma_start3A_668, %add3A_667] : memref<64x116384xf32, #tpu.memory_space<hbm>> -> memref<64x256xf32, #tpu.memory_space<hbm>>
    %dma_start3A_670 = arith.constant 0 : i32
    %dma_start3A_671 = tpu.memref_slice %arg5[%dma_start3A_670, %add3A_667] : memref<64x116384xf32, #tpu.memory_space<hbm>> -> memref<64x256xf32, #tpu.memory_space<hbm>>
    tpu.enqueue_dma source(%arg11 : memref<64x256xf32, #tpu.memory_space<vmem>>) target(%dma_start3A_671 : memref<64x256xf32, #tpu.memory_space<hbm>>) target_semaphore(%arg17 : memref<!tpu.dma_semaphore, #tpu.memory_space<semaphore_mem>>)
    %dma_wait3A_672 = arith.constant 0 : i32
    %dma_wait3A_673 = tpu.memref_slice %arg5[%dma_wait3A_672, %add3A_611] : memref<64x116384xf32, #tpu.memory_space<hbm>> -> memref<64x256xf32, #tpu.memory_space<hbm>>
    %dma_wait3A_674 = arith.constant 0 : i32
    %dma_wait3A_675 = tpu.memref_slice %arg5[%dma_wait3A_674, %add3A_611] : memref<64x116384xf32, #tpu.memory_space<hbm>> -> memref<64x256xf32, #tpu.memory_space<hbm>>
    tpu.wait_dma2 semaphore(%arg17 : memref<!tpu.dma_semaphore, #tpu.memory_space<semaphore_mem>>) src(%arg13 : memref<64x256xf32, #tpu.memory_space<vmem>>) dst(%dma_wait3A_675 : memref<64x256xf32, #tpu.memory_space<hbm>>)
    %min3A_676 = arith.constant 2816 : i32
    %min3A_677 = arith.constant 2944 : i32
    %min3A_678 = arith.minsi %min3A_676, %min3A_677 : i32
    %multiple_of3A_679 = tpu.assume_multiple %min3A_678, 128 : i32
    %add3A_680 = arith.addi %mul3A_4, %multiple_of3A_679 : i32
    %dma_start3A_681 = arith.constant 0 : i32
    %dma_start3A_682 = tpu.memref_slice %arg4[%dma_start3A_681, %add3A_680] : memref<64x100000xf32, #tpu.memory_space<hbm>> -> memref<64x256xf32, #tpu.memory_space<hbm>>
    %dma_start3A_683 = arith.constant 0 : i32
    %dma_start3A_684 = tpu.memref_slice %arg4[%dma_start3A_683, %add3A_680] : memref<64x100000xf32, #tpu.memory_space<hbm>> -> memref<64x256xf32, #tpu.memory_space<hbm>>
    tpu.enqueue_dma source(%dma_start3A_684 : memref<64x256xf32, #tpu.memory_space<hbm>>) target(%arg13 : memref<64x256xf32, #tpu.memory_space<vmem>>) target_semaphore(%arg16 : memref<!tpu.dma_semaphore, #tpu.memory_space<semaphore_mem>>)
    %dma_wait3A_685 = arith.constant 0 : i32
    %dma_wait3A_686 = tpu.memref_slice %arg4[%dma_wait3A_685, %add3A_652] : memref<64x100000xf32, #tpu.memory_space<hbm>> -> memref<64x256xf32, #tpu.memory_space<hbm>>
    %dma_wait3A_687 = arith.constant 0 : i32
    %dma_wait3A_688 = tpu.memref_slice %arg4[%dma_wait3A_687, %add3A_652] : memref<64x100000xf32, #tpu.memory_space<hbm>> -> memref<64x256xf32, #tpu.memory_space<hbm>>
    tpu.wait_dma2 semaphore(%arg16 : memref<!tpu.dma_semaphore, #tpu.memory_space<semaphore_mem>>) src(%dma_wait3A_688 : memref<64x256xf32, #tpu.memory_space<hbm>>) dst(%arg12 : memref<64x256xf32, #tpu.memory_space<vmem>>)
    %min3A_689 = arith.constant 2560 : i32
    %min3A_690 = arith.constant 2944 : i32
    %min3A_691 = arith.minsi %min3A_689, %min3A_690 : i32
    %multiple_of3A_692 = tpu.assume_multiple %min3A_691, 128 : i32
    %add3A_693 = arith.addi %mul3A_4, %multiple_of3A_692 : i32
    %add3A_694 = arith.constant 16384 : i32
    %add3A_695 = arith.addi %add3A_694, %add3A_693 : i32
    %dma_start3A_696 = arith.constant 0 : i32
    %dma_start3A_697 = tpu.memref_slice %arg5[%dma_start3A_696, %add3A_695] : memref<64x116384xf32, #tpu.memory_space<hbm>> -> memref<64x256xf32, #tpu.memory_space<hbm>>
    %dma_start3A_698 = arith.constant 0 : i32
    %dma_start3A_699 = tpu.memref_slice %arg5[%dma_start3A_698, %add3A_695] : memref<64x116384xf32, #tpu.memory_space<hbm>> -> memref<64x256xf32, #tpu.memory_space<hbm>>
    tpu.enqueue_dma source(%arg12 : memref<64x256xf32, #tpu.memory_space<vmem>>) target(%dma_start3A_699 : memref<64x256xf32, #tpu.memory_space<hbm>>) target_semaphore(%arg17 : memref<!tpu.dma_semaphore, #tpu.memory_space<semaphore_mem>>)
    %dma_wait3A_700 = arith.constant 0 : i32
    %dma_wait3A_701 = tpu.memref_slice %arg5[%dma_wait3A_700, %add3A_639] : memref<64x116384xf32, #tpu.memory_space<hbm>> -> memref<64x256xf32, #tpu.memory_space<hbm>>
    %dma_wait3A_702 = arith.constant 0 : i32
    %dma_wait3A_703 = tpu.memref_slice %arg5[%dma_wait3A_702, %add3A_639] : memref<64x116384xf32, #tpu.memory_space<hbm>> -> memref<64x256xf32, #tpu.memory_space<hbm>>
    tpu.wait_dma2 semaphore(%arg17 : memref<!tpu.dma_semaphore, #tpu.memory_space<semaphore_mem>>) src(%arg10 : memref<64x256xf32, #tpu.memory_space<vmem>>) dst(%dma_wait3A_703 : memref<64x256xf32, #tpu.memory_space<hbm>>)
    %min3A_704 = arith.constant 3072 : i32
    %min3A_705 = arith.constant 2944 : i32
    %min3A_706 = arith.minsi %min3A_704, %min3A_705 : i32
    %multiple_of3A_707 = tpu.assume_multiple %min3A_706, 128 : i32
    %add3A_708 = arith.addi %mul3A_4, %multiple_of3A_707 : i32
    %dma_start3A_709 = arith.constant 0 : i32
    %dma_start3A_710 = tpu.memref_slice %arg4[%dma_start3A_709, %add3A_708] : memref<64x100000xf32, #tpu.memory_space<hbm>> -> memref<64x256xf32, #tpu.memory_space<hbm>>
    %dma_start3A_711 = arith.constant 0 : i32
    %dma_start3A_712 = tpu.memref_slice %arg4[%dma_start3A_711, %add3A_708] : memref<64x100000xf32, #tpu.memory_space<hbm>> -> memref<64x256xf32, #tpu.memory_space<hbm>>
    tpu.enqueue_dma source(%dma_start3A_712 : memref<64x256xf32, #tpu.memory_space<hbm>>) target(%arg10 : memref<64x256xf32, #tpu.memory_space<vmem>>) target_semaphore(%arg16 : memref<!tpu.dma_semaphore, #tpu.memory_space<semaphore_mem>>)
    %dma_wait3A_713 = arith.constant 0 : i32
    %dma_wait3A_714 = tpu.memref_slice %arg4[%dma_wait3A_713, %add3A_680] : memref<64x100000xf32, #tpu.memory_space<hbm>> -> memref<64x256xf32, #tpu.memory_space<hbm>>
    %dma_wait3A_715 = arith.constant 0 : i32
    %dma_wait3A_716 = tpu.memref_slice %arg4[%dma_wait3A_715, %add3A_680] : memref<64x100000xf32, #tpu.memory_space<hbm>> -> memref<64x256xf32, #tpu.memory_space<hbm>>
    tpu.wait_dma2 semaphore(%arg16 : memref<!tpu.dma_semaphore, #tpu.memory_space<semaphore_mem>>) src(%dma_wait3A_716 : memref<64x256xf32, #tpu.memory_space<hbm>>) dst(%arg13 : memref<64x256xf32, #tpu.memory_space<vmem>>)
    %min3A_717 = arith.constant 2816 : i32
    %min3A_718 = arith.constant 2944 : i32
    %min3A_719 = arith.minsi %min3A_717, %min3A_718 : i32
    %multiple_of3A_720 = tpu.assume_multiple %min3A_719, 128 : i32
    %add3A_721 = arith.addi %mul3A_4, %multiple_of3A_720 : i32
    %add3A_722 = arith.constant 16384 : i32
    %add3A_723 = arith.addi %add3A_722, %add3A_721 : i32
    %dma_start3A_724 = arith.constant 0 : i32
    %dma_start3A_725 = tpu.memref_slice %arg5[%dma_start3A_724, %add3A_723] : memref<64x116384xf32, #tpu.memory_space<hbm>> -> memref<64x256xf32, #tpu.memory_space<hbm>>
    %dma_start3A_726 = arith.constant 0 : i32
    %dma_start3A_727 = tpu.memref_slice %arg5[%dma_start3A_726, %add3A_723] : memref<64x116384xf32, #tpu.memory_space<hbm>> -> memref<64x256xf32, #tpu.memory_space<hbm>>
    tpu.enqueue_dma source(%arg13 : memref<64x256xf32, #tpu.memory_space<vmem>>) target(%dma_start3A_727 : memref<64x256xf32, #tpu.memory_space<hbm>>) target_semaphore(%arg17 : memref<!tpu.dma_semaphore, #tpu.memory_space<semaphore_mem>>)
    %dma_wait3A_728 = arith.constant 0 : i32
    %dma_wait3A_729 = tpu.memref_slice %arg4[%dma_wait3A_728, %add3A_708] : memref<64x100000xf32, #tpu.memory_space<hbm>> -> memref<64x256xf32, #tpu.memory_space<hbm>>
    %dma_wait3A_730 = arith.constant 0 : i32
    %dma_wait3A_731 = tpu.memref_slice %arg4[%dma_wait3A_730, %add3A_708] : memref<64x100000xf32, #tpu.memory_space<hbm>> -> memref<64x256xf32, #tpu.memory_space<hbm>>
    tpu.wait_dma2 semaphore(%arg16 : memref<!tpu.dma_semaphore, #tpu.memory_space<semaphore_mem>>) src(%dma_wait3A_731 : memref<64x256xf32, #tpu.memory_space<hbm>>) dst(%arg10 : memref<64x256xf32, #tpu.memory_space<vmem>>)
    %min3A_732 = arith.constant 3072 : i32
    %min3A_733 = arith.constant 2944 : i32
    %min3A_734 = arith.minsi %min3A_732, %min3A_733 : i32
    %multiple_of3A_735 = tpu.assume_multiple %min3A_734, 128 : i32
    %add3A_736 = arith.addi %mul3A_4, %multiple_of3A_735 : i32
    %add3A_737 = arith.constant 16384 : i32
    %add3A_738 = arith.addi %add3A_737, %add3A_736 : i32
    %dma_start3A_739 = arith.constant 0 : i32
    %dma_start3A_740 = tpu.memref_slice %arg5[%dma_start3A_739, %add3A_738] : memref<64x116384xf32, #tpu.memory_space<hbm>> -> memref<64x256xf32, #tpu.memory_space<hbm>>
    %dma_start3A_741 = arith.constant 0 : i32
    %dma_start3A_742 = tpu.memref_slice %arg5[%dma_start3A_741, %add3A_738] : memref<64x116384xf32, #tpu.memory_space<hbm>> -> memref<64x256xf32, #tpu.memory_space<hbm>>
    tpu.enqueue_dma source(%arg10 : memref<64x256xf32, #tpu.memory_space<vmem>>) target(%dma_start3A_742 : memref<64x256xf32, #tpu.memory_space<hbm>>) target_semaphore(%arg17 : memref<!tpu.dma_semaphore, #tpu.memory_space<semaphore_mem>>)
    %dma_wait3A_743 = arith.constant 0 : i32
    %dma_wait3A_744 = tpu.memref_slice %arg5[%dma_wait3A_743, %add3A_723] : memref<64x116384xf32, #tpu.memory_space<hbm>> -> memref<64x256xf32, #tpu.memory_space<hbm>>
    %dma_wait3A_745 = arith.constant 0 : i32
    %dma_wait3A_746 = tpu.memref_slice %arg5[%dma_wait3A_745, %add3A_723] : memref<64x116384xf32, #tpu.memory_space<hbm>> -> memref<64x256xf32, #tpu.memory_space<hbm>>
    tpu.wait_dma2 semaphore(%arg17 : memref<!tpu.dma_semaphore, #tpu.memory_space<semaphore_mem>>) src(%arg13 : memref<64x256xf32, #tpu.memory_space<vmem>>) dst(%dma_wait3A_746 : memref<64x256xf32, #tpu.memory_space<hbm>>)
    %dma_wait3A_747 = arith.constant 0 : i32
    %dma_wait3A_748 = tpu.memref_slice %arg5[%dma_wait3A_747, %add3A_738] : memref<64x116384xf32, #tpu.memory_space<hbm>> -> memref<64x256xf32, #tpu.memory_space<hbm>>
    %dma_wait3A_749 = arith.constant 0 : i32
    %dma_wait3A_750 = tpu.memref_slice %arg5[%dma_wait3A_749, %add3A_738] : memref<64x116384xf32, #tpu.memory_space<hbm>> -> memref<64x256xf32, #tpu.memory_space<hbm>>
    tpu.wait_dma2 semaphore(%arg17 : memref<!tpu.dma_semaphore, #tpu.memory_space<semaphore_mem>>) src(%arg10 : memref<64x256xf32, #tpu.memory_space<vmem>>) dst(%dma_wait3A_750 : memref<64x256xf32, #tpu.memory_space<hbm>>)
    %dma_wait3A_751 = arith.constant 0 : i32
    %dma_wait3A_752 = tpu.memref_slice %arg5[%dma_wait3A_751, %add3A_512] : memref<64x116384xf32, #tpu.memory_space<hbm>> -> memref<64x256xf32, #tpu.memory_space<hbm>>
    %dma_wait3A_753 = arith.constant 0 : i32
    %dma_wait3A_754 = tpu.memref_slice %arg5[%dma_wait3A_753, %add3A_512] : memref<64x116384xf32, #tpu.memory_space<hbm>> -> memref<64x256xf32, #tpu.memory_space<hbm>>
    tpu.wait_dma2 semaphore(%arg18 : memref<!tpu.dma_semaphore, #tpu.memory_space<semaphore_mem>>) src(%arg9 : memref<64x256xf32, #tpu.memory_space<vmem>>) dst(%dma_wait3A_754 : memref<64x256xf32, #tpu.memory_space<hbm>>)
    %ge3A = arith.constant 24 : i32
    %ge3A_755 = arith.cmpi sge, %add3A, %ge3A : i32
    %lt3A = arith.constant 30 : i32
    %lt3A_756 = arith.cmpi slt, %add3A, %lt3A : i32
    %and3A = arith.andi %ge3A_755, %lt3A_756 : i1
    %convert_element_type3A = arith.extui %and3A : i1 to i32
    %cond3A = arith.constant 0 : i32
    %cond3A_757 = arith.cmpi ne, %convert_element_type3A, %cond3A : i32
    scf.if %cond3A_757 {
      %sub3A = arith.constant 24 : i32
      %sub3A_762 = arith.subi %add3A, %sub3A : i32
      %mul3A_763 = arith.constant 128 : i32
      %mul3A_764 = arith.muli %mul3A_763, %sub3A_762 : i32
      %add3A_765 = arith.constant 99200 : i32
      %add3A_766 = arith.addi %add3A_765, %mul3A_764 : i32
      %multiple_of3A_767 = tpu.assume_multiple %add3A_766, 128 : i32
      "tpu.region"() ({
        %run_scoped3A = tpu.sem_alloc : memref<!tpu.dma_semaphore, #tpu.memory_space<semaphore_mem>>
        %dma_start3A_770 = arith.constant 0 : i32
        %dma_start3A_771 = arith.constant 0 : i32
        %dma_start3A_772 = tpu.memref_slice %arg10[%dma_start3A_770, %dma_start3A_771] : memref<64x256xf32, #tpu.memory_space<vmem>> -> memref<64x128xf32, #tpu.memory_space<vmem>>
        %dma_start3A_773 = arith.constant 0 : i32
        %dma_start3A_774 = tpu.memref_slice %arg4[%dma_start3A_773, %multiple_of3A_767] : memref<64x100000xf32, #tpu.memory_space<hbm>> -> memref<64x128xf32, #tpu.memory_space<hbm>>
        %dma_start3A_775 = arith.constant 0 : i32
        %dma_start3A_776 = arith.constant 0 : i32
        %dma_start3A_777 = tpu.memref_slice %arg10[%dma_start3A_775, %dma_start3A_776] : memref<64x256xf32, #tpu.memory_space<vmem>> -> memref<64x128xf32, #tpu.memory_space<vmem>>
        %dma_start3A_778 = arith.constant 0 : i32
        %dma_start3A_779 = tpu.memref_slice %arg4[%dma_start3A_778, %multiple_of3A_767] : memref<64x100000xf32, #tpu.memory_space<hbm>> -> memref<64x128xf32, #tpu.memory_space<hbm>>
        tpu.enqueue_dma source(%dma_start3A_779 : memref<64x128xf32, #tpu.memory_space<hbm>>) target(%dma_start3A_777 : memref<64x128xf32, #tpu.memory_space<vmem>>) target_semaphore(%run_scoped3A : memref<!tpu.dma_semaphore, #tpu.memory_space<semaphore_mem>>)
        %dma_wait3A_780 = arith.constant 0 : i32
        %dma_wait3A_781 = arith.constant 0 : i32
        %dma_wait3A_782 = tpu.memref_slice %arg10[%dma_wait3A_780, %dma_wait3A_781] : memref<64x256xf32, #tpu.memory_space<vmem>> -> memref<64x128xf32, #tpu.memory_space<vmem>>
        %dma_wait3A_783 = arith.constant 0 : i32
        %dma_wait3A_784 = tpu.memref_slice %arg4[%dma_wait3A_783, %multiple_of3A_767] : memref<64x100000xf32, #tpu.memory_space<hbm>> -> memref<64x128xf32, #tpu.memory_space<hbm>>
        %dma_wait3A_785 = arith.constant 0 : i32
        %dma_wait3A_786 = arith.constant 0 : i32
        %dma_wait3A_787 = tpu.memref_slice %arg10[%dma_wait3A_785, %dma_wait3A_786] : memref<64x256xf32, #tpu.memory_space<vmem>> -> memref<64x128xf32, #tpu.memory_space<vmem>>
        %dma_wait3A_788 = arith.constant 0 : i32
        %dma_wait3A_789 = tpu.memref_slice %arg4[%dma_wait3A_788, %multiple_of3A_767] : memref<64x100000xf32, #tpu.memory_space<hbm>> -> memref<64x128xf32, #tpu.memory_space<hbm>>
        tpu.wait_dma2 semaphore(%run_scoped3A : memref<!tpu.dma_semaphore, #tpu.memory_space<semaphore_mem>>) src(%dma_wait3A_789 : memref<64x128xf32, #tpu.memory_space<hbm>>) dst(%dma_wait3A_787 : memref<64x128xf32, #tpu.memory_space<vmem>>)
        tpu.yield
      }) : () -> ()
      %add3A_768 = arith.constant 16384 : i32
      %add3A_769 = arith.addi %add3A_768, %multiple_of3A_767 : i32
      "tpu.region"() ({
        %run_scoped3A = tpu.sem_alloc : memref<!tpu.dma_semaphore, #tpu.memory_space<semaphore_mem>>
        %dma_start3A_770 = arith.constant 0 : i32
        %dma_start3A_771 = arith.constant 0 : i32
        %dma_start3A_772 = tpu.memref_slice %arg10[%dma_start3A_770, %dma_start3A_771] : memref<64x256xf32, #tpu.memory_space<vmem>> -> memref<64x128xf32, #tpu.memory_space<vmem>>
        %dma_start3A_773 = arith.constant 0 : i32
        %dma_start3A_774 = tpu.memref_slice %arg5[%dma_start3A_773, %add3A_769] : memref<64x116384xf32, #tpu.memory_space<hbm>> -> memref<64x128xf32, #tpu.memory_space<hbm>>
        %dma_start3A_775 = arith.constant 0 : i32
        %dma_start3A_776 = tpu.memref_slice %arg5[%dma_start3A_775, %add3A_769] : memref<64x116384xf32, #tpu.memory_space<hbm>> -> memref<64x128xf32, #tpu.memory_space<hbm>>
        %dma_start3A_777 = arith.constant 0 : i32
        %dma_start3A_778 = arith.constant 0 : i32
        %dma_start3A_779 = tpu.memref_slice %arg10[%dma_start3A_777, %dma_start3A_778] : memref<64x256xf32, #tpu.memory_space<vmem>> -> memref<64x128xf32, #tpu.memory_space<vmem>>
        tpu.enqueue_dma source(%dma_start3A_779 : memref<64x128xf32, #tpu.memory_space<vmem>>) target(%dma_start3A_776 : memref<64x128xf32, #tpu.memory_space<hbm>>) target_semaphore(%run_scoped3A : memref<!tpu.dma_semaphore, #tpu.memory_space<semaphore_mem>>)
        %dma_wait3A_780 = arith.constant 0 : i32
        %dma_wait3A_781 = arith.constant 0 : i32
        %dma_wait3A_782 = tpu.memref_slice %arg10[%dma_wait3A_780, %dma_wait3A_781] : memref<64x256xf32, #tpu.memory_space<vmem>> -> memref<64x128xf32, #tpu.memory_space<vmem>>
        %dma_wait3A_783 = arith.constant 0 : i32
        %dma_wait3A_784 = tpu.memref_slice %arg5[%dma_wait3A_783, %add3A_769] : memref<64x116384xf32, #tpu.memory_space<hbm>> -> memref<64x128xf32, #tpu.memory_space<hbm>>
        %dma_wait3A_785 = arith.constant 0 : i32
        %dma_wait3A_786 = tpu.memref_slice %arg5[%dma_wait3A_785, %add3A_769] : memref<64x116384xf32, #tpu.memory_space<hbm>> -> memref<64x128xf32, #tpu.memory_space<hbm>>
        %dma_wait3A_787 = arith.constant 0 : i32
        %dma_wait3A_788 = arith.constant 0 : i32
        %dma_wait3A_789 = tpu.memref_slice %arg10[%dma_wait3A_787, %dma_wait3A_788] : memref<64x256xf32, #tpu.memory_space<vmem>> -> memref<64x128xf32, #tpu.memory_space<vmem>>
        tpu.wait_dma2 semaphore(%run_scoped3A : memref<!tpu.dma_semaphore, #tpu.memory_space<semaphore_mem>>) src(%dma_wait3A_789 : memref<64x128xf32, #tpu.memory_space<vmem>>) dst(%dma_wait3A_786 : memref<64x128xf32, #tpu.memory_space<hbm>>)
        tpu.yield
      }) : () -> ()
    } else {
    }
    %eq3A = arith.constant 30 : i32
    %eq3A_758 = arith.cmpi eq, %add3A, %eq3A : i32
    %convert_element_type3A_759 = arith.extui %eq3A_758 : i1 to i32
    %cond3A_760 = arith.constant 0 : i32
    %cond3A_761 = arith.cmpi ne, %convert_element_type3A_759, %cond3A_760 : i32
    scf.if %cond3A_761 {
      "tpu.region"() ({
        %run_scoped3A = tpu.sem_alloc : memref<!tpu.dma_semaphore, #tpu.memory_space<semaphore_mem>>
        %dma_start3A_762 = arith.constant 0 : i32
        %dma_start3A_763 = arith.constant 99968 : i32
        %dma_start3A_764 = tpu.memref_slice %arg4[%dma_start3A_762, %dma_start3A_763] : memref<64x100000xf32, #tpu.memory_space<hbm>> -> memref<64x32xf32, #tpu.memory_space<hbm>>
        %dma_start3A_765 = arith.constant 0 : i32
        %dma_start3A_766 = arith.constant 99968 : i32
        %dma_start3A_767 = tpu.memref_slice %arg4[%dma_start3A_765, %dma_start3A_766] : memref<64x100000xf32, #tpu.memory_space<hbm>> -> memref<64x32xf32, #tpu.memory_space<hbm>>
        tpu.enqueue_dma source(%dma_start3A_767 : memref<64x32xf32, #tpu.memory_space<hbm>>) target(%arg14 : memref<64x32xf32, #tpu.memory_space<vmem>>) target_semaphore(%run_scoped3A : memref<!tpu.dma_semaphore, #tpu.memory_space<semaphore_mem>>)
        %dma_wait3A_768 = arith.constant 0 : i32
        %dma_wait3A_769 = arith.constant 99968 : i32
        %dma_wait3A_770 = tpu.memref_slice %arg4[%dma_wait3A_768, %dma_wait3A_769] : memref<64x100000xf32, #tpu.memory_space<hbm>> -> memref<64x32xf32, #tpu.memory_space<hbm>>
        %dma_wait3A_771 = arith.constant 0 : i32
        %dma_wait3A_772 = arith.constant 99968 : i32
        %dma_wait3A_773 = tpu.memref_slice %arg4[%dma_wait3A_771, %dma_wait3A_772] : memref<64x100000xf32, #tpu.memory_space<hbm>> -> memref<64x32xf32, #tpu.memory_space<hbm>>
        tpu.wait_dma2 semaphore(%run_scoped3A : memref<!tpu.dma_semaphore, #tpu.memory_space<semaphore_mem>>) src(%dma_wait3A_773 : memref<64x32xf32, #tpu.memory_space<hbm>>) dst(%arg14 : memref<64x32xf32, #tpu.memory_space<vmem>>)
        tpu.yield
      }) : () -> ()
      "tpu.region"() ({
        %run_scoped3A = tpu.sem_alloc : memref<!tpu.dma_semaphore, #tpu.memory_space<semaphore_mem>>
        %dma_start3A_762 = arith.constant 0 : i32
        %dma_start3A_763 = arith.constant 116352 : i32
        %dma_start3A_764 = tpu.memref_slice %arg5[%dma_start3A_762, %dma_start3A_763] : memref<64x116384xf32, #tpu.memory_space<hbm>> -> memref<64x32xf32, #tpu.memory_space<hbm>>
        %dma_start3A_765 = arith.constant 0 : i32
        %dma_start3A_766 = arith.constant 116352 : i32
        %dma_start3A_767 = tpu.memref_slice %arg5[%dma_start3A_765, %dma_start3A_766] : memref<64x116384xf32, #tpu.memory_space<hbm>> -> memref<64x32xf32, #tpu.memory_space<hbm>>
        tpu.enqueue_dma source(%arg14 : memref<64x32xf32, #tpu.memory_space<vmem>>) target(%dma_start3A_767 : memref<64x32xf32, #tpu.memory_space<hbm>>) target_semaphore(%run_scoped3A : memref<!tpu.dma_semaphore, #tpu.memory_space<semaphore_mem>>)
        %dma_wait3A_768 = arith.constant 0 : i32
        %dma_wait3A_769 = arith.constant 116352 : i32
        %dma_wait3A_770 = tpu.memref_slice %arg5[%dma_wait3A_768, %dma_wait3A_769] : memref<64x116384xf32, #tpu.memory_space<hbm>> -> memref<64x32xf32, #tpu.memory_space<hbm>>
        %dma_wait3A_771 = arith.constant 0 : i32
        %dma_wait3A_772 = arith.constant 116352 : i32
        %dma_wait3A_773 = tpu.memref_slice %arg5[%dma_wait3A_771, %dma_wait3A_772] : memref<64x116384xf32, #tpu.memory_space<hbm>> -> memref<64x32xf32, #tpu.memory_space<hbm>>
        tpu.wait_dma2 semaphore(%run_scoped3A : memref<!tpu.dma_semaphore, #tpu.memory_space<semaphore_mem>>) src(%arg14 : memref<64x32xf32, #tpu.memory_space<vmem>>) dst(%dma_wait3A_773 : memref<64x32xf32, #tpu.memory_space<hbm>>)
        tpu.yield
      }) : () -> ()
    } else {
    }
    return
  }
}

</mosaic_0001>

<sc_bundles>
// kernel: kernel.3.cloned.1.call-start
scs
__scs_entry_jumppad:
0x0: {  	(pc) =	sbr.rel $0x88, $3  }
0x1: {  	(tag) =	ssettag $0x0;
	lr =	simm.s32 $0x1  }
0x2: {  	[smem:$0x3F9E] =	sst lr;
	_ =	strace $0xD0000000  }
0x3: {  	_ = 	snop  }
0x4: {  	_ = 	snop  }
0x5: {  	_ = 	snop  }
0x6: {  	_ = 	snop  }
0x7: {  	_ = 	snop  }
__scs_overlays_trampoline_lowered:
0x8: {  	[smem:$0x3FAD] =	sst s0  }
0x9: {  	[smem:$0x3FAE] =	sst s1  }
0xa: {  	[smem:$0x3FAF] =	sst s2  }
0xb: {  	[smem:$0x3FB0] =	sst s3  }
0xc: {  	[smem:$0x3FB1] =	sst s4  }
0xd: {  	[smem:$0x3FB2] =	sst s5  }
0xe: {  	[smem:$0x3FB3] =	sst s6  }
0xf: {  	[smem:$0x3FB4] =	sst s7  }
0x10: {  	[smem:$0x3FB5] =	sst s8  }
0x11: {  	[smem:$0x3FB6] =	sst s9;
	s0 =	simm.s32 @!p0 $0x0  }
0x12: {  	s1 =	sld [smem:$0x3F9C];
	s0 =	simm.s32 @p0 $0x1  }
0x13: {  	[smem:$0x3FB7] =	sst s0;
	s0 =	simm.s32 @!p1 $0x0  }
0x14: {  	s2 =	sld [smem:$0x3F9B];
	s0 =	simm.s32 @p1 $0x1  }
0x15: {  	[smem:$0x3FB8] =	sst s0;
	s0 =	simm.s32 @!p2 $0x0  }
0x16: {  	s3 =	sld [smem:$0x3FDB];
	s0 =	simm.s32 @p2 $0x1  }
0x17: {  	s4 =	simm.s32 $0x1BF5;
	[smem:$0x3FBA] =	sst s0  }
0x18: {  	s0 =	sld [smem:$0x3F9D];
	_ =	swait.ge [sflag:s4], $0x0  }
0x19: {  	s7 =	sld [smem:$0x3F9E]  }
0x1a: {  	s8 =	sadd.s32 $0xFFFFE003, lr  }
0x1b: {  	s9 =	sadd.s32 $0xFFFFFEF7, lr;
	s5 =	simm.s32 $0xFFFFFFFF;
	p2 =	slt.u32 s8, $0xFFFFF086  }
0x1c: {  	p1 =	slt.u32 s9, $0xF7A;
	s5 =	simm.s32 @!p2 $0x0  }
0x1d: {  	s5 =	simm.s32 @p1 $0x1;
	p0 =	seq.s32 s7, s2  }
0x1e: {  	s7 =	smul.u32 @!p0 $0xF7A, s2;
	p2 =	seq.s32 @!p0 s5, $0x0  }
0x1f: {  	s9 =	smul.u32 $0xF7A, s1;
	s8 =	simm.s32 @!p0 $0x1BF5;
	p2 =	por !p2, p0  }
0x20: {  	[sflag:s8] =	ssyncset.s32 @!p0 $0xFFFFF086;
	s6 =	sadd.s32 @!p0 s3, s7;
	s7 =	simm.s32 @!p0 $0x108  }
0x21: {  	s3 =	sadd.s32 s3, s9;
	s6 =	sadd.s32 @!p0 $0x88, s6;
	s7 =	simm.s32 @p2 $0x1082  }
0x22: {  	[simem:s7], [sflag:s8] =	dma.local @!p0 [hbm:s6], $0xF7A  }
0x23: {  	s9 =	sor.u32 $0xD0000000, s2;
	s6 =	simm.s32 $0x108;
	_ =	swait.ge @!p0 [sflag:s8], $0x0  }
0x24: {  	s3 =	sadd.s32 $0x88, s3;
	s6 =	simm.s32 @!p1 $0x1082;
	[sflag:s4] =	ssyncset.s32 $0xFFFFF086  }
0x25: {  	[simem:s6], [sflag:s4] =	dma.local [hbm:s3], $0xF7A  }
0x26: {  	[smem:$0x3F9E] =	sst s1;
	(tag) =	ssettag s2;
	_ =	strace s9  }
0x27: {  	s1 =	sld [smem:$0x3FAE]  }
0x28: {  	s2 =	sld [smem:$0x3FAF]  }
0x29: {  	s4 =	sld [smem:$0x3FB1]  }
0x2a: {  	p0 =	seq.s32 s5, $0x0;
	s5 =	sld [smem:$0x3FB2]  }
0x2b: {  	s6 =	sld [smem:$0x3FB3]  }
0x2c: {  	s7 =	sld [smem:$0x3FB4]  }
0x2d: {  	s3 =	simm.s32 $0x108;
	s8 =	sld [smem:$0x3FB5]  }
0x2e: {  	s3 =	simm.s32 @!p0 $0x1082;
	s9 =	sld [smem:$0x3FB6]  }
0x2f: {  	lr =	sadd.s32 s0, s3;
	s0 =	sld [smem:$0x3FAD]  }
0x30: {  	s3 =	sld [smem:$0x3FB0]  }
0x31: {  	[smem:$0x3FB9] =	sst s10  }
0x32: {  	s10 =	sld [smem:$0x3FB7];
	_ =	sdelay $0x3  }
0x33: {  	p0 =	seq.s32 s10, $0x1;
	s10 =	sld [smem:$0x3FB9];
	_ =	sdelay $0x3  }
0x34: {  	[smem:$0x3FB9] =	sst s10  }
0x35: {  	s10 =	sld [smem:$0x3FB8];
	_ =	sdelay $0x3  }
0x36: {  	p1 =	seq.s32 s10, $0x1;
	s10 =	sld [smem:$0x3FB9];
	_ =	sdelay $0x3  }
0x37: {  	[smem:$0x3FB9] =	sst s10  }
0x38: {  	s10 =	sld [smem:$0x3FBA]  }
0x39: {  	_ = 	snop;
	(pc) =	sbr.ind lr, $3  }
0x3a: {  	_ = 	snop  }
0x3b: {  	_ = 	snop  }
0x3c: {  	p2 =	seq.s32 s10, $0x1;
	s10 =	sld [smem:$0x3FB9]  }
0x3d: {  	_ =	shalt  }
0x3e: {  	_ =	shalt  }
0x3f: {  	_ =	shalt  }
0x40: {  	_ =	shalt  }
0x41: {  	_ =	shalt  }
0x42: {  	_ =	shalt  }
0x43: {  	_ =	shalt  }
0x44: {  	_ =	shalt  }
0x45: {  	_ =	shalt  }
0x46: {  	_ =	shalt  }
0x47: {  	_ =	shalt  }
0x48: {  	_ =	shalt  }
0x49: {  	_ =	shalt  }
0x4a: {  	_ =	shalt  }
0x4b: {  	_ =	shalt  }
0x4c: {  	_ =	shalt  }
0x4d: {  	_ =	shalt  }
0x4e: {  	_ =	shalt  }
0x4f: {  	_ =	shalt  }
0x50: {  	_ =	shalt  }
0x51: {  	_ =	shalt  }
0x52: {  	_ =	shalt  }
0x53: {  	_ =	shalt  }
0x54: {  	_ =	shalt  }
0x55: {  	_ =	shalt  }
0x56: {  	_ =	shalt  }
0x57: {  	_ =	shalt  }
0x58: {  	_ =	shalt  }
0x59: {  	_ =	shalt  }
0x5a: {  	_ =	shalt  }
0x5b: {  	_ =	shalt  }
0x5c: {  	_ =	shalt  }
0x5d: {  	_ =	shalt  }
0x5e: {  	_ =	shalt  }
0x5f: {  	_ =	shalt  }
0x60: {  	_ =	shalt  }
0x61: {  	_ =	shalt  }
0x62: {  	_ =	shalt  }
0x63: {  	_ =	shalt  }
0x64: {  	_ =	shalt  }
0x65: {  	_ =	shalt  }
0x66: {  	_ =	shalt  }
0x67: {  	_ =	shalt  }
0x68: {  	_ =	shalt  }
0x69: {  	_ =	shalt  }
0x6a: {  	_ =	shalt  }
0x6b: {  	_ =	shalt  }
0x6c: {  	_ =	shalt  }
0x6d: {  	_ =	shalt  }
0x6e: {  	_ =	shalt  }
0x6f: {  	_ =	shalt  }
0x70: {  	_ =	shalt  }
0x71: {  	_ =	shalt  }
0x72: {  	_ =	shalt  }
0x73: {  	_ =	shalt  }
0x74: {  	_ =	shalt  }
0x75: {  	_ =	shalt  }
0x76: {  	_ =	shalt  }
0x77: {  	_ =	shalt  }
0x78: {  	_ =	shalt  }
0x79: {  	_ =	shalt  }
0x7a: {  	_ =	shalt  }
0x7b: {  	_ =	shalt  }
0x7c: {  	_ =	shalt  }
0x7d: {  	_ =	shalt  }
0x7e: {  	_ =	shalt  }
0x7f: {  	_ =	shalt  }
0x80: {  	_ =	shalt  }
0x81: {  	_ =	shalt  }
0x82: {  	_ =	shalt  }
0x83: {  	_ =	shalt  }
0x84: {  	_ =	shalt  }
0x85: {  	_ =	shalt  }
0x86: {  	_ =	shalt  }
0x87: {  	_ =	shalt  }
.Lfunc_end0:
.L_simem_size_0:
called_computation_lowered:
.L_overlay_start_0:
0x88: {  	s2 =	sld [smem:$0x3FD9]  }
0x89: {  	s3 =	sld [smem:$0x3FFE];
	_ =	sdelay $0x1  }
0x8a: {  	s1 =	srdreg.scid  }
0x8b: {  	s0 =	sand.u32 $0x1, s1  }
0x8c: {  	s17 =	sshll.u32 s0, $0xA;
	s2 =	sadd.s32 s3, s2  }
0x8d: {  	s2 =	sadd.s32 s2, s17  }
0x8e: {  	[smem:$0x3FC5] =	sst s2  }
0x8f: {  	_ = 	snop  }
0x90: {  	s2 =	sld [smem:$0x3FC9]  }
0x91: {  	s18 =	sld [smem:$0x3FC7]  }
0x92: {  	s4 =	sld [smem:$0x3FD0];
	(tm) =	ssettm $0x1  }
0x93: {  	s5 =	sld [smem:$0x3FFB];
	_ =	sdelay $0x3  }
0x94: {  	_ =	strace s5  }
0x95: {  	s5 =	sld [smem:$0x3FFC];
	_ =	sdelay $0x3  }
0x96: {  	_ =	strace s5  }
0x97: {  	s5 =	sld [smem:$0x3FFD];
	_ =	sdelay $0x3  }
0x98: {  	_ =	strace s5  }
0x99: {  	_ =	strace $0x8FFFFFFF  }
0x9a: {  	s19 =	sld [smem:$0x3FDB];
	_ =	sdelay $0x1  }
0x9b: {  	s6 =	simm.s32 $_scs_section_size  }
0x9c: {  	s7 =	simm.s32 $_size__tile_overlayer_lowered;
	s8 =	simm.s32 $_tile_overlayer_lowered  }
0x9d: {  	s22 =	simm.s32 $0x1BFF;
	s21 =	sshll.u32 s8, $0x1;
	s5 =	sadd.s32 s6, s19  }
0x9e: {  	s9 =	simm.s32 $0x0;
	s20 =	sshll.u32 s7, $0x1;
	s7 =	sadd.s32 s21, s5  }
0x9f: {  	[timem:s9], [sflag:s22] =	dma.local [hbm:s7], s20  }
0xa0: {  	_ =	swait.ge [sflag:s22], s20  }
0xa1: {  	s6 =	ssub.s32 $0x0, s20;
	[sflag:s22] =	ssyncset.done $0x0  }
0xa2: {  	[sflag:s22] =	ssyncadd.s32 s6;
	_ =	sdelay $0x1  }
0xa3: {  	s23 =	simm.s32 $0x1B8B  }
0xa4: {  	_ =	swait.ge [sflag:s23], $0x1  }
0xa5: {  	[sflag:s23] =	ssyncset.done $0x0  }
0xa6: {  	s25 =	simm.s32 $0x1B8E;
	s24 =	sld [smem:$0x3FFE];
	[sflag:s23] =	ssyncadd.s32 $0xFFFFFFFF  }
0xa7: {  	s26 =	simm.s32 $execute0_lowered;
	[smem:$0x3FD2] =	sst s25  }
0xa8: {  	s7 =	sshll.u32 s26, $0x1;
	_ =	strace $0x80000046;
	[dreg:$0x1] =	wrdreg $0xFFFFFFFF  }
0xa9: {  	s28 =	simm.s32 $_size_execute0_lowered;
	s5 =	sadd.s32 s5, s7;
	[dreg:$0x0] =	wrdreg $0x0  }
0xaa: {  	s7 =	sshll.u32 s28, $0x1;
	[dreg:$0x2] =	wrdreg s5  }
0xab: {  	[dreg:$0x3] =	wrdreg s7  }
0xac: {  	[dreg:$0x4] =	wrdreg $0xC0  }
0xad: {  	_ =	task [dreg:s9], $0x5FFFF  }
0xae: {  	[dreg:$0x1] =	wrdreg $0xFFFFFFFF  }
0xaf: {  	[dreg:$0x0] =	wrdreg $0x60  }
0xb0: {  	[dreg:$0x2] =	wrdreg s2  }
0xb1: {  	[dreg:$0x3] =	wrdreg s24  }
0xb2: {  	[dreg:$0x4] =	wrdreg s18  }
0xb3: {  	[dreg:$0x5] =	wrdreg s4  }
0xb4: {  	[dreg:$0x6] =	wrdreg $0x9  }
0xb5: {  	_ =	task.clear_ibuf [dreg:s9], $0x7FFFF;
	_ =	strace $0x90000046  }
0xb6: {  	s29 =	simm.s32 $0x9;
	_ =	strace $0x80000048  }
0xb7: {  	_ =	swait.ge [sflag:s29], $0x1  }
0xb8: {  	[sflag:s29] =	ssyncadd.s32 $0xFFFFFFFF  }
0xb9: {  	_ =	strace $0x90000048  }
0xba: {  	_ =	sfence  }
0xbb: {  	s30 =	sld [smem:$0x0];
	_ =	sdelay $0x2  }
0xbc: {  	s31 =	sshll.u32 s1, $0xD;
	s1 =	sshrl.u32 s1, $0x2  }
0xbd: {  	s3 =	sand.u32 $0x4000, s31;
	s1 =	sadd.s32 s1, s30  }
0xbe: {  	s0 =	sor.u32 s3, s0;
	s1 =	sshll.u32 s1, $0x11  }
0xbf: {  	s0 =	sor.u32 s1, s0  }
0xc0: {  	s0 =	sadd.s32 $0x8F2B, s0  }
0xc1: {  	[sflag:s0] =	ssyncadd.remote.s32 $0x1  }
0xc2: {  	_ =	sfence.sel $0xFFFF  }
0xc3: {  	[dreg:$0x0] =	wrdreg $0xFFFFFFFF;
	(pc) =	sbr.abs _section_cstart, $3  }
0xc4: {  	[dreg:$0x1] =	wrdreg $0xFFFFFFFF  }
0xc5: {  	_ =	task.clear_ibuf [dreg:s9], $0x2FFFF;
	_ =	strace $0x9FFFFFFF  }
0xc6: {  	(tm) =	ssettm $0x7FFFFFFF  }
0xc7: {  	_ =	shalt  }
tec
execute0_lowered:
.L_overlay_start_1:
0x0: {  	(tag) =	ssettag $0x1  }
0x1: {  	vm7 =	vcmask $0x300  }
0x2: {  	v0 =	vimm.s32 $0xB80;
	vm4 =	vcmask $0x704;
	vm6 =	vcmask $0xB08  }
0x3: {  	vm5 =	vcmask $0xF0C;
	vm3 =	vcmask $0x1310;
	vm2 =	vcmask $0x1714  }
0x4: {  	v1 =	vimm.s32 $0x1000;
	vm1 =	vcmask $0x1B18;
	v2 =	vimm.s32 $0x1080  }
0x5: {  	v3 =	vimm.s32 $0x1100;
	v4 =	vimm.s32 $0x1180;
	v5 =	vimm.s32 $0x1200  }
0x6: {  	v6 =	vimm.s32 $0x1280;
	v7 =	vimm.s32 $0x1300;
	v8 =	vimm.s32 $0x1380  }
0x7: {  	v9 =	vimm.s32 $0x1800;
	v10 =	vimm.s32 $0x1880;
	v11 =	vimm.s32 $0x1900  }
0x8: {  	v12 =	vimm.s32 $0x1980;
	v13 =	vimm.s32 $0x1A00;
	v14 =	vimm.s32 $0x1A80  }
0x9: {  	v15 =	vimm.s32 $0x1B00;
	v16 =	vimm.s32 $0x1B80;
	v17 =	vimm.s32 $0x2000  }
0xa: {  	v18 =	vimm.s32 $0x2080;
	v19 =	vimm.s32 $0x2100;
	v20 =	vimm.s32 $0x2180  }
0xb: {  	v21 =	vimm.s32 $0x2200;
	v22 =	vimm.s32 $0x2280;
	v23 =	vimm.s32 $0x2300  }
0xc: {  	v24 =	vimm.s32 $0x2380;
	v25 =	vimm.s32 $0x2800;
	v26 =	vimm.s32 $0x2880  }
0xd: {  	v27 =	vimm.s32 $0x2900;
	v28 =	vimm.s32 $0x2980;
	v29 =	vimm.s32 $0x2A00  }
0xe: {  	v30 =	vimm.s32 $0x2A80;
	v31 =	vimm.s32 $0x2B00;
	v32 =	vimm.s32 $0x2B80  }
0xf: {  	v33 =	vimm.s32 $0x3000;
	v34 =	vimm.s32 $0x3080;
	v35 =	vimm.s32 $0x3100  }
0x10: {  	v36 =	vimm.s32 $0x3180;
	v37 =	vimm.s32 $0x3200;
	v38 =	vimm.s32 $0x3280  }
0x11: {  	v39 =	vimm.s32 $0x3300;
	v40 =	vimm.s32 $0x3380;
	v41 =	vimm.s32 $0x3800  }
0x12: {  	v42 =	vimm.s32 $0x3880;
	v43 =	vimm.s32 $0x3900;
	v44 =	vimm.s32 $0x3980  }
0x13: {  	v45 =	vimm.s32 $0x3A00;
	v46 =	vimm.s32 $0x3A80;
	v47 =	vimm.s32 $0x3B00  }
0x14: {  	v48 =	vimm.s32 $0x3B80;
	v49 =	vimm.s32 $0x3F3E3D;
	v50 =	vimm.s32 $0x1003F3E  }
0x15: {  	v51 =	vimm.s32 $0x32107654;
	v59 =	vimm.s32 $0x201003F;
	v52 =	vimm.s32 $0x80  }
0x16: {  	v53 =	vimm.s32 $0x3F3E3D3C;
	v54 =	vimm.s32 $0x43218765;
	v55 =	vimm.s32 $0x54329876  }
0x17: {  	v56 =	vimm.s32 $0x6543A987;
	vm0 =	vcmask $0x2F10;
	v63 =	vimm.s32 $0xB0A0908  }
0x18: {  	vm14 =	vcmask $0x1F1C;
	vm15 =	vcmask $0x2320;
	v0 =	vsel vm7, $0x0, v0  }
0x19: {  	v1 =	vsel vm7, $0x80, v1;
	v2 =	vsel vm7, $0x100, v2;
	v3 =	vsel vm7, $0x180, v3  }
0x1a: {  	v4 =	vsel vm7, $0x200, v4;
	v5 =	vsel vm7, $0x280, v5;
	v6 =	vsel vm7, $0x300, v6  }
0x1b: {  	v7 =	vsel vm7, $0x380, v7;
	v8 =	vsel vm7, $0x800, v8;
	v9 =	vsel vm7, $0x880, v9  }
0x1c: {  	v10 =	vsel vm7, $0x900, v10;
	v11 =	vsel vm7, $0x980, v11;
	v12 =	vsel vm7, $0xA00, v12  }
0x1d: {  	v13 =	vsel vm7, $0xA80, v13;
	v14 =	vsel vm7, $0xB00, v14;
	v15 =	vsel vm7, $0xB80, v15  }
0x1e: {  	v16 =	vsel vm7, $0x1000, v16;
	v17 =	vsel vm7, $0x1080, v17;
	v18 =	vsel vm7, $0x1100, v18  }
0x1f: {  	v19 =	vsel vm7, $0x1180, v19;
	v20 =	vsel vm7, $0x1200, v20;
	v21 =	vsel vm7, $0x1280, v21  }
0x20: {  	v22 =	vsel vm7, $0x1300, v22;
	v23 =	vsel vm7, $0x1380, v23;
	v24 =	vsel vm7, $0x1800, v24  }
0x21: {  	v25 =	vsel vm7, $0x1880, v25;
	v26 =	vsel vm7, $0x1900, v26;
	v27 =	vsel vm7, $0x1980, v27  }
0x22: {  	v28 =	vsel vm7, $0x1A00, v28;
	v29 =	vsel vm7, $0x1A80, v29;
	v30 =	vsel vm7, $0x1B00, v30  }
0x23: {  	v31 =	vsel vm7, $0x1B80, v31;
	v32 =	vsel vm7, $0x2000, v32;
	v33 =	vsel vm7, $0x2080, v33  }
0x24: {  	v34 =	vsel vm7, $0x2100, v34;
	v35 =	vsel vm7, $0x2180, v35;
	v36 =	vsel vm7, $0x2200, v36  }
0x25: {  	v37 =	vsel vm7, $0x2280, v37;
	v38 =	vsel vm7, $0x2300, v38;
	v39 =	vsel vm7, $0x2380, v39  }
0x26: {  	v40 =	vsel vm7, $0x2800, v40;
	v41 =	vsel vm7, $0x2880, v41;
	v42 =	vsel vm7, $0x2900, v42  }
0x27: {  	v43 =	vsel vm7, $0x2980, v43;
	v44 =	vsel vm7, $0x2A00, v44;
	v45 =	vsel vm7, $0x2A80, v45  }
0x28: {  	v46 =	vsel vm7, $0x2B00, v46;
	v47 =	vsel vm7, $0x2B80, v47;
	v48 =	vsel vm7, $0x3000, v48  }
0x29: {  	v60 =	vunpack.c.0.s8.s32 v49;
	v49 =	vimm.s32 $0x0;
	v58 =	vunpack.c.0.s8.s32 v50  }
0x2a: {  	v51 =	vunpack.c.l.s4.s8 v51;
	v57 =	vunpack.c.0.s8.s32 v59;
	v50 =	vimm.s32 $0x3020100  }
0x2b: {  	v54 =	vunpack.c.l.s4.s8 v54;
	v59 =	vunpack.c.0.s8.s32 v53;
	v61 =	vunpack.c.l.s4.s8 v55  }
0x2c: {  	v62 =	vunpack.c.l.s4.s8 v56;
	v56 =	vunpack.c.0.s8.s32 v63;
	v63 =	vimm.s32 $0x37363534  }
0x2d: {  	v0 =	vsel vm4, $0x80, v0;
	v50 =	vunpack.c.0.s8.s32 v50;
	v49 =	vsel vm7, $0x3080, v49  }
0x2e: {  	v1 =	vsel vm4, $0x100, v1;
	v2 =	vsel vm4, $0x180, v2;
	v3 =	vsel vm4, $0x200, v3  }
0x2f: {  	v4 =	vsel vm4, $0x280, v4;
	v5 =	vsel vm4, $0x300, v5;
	v6 =	vsel vm4, $0x380, v6  }
0x30: {  	v7 =	vsel vm4, $0x800, v7;
	v8 =	vsel vm4, $0x880, v8;
	v9 =	vsel vm4, $0x900, v9  }
0x31: {  	v10 =	vsel vm4, $0x980, v10;
	v11 =	vsel vm4, $0xA00, v11;
	v12 =	vsel vm4, $0xA80, v12  }
0x32: {  	v13 =	vsel vm4, $0xB00, v13;
	v14 =	vsel vm4, $0xB80, v14;
	v15 =	vsel vm4, $0x1000, v15  }
0x33: {  	v16 =	vsel vm4, $0x1080, v16;
	v17 =	vsel vm4, $0x1100, v17;
	v18 =	vsel vm4, $0x1180, v18  }
0x34: {  	v19 =	vsel vm4, $0x1200, v19;
	v20 =	vsel vm4, $0x1280, v20;
	v21 =	vsel vm4, $0x1300, v21  }
0x35: {  	v22 =	vsel vm4, $0x1380, v22;
	v23 =	vsel vm4, $0x1800, v23;
	v24 =	vsel vm4, $0x1880, v24  }
0x36: {  	v25 =	vsel vm4, $0x1900, v25;
	v26 =	vsel vm4, $0x1980, v26;
	v27 =	vsel vm4, $0x1A00, v27  }
0x37: {  	v28 =	vsel vm4, $0x1A80, v28;
	v29 =	vsel vm4, $0x1B00, v29;
	v30 =	vsel vm4, $0x1B80, v30  }
0x38: {  	v31 =	vsel vm4, $0x2000, v31;
	v32 =	vsel vm4, $0x2080, v32;
	v33 =	vsel vm4, $0x2100, v33  }
0x39: {  	v34 =	vsel vm4, $0x2180, v34;
	v35 =	vsel vm4, $0x2200, v35;
	v36 =	vsel vm4, $0x2280, v36  }
0x3a: {  	v37 =	vsel vm4, $0x2300, v37;
	v38 =	vsel vm4, $0x2380, v38;
	v39 =	vsel vm4, $0x2800, v39  }
0x3b: {  	v40 =	vsel vm4, $0x2880, v40;
	v41 =	vsel vm4, $0x2900, v41;
	v42 =	vsel vm4, $0x2980, v42  }
0x3c: {  	v43 =	vsel vm4, $0x2A00, v43;
	v44 =	vsel vm4, $0x2A80, v44;
	v45 =	vsel vm4, $0x2B00, v45  }
0x3d: {  	v46 =	vsel vm4, $0x2B80, v46;
	v47 =	vsel vm4, $0x3000, v47;
	v48 =	vsel vm4, $0x3080, v48  }
0x3e: {  	v0 =	vsel vm6, $0x100, v0;
	v51 =	vunpack.c.0.s8.s32 v51;
	v54 =	vunpack.c.0.s8.s32 v54  }
0x3f: {  	v53 =	vunpack.c.0.s8.s32 v61;
	v55 =	vunpack.c.0.s8.s32 v62;
	v61 =	vimm.s32 $0xD0C0B0A  }
0x40: {  	v62 =	vimm.s32 $0xE0D0C0B;
	v49 =	vsel vm4, $0x3100, v49;
	v1 =	vsel vm6, $0x180, v1  }
0x41: {  	v2 =	vsel vm6, $0x200, v2;
	v3 =	vsel vm6, $0x280, v3;
	v4 =	vsel vm6, $0x300, v4  }
0x42: {  	v5 =	vsel vm6, $0x380, v5;
	v6 =	vsel vm6, $0x800, v6;
	v7 =	vsel vm6, $0x880, v7  }
0x43: {  	v8 =	vsel vm6, $0x900, v8;
	v9 =	vsel vm6, $0x980, v9;
	v10 =	vsel vm6, $0xA00, v10  }
0x44: {  	v11 =	vsel vm6, $0xA80, v11;
	v12 =	vsel vm6, $0xB00, v12;
	v13 =	vsel vm6, $0xB80, v13  }
0x45: {  	v14 =	vsel vm6, $0x1000, v14;
	v15 =	vsel vm6, $0x1080, v15;
	v16 =	vsel vm6, $0x1100, v16  }
0x46: {  	v17 =	vsel vm6, $0x1180, v17;
	v18 =	vsel vm6, $0x1200, v18;
	v19 =	vsel vm6, $0x1280, v19  }
0x47: {  	v20 =	vsel vm6, $0x1300, v20;
	v21 =	vsel vm6, $0x1380, v21;
	v22 =	vsel vm6, $0x1800, v22  }
0x48: {  	v23 =	vsel vm6, $0x1880, v23;
	v24 =	vsel vm6, $0x1900, v24;
	v25 =	vsel vm6, $0x1980, v25  }
0x49: {  	v26 =	vsel vm6, $0x1A00, v26;
	v27 =	vsel vm6, $0x1A80, v27;
	v28 =	vsel vm6, $0x1B00, v28  }
0x4a: {  	v29 =	vsel vm6, $0x1B80, v29;
	v30 =	vsel vm6, $0x2000, v30;
	v31 =	vsel vm6, $0x2080, v31  }
0x4b: {  	v32 =	vsel vm6, $0x2100, v32;
	v33 =	vsel vm6, $0x2180, v33;
	v34 =	vsel vm6, $0x2200, v34  }
0x4c: {  	v35 =	vsel vm6, $0x2280, v35;
	v36 =	vsel vm6, $0x2300, v36;
	v37 =	vsel vm6, $0x2380, v37  }
0x4d: {  	v38 =	vsel vm6, $0x2800, v38;
	v39 =	vsel vm6, $0x2880, v39;
	v40 =	vsel vm6, $0x2900, v40  }
0x4e: {  	v41 =	vsel vm6, $0x2980, v41;
	v42 =	vsel vm6, $0x2A00, v42;
	v43 =	vsel vm6, $0x2A80, v43  }
0x4f: {  	v44 =	vsel vm6, $0x2B00, v44;
	v45 =	vsel vm6, $0x2B80, v45;
	v46 =	vsel vm6, $0x3000, v46  }
0x50: {  	v47 =	vsel vm6, $0x3080, v47;
	v48 =	vsel vm6, $0x3100, v48;
	v0 =	vsel vm5, $0x180, v0  }
0x51: {  	v49 =	vsel vm6, $0x3180, v49;
	v1 =	vsel vm5, $0x200, v1;
	v2 =	vsel vm5, $0x280, v2  }
0x52: {  	v3 =	vsel vm5, $0x300, v3;
	v4 =	vsel vm5, $0x380, v4;
	v5 =	vsel vm5, $0x800, v5  }
0x53: {  	v6 =	vsel vm5, $0x880, v6;
	v7 =	vsel vm5, $0x900, v7;
	v8 =	vsel vm5, $0x980, v8  }
0x54: {  	v9 =	vsel vm5, $0xA00, v9;
	v10 =	vsel vm5, $0xA80, v10;
	v11 =	vsel vm5, $0xB00, v11  }
0x55: {  	v12 =	vsel vm5, $0xB80, v12;
	v13 =	vsel vm5, $0x1000, v13;
	v14 =	vsel vm5, $0x1080, v14  }
0x56: {  	v15 =	vsel vm5, $0x1100, v15;
	v16 =	vsel vm5, $0x1180, v16;
	v17 =	vsel vm5, $0x1200, v17  }
0x57: {  	v18 =	vsel vm5, $0x1280, v18;
	v19 =	vsel vm5, $0x1300, v19;
	v20 =	vsel vm5, $0x1380, v20  }
0x58: {  	v21 =	vsel vm5, $0x1800, v21;
	v22 =	vsel vm5, $0x1880, v22;
	v23 =	vsel vm5, $0x1900, v23  }
0x59: {  	v24 =	vsel vm5, $0x1980, v24;
	v25 =	vsel vm5, $0x1A00, v25;
	v26 =	vsel vm5, $0x1A80, v26  }
0x5a: {  	v27 =	vsel vm5, $0x1B00, v27;
	v28 =	vsel vm5, $0x1B80, v28;
	v29 =	vsel vm5, $0x2000, v29  }
0x5b: {  	v30 =	vsel vm5, $0x2080, v30;
	v31 =	vsel vm5, $0x2100, v31;
	v32 =	vsel vm5, $0x2180, v32  }
0x5c: {  	v33 =	vsel vm5, $0x2200, v33;
	v34 =	vsel vm5, $0x2280, v34;
	v35 =	vsel vm5, $0x2300, v35  }
0x5d: {  	v36 =	vsel vm5, $0x2380, v36;
	v37 =	vsel vm5, $0x2800, v37;
	v38 =	vsel vm5, $0x2880, v38  }
0x5e: {  	v39 =	vsel vm5, $0x2900, v39;
	v40 =	vsel vm5, $0x2980, v40;
	v41 =	vsel vm5, $0x2A00, v41  }
0x5f: {  	v42 =	vsel vm5, $0x2A80, v42;
	v43 =	vsel vm5, $0x2B00, v43;
	v44 =	vsel vm5, $0x2B80, v44  }
0x60: {  	v45 =	vsel vm5, $0x3000, v45;
	v46 =	vsel vm5, $0x3080, v46;
	v47 =	vsel vm5, $0x3100, v47  }
0x61: {  	v48 =	vsel vm5, $0x3180, v48;
	v0 =	vsel vm3, $0x200, v0;
	v51 =	vand.u32 $0xF, v51  }
0x62: {  	v54 =	vand.u32 $0xF, v54;
	v53 =	vand.u32 $0xF, v53;
	v55 =	vand.u32 $0xF, v55  }
0x63: {  	v49 =	vsel vm5, $0x3200, v49;
	v1 =	vsel vm3, $0x280, v1;
	v2 =	vsel vm3, $0x300, v2  }
0x64: {  	v3 =	vsel vm3, $0x380, v3;
	v4 =	vsel vm3, $0x800, v4;
	v5 =	vsel vm3, $0x880, v5  }
0x65: {  	v6 =	vsel vm3, $0x900, v6;
	v7 =	vsel vm3, $0x980, v7;
	v8 =	vsel vm3, $0xA00, v8  }
0x66: {  	v9 =	vsel vm3, $0xA80, v9;
	v10 =	vsel vm3, $0xB00, v10;
	v11 =	vsel vm3, $0xB80, v11  }
0x67: {  	v12 =	vsel vm3, $0x1000, v12;
	v13 =	vsel vm3, $0x1080, v13;
	v14 =	vsel vm3, $0x1100, v14  }
0x68: {  	v15 =	vsel vm3, $0x1180, v15;
	v16 =	vsel vm3, $0x1200, v16;
	v17 =	vsel vm3, $0x1280, v17  }
0x69: {  	v18 =	vsel vm3, $0x1300, v18;
	v19 =	vsel vm3, $0x1380, v19;
	v20 =	vsel vm3, $0x1800, v20  }
0x6a: {  	v21 =	vsel vm3, $0x1880, v21;
	v22 =	vsel vm3, $0x1900, v22;
	v23 =	vsel vm3, $0x1980, v23  }
0x6b: {  	v24 =	vsel vm3, $0x1A00, v24;
	v25 =	vsel vm3, $0x1A80, v25;
	v26 =	vsel vm3, $0x1B00, v26  }
0x6c: {  	v27 =	vsel vm3, $0x1B80, v27;
	v28 =	vsel vm3, $0x2000, v28;
	v29 =	vsel vm3, $0x2080, v29  }
0x6d: {  	v30 =	vsel vm3, $0x2100, v30;
	v31 =	vsel vm3, $0x2180, v31;
	v32 =	vsel vm3, $0x2200, v32  }
0x6e: {  	v33 =	vsel vm3, $0x2280, v33;
	v34 =	vsel vm3, $0x2300, v34;
	v35 =	vsel vm3, $0x2380, v35  }
0x6f: {  	v36 =	vsel vm3, $0x2800, v36;
	v37 =	vsel vm3, $0x2880, v37;
	v38 =	vsel vm3, $0x2900, v38  }
0x70: {  	v39 =	vsel vm3, $0x2980, v39;
	v40 =	vsel vm3, $0x2A00, v40;
	v41 =	vsel vm3, $0x2A80, v41  }
0x71: {  	v42 =	vsel vm3, $0x2B00, v42;
	v43 =	vsel vm3, $0x2B80, v43;
	v44 =	vsel vm3, $0x3000, v44  }
0x72: {  	v45 =	vsel vm3, $0x3080, v45;
	v46 =	vsel vm3, $0x3100, v46;
	v47 =	vsel vm3, $0x3180, v47  }
0x73: {  	v48 =	vsel vm3, $0x3200, v48;
	v0 =	vsel vm2, $0x280, v0;
	v51 =	vsel vm0, v51, v59  }
0x74: {  	[tilespmem:$0x1FD50] =	vst v60;
	v54 =	vsel vm0, v54, v60;
	v53 =	vsel vm0, v53, v58;
	v55 =	vsel vm0, v55, v57  }
0x75: {  	[tilespmem:$0x1FD90] =	vst v57;
	vm0 =	vcmask $0x3F30;
	v60 =	vimm.s32 $0xC0B0A09;
	v57 =	vunpack.c.0.s8.s32 v62  }
0x76: {  	[tilespmem:$0x1FD70] =	vst v58;
	v58 =	vunpack.c.0.s8.s32 v63;
	v63 =	vimm.s32 $0x100;
	v49 =	vsel vm3, $0x3280, v49  }
0x77: {  	v1 =	vsel vm2, $0x300, v1;
	v2 =	vsel vm2, $0x380, v2;
	v3 =	vsel vm2, $0x800, v3  }
0x78: {  	v4 =	vsel vm2, $0x880, v4;
	v5 =	vsel vm2, $0x900, v5;
	v6 =	vsel vm2, $0x980, v6  }
0x79: {  	v7 =	vsel vm2, $0xA00, v7;
	v8 =	vsel vm2, $0xA80, v8;
	v9 =	vsel vm2, $0xB00, v9  }
0x7a: {  	v10 =	vsel vm2, $0xB80, v10;
	v11 =	vsel vm2, $0x1000, v11;
	v12 =	vsel vm2, $0x1080, v12  }
0x7b: {  	v13 =	vsel vm2, $0x1100, v13;
	v14 =	vsel vm2, $0x1180, v14;
	v15 =	vsel vm2, $0x1200, v15  }
0x7c: {  	v16 =	vsel vm2, $0x1280, v16;
	v17 =	vsel vm2, $0x1300, v17;
	v18 =	vsel vm2, $0x1380, v18  }
0x7d: {  	v19 =	vsel vm2, $0x1800, v19;
	v20 =	vsel vm2, $0x1880, v20;
	v21 =	vsel vm2, $0x1900, v21  }
0x7e: {  	v22 =	vsel vm2, $0x1980, v22;
	v23 =	vsel vm2, $0x1A00, v23;
	v24 =	vsel vm2, $0x1A80, v24  }
0x7f: {  	v25 =	vsel vm2, $0x1B00, v25;
	v26 =	vsel vm2, $0x1B80, v26;
	v27 =	vsel vm2, $0x2000, v27  }
0x80: {  	v28 =	vsel vm2, $0x2080, v28;
	v29 =	vsel vm2, $0x2100, v29;
	v30 =	vsel vm2, $0x2180, v30  }
0x81: {  	v31 =	vsel vm2, $0x2200, v31;
	v32 =	vsel vm2, $0x2280, v32;
	v33 =	vsel vm2, $0x2300, v33  }
0x82: {  	v34 =	vsel vm2, $0x2380, v34;
	v35 =	vsel vm2, $0x2800, v35;
	v36 =	vsel vm2, $0x2880, v36  }
0x83: {  	v37 =	vsel vm2, $0x2900, v37;
	v38 =	vsel vm2, $0x2980, v38;
	v39 =	vsel vm2, $0x2A00, v39  }
0x84: {  	v40 =	vsel vm2, $0x2A80, v40;
	v41 =	vsel vm2, $0x2B00, v41;
	v42 =	vsel vm2, $0x2B80, v42  }
0x85: {  	v43 =	vsel vm2, $0x3000, v43;
	v44 =	vsel vm2, $0x3080, v44;
	v45 =	vsel vm2, $0x3100, v45  }
0x86: {  	v46 =	vsel vm2, $0x3180, v46;
	v47 =	vsel vm2, $0x3200, v47;
	v48 =	vsel vm2, $0x3280, v48  }
0x87: {  	v51 =	vsel vm0, v56, v51;
	v56 =	vunpack.c.0.s8.s32 v61;
	v0 =	vsel vm1, $0x300, v0  }
0x88: {  	v49 =	vsel vm2, $0x3300, v49;
	v1 =	vsel vm1, $0x380, v1;
	v2 =	vsel vm1, $0x800, v2  }
0x89: {  	v3 =	vsel vm1, $0x880, v3;
	v4 =	vsel vm1, $0x900, v4;
	v5 =	vsel vm1, $0x980, v5  }
0x8a: {  	v6 =	vsel vm1, $0xA00, v6;
	v7 =	vsel vm1, $0xA80, v7;
	v8 =	vsel vm1, $0xB00, v8  }
0x8b: {  	v9 =	vsel vm1, $0xB80, v9;
	v10 =	vsel vm1, $0x1000, v10;
	v11 =	vsel vm1, $0x1080, v11  }
0x8c: {  	v12 =	vsel vm1, $0x1100, v12;
	v13 =	vsel vm1, $0x1180, v13;
	v14 =	vsel vm1, $0x1200, v14  }
0x8d: {  	v15 =	vsel vm1, $0x1280, v15;
	v16 =	vsel vm1, $0x1300, v16;
	v17 =	vsel vm1, $0x1380, v17  }
0x8e: {  	v18 =	vsel vm1, $0x1800, v18;
	v19 =	vsel vm1, $0x1880, v19;
	v20 =	vsel vm1, $0x1900, v20  }
0x8f: {  	v21 =	vsel vm1, $0x1980, v21;
	v22 =	vsel vm1, $0x1A00, v22;
	v23 =	vsel vm1, $0x1A80, v23  }
0x90: {  	v24 =	vsel vm1, $0x1B00, v24;
	v25 =	vsel vm1, $0x1B80, v25;
	v26 =	vsel vm1, $0x2000, v26  }
0x91: {  	v27 =	vsel vm1, $0x2080, v27;
	v28 =	vsel vm1, $0x2100, v28;
	v29 =	vsel vm1, $0x2180, v29  }
0x92: {  	v30 =	vsel vm1, $0x2200, v30;
	v31 =	vsel vm1, $0x2280, v31;
	v32 =	vsel vm1, $0x2300, v32  }
0x93: {  	v33 =	vsel vm1, $0x2380, v33;
	v34 =	vsel vm1, $0x2800, v34;
	v35 =	vsel vm1, $0x2880, v35  }
0x94: {  	v36 =	vsel vm1, $0x2900, v36;
	v37 =	vsel vm1, $0x2980, v37;
	v38 =	vsel vm1, $0x2A00, v38  }
0x95: {  	v39 =	vsel vm1, $0x2A80, v39;
	v40 =	vsel vm1, $0x2B00, v40;
	v41 =	vsel vm1, $0x2B80, v41  }
0x96: {  	v42 =	vsel vm1, $0x3000, v42;
	v43 =	vsel vm1, $0x3080, v43;
	v44 =	vsel vm1, $0x3100, v44  }
0x97: {  	v45 =	vsel vm1, $0x3180, v45;
	v46 =	vsel vm1, $0x3200, v46;
	v47 =	vsel vm1, $0x3280, v47  }
0x98: {  	v48 =	vsel vm1, $0x3300, v48;
	[tilespmem:$0x1F870] =	vst v51;
	v51 =	vunpack.c.0.s8.s32 v60;
	v62 =	vsel vm0, v57, v55  }
0x99: {  	v57 =	vimm.s32 $0x180;
	v0 =	vsel vm14, $0x380, v0;
	v49 =	vsel vm1, $0x3380, v49  }
0x9a: {  	v1 =	vsel vm14, $0x800, v1;
	v2 =	vsel vm14, $0x880, v2;
	v3 =	vsel vm14, $0x900, v3  }
0x9b: {  	v4 =	vsel vm14, $0x980, v4;
	v5 =	vsel vm14, $0xA00, v5;
	v6 =	vsel vm14, $0xA80, v6  }
0x9c: {  	v7 =	vsel vm14, $0xB00, v7;
	v8 =	vsel vm14, $0xB80, v8;
	v9 =	vsel vm14, $0x1000, v9  }
0x9d: {  	v10 =	vsel vm14, $0x1080, v10;
	v11 =	vsel vm14, $0x1100, v11;
	v12 =	vsel vm14, $0x1180, v12  }
0x9e: {  	v13 =	vsel vm14, $0x1200, v13;
	v14 =	vsel vm14, $0x1280, v14;
	v15 =	vsel vm14, $0x1300, v15  }
0x9f: {  	v16 =	vsel vm14, $0x1380, v16;
	v17 =	vsel vm14, $0x1800, v17;
	v18 =	vsel vm14, $0x1880, v18  }
0xa0: {  	v19 =	vsel vm14, $0x1900, v19;
	v20 =	vsel vm14, $0x1980, v20;
	v21 =	vsel vm14, $0x1A00, v21  }
0xa1: {  	v22 =	vsel vm14, $0x1A80, v22;
	v23 =	vsel vm14, $0x1B00, v23;
	v24 =	vsel vm14, $0x1B80, v24  }
0xa2: {  	v25 =	vsel vm14, $0x2000, v25;
	v26 =	vsel vm14, $0x2080, v26;
	v27 =	vsel vm14, $0x2100, v27  }
0xa3: {  	v28 =	vsel vm14, $0x2180, v28;
	v29 =	vsel vm14, $0x2200, v29;
	v30 =	vsel vm14, $0x2280, v30  }
0xa4: {  	v31 =	vsel vm14, $0x2300, v31;
	v32 =	vsel vm14, $0x2380, v32;
	v33 =	vsel vm14, $0x2800, v33  }
0xa5: {  	v34 =	vsel vm14, $0x2880, v34;
	v35 =	vsel vm14, $0x2900, v35;
	v36 =	vsel vm14, $0x2980, v36  }
0xa6: {  	v37 =	vsel vm14, $0x2A00, v37;
	v38 =	vsel vm14, $0x2A80, v38;
	v39 =	vsel vm14, $0x2B00, v39  }
0xa7: {  	v40 =	vsel vm14, $0x2B80, v40;
	v41 =	vsel vm14, $0x3000, v41;
	v42 =	vsel vm14, $0x3080, v42  }
0xa8: {  	v43 =	vsel vm14, $0x3100, v43;
	v44 =	vsel vm14, $0x3180, v44;
	v45 =	vsel vm14, $0x3200, v45  }
0xa9: {  	v46 =	vsel vm14, $0x3280, v46;
	v47 =	vsel vm14, $0x3300, v47;
	v48 =	vsel vm14, $0x3380, v48  }
0xaa: {  	v61 =	vsel vm0, v56, v53;
	[tilespmem:$0x1F8A0] =	vst v62;
	v62 =	vimm.s32 $0x800;
	v0 =	vsel vm15, $0x800, v0  }
0xab: {  	v49 =	vsel vm14, $0x3800, v49;
	v1 =	vsel vm15, $0x880, v1;
	v2 =	vsel vm15, $0x900, v2  }
0xac: {  	v3 =	vsel vm15, $0x980, v3;
	v4 =	vsel vm15, $0xA00, v4;
	v5 =	vsel vm15, $0xA80, v5  }
0xad: {  	v6 =	vsel vm15, $0xB00, v6;
	v7 =	vsel vm15, $0xB80, v7;
	v8 =	vsel vm15, $0x1000, v8  }
0xae: {  	v9 =	vsel vm15, $0x1080, v9;
	v10 =	vsel vm15, $0x1100, v10;
	v11 =	vsel vm15, $0x1180, v11  }
0xaf: {  	v12 =	vsel vm15, $0x1200, v12;
	v13 =	vsel vm15, $0x1280, v13;
	v14 =	vsel vm15, $0x1300, v14  }
0xb0: {  	v15 =	vsel vm15, $0x1380, v15;
	v16 =	vsel vm15, $0x1800, v16;
	v17 =	vsel vm15, $0x1880, v17  }
0xb1: {  	v18 =	vsel vm15, $0x1900, v18;
	v19 =	vsel vm15, $0x1980, v19;
	v20 =	vsel vm15, $0x1A00, v20  }
0xb2: {  	v21 =	vsel vm15, $0x1A80, v21;
	v22 =	vsel vm15, $0x1B00, v22;
	v23 =	vsel vm15, $0x1B80, v23  }
0xb3: {  	v24 =	vsel vm15, $0x2000, v24;
	v25 =	vsel vm15, $0x2080, v25;
	v26 =	vsel vm15, $0x2100, v26  }
0xb4: {  	v27 =	vsel vm15, $0x2180, v27;
	v28 =	vsel vm15, $0x2200, v28;
	v29 =	vsel vm15, $0x2280, v29  }
0xb5: {  	v30 =	vsel vm15, $0x2300, v30;
	v31 =	vsel vm15, $0x2380, v31;
	v32 =	vsel vm15, $0x2800, v32  }
0xb6: {  	v33 =	vsel vm15, $0x2880, v33;
	v34 =	vsel vm15, $0x2900, v34;
	v35 =	vsel vm15, $0x2980, v35  }
0xb7: {  	v36 =	vsel vm15, $0x2A00, v36;
	v37 =	vsel vm15, $0x2A80, v37;
	v38 =	vsel vm15, $0x2B00, v38  }
0xb8: {  	v39 =	vsel vm15, $0x2B80, v39;
	v40 =	vsel vm15, $0x3000, v40;
	v41 =	vsel vm15, $0x3080, v41  }
0xb9: {  	v42 =	vsel vm15, $0x3100, v42;
	v43 =	vsel vm15, $0x3180, v43;
	v44 =	vsel vm15, $0x3200, v44  }
0xba: {  	v45 =	vsel vm15, $0x3280, v45;
	v46 =	vsel vm15, $0x3300, v46;
	v47 =	vsel vm15, $0x3380, v47  }
0xbb: {  	v48 =	vsel vm15, $0x3800, v48;
	v51 =	vsel vm0, v51, v54;
	v54 =	vimm.s32 $0x3B3A3938  }
0xbc: {  	[tilespmem:$0x1F890] =	vst v61;
	vm0 =	vcmask $0x1F10;
	v61 =	vimm.s32 $0x380;
	v49 =	vsel vm15, $0x3880, v49  }
0xbd: {  	[tilespmem:$0x1F880] =	vst v51;
	v60 =	vunpack.c.0.s8.s32 v54;
	v51 =	vsel vm7, $0x3100, v52;
	v50 =	vsel vm0, v50, v59  }
0xbe: {  	[tilespmem:$0x1F8B0] =	vst v59;
	v52 =	vsel vm7, $0x3180, v63;
	v59 =	vimm.s32 $0x280;
	v63 =	vimm.s32 $0x880  }
0xbf: {  	v54 =	vsel vm7, $0x3300, v59;
	v59 =	vimm.s32 $0x900;
	v51 =	vsel vm4, $0x3180, v51  }
0xc0: {  	v52 =	vsel vm4, $0x3200, v52;
	v56 =	vsel vm0, v60, v58;
	v58 =	vimm.s32 $0x200  }
0xc1: {  	[tilespmem:$0x1F8C0] =	vst v60;
	v60 =	vimm.s32 $0x300;
	v59 =	vsel vm7, $0x3980, v59;
	v54 =	vsel vm4, $0x3380, v54  }
0xc2: {  	v51 =	vsel vm6, $0x3200, v51;
	v52 =	vsel vm6, $0x3280, v52;
	v50 =	vcombine.low v56, v50  }
0xc3: {  	v53 =	vsel vm7, $0x3280, v58;
	v55 =	vsel vm7, $0x3380, v60;
	v56 =	vsel vm7, $0x3800, v61  }
0xc4: {  	v58 =	vsel vm7, $0x3900, v63;
	v60 =	vimm.s32 $0x980;
	v61 =	vimm.s32 $0xA00  }
0xc5: {  	v63 =	vimm.s32 $0xB00;
	v59 =	vsel vm4, $0x3A00, v59;
	v54 =	vsel vm6, $0x3800, v54  }
0xc6: {  	v51 =	vsel vm5, $0x3280, v51;
	v52 =	vsel vm5, $0x3300, v52;
	v60 =	vsel vm7, $0x3A00, v60  }
0xc7: {  	v61 =	vsel vm7, $0x3A80, v61;
	v63 =	vsel vm7, $0x3B80, v63;
	v53 =	vsel vm4, $0x3300, v53  }
0xc8: {  	v55 =	vsel vm4, $0x3800, v55;
	v56 =	vsel vm4, $0x3880, v56;
	v58 =	vsel vm4, $0x3980, v58  }
0xc9: {  	v59 =	vsel vm6, $0x3A80, v59;
	v54 =	vsel vm5, $0x3880, v54;
	v51 =	vsel vm3, $0x3300, v51  }
0xca: {  	v52 =	vsel vm3, $0x3380, v52;
	[tilespmem:$0x1F8D0] =	vst v50;
	v50 =	vsel vm7, $0x3200, v57;
	v57 =	vsel vm7, $0x3880, v62  }
0xcb: {  	v62 =	vimm.s32 $0xA80;
	v60 =	vsel vm4, $0x3A80, v60;
	v61 =	vsel vm4, $0x3B00, v61  }
0xcc: {  	v63 =	vsel vm4, $0x0, v63;
	v53 =	vsel vm6, $0x3380, v53;
	v55 =	vsel vm6, $0x3880, v55  }
0xcd: {  	v56 =	vsel vm6, $0x3900, v56;
	v58 =	vsel vm6, $0x3A00, v58;
	v59 =	vsel vm5, $0x3B00, v59  }
0xce: {  	v54 =	vsel vm3, $0x3900, v54;
	v51 =	vsel vm2, $0x3380, v51;
	v52 =	vsel vm2, $0x3800, v52  }
0xcf: {  	v62 =	vsel vm7, $0x3B00, v62;
	v50 =	vsel vm4, $0x3280, v50;
	v57 =	vsel vm4, $0x3900, v57  }
0xd0: {  	v60 =	vsel vm6, $0x3B00, v60;
	v61 =	vsel vm6, $0x3B80, v61;
	v63 =	vsel vm6, $0x80, v63  }
0xd1: {  	v53 =	vsel vm5, $0x3800, v53;
	v55 =	vsel vm5, $0x3900, v55;
	v56 =	vsel vm5, $0x3980, v56  }
0xd2: {  	v58 =	vsel vm5, $0x3A80, v58;
	v59 =	vsel vm3, $0x3B80, v59;
	v54 =	vsel vm2, $0x3980, v54  }
0xd3: {  	v51 =	vsel vm1, $0x3800, v51;
	v52 =	vsel vm1, $0x3880, v52;
	v62 =	vsel vm4, $0x3B80, v62  }
0xd4: {  	v50 =	vsel vm6, $0x3300, v50;
	v57 =	vsel vm6, $0x3980, v57;
	v60 =	vsel vm5, $0x3B80, v60  }
0xd5: {  	v61 =	vsel vm5, $0x0, v61;
	v63 =	vsel vm5, $0x100, v63;
	v53 =	vsel vm3, $0x3880, v53  }
0xd6: {  	v55 =	vsel vm3, $0x3980, v55;
	v56 =	vsel vm3, $0x3A00, v56;
	v58 =	vsel vm3, $0x3B00, v58  }
0xd7: {  	v59 =	vsel vm2, $0x0, v59;
	v54 =	vsel vm1, $0x3A00, v54;
	v51 =	vsel vm14, $0x3880, v51  }
0xd8: {  	v52 =	vsel vm14, $0x3900, v52;
	v62 =	vsel vm6, $0x0, v62;
	v50 =	vsel vm5, $0x3380, v50  }
0xd9: {  	v57 =	vsel vm5, $0x3A00, v57;
	v60 =	vsel vm3, $0x0, v60;
	v61 =	vsel vm3, $0x80, v61  }
0xda: {  	v63 =	vsel vm3, $0x180, v63;
	v53 =	vsel vm2, $0x3900, v53;
	v55 =	vsel vm2, $0x3A00, v55  }
0xdb: {  	v56 =	vsel vm2, $0x3A80, v56;
	v58 =	vsel vm2, $0x3B80, v58;
	v59 =	vsel vm1, $0x80, v59  }
0xdc: {  	v54 =	vsel vm14, $0x3A80, v54;
	v51 =	vsel vm15, $0x3900, v51;
	v52 =	vsel vm15, $0x3980, v52  }
0xdd: {  	v62 =	vsel vm5, $0x80, v62;
	v50 =	vsel vm3, $0x3800, v50;
	v57 =	vsel vm3, $0x3A80, v57  }
0xde: {  	v60 =	vsel vm2, $0x80, v60;
	v61 =	vsel vm2, $0x100, v61;
	v63 =	vsel vm2, $0x200, v63  }
0xdf: {  	v53 =	vsel vm1, $0x3980, v53;
	v55 =	vsel vm1, $0x3A80, v55;
	v56 =	vsel vm1, $0x3B00, v56  }
0xe0: {  	v58 =	vsel vm1, $0x0, v58;
	v59 =	vsel vm14, $0x100, v59;
	v54 =	vsel vm15, $0x3B00, v54  }
0xe1: {  	v62 =	vsel vm3, $0x100, v62;
	vm3 =	vcmask $0x2724;
	v50 =	vsel vm2, $0x3880, v50  }
0xe2: {  	v57 =	vsel vm2, $0x3B00, v57;
	v60 =	vsel vm1, $0x100, v60;
	v61 =	vsel vm1, $0x180, v61  }
0xe3: {  	v63 =	vsel vm1, $0x280, v63;
	v53 =	vsel vm14, $0x3A00, v53;
	v55 =	vsel vm14, $0x3B00, v55  }
0xe4: {  	v56 =	vsel vm14, $0x3B80, v56;
	v58 =	vsel vm14, $0x80, v58;
	v59 =	vsel vm15, $0x180, v59  }
0xe5: {  	v62 =	vsel vm2, $0x180, v62;
	v0 =	vsel vm3, $0x880, v0;
	v50 =	vsel vm1, $0x3900, v50  }
0xe6: {  	v57 =	vsel vm1, $0x3B80, v57;
	v60 =	vsel vm14, $0x180, v60;
	v61 =	vsel vm14, $0x200, v61  }
0xe7: {  	v63 =	vsel vm14, $0x300, v63;
	v53 =	vsel vm15, $0x3A80, v53;
	v55 =	vsel vm15, $0x3B80, v55  }
0xe8: {  	v56 =	vsel vm15, $0x0, v56;
	v58 =	vsel vm15, $0x100, v58;
	vm2 =	vcmask $0x2F2C  }
0xe9: {  	v1 =	vsel vm3, $0x900, v1;
	v2 =	vsel vm3, $0x980, v2;
	v3 =	vsel vm3, $0xA00, v3  }
0xea: {  	v4 =	vsel vm3, $0xA80, v4;
	v5 =	vsel vm3, $0xB00, v5;
	v6 =	vsel vm3, $0xB80, v6  }
0xeb: {  	v7 =	vsel vm3, $0x1000, v7;
	v8 =	vsel vm3, $0x1080, v8;
	v9 =	vsel vm3, $0x1100, v9  }
0xec: {  	v10 =	vsel vm3, $0x1180, v10;
	v11 =	vsel vm3, $0x1200, v11;
	v12 =	vsel vm3, $0x1280, v12  }
0xed: {  	v13 =	vsel vm3, $0x1300, v13;
	v14 =	vsel vm3, $0x1380, v14;
	v15 =	vsel vm3, $0x1800, v15  }
0xee: {  	v16 =	vsel vm3, $0x1880, v16;
	v17 =	vsel vm3, $0x1900, v17;
	v18 =	vsel vm3, $0x1980, v18  }
0xef: {  	v19 =	vsel vm3, $0x1A00, v19;
	v20 =	vsel vm3, $0x1A80, v20;
	v21 =	vsel vm3, $0x1B00, v21  }
0xf0: {  	v22 =	vsel vm3, $0x1B80, v22;
	v23 =	vsel vm3, $0x2000, v23;
	v24 =	vsel vm3, $0x2080, v24  }
0xf1: {  	v25 =	vsel vm3, $0x2100, v25;
	v26 =	vsel vm3, $0x2180, v26;
	v27 =	vsel vm3, $0x2200, v27  }
0xf2: {  	v28 =	vsel vm3, $0x2280, v28;
	v29 =	vsel vm3, $0x2300, v29;
	v30 =	vsel vm3, $0x2380, v30  }
0xf3: {  	v31 =	vsel vm3, $0x2800, v31;
	v32 =	vsel vm3, $0x2880, v32;
	v33 =	vsel vm3, $0x2900, v33  }
0xf4: {  	v34 =	vsel vm3, $0x2980, v34;
	v35 =	vsel vm3, $0x2A00, v35;
	v36 =	vsel vm3, $0x2A80, v36  }
0xf5: {  	v37 =	vsel vm3, $0x2B00, v37;
	v38 =	vsel vm3, $0x2B80, v38;
	v39 =	vsel vm3, $0x3000, v39  }
0xf6: {  	v40 =	vsel vm3, $0x3080, v40;
	v41 =	vsel vm3, $0x3100, v41;
	v42 =	vsel vm3, $0x3180, v42  }
0xf7: {  	v43 =	vsel vm3, $0x3200, v43;
	v44 =	vsel vm3, $0x3280, v44;
	v45 =	vsel vm3, $0x3300, v45  }
0xf8: {  	v46 =	vsel vm3, $0x3380, v46;
	v47 =	vsel vm3, $0x3800, v47;
	v48 =	vsel vm3, $0x3880, v48  }
0xf9: {  	v49 =	vsel vm3, $0x3900, v49;
	v51 =	vsel vm3, $0x3980, v51;
	v52 =	vsel vm3, $0x3A00, v52  }
0xfa: {  	v54 =	vsel vm3, $0x3B80, v54;
	v59 =	vsel vm3, $0x200, v59;
	v62 =	vsel vm1, $0x200, v62  }
0xfb: {  	vm1 =	vcmask $0x2B28;
	v50 =	vsel vm14, $0x3980, v50;
	v57 =	vsel vm14, $0x0, v57  }
0xfc: {  	v60 =	vsel vm15, $0x200, v60;
	v61 =	vsel vm15, $0x280, v61;
	v63 =	vsel vm15, $0x380, v63  }
0xfd: {  	v53 =	vsel vm3, $0x3B00, v53;
	v55 =	vsel vm3, $0x0, v55;
	v56 =	vsel vm3, $0x80, v56  }
0xfe: {  	v58 =	vsel vm3, $0x180, v58;
	v62 =	vsel vm14, $0x280, v62;
	v0 =	vsel vm1, $0x900, v0  }
0xff: {  	v50 =	vsel vm15, $0x3A00, v50;
	v57 =	vsel vm15, $0x80, v57;
	v60 =	vsel vm3, $0x280, v60  }
0x100: {  	v61 =	vsel vm3, $0x300, v61;
	v63 =	vsel vm3, $0x800, v63;
	v1 =	vsel vm1, $0x980, v1  }
0x101: {  	v2 =	vsel vm1, $0xA00, v2;
	v3 =	vsel vm1, $0xA80, v3;
	v4 =	vsel vm1, $0xB00, v4  }
0x102: {  	v5 =	vsel vm1, $0xB80, v5;
	v6 =	vsel vm1, $0x1000, v6;
	v7 =	vsel vm1, $0x1080, v7  }
0x103: {  	v8 =	vsel vm1, $0x1100, v8;
	v9 =	vsel vm1, $0x1180, v9;
	v10 =	vsel vm1, $0x1200, v10  }
0x104: {  	v11 =	vsel vm1, $0x1280, v11;
	v12 =	vsel vm1, $0x1300, v12;
	v13 =	vsel vm1, $0x1380, v13  }
0x105: {  	v14 =	vsel vm1, $0x1800, v14;
	v15 =	vsel vm1, $0x1880, v15;
	v16 =	vsel vm1, $0x1900, v16  }
0x106: {  	v17 =	vsel vm1, $0x1980, v17;
	v18 =	vsel vm1, $0x1A00, v18;
	v19 =	vsel vm1, $0x1A80, v19  }
0x107: {  	v20 =	vsel vm1, $0x1B00, v20;
	v21 =	vsel vm1, $0x1B80, v21;
	v22 =	vsel vm1, $0x2000, v22  }
0x108: {  	v23 =	vsel vm1, $0x2080, v23;
	v24 =	vsel vm1, $0x2100, v24;
	v25 =	vsel vm1, $0x2180, v25  }
0x109: {  	v26 =	vsel vm1, $0x2200, v26;
	v27 =	vsel vm1, $0x2280, v27;
	v28 =	vsel vm1, $0x2300, v28  }
0x10a: {  	v29 =	vsel vm1, $0x2380, v29;
	v30 =	vsel vm1, $0x2800, v30;
	v31 =	vsel vm1, $0x2880, v31  }
0x10b: {  	v32 =	vsel vm1, $0x2900, v32;
	v33 =	vsel vm1, $0x2980, v33;
	v34 =	vsel vm1, $0x2A00, v34  }
0x10c: {  	v35 =	vsel vm1, $0x2A80, v35;
	v36 =	vsel vm1, $0x2B00, v36;
	v37 =	vsel vm1, $0x2B80, v37  }
0x10d: {  	v38 =	vsel vm1, $0x3000, v38;
	v39 =	vsel vm1, $0x3080, v39;
	v40 =	vsel vm1, $0x3100, v40  }
0x10e: {  	v41 =	vsel vm1, $0x3180, v41;
	v42 =	vsel vm1, $0x3200, v42;
	v43 =	vsel vm1, $0x3280, v43  }
0x10f: {  	v44 =	vsel vm1, $0x3300, v44;
	v45 =	vsel vm1, $0x3380, v45;
	v46 =	vsel vm1, $0x3800, v46  }
0x110: {  	v47 =	vsel vm1, $0x3880, v47;
	v48 =	vsel vm1, $0x3900, v48;
	v49 =	vsel vm1, $0x3980, v49  }
0x111: {  	v51 =	vsel vm1, $0x3A00, v51;
	v52 =	vsel vm1, $0x3A80, v52;
	v53 =	vsel vm1, $0x3B80, v53  }
0x112: {  	v54 =	vsel vm1, $0x0, v54;
	v55 =	vsel vm1, $0x80, v55;
	v56 =	vsel vm1, $0x100, v56  }
0x113: {  	v58 =	vsel vm1, $0x200, v58;
	v59 =	vsel vm1, $0x280, v59;
	v62 =	vsel vm15, $0x300, v62  }
0x114: {  	v0 =	vsel vm2, $0x980, v0;
	v50 =	vsel vm3, $0x3A80, v50;
	v57 =	vsel vm3, $0x100, v57  }
0x115: {  	v60 =	vsel vm1, $0x300, v60;
	v61 =	vsel vm1, $0x380, v61;
	v63 =	vsel vm1, $0x880, v63  }
0x116: {  	v1 =	vsel vm2, $0xA00, v1;
	v2 =	vsel vm2, $0xA80, v2;
	v3 =	vsel vm2, $0xB00, v3  }
0x117: {  	v4 =	vsel vm2, $0xB80, v4;
	v5 =	vsel vm2, $0x1000, v5;
	v6 =	vsel vm2, $0x1080, v6  }
0x118: {  	v7 =	vsel vm2, $0x1100, v7;
	v8 =	vsel vm2, $0x1180, v8;
	v9 =	vsel vm2, $0x1200, v9  }
0x119: {  	v10 =	vsel vm2, $0x1280, v10;
	v11 =	vsel vm2, $0x1300, v11;
	v12 =	vsel vm2, $0x1380, v12  }
0x11a: {  	v13 =	vsel vm2, $0x1800, v13;
	v14 =	vsel vm2, $0x1880, v14;
	v15 =	vsel vm2, $0x1900, v15  }
0x11b: {  	v16 =	vsel vm2, $0x1980, v16;
	v17 =	vsel vm2, $0x1A00, v17;
	v18 =	vsel vm2, $0x1A80, v18  }
0x11c: {  	v19 =	vsel vm2, $0x1B00, v19;
	v20 =	vsel vm2, $0x1B80, v20;
	v21 =	vsel vm2, $0x2000, v21  }
0x11d: {  	v22 =	vsel vm2, $0x2080, v22;
	v23 =	vsel vm2, $0x2100, v23;
	v24 =	vsel vm2, $0x2180, v24  }
0x11e: {  	v25 =	vsel vm2, $0x2200, v25;
	v26 =	vsel vm2, $0x2280, v26;
	v27 =	vsel vm2, $0x2300, v27  }
0x11f: {  	v28 =	vsel vm2, $0x2380, v28;
	v29 =	vsel vm2, $0x2800, v29;
	v30 =	vsel vm2, $0x2880, v30  }
0x120: {  	v31 =	vsel vm2, $0x2900, v31;
	v32 =	vsel vm2, $0x2980, v32;
	v33 =	vsel vm2, $0x2A00, v33  }
0x121: {  	v34 =	vsel vm2, $0x2A80, v34;
	v35 =	vsel vm2, $0x2B00, v35;
	v36 =	vsel vm2, $0x2B80, v36  }
0x122: {  	v37 =	vsel vm2, $0x3000, v37;
	v38 =	vsel vm2, $0x3080, v38;
	v39 =	vsel vm2, $0x3100, v39  }
0x123: {  	v40 =	vsel vm2, $0x3180, v40;
	v41 =	vsel vm2, $0x3200, v41;
	v42 =	vsel vm2, $0x3280, v42  }
0x124: {  	v43 =	vsel vm2, $0x3300, v43;
	v44 =	vsel vm2, $0x3380, v44;
	v45 =	vsel vm2, $0x3800, v45  }
0x125: {  	v46 =	vsel vm2, $0x3880, v46;
	v47 =	vsel vm2, $0x3900, v47;
	v48 =	vsel vm2, $0x3980, v48  }
0x126: {  	v49 =	vsel vm2, $0x3A00, v49;
	v51 =	vsel vm2, $0x3A80, v51;
	v52 =	vsel vm2, $0x3B00, v52  }
0x127: {  	v53 =	vsel vm2, $0x0, v53;
	v54 =	vsel vm2, $0x80, v54;
	v55 =	vsel vm2, $0x100, v55  }
0x128: {  	v56 =	vsel vm2, $0x180, v56;
	v58 =	vsel vm2, $0x280, v58;
	v59 =	vsel vm2, $0x300, v59  }
0x129: {  	v62 =	vsel vm3, $0x380, v62;
	vm3 =	vcmask $0x3330;
	v50 =	vsel vm1, $0x3B00, v50  }
0x12a: {  	v57 =	vsel vm1, $0x180, v57;
	v60 =	vsel vm2, $0x380, v60;
	v61 =	vsel vm2, $0x800, v61  }
0x12b: {  	v63 =	vsel vm2, $0x900, v63;
	v62 =	vsel vm1, $0x800, v62;
	v0 =	vsel vm3, $0xA00, v0  }
0x12c: {  	v50 =	vsel vm2, $0x3B80, v50;
	v57 =	vsel vm2, $0x200, v57;
	vm1 =	vcmask $0x3734  }
0x12d: {  	v1 =	vsel vm3, $0xA80, v1;
	v2 =	vsel vm3, $0xB00, v2;
	v3 =	vsel vm3, $0xB80, v3  }
0x12e: {  	v4 =	vsel vm3, $0x1000, v4;
	v5 =	vsel vm3, $0x1080, v5;
	v6 =	vsel vm3, $0x1100, v6  }
0x12f: {  	v7 =	vsel vm3, $0x1180, v7;
	v8 =	vsel vm3, $0x1200, v8;
	v9 =	vsel vm3, $0x1280, v9  }
0x130: {  	v10 =	vsel vm3, $0x1300, v10;
	v11 =	vsel vm3, $0x1380, v11;
	v12 =	vsel vm3, $0x1800, v12  }
0x131: {  	v13 =	vsel vm3, $0x1880, v13;
	v14 =	vsel vm3, $0x1900, v14;
	v15 =	vsel vm3, $0x1980, v15  }
0x132: {  	v16 =	vsel vm3, $0x1A00, v16;
	v17 =	vsel vm3, $0x1A80, v17;
	v18 =	vsel vm3, $0x1B00, v18  }
0x133: {  	v19 =	vsel vm3, $0x1B80, v19;
	v20 =	vsel vm3, $0x2000, v20;
	v21 =	vsel vm3, $0x2080, v21  }
0x134: {  	v22 =	vsel vm3, $0x2100, v22;
	v23 =	vsel vm3, $0x2180, v23;
	v24 =	vsel vm3, $0x2200, v24  }
0x135: {  	v25 =	vsel vm3, $0x2280, v25;
	v26 =	vsel vm3, $0x2300, v26;
	v27 =	vsel vm3, $0x2380, v27  }
0x136: {  	v28 =	vsel vm3, $0x2800, v28;
	v29 =	vsel vm3, $0x2880, v29;
	v30 =	vsel vm3, $0x2900, v30  }
0x137: {  	v31 =	vsel vm3, $0x2980, v31;
	v32 =	vsel vm3, $0x2A00, v32;
	v33 =	vsel vm3, $0x2A80, v33  }
0x138: {  	v34 =	vsel vm3, $0x2B00, v34;
	v35 =	vsel vm3, $0x2B80, v35;
	v36 =	vsel vm3, $0x3000, v36  }
0x139: {  	v37 =	vsel vm3, $0x3080, v37;
	v38 =	vsel vm3, $0x3100, v38;
	v39 =	vsel vm3, $0x3180, v39  }
0x13a: {  	v40 =	vsel vm3, $0x3200, v40;
	v41 =	vsel vm3, $0x3280, v41;
	v42 =	vsel vm3, $0x3300, v42  }
0x13b: {  	v43 =	vsel vm3, $0x3380, v43;
	v44 =	vsel vm3, $0x3800, v44;
	v45 =	vsel vm3, $0x3880, v45  }
0x13c: {  	v46 =	vsel vm3, $0x3900, v46;
	v47 =	vsel vm3, $0x3980, v47;
	v48 =	vsel vm3, $0x3A00, v48  }
0x13d: {  	v49 =	vsel vm3, $0x3A80, v49;
	v51 =	vsel vm3, $0x3B00, v51;
	v52 =	vsel vm3, $0x3B80, v52  }
0x13e: {  	v53 =	vsel vm3, $0x80, v53;
	v54 =	vsel vm3, $0x100, v54;
	v55 =	vsel vm3, $0x180, v55  }
0x13f: {  	v56 =	vsel vm3, $0x200, v56;
	v58 =	vsel vm3, $0x300, v58;
	v59 =	vsel vm3, $0x380, v59  }
0x140: {  	v60 =	vsel vm3, $0x800, v60;
	v61 =	vsel vm3, $0x880, v61;
	v63 =	vsel vm3, $0x980, v63  }
0x141: {  	v62 =	vsel vm2, $0x880, v62;
	v50 =	vsel vm3, $0x0, v50;
	v57 =	vsel vm3, $0x280, v57  }
0x142: {  	v0 =	vsel vm1, $0xA80, v0;
	v1 =	vsel vm1, $0xB00, v1;
	v2 =	vsel vm1, $0xB80, v2  }
0x143: {  	v3 =	vsel vm1, $0x1000, v3;
	v4 =	vsel vm1, $0x1080, v4;
	v5 =	vsel vm1, $0x1100, v5  }
0x144: {  	v6 =	vsel vm1, $0x1180, v6;
	v7 =	vsel vm1, $0x1200, v7;
	v8 =	vsel vm1, $0x1280, v8  }
0x145: {  	v9 =	vsel vm1, $0x1300, v9;
	v10 =	vsel vm1, $0x1380, v10;
	v11 =	vsel vm1, $0x1800, v11  }
0x146: {  	v12 =	vsel vm1, $0x1880, v12;
	v13 =	vsel vm1, $0x1900, v13;
	v14 =	vsel vm1, $0x1980, v14  }
0x147: {  	v15 =	vsel vm1, $0x1A00, v15;
	v16 =	vsel vm1, $0x1A80, v16;
	v17 =	vsel vm1, $0x1B00, v17  }
0x148: {  	v18 =	vsel vm1, $0x1B80, v18;
	v19 =	vsel vm1, $0x2000, v19;
	v20 =	vsel vm1, $0x2080, v20  }
0x149: {  	v21 =	vsel vm1, $0x2100, v21;
	v22 =	vsel vm1, $0x2180, v22;
	v23 =	vsel vm1, $0x2200, v23  }
0x14a: {  	v24 =	vsel vm1, $0x2280, v24;
	v25 =	vsel vm1, $0x2300, v25;
	v26 =	vsel vm1, $0x2380, v26  }
0x14b: {  	v27 =	vsel vm1, $0x2800, v27;
	v28 =	vsel vm1, $0x2880, v28;
	v29 =	vsel vm1, $0x2900, v29  }
0x14c: {  	v30 =	vsel vm1, $0x2980, v30;
	v31 =	vsel vm1, $0x2A00, v31;
	v32 =	vsel vm1, $0x2A80, v32  }
0x14d: {  	v33 =	vsel vm1, $0x2B00, v33;
	v34 =	vsel vm1, $0x2B80, v34;
	v35 =	vsel vm1, $0x3000, v35  }
0x14e: {  	v36 =	vsel vm1, $0x3080, v36;
	v37 =	vsel vm1, $0x3100, v37;
	v38 =	vsel vm1, $0x3180, v38  }
0x14f: {  	v39 =	vsel vm1, $0x3200, v39;
	v40 =	vsel vm1, $0x3280, v40;
	v41 =	vsel vm1, $0x3300, v41  }
0x150: {  	v42 =	vsel vm1, $0x3380, v42;
	v43 =	vsel vm1, $0x3800, v43;
	v44 =	vsel vm1, $0x3880, v44  }
0x151: {  	v45 =	vsel vm1, $0x3900, v45;
	v46 =	vsel vm1, $0x3980, v46;
	v47 =	vsel vm1, $0x3A00, v47  }
0x152: {  	v48 =	vsel vm1, $0x3A80, v48;
	v49 =	vsel vm1, $0x3B00, v49;
	v51 =	vsel vm1, $0x3B80, v51  }
0x153: {  	v52 =	vsel vm1, $0x0, v52;
	v53 =	vsel vm1, $0x100, v53;
	v54 =	vsel vm1, $0x180, v54  }
0x154: {  	v55 =	vsel vm1, $0x200, v55;
	v56 =	vsel vm1, $0x280, v56;
	v58 =	vsel vm1, $0x380, v58  }
0x155: {  	v59 =	vsel vm1, $0x800, v59;
	v60 =	vsel vm1, $0x880, v60;
	v61 =	vsel vm1, $0x900, v61  }
0x156: {  	v63 =	vsel vm1, $0xA00, v63;
	v62 =	vsel vm3, $0x900, v62;
	v50 =	vsel vm1, $0x80, v50  }
0x157: {  	v57 =	vsel vm1, $0x300, v57;
	v62 =	vsel vm1, $0x980, v62;
	vm1 =	vcmask $0x3B38  }
0x158: {  	v0 =	vsel vm1, $0xB00, v0  }
0x159: {  	v4 =	vsel vm1, $0x1100, v4;
	[tilespmem:$0x1F8E0] =	vst v0  }
0x15a: {  	v5 =	vsel vm1, $0x1180, v5;
	[tilespmem:$0x1F920] =	vst v4  }
0x15b: {  	v6 =	vsel vm1, $0x1200, v6;
	[tilespmem:$0x1F930] =	vst v5  }
0x15c: {  	v7 =	vsel vm1, $0x1280, v7;
	[tilespmem:$0x1F940] =	vst v6  }
0x15d: {  	v8 =	vsel vm1, $0x1300, v8;
	[tilespmem:$0x1F950] =	vst v7  }
0x15e: {  	v9 =	vsel vm1, $0x1380, v9;
	[tilespmem:$0x1F960] =	vst v8  }
0x15f: {  	v10 =	vsel vm1, $0x1800, v10;
	[tilespmem:$0x1F970] =	vst v9  }
0x160: {  	v53 =	vsel vm1, $0x180, v53;
	[tilespmem:$0x1F980] =	vst v10  }
0x161: {  	v54 =	vsel vm1, $0x200, v54;
	[tilespmem:$0x1FC30] =	vst v53  }
0x162: {  	v55 =	vsel vm1, $0x280, v55;
	[tilespmem:$0x1FC40] =	vst v54  }
0x163: {  	v56 =	vsel vm1, $0x300, v56;
	[tilespmem:$0x1FC50] =	vst v55  }
0x164: {  	v57 =	vsel vm1, $0x380, v57;
	[tilespmem:$0x1FC60] =	vst v56  }
0x165: {  	v0 =	vsel vm1, $0xB80, v1;
	[tilespmem:$0x1FC70] =	vst v57  }
0x166: {  	v4 =	vsel vm1, $0x1880, v11;
	[tilespmem:$0x1F8F0] =	vst v0  }
0x167: {  	v5 =	vsel vm1, $0x1900, v12;
	[tilespmem:$0x1F990] =	vst v4  }
0x168: {  	v6 =	vsel vm1, $0x1980, v13;
	[tilespmem:$0x1F9A0] =	vst v5  }
0x169: {  	v7 =	vsel vm1, $0x1A00, v14;
	[tilespmem:$0x1F9B0] =	vst v6  }
0x16a: {  	v8 =	vsel vm1, $0x1A80, v15;
	[tilespmem:$0x1F9C0] =	vst v7  }
0x16b: {  	v9 =	vsel vm1, $0x1B00, v16;
	[tilespmem:$0x1F9D0] =	vst v8  }
0x16c: {  	v10 =	vsel vm1, $0x1B80, v17;
	[tilespmem:$0x1F9E0] =	vst v9  }
0x16d: {  	v11 =	vsel vm1, $0x2000, v18;
	[tilespmem:$0x1F9F0] =	vst v10  }
0x16e: {  	v12 =	vsel vm1, $0x2080, v19;
	[tilespmem:$0x1FA00] =	vst v11  }
0x16f: {  	v13 =	vsel vm1, $0x2100, v20;
	[tilespmem:$0x1FA10] =	vst v12  }
0x170: {  	v14 =	vsel vm1, $0x2180, v21;
	[tilespmem:$0x1FA20] =	vst v13  }
0x171: {  	v15 =	vsel vm1, $0x2200, v22;
	[tilespmem:$0x1FA30] =	vst v14  }
0x172: {  	v16 =	vsel vm1, $0x2280, v23;
	[tilespmem:$0x1FA40] =	vst v15  }
0x173: {  	v17 =	vsel vm1, $0x2300, v24;
	[tilespmem:$0x1FA50] =	vst v16  }
0x174: {  	v18 =	vsel vm1, $0x2380, v25;
	[tilespmem:$0x1FA60] =	vst v17  }
0x175: {  	v19 =	vsel vm1, $0x2800, v26;
	[tilespmem:$0x1FA70] =	vst v18  }
0x176: {  	v20 =	vsel vm1, $0x2880, v27;
	[tilespmem:$0x1FA80] =	vst v19  }
0x177: {  	v21 =	vsel vm1, $0x2900, v28;
	[tilespmem:$0x1FA90] =	vst v20  }
0x178: {  	v22 =	vsel vm1, $0x2980, v29;
	[tilespmem:$0x1FAA0] =	vst v21  }
0x179: {  	v23 =	vsel vm1, $0x2A00, v30;
	[tilespmem:$0x1FAB0] =	vst v22  }
0x17a: {  	v24 =	vsel vm1, $0x2A80, v31;
	[tilespmem:$0x1FAC0] =	vst v23  }
0x17b: {  	v25 =	vsel vm1, $0x2B00, v32;
	[tilespmem:$0x1FAD0] =	vst v24  }
0x17c: {  	v26 =	vsel vm1, $0x2B80, v33;
	[tilespmem:$0x1FAE0] =	vst v25  }
0x17d: {  	v27 =	vsel vm1, $0x3000, v34;
	[tilespmem:$0x1FAF0] =	vst v26  }
0x17e: {  	v28 =	vsel vm1, $0x3080, v35;
	[tilespmem:$0x1FB00] =	vst v27  }
0x17f: {  	v29 =	vsel vm1, $0x3100, v36;
	[tilespmem:$0x1FB10] =	vst v28  }
0x180: {  	v30 =	vsel vm1, $0x3180, v37;
	[tilespmem:$0x1FB20] =	vst v29  }
0x181: {  	v31 =	vsel vm1, $0x3200, v38;
	[tilespmem:$0x1FB30] =	vst v30  }
0x182: {  	v32 =	vsel vm1, $0x3280, v39;
	[tilespmem:$0x1FB40] =	vst v31  }
0x183: {  	v33 =	vsel vm1, $0x3300, v40;
	[tilespmem:$0x1FB50] =	vst v32  }
0x184: {  	v34 =	vsel vm1, $0x3380, v41;
	[tilespmem:$0x1FB60] =	vst v33  }
0x185: {  	v35 =	vsel vm1, $0x3800, v42;
	[tilespmem:$0x1FB70] =	vst v34  }
0x186: {  	v36 =	vsel vm1, $0x3880, v43;
	[tilespmem:$0x1FB80] =	vst v35  }
0x187: {  	v37 =	vsel vm1, $0x3900, v44;
	[tilespmem:$0x1FB90] =	vst v36  }
0x188: {  	v38 =	vsel vm1, $0x3980, v45;
	[tilespmem:$0x1FBA0] =	vst v37  }
0x189: {  	v39 =	vsel vm1, $0x3A00, v46;
	[tilespmem:$0x1FBB0] =	vst v38  }
0x18a: {  	v40 =	vsel vm1, $0x3A80, v47;
	[tilespmem:$0x1FBC0] =	vst v39  }
0x18b: {  	v41 =	vsel vm1, $0x3B00, v48;
	[tilespmem:$0x1FBD0] =	vst v40  }
0x18c: {  	v46 =	vsel vm1, $0x3B80, v49;
	[tilespmem:$0x1FBE0] =	vst v41  }
0x18d: {  	v49 =	vsel vm1, $0x0, v51;
	[tilespmem:$0x1FBF0] =	vst v46  }
0x18e: {  	v51 =	vsel vm1, $0x80, v52;
	[tilespmem:$0x1FC00] =	vst v49  }
0x18f: {  	s2 =	rddreg [dreg:$0x0];
	v52 =	vsel vm1, $0x100, v50;
	[tilespmem:$0x1FC10] =	vst v51  }
0x190: {  	s3 =	rddreg [dreg:$0x1];
	v0 =	vsel vm1, $0x1000, v2;
	[tilespmem:$0x1FC20] =	vst v52  }
0x191: {  	s0 =	rddreg [dreg:$0x2];
	s7 =	simm.s32 $0x0;
	[tilespmem:$0x1F900] =	vst v0;
	v0 =	vsel vm1, $0x1080, v3  }
0x192: {  	[smem:$0x7FF] =	sst s7;
	v58 =	vsel vm1, $0x800, v58;
	[tilespmem:$0x1F910] =	vst v0  }
0x193: {  	s1 =	rddreg [dreg:$0x3];
	v59 =	vsel vm1, $0x880, v59;
	_ =	strace $0x80000047;
	[tilespmem:$0x1FC80] =	vst v58  }
0x194: {  	v60 =	vsel vm1, $0x900, v60;
	v61 =	vsel vm1, $0x980, v61;
	v43 =	vimm.s32 $0x38373635;
	[tilespmem:$0x1FC90] =	vst v59  }
0x195: {  	v44 =	vunpack.c.0.s8.s32 v43;
	v9 =	vsel vm1, $0xA00, v62;
	v62 =	vimm.s32 $0x3C3B3A39;
	[tilespmem:$0x1FCA0] =	vst v60  }
0x196: {  	v45 =	vimm.s32 $0x35343332;
	v47 =	vimm.s32 $0x39383736;
	v6 =	vunpack.c.0.s8.s32 v62;
	[tilespmem:$0x1FCB0] =	vst v61  }
0x197: {  	v1 =	vunpack.c.0.s8.s32 v45;
	v48 =	vunpack.c.0.s8.s32 v47;
	[tilespmem:$0x1FCC0] =	vst v44  }
0x198: {  	v14 =	vimm.s32 $0x3D3C3B3A;
	[tilespmem:$0x1FCE0] =	vst v6  }
0x199: {  	v11 =	vimm.s32 $0x3A393837;
	v2 =	vunpack.c.0.s8.s32 v14;
	v8 =	vsel vm0, v48, v1;
	[tilespmem:$0x1FCF0] =	vst v48  }
0x19a: {  	v15 =	vimm.s32 $0x3E3D3C3B;
	v12 =	vunpack.c.0.s8.s32 v11;
	[tilespmem:$0x1FD00] =	vst v8  }
0x19b: {  	v16 =	vunpack.c.0.s8.s32 v15;
	[tilespmem:$0x1FD10] =	vst v2  }
0x19c: {  	v30 =	vlaneseq.u32;
	[tilespmem:$0x1FD20] =	vst v12  }
0x19d: {  	v36 =	vadd.s32 $0x4, v30;
	[tilespmem:$0x1FD40] =	vst v16  }
0x19e: {  	s4 =	srdreg.scid;
	s5 =	stileid.u32;
	v37 =	vadd.s32 $0x5, v30;
	[tilespmem:$0x1FDF0] =	vst v36  }
0x19f: {  	s4 =	sand.u32 $0x1, s4;
	s6 =	sshll.u32 s5, $0x1;
	v38 =	vadd.s32 $0x6, v30;
	[tilespmem:$0x1FE00] =	vst v37  }
0x1a0: {  	s5 =	sor.u32 s4, s6;
	v39 =	vadd.s32 $0x7, v30;
	[tilespmem:$0x1FE10] =	vst v38  }
0x1a1: {  	s12 =	smul.u32 $0x6400, s5;
	v40 =	vadd.s32 $0x8, v30;
	[tilespmem:$0x1FE20] =	vst v39  }
0x1a2: {  	s8 =	smul.u32 $0xC80, s5;
	v42 =	vimm.s32 $0x34333231;
	v41 =	vadd.s32 $0x9, v30;
	[tilespmem:$0x1FE30] =	vst v40  }
0x1a3: {  	v0 =	vunpack.c.0.s8.s32 v42;
	v42 =	vadd.s32 $0xA, v30;
	[tilespmem:$0x1FE40] =	vst v41  }
0x1a4: {  	s9 =	ssub.s32 $0x2, s4;
	s7 =	sshrl.u32 s12, $0x3;
	s4 =	sadd.s32 s0, s8;
	v43 =	vadd.s32 $0xB, v30;
	[tilespmem:$0x1FE50] =	vst v42  }
0x1a5: {  	s7 =	sadd.s32 s1, s7;
	s13 =	sadd.s32 $0x100, s4;
	v45 =	vadd.s32 $0xD, v30;
	[tilespmem:$0x1FE60] =	vst v43  }
0x1a6: {  	s14 =	sadd.s32 $0x4000, s7;
	v46 =	vadd.s32 $0xE, v30;
	[dreg:$0x5] =	wrdreg s13;
	[tilespmem:$0x1FE80] =	vst v45  }
0x1a7: {  	s16 =	sadd.s32 $0x4100, s7;
	v47 =	vadd.s32 $0xF, v30;
	[dreg:$0x6] =	wrdreg s14;
	[tilespmem:$0x1FE90] =	vst v46  }
0x1a8: {  	s11 =	sadd.s32 $0x4200, s7;
	v49 =	vadd.s32 $0x11, v30;
	[dreg:$0x7] =	wrdreg s16;
	[tilespmem:$0x1FEA0] =	vst v47  }
0x1a9: {  	s18 =	sadd.s32 $0x4300, s7;
	v50 =	vadd.s32 $0x12, v30;
	[dreg:$0x8] =	wrdreg s11;
	[tilespmem:$0x1FEC0] =	vst v49  }
0x1aa: {  	s15 =	sshll.u32 s5, $0x6;
	s19 =	sadd.s32 $0x4400, s7;
	v51 =	vadd.s32 $0x13, v30;
	[dreg:$0x9] =	wrdreg s18;
	[tilespmem:$0x1FED0] =	vst v50  }
0x1ab: {  	s2 =	sadd.s32 s2, s15;
	v52 =	vadd.s32 $0x14, v30;
	[dreg:$0xa] =	wrdreg s19;
	[tilespmem:$0x1FEE0] =	vst v51  }
0x1ac: {  	s20 =	sadd.s32 $0x4500, s7;
	v53 =	vadd.s32 $0x15, v30;
	[dreg:$0xb] =	wrdreg s2;
	[tilespmem:$0x1FEF0] =	vst v52  }
0x1ad: {  	s21 =	sadd.s32 $0x4600, s7;
	v54 =	vadd.s32 $0x16, v30;
	[dreg:$0xc] =	wrdreg s20;
	[tilespmem:$0x1FF00] =	vst v53  }
0x1ae: {  	s22 =	sadd.s32 $0x4700, s7;
	v55 =	vadd.s32 $0x17, v30;
	[dreg:$0xd] =	wrdreg s21;
	[tilespmem:$0x1FF10] =	vst v54  }
0x1af: {  	s23 =	sadd.s32 $0x4800, s7;
	v56 =	vadd.s32 $0x18, v30;
	[dreg:$0xe] =	wrdreg s22;
	[tilespmem:$0x1FF20] =	vst v55  }
0x1b0: {  	s24 =	sadd.s32 $0x4900, s7;
	v57 =	vadd.s32 $0x19, v30;
	[dreg:$0xf] =	wrdreg s23;
	[tilespmem:$0x1FF30] =	vst v56  }
0x1b1: {  	s26 =	sadd.s32 $0x4A00, s7;
	v62 =	vadd.s32 $0x1E, v30;
	[dreg:$0x10] =	wrdreg s24;
	[tilespmem:$0x1FF40] =	vst v57  }
0x1b2: {  	s30 =	sadd.s32 $0xFFFFFFE8, s6;
	s31 =	sadd.s32 $0x4B00, s7;
	v7 =	vsel vm1, $0xA80, v63;
	v63 =	vadd.s32 $0x1F, v30;
	[dreg:$0x12] =	wrdreg s26;
	[tilespmem:$0x1FF90] =	vst v62  }
0x1b3: {  	s10 =	sshrl.u32 s9, $0x1;
	s12 =	sadd.s32 $0x4B80, s7;
	[dreg:$0x13] =	wrdreg s31;
	[tilespmem:$0x1FFA0] =	vst v63  }
0x1b4: {  	s17 =	sshll.u32 s5, $0x9;
	s15 =	sadd.s32 $0x200, s4;
	[dreg:$0x14] =	wrdreg s12;
	[tilespmem:$0x1FFB0] =	vst v7  }
0x1b5: {  	s25 =	sadd.s32 s1, s17;
	s17 =	sadd.s32 $0x400, s4;
	v33 =	vadd.s32 $0x1, v30;
	[dreg:$0x18] =	wrdreg s15;
	[tilespmem:$0x1FFC0] =	vst v9  }
0x1b6: {  	p0 =	sgt.u32 s30, $0x5;
	s8 =	ssub.s32 s9, s10;
	v34 =	vadd.s32 $0x2, v30;
	[dreg:$0x1a] =	wrdreg s17;
	[tilespmem:$0x1FFD0] =	vst v33  }
0x1b7: {  	s10 =	sshll.u32 s5, $0x7;
	s30 =	sadd.s32 $0xB00, s4;
	v35 =	vadd.s32 $0x3, v30;
	[dreg:$0x11] =	wrdreg s25;
	[tilespmem:$0x1FFE0] =	vst v34  }
0x1b8: {  	s11 =	sadd.s32 s10, s0;
	s0 =	sadd.s32 $0x18680, s0;
	[smem:$0x7FC] =	sst s30;
	v48 =	vor.u32 $0x10, v30;
	[tilespmem:$0x1FFF0] =	vst v35  }
0x1b9: {  	s3 =	sadd.s32 $0x400, s3;
	s13 =	sadd.s32 $0x1C680, s1;
	v58 =	vadd.s32 $0x1A, v30;
	[dreg:$0x15] =	wrdreg s0;
	[tilespmem:$0x1FEB0] =	vst v48  }
0x1ba: {  	s28 =	simm.s32 $0x4;
	v10 =	vimm.s32 $0x36353433;
	v21 =	vimm.s32 $0x98765432;
	s14 =	smax.u32 s8, $0x1;
	v59 =	vadd.s32 $0x1B, v30;
	[dreg:$0x16] =	wrdreg s13;
	[tilespmem:$0x1FF50] =	vst v58  }
0x1bb: {  	p1 =	sne.s32 s5, $0x1E;
	v13 =	vimm.s32 $0x4030201;
	v3 =	vunpack.c.l.s4.s8 v21;
	s16 =	sadd.s32 $0x300, s4;
	v60 =	vadd.s32 $0x1C, v30;
	[dreg:$0x17] =	wrdreg s14;
	[tilespmem:$0x1FF60] =	vst v59  }
0x1bc: {  	s29 =	simm.s32 $0x0;
	v20 =	vimm.s32 $0x87654321;
	s18 =	sadd.s32 $0x500, s4;
	v61 =	vadd.s32 $0x1D, v30;
	v17 =	vld [tilespmem:$0x1FD50];
	[dreg:$0x19] =	wrdreg s16;
	[tilespmem:$0x1FF70] =	vst v60  }
0x1bd: {  	s9 =	simm.s32 $0x800;
	v22 =	vimm.s32 $0xA9876543;
	v27 =	vunpack.c.0.s8.s32 v3;
	s19 =	sadd.s32 $0x100, s25;
	v0 =	vsel vm0, v44, v0;
	[dreg:$0x1b] =	wrdreg s18;
	[tilespmem:$0x1FF80] =	vst v61  }
0x1be: {  	v4 =	vunpack.c.l.s4.s8 v22;
	s2 =	sadd.s32 s10, s1;
	s20 =	sadd.s32 $0x600, s4;
	[dreg:$0x1c] =	wrdreg s19;
	v44 =	vadd.s32 $0xC, v30;
	[tilespmem:$0x1FCD0] =	vst v0;
	v0 =	vunpack.c.0.s8.s32 v10  }
0x1bf: {  	v1 =	vunpack.c.0.s8.s32 v13;
	v2 =	vunpack.c.l.s4.s8 v20;
	s23 =	sadd.s32 $0x700, s4;
	s24 =	sadd.s32 $0x800, s4;
	v24 =	vld [tilespmem:$0x1FD70];
	[dreg:$0x1d] =	wrdreg s20;
	v31 =	vand.u32 $0xF, v27;
	[tilespmem:$0x1FE70] =	vst v44  }
0x1c0: {  	v18 =	vimm.s32 $0x5040302;
	v28 =	vunpack.c.0.s8.s32 v4;
	s25 =	sadd.s32 $0x900, s4;
	s26 =	sadd.s32 $0xA00, s4;
	v26 =	vld [tilespmem:$0x1FD90];
	[dreg:$0x1e] =	wrdreg s23;
	[tilespmem:$0x1FDD0] =	vst v31;
	v0 =	vsel vm0, v12, v0  }
0x1c1: {  	v19 =	vimm.s32 $0x6050403;
	s31 =	sadd.s32 $0xB80, s4;
	s10 =	simm.s32 $0xC3800;
	[dreg:$0x1f] =	wrdreg s24;
	v2 =	vunpack.c.0.s8.s32 v2;
	[tilespmem:$0x1FD30] =	vst v0;
	v0 =	vsel vm0, v1, v17  }
0x1c2: {  	v23 =	vimm.s32 $0x76543210;
	s12 =	simm.s32 $0x10400;
	s15 =	simm.s32 $0x5;
	[smem:$0x7FA] =	sst s25;
	v32 =	vand.u32 $0xF, v28;
	[tilespmem:$0x1FD60] =	vst v0;
	v0 =	vunpack.c.0.s8.s32 v18  }
0x1c3: {  	v25 =	vunpack.c.l.s4.s8 v23;
	s21 =	sadd.s32 $0x17780, s11;
	s22 =	sadd.s32 $0x1B780, s2;
	[smem:$0x7FB] =	sst s26;
	[tilespmem:$0x1FDE0] =	vst v32;
	v29 =	vand.u32 $0xF, v2;
	v1 =	vunpack.c.0.s8.s32 v19  }
0x1c4: {  	[smem:$0x7FD] =	sst s31;
	s11 =	simm.s32 $0xC400;
	s13 =	simm.s32 $0x14400;
	[tilespmem:$0x1FDC0] =	vst v29;
	v0 =	vsel vm0, v0, v24  }
0x1c5: {  	s14 =	simm.s32 $0x18400;
	s16 =	simm.s32 $0x80;
	s18 =	simm.s32 $0x400;
	v1 =	vsel vm0, v1, v26;
	[tilespmem:$0x1FD80] =	vst v0;
	v0 =	vunpack.c.0.s8.s32 v25  }
0x1c6: {  	s19 =	simm.s32 $0x4400;
	s20 =	simm.s32 $0x2;
	s23 =	simm.s32 $0xE3800;
	[tilespmem:$0x1FDA0] =	vst v1  }
0x1c7: {  	s24 =	simm.s32 $0x1;
	s25 =	simm.s32 $0x8400;
	s26 =	simm.s32 $0x3;
	[tilespmem:$0x1FDB0] =	vst v0  }
.LBB2_1:
0x1c8: {  	[tilespmem:s11], [sflag:$0x2] =	stream.strided.gather [hbm4b:s4+s9], $0x4000, s10, s9, $0x38;
	[tilespmem:$0x1E400] =	vst v63  }
0x1c9: {  	s0 =	rddreg [dreg:$0x5]  }
0x1ca: {  	[tilespmem:s12], [sflag:$0x2] =	stream.strided.gather [hbm4b:s0+s9], $0x4000, s10, s9, $0x38;
	[tilespmem:$0x1E400] =	vst v63  }
0x1cb: {  	s1 =	rddreg [dreg:$0x18]  }
0x1cc: {  	[tilespmem:s13], [sflag:$0x2] =	stream.strided.gather [hbm4b:s1+s9], $0x4000, s10, s9, $0x38;
	[tilespmem:$0x1E400] =	vst v63  }
0x1cd: {  	s2 =	rddreg [dreg:$0x19]  }
0x1ce: {  	[tilespmem:s14], [sflag:$0x2] =	stream.strided.gather [hbm4b:s2+s9], $0x4000, s10, s9, $0x38;
	[tilespmem:$0x1E400] =	vst v63  }
0x1cf: {  	s5 =	simm.s32 $0x0;
	s1 =	rddreg [dreg:$0xb]  }
0x1d0: {  	[tilespmem:s5], [sflag:$0x5] =	stream.linear.gather [hbm4b:s1+s5], $0x200, $0x38;
	[tilespmem:$0x1E400] =	vst v63  }
0x1d1: {  	_ =	swait.ge [sflag:s15], $0x200  }
0x1d2: {  	[sflag:s15] =	ssyncset.done $0x0  }
0x1d3: {  	[sflag:s15] =	ssyncadd.s32 $0xFFFFFE00  }
0x1d4: {  	v0 =	vld [tilespmem:$0x0]  }
0x1d5: {  	v1 =	vld [tilespmem:$0x10]  }
0x1d6: {  	v2 =	vld [tilespmem:$0x20]  }
0x1d7: {  	v3 =	vld [tilespmem:$0x30]  }
0x1d8: {  	v4 =	vld [tilespmem:$0x40]  }
0x1d9: {  	v5 =	vld [tilespmem:$0x50];
	v0 =	vshra.s32 v0, $0x1  }
0x1da: {  	v55 =	vld [tilespmem:$0x60];
	v54 =	vshra.s32 v1, $0x1;
	[tilespmem:$0x200] =	vst v0  }
0x1db: {  	v57 =	vld [tilespmem:$0x70];
	v56 =	vshra.s32 v2, $0x1;
	[tilespmem:$0x210] =	vst v54  }
0x1dc: {  	v59 =	vld [tilespmem:$0x80];
	v58 =	vshra.s32 v3, $0x1;
	[tilespmem:$0x220] =	vst v56  }
0x1dd: {  	v61 =	vld [tilespmem:$0x90];
	v60 =	vshra.s32 v4, $0x1;
	[tilespmem:$0x230] =	vst v58  }
0x1de: {  	v63 =	vld [tilespmem:$0xA0];
	v62 =	vshra.s32 v5, $0x1;
	[tilespmem:$0x240] =	vst v60  }
0x1df: {  	v12 =	vld [tilespmem:$0xB0];
	v7 =	vshra.s32 v55, $0x1;
	[tilespmem:$0x250] =	vst v62  }
0x1e0: {  	v14 =	vld [tilespmem:$0xC0];
	v13 =	vshra.s32 v57, $0x1;
	[tilespmem:$0x260] =	vst v7  }
0x1e1: {  	v16 =	vld [tilespmem:$0xD0];
	v15 =	vshra.s32 v59, $0x1;
	[tilespmem:$0x270] =	vst v13  }
0x1e2: {  	v18 =	vld [tilespmem:$0xE0];
	v17 =	vshra.s32 v61, $0x1;
	[tilespmem:$0x280] =	vst v15  }
0x1e3: {  	v20 =	vld [tilespmem:$0xF0];
	v19 =	vshra.s32 v63, $0x1;
	[tilespmem:$0x290] =	vst v17  }
0x1e4: {  	v22 =	vld [tilespmem:$0x100];
	v21 =	vshra.s32 v12, $0x1;
	[tilespmem:$0x2A0] =	vst v19  }
0x1e5: {  	v30 =	vld [tilespmem:$0x110];
	v23 =	vshra.s32 v14, $0x1;
	[tilespmem:$0x2B0] =	vst v21  }
0x1e6: {  	v32 =	vld [tilespmem:$0x120];
	v31 =	vshra.s32 v16, $0x1;
	[tilespmem:$0x2C0] =	vst v23  }
0x1e7: {  	v34 =	vld [tilespmem:$0x130];
	v33 =	vshra.s32 v18, $0x1;
	[tilespmem:$0x2D0] =	vst v31  }
0x1e8: {  	v36 =	vld [tilespmem:$0x140];
	v35 =	vshra.s32 v20, $0x1;
	[tilespmem:$0x2E0] =	vst v33  }
0x1e9: {  	v38 =	vld [tilespmem:$0x150];
	v37 =	vshra.s32 v22, $0x1;
	[tilespmem:$0x2F0] =	vst v35  }
0x1ea: {  	v40 =	vld [tilespmem:$0x160];
	v39 =	vshra.s32 v30, $0x1;
	[tilespmem:$0x300] =	vst v37  }
0x1eb: {  	v42 =	vld [tilespmem:$0x170];
	v41 =	vshra.s32 v32, $0x1;
	[tilespmem:$0x310] =	vst v39  }
0x1ec: {  	v44 =	vld [tilespmem:$0x180];
	v43 =	vshra.s32 v34, $0x1;
	[tilespmem:$0x320] =	vst v41  }
0x1ed: {  	v46 =	vld [tilespmem:$0x190];
	v45 =	vshra.s32 v36, $0x1;
	[tilespmem:$0x330] =	vst v43  }
0x1ee: {  	v48 =	vld [tilespmem:$0x1A0];
	v47 =	vshra.s32 v38, $0x1;
	[tilespmem:$0x340] =	vst v45  }
0x1ef: {  	v50 =	vld [tilespmem:$0x1B0];
	v49 =	vshra.s32 v40, $0x1;
	[tilespmem:$0x350] =	vst v47  }
0x1f0: {  	v52 =	vld [tilespmem:$0x1C0];
	v51 =	vshra.s32 v42, $0x1;
	[tilespmem:$0x360] =	vst v49  }
0x1f1: {  	v53 =	vshra.s32 v44, $0x1;
	[tilespmem:$0x370] =	vst v51;
	v54 =	vld [tilespmem:$0x1D0]  }
0x1f2: {  	v55 =	vshra.s32 v46, $0x1;
	[tilespmem:$0x380] =	vst v53;
	v56 =	vld [tilespmem:$0x1E0]  }
0x1f3: {  	v57 =	vshra.s32 v48, $0x1;
	[tilespmem:$0x390] =	vst v55;
	v58 =	vld [tilespmem:$0x1F0]  }
0x1f4: {  	v59 =	vshra.s32 v50, $0x1;
	[tilespmem:$0x3A0] =	vst v57  }
0x1f5: {  	[tilespmem:$0x3B0] =	vst v59;
	v60 =	vshra.s32 v52, $0x1  }
0x1f6: {  	[tilespmem:$0x3C0] =	vst v60;
	v61 =	vshra.s32 v54, $0x1  }
0x1f7: {  	v62 =	vshra.s32 v56, $0x1;
	[tilespmem:$0x3D0] =	vst v61  }
0x1f8: {  	v63 =	vshra.s32 v58, $0x1;
	[tilespmem:$0x3E0] =	vst v62  }
0x1f9: {  	s6 =	simm.s32 $0x200;
	[tilespmem:$0x3F0] =	vst v63  }
0x1fa: {  	[tilespmem:s18], [sflag:$0x1] =	stream.indirect.gather [hbm4b:s3+s16], $0x80, s6, s16, $0xb8;
	[tilespmem:$0x1E400] =	vst v63  }
0x1fb: {  	s7 =	simm.s32 $0x280  }
0x1fc: {  	[tilespmem:s19], [sflag:$0x1] =	stream.indirect.gather [hbm4b:s3+s16], $0x80, s7, s16, $0xb8;
	[tilespmem:$0x1E400] =	vst v63  }
0x1fd: {  	_ =	swait.ge [sflag:s20], $0x4000  }
0x1fe: {  	[sflag:s20] =	ssyncset.done $0x0  }
0x1ff: {  	s8 =	rddreg [dreg:$0x6];
	[sflag:s20] =	ssyncadd.s32 $0xFFFFC000  }
0x200: {  	[hbm4b:s8+s9] =	stream.strided.scatter [tilespmem:s11], [sflag:$0x3], $0x4000, s23, s9, $0x38;
	[tilespmem:$0x1E400] =	vst v63  }
0x201: {  	_ =	swait.ge [sflag:s20], $0x4000  }
0x202: {  	[sflag:s20] =	ssyncset.done $0x0  }
0x203: {  	s17 =	rddreg [dreg:$0x7];
	[sflag:s20] =	ssyncadd.s32 $0xFFFFC000  }
0x204: {  	[hbm4b:s17+s9] =	stream.strided.scatter [tilespmem:s12], [sflag:$0x3], $0x4000, s23, s9, $0x38;
	[tilespmem:$0x1E400] =	vst v63  }
0x205: {  	_ =	swait.ge [sflag:s24], $0x4000  }
0x206: {  	[sflag:s24] =	ssyncset.done $0x0  }
0x207: {  	[sflag:s24] =	ssyncadd.s32 $0xFFFFC000  }
0x208: {  	_ =	swait.ge [sflag:s24], $0x4000  }
0x209: {  	v27 =	vld [tilespmem:$0x1F8E0]  }
0x20a: {  	s30 =	simm.s32 $0xFFFFFFFE;
	[sflag:s24] =	ssyncset.done $0x0;
	v52 =	vld [tilespmem:$0x1FE70]  }
0x20b: {  	s31 =	simm.s32 $0x10;
	s0 =	simm.s32 $0x10;
	v10 =	vld [tilespmem:$0x1FF50];
	[sflag:s24] =	ssyncadd.s32 $0xFFFFC000  }
.LBB2_2:
0x20c: {  	v0 =	vld [tilespmem:s0+$0xFFFFFFF0];
	_ =	sdelay $0x3  }
0x20d: {  	s1 =	sadd.s32 $0xFFFFFFF0, s31;
	v3 =	vlaneseq.u32  }
0x20e: {  	v1 =	vor.u32 s1, v3;
	v0 =	vshll.u32 v0, $0x6  }
0x20f: {  	v2 =	vshll.u32 v1, $0x7;
	v0 =	vand.u32 $0x40, v0  }
0x210: {  	v4 =	vor.u32 v2, v0  }
0x211: {  	v0 =	vor.u32 v3, v4  }
0x212: {  	v17 =	vld [tilespmem:$0x1FFD0];
	v2 =	vmov s1  }
0x213: {  	v2 =	vshll.u32 v2, $0x3  }
0x214: {  	v1 =	vand.u32 $0x6F, v1;
	v2 =	vand.u32 $0x400, v2  }
0x215: {  	v5 =	vor.u32 v2, v1  }
0x216: {  	v1 =	vor.u32 v27, v5;
	v0 =	vld.idx.msk [tilespmem:v0+s18+$0x0], $0xffff  }
0x217: {  	v29 =	vld [tilespmem:$0x1F8F0];
	v2 =	vor.u32 v17, v4  }
0x218: {  	v24 =	vld [tilespmem:$0x1FFE0];
	_ =	sdelay $0x2  }
0x219: {  	[tilespmem:v1+s25+$0x0] =	vst.idx.msk $0xffff, v0  }
0x21a: {  	v1 =	vor.u32 v29, v5;
	v0 =	vld.idx.msk [tilespmem:v2+s18+$0x0], $0xffff  }
0x21b: {  	v57 =	vld [tilespmem:$0x1F900];
	v2 =	vor.u32 v24, v4;
	_ =	sdelay $0x3  }
0x21c: {  	v26 =	vld [tilespmem:$0x1FFF0];
	[tilespmem:v1+s25+$0x0] =	vst.idx.msk $0xffff, v0  }
0x21d: {  	v1 =	vor.u32 v57, v5;
	v0 =	vld.idx.msk [tilespmem:v2+s18+$0x0], $0xffff;
	_ =	sdelay $0x4  }
0x21e: {  	v2 =	vor.u32 v26, v4;
	[tilespmem:v1+s25+$0x0] =	vst.idx.msk $0xffff, v0;
	v1 =	vld [tilespmem:$0x1F910]  }
0x21f: {  	v62 =	vld [tilespmem:$0x1FDF0];
	_ =	sdelay $0x3  }
0x220: {  	v0 =	vld.idx.msk [tilespmem:v2+s18+$0x0], $0xffff;
	v1 =	vor.u32 v1, v5  }
0x221: {  	v2 =	vor.u32 v62, v4;
	_ =	sdelay $0x3  }
0x222: {  	v31 =	vld [tilespmem:$0x1F920];
	[tilespmem:v1+s25+$0x0] =	vst.idx.msk $0xffff, v0  }
0x223: {  	v0 =	vld.idx.msk [tilespmem:v2+s18+$0x0], $0xffff  }
0x224: {  	v2 =	vld [tilespmem:$0x1FE00];
	_ =	sdelay $0x3  }
0x225: {  	v1 =	vor.u32 v31, v5  }
0x226: {  	v32 =	vld [tilespmem:$0x1F930];
	v2 =	vor.u32 v2, v4  }
0x227: {  	v51 =	vld [tilespmem:$0x1FE10];
	_ =	sdelay $0x2  }
0x228: {  	[tilespmem:v1+s25+$0x0] =	vst.idx.msk $0xffff, v0  }
0x229: {  	v1 =	vor.u32 v32, v5;
	v0 =	vld.idx.msk [tilespmem:v2+s18+$0x0], $0xffff  }
0x22a: {  	v2 =	vor.u32 v51, v4;
	_ =	sdelay $0x3  }
0x22b: {  	v33 =	vld [tilespmem:$0x1F940];
	[tilespmem:v1+s25+$0x0] =	vst.idx.msk $0xffff, v0  }
0x22c: {  	v0 =	vld.idx.msk [tilespmem:v2+s18+$0x0], $0xffff  }
0x22d: {  	v2 =	vld [tilespmem:$0x1FE20];
	_ =	sdelay $0x3  }
0x22e: {  	v1 =	vor.u32 v33, v5  }
0x22f: {  	v34 =	vld [tilespmem:$0x1F950];
	v2 =	vor.u32 v2, v4  }
0x230: {  	v63 =	vld [tilespmem:$0x1FE30];
	_ =	sdelay $0x2  }
0x231: {  	[tilespmem:v1+s25+$0x0] =	vst.idx.msk $0xffff, v0  }
0x232: {  	v1 =	vor.u32 v34, v5;
	v0 =	vld.idx.msk [tilespmem:v2+s18+$0x0], $0xffff  }
0x233: {  	v2 =	vor.u32 v63, v4;
	_ =	sdelay $0x3  }
0x234: {  	v35 =	vld [tilespmem:$0x1F960];
	[tilespmem:v1+s25+$0x0] =	vst.idx.msk $0xffff, v0  }
0x235: {  	v0 =	vld.idx.msk [tilespmem:v2+s18+$0x0], $0xffff  }
0x236: {  	v2 =	vld [tilespmem:$0x1FE40];
	_ =	sdelay $0x3  }
0x237: {  	v1 =	vor.u32 v35, v5  }
0x238: {  	v36 =	vld [tilespmem:$0x1F970];
	v2 =	vor.u32 v2, v4  }
0x239: {  	v38 =	vld [tilespmem:$0x1FE50];
	_ =	sdelay $0x2  }
0x23a: {  	[tilespmem:v1+s25+$0x0] =	vst.idx.msk $0xffff, v0  }
0x23b: {  	v1 =	vor.u32 v36, v5;
	v0 =	vld.idx.msk [tilespmem:v2+s18+$0x0], $0xffff  }
0x23c: {  	v47 =	vld [tilespmem:$0x1F980];
	v2 =	vor.u32 v38, v4;
	_ =	sdelay $0x3  }
0x23d: {  	v16 =	vld [tilespmem:$0x1FE60];
	[tilespmem:v1+s25+$0x0] =	vst.idx.msk $0xffff, v0  }
0x23e: {  	v1 =	vor.u32 v47, v5;
	v0 =	vld.idx.msk [tilespmem:v2+s18+$0x0], $0xffff;
	_ =	sdelay $0x4  }
0x23f: {  	v2 =	vor.u32 v16, v4;
	[tilespmem:v1+s25+$0x0] =	vst.idx.msk $0xffff, v0;
	v1 =	vld [tilespmem:$0x1F990];
	_ =	sdelay $0x4  }
0x240: {  	v0 =	vld.idx.msk [tilespmem:v2+s18+$0x0], $0xffff;
	v1 =	vor.u32 v1, v5  }
0x241: {  	v2 =	vor.u32 v52, v4;
	v52 =	vld [tilespmem:$0x1F9A0];
	_ =	sdelay $0x3  }
0x242: {  	v44 =	vld [tilespmem:$0x1FE80];
	[tilespmem:v1+s25+$0x0] =	vst.idx.msk $0xffff, v0  }
0x243: {  	v1 =	vor.u32 v52, v5;
	v0 =	vld.idx.msk [tilespmem:v2+s18+$0x0], $0xffff;
	_ =	sdelay $0x4  }
0x244: {  	v2 =	vor.u32 v44, v4;
	[tilespmem:v1+s25+$0x0] =	vst.idx.msk $0xffff, v0;
	v1 =	vld [tilespmem:$0x1F9B0];
	_ =	sdelay $0x3  }
0x245: {  	v45 =	vld [tilespmem:$0x1FE90]  }
0x246: {  	v0 =	vld.idx.msk [tilespmem:v2+s18+$0x0], $0xffff;
	v1 =	vor.u32 v1, v5;
	_ =	sdelay $0x4  }
0x247: {  	v2 =	vor.u32 v45, v4;
	[tilespmem:v1+s25+$0x0] =	vst.idx.msk $0xffff, v0;
	v1 =	vld [tilespmem:$0x1F9C0];
	_ =	sdelay $0x3  }
0x248: {  	v54 =	vld [tilespmem:$0x1FEA0]  }
0x249: {  	v0 =	vld.idx.msk [tilespmem:v2+s18+$0x0], $0xffff;
	v1 =	vor.u32 v1, v5;
	_ =	sdelay $0x4  }
0x24a: {  	v2 =	vor.u32 v54, v4;
	[tilespmem:v1+s25+$0x0] =	vst.idx.msk $0xffff, v0;
	v1 =	vld [tilespmem:$0x1F9D0];
	_ =	sdelay $0x3  }
0x24b: {  	v43 =	vld [tilespmem:$0x1FEB0]  }
0x24c: {  	v0 =	vld.idx.msk [tilespmem:v2+s18+$0x0], $0xffff;
	v1 =	vor.u32 v1, v5;
	_ =	sdelay $0x4  }
0x24d: {  	v2 =	vor.u32 v43, v4;
	[tilespmem:v1+s25+$0x0] =	vst.idx.msk $0xffff, v0;
	v1 =	vld [tilespmem:$0x1F9E0];
	_ =	sdelay $0x3  }
0x24e: {  	v55 =	vld [tilespmem:$0x1FEC0]  }
0x24f: {  	v0 =	vld.idx.msk [tilespmem:v2+s18+$0x0], $0xffff;
	v1 =	vor.u32 v1, v5;
	_ =	sdelay $0x4  }
0x250: {  	v2 =	vor.u32 v55, v4;
	[tilespmem:v1+s25+$0x0] =	vst.idx.msk $0xffff, v0;
	v1 =	vld [tilespmem:$0x1F9F0];
	_ =	sdelay $0x3  }
0x251: {  	v41 =	vld [tilespmem:$0x1FED0]  }
0x252: {  	v0 =	vld.idx.msk [tilespmem:v2+s18+$0x0], $0xffff;
	v1 =	vor.u32 v1, v5;
	_ =	sdelay $0x4  }
0x253: {  	v2 =	vor.u32 v41, v4;
	[tilespmem:v1+s25+$0x0] =	vst.idx.msk $0xffff, v0;
	v1 =	vld [tilespmem:$0x1FA00];
	_ =	sdelay $0x3  }
0x254: {  	v49 =	vld [tilespmem:$0x1FEE0]  }
0x255: {  	v0 =	vld.idx.msk [tilespmem:v2+s18+$0x0], $0xffff;
	v1 =	vor.u32 v1, v5;
	_ =	sdelay $0x4  }
0x256: {  	v2 =	vor.u32 v49, v4;
	[tilespmem:v1+s25+$0x0] =	vst.idx.msk $0xffff, v0;
	v1 =	vld [tilespmem:$0x1FA10];
	_ =	sdelay $0x3  }
0x257: {  	v58 =	vld [tilespmem:$0x1FEF0]  }
0x258: {  	v0 =	vld.idx.msk [tilespmem:v2+s18+$0x0], $0xffff;
	v1 =	vor.u32 v1, v5;
	_ =	sdelay $0x4  }
0x259: {  	v2 =	vor.u32 v58, v4;
	[tilespmem:v1+s25+$0x0] =	vst.idx.msk $0xffff, v0;
	v1 =	vld [tilespmem:$0x1FA20];
	_ =	sdelay $0x3  }
0x25a: {  	v40 =	vld [tilespmem:$0x1FF00]  }
0x25b: {  	v0 =	vld.idx.msk [tilespmem:v2+s18+$0x0], $0xffff;
	v1 =	vor.u32 v1, v5;
	_ =	sdelay $0x4  }
0x25c: {  	v2 =	vor.u32 v40, v4;
	[tilespmem:v1+s25+$0x0] =	vst.idx.msk $0xffff, v0;
	v1 =	vld [tilespmem:$0x1FA30];
	_ =	sdelay $0x3  }
0x25d: {  	v60 =	vld [tilespmem:$0x1FF10]  }
0x25e: {  	v0 =	vld.idx.msk [tilespmem:v2+s18+$0x0], $0xffff;
	v1 =	vor.u32 v1, v5;
	_ =	sdelay $0x4  }
0x25f: {  	v2 =	vor.u32 v60, v4;
	[tilespmem:v1+s25+$0x0] =	vst.idx.msk $0xffff, v0;
	v1 =	vld [tilespmem:$0x1FA40];
	_ =	sdelay $0x3  }
0x260: {  	v39 =	vld [tilespmem:$0x1FF20]  }
0x261: {  	v0 =	vld.idx.msk [tilespmem:v2+s18+$0x0], $0xffff;
	v1 =	vor.u32 v1, v5;
	_ =	sdelay $0x4  }
0x262: {  	v2 =	vor.u32 v39, v4;
	[tilespmem:v1+s25+$0x0] =	vst.idx.msk $0xffff, v0;
	v1 =	vld [tilespmem:$0x1FA50];
	_ =	sdelay $0x3  }
0x263: {  	v11 =	vld [tilespmem:$0x1FF30]  }
0x264: {  	v0 =	vld.idx.msk [tilespmem:v2+s18+$0x0], $0xffff;
	v1 =	vor.u32 v1, v5;
	_ =	sdelay $0x4  }
0x265: {  	v2 =	vor.u32 v11, v4;
	[tilespmem:v1+s25+$0x0] =	vst.idx.msk $0xffff, v0;
	v1 =	vld [tilespmem:$0x1FA60];
	_ =	sdelay $0x3  }
0x266: {  	v46 =	vld [tilespmem:$0x1FF40]  }
0x267: {  	v0 =	vld.idx.msk [tilespmem:v2+s18+$0x0], $0xffff;
	v1 =	vor.u32 v1, v5;
	_ =	sdelay $0x4  }
0x268: {  	v2 =	vor.u32 v46, v4;
	[tilespmem:v1+s25+$0x0] =	vst.idx.msk $0xffff, v0;
	v1 =	vld [tilespmem:$0x1FA70];
	_ =	sdelay $0x4  }
0x269: {  	v0 =	vld.idx.msk [tilespmem:v2+s18+$0x0], $0xffff;
	v1 =	vor.u32 v1, v5  }
0x26a: {  	v2 =	vor.u32 v10, v4;
	_ =	sdelay $0x3  }
0x26b: {  	[tilespmem:v1+s25+$0x0] =	vst.idx.msk $0xffff, v0;
	v1 =	vld [tilespmem:$0x1FA80]  }
0x26c: {  	v0 =	vld.idx.msk [tilespmem:v2+s18+$0x0], $0xffff  }
0x26d: {  	v2 =	vld [tilespmem:$0x1FF60];
	_ =	sdelay $0x3  }
0x26e: {  	v1 =	vor.u32 v1, v5  }
0x26f: {  	v2 =	vor.u32 v2, v4;
	_ =	sdelay $0x3  }
0x270: {  	[tilespmem:v1+s25+$0x0] =	vst.idx.msk $0xffff, v0;
	v1 =	vld [tilespmem:$0x1FA90]  }
0x271: {  	v0 =	vld.idx.msk [tilespmem:v2+s18+$0x0], $0xffff  }
0x272: {  	v2 =	vld [tilespmem:$0x1FF70];
	_ =	sdelay $0x2  }
0x273: {  	v1 =	vor.u32 v1, v5;
	_ =	sdelay $0x1  }
0x274: {  	v2 =	vor.u32 v2, v4;
	_ =	sdelay $0x2  }
0x275: {  	[tilespmem:v1+s25+$0x0] =	vst.idx.msk $0xffff, v0;
	v1 =	vld [tilespmem:$0x1FAA0];
	_ =	sdelay $0x1  }
0x276: {  	v0 =	vld.idx.msk [tilespmem:v2+s18+$0x0], $0xffff  }
0x277: {  	v2 =	vld [tilespmem:$0x1FF80];
	_ =	sdelay $0x1  }
0x278: {  	v1 =	vor.u32 v1, v5;
	_ =	sdelay $0x2  }
0x279: {  	v2 =	vor.u32 v2, v4;
	_ =	sdelay $0x1  }
0x27a: {  	[tilespmem:v1+s25+$0x0] =	vst.idx.msk $0xffff, v0;
	v1 =	vld [tilespmem:$0x1FAB0];
	_ =	sdelay $0x2  }
0x27b: {  	v0 =	vld.idx.msk [tilespmem:v2+s18+$0x0], $0xffff  }
0x27c: {  	v2 =	vld [tilespmem:$0x1FF90]  }
0x27d: {  	v1 =	vor.u32 v1, v5;
	_ =	sdelay $0x3  }
0x27e: {  	v2 =	vor.u32 v2, v4  }
0x27f: {  	[tilespmem:v1+s25+$0x0] =	vst.idx.msk $0xffff, v0;
	v1 =	vld [tilespmem:$0x1FAC0];
	_ =	sdelay $0x3  }
0x280: {  	v0 =	vld.idx.msk [tilespmem:v2+s18+$0x0], $0xffff  }
0x281: {  	v2 =	vld [tilespmem:$0x1FFA0];
	v1 =	vor.u32 v1, v5;
	_ =	sdelay $0x4  }
0x282: {  	v2 =	vor.u32 v2, v4;
	[tilespmem:v1+s25+$0x0] =	vst.idx.msk $0xffff, v0;
	v1 =	vld [tilespmem:$0x1FAD0];
	_ =	sdelay $0x4  }
0x283: {  	v0 =	vld.idx.msk [tilespmem:v2+s18+$0x0], $0xffff;
	v1 =	vor.u32 v1, v5;
	_ =	sdelay $0x2  }
0x284: {  	v6 =	vlaneseq.u32  }
0x285: {  	v48 =	vor.u32 $0x20, v6  }
0x286: {  	v2 =	vor.u32 v48, v4;
	[tilespmem:v1+s25+$0x0] =	vst.idx.msk $0xffff, v0;
	v1 =	vld [tilespmem:$0x1FAE0];
	_ =	sdelay $0x4  }
0x287: {  	v0 =	vld.idx.msk [tilespmem:v2+s18+$0x0], $0xffff;
	v1 =	vor.u32 v1, v5;
	_ =	sdelay $0x3  }
0x288: {  	v56 =	vadd.s32 $0x21, v6  }
0x289: {  	v2 =	vor.u32 v56, v4;
	[tilespmem:v1+s25+$0x0] =	vst.idx.msk $0xffff, v0;
	v1 =	vld [tilespmem:$0x1FAF0];
	_ =	sdelay $0x4  }
0x28a: {  	v0 =	vld.idx.msk [tilespmem:v2+s18+$0x0], $0xffff;
	v1 =	vor.u32 v1, v5;
	_ =	sdelay $0x3  }
0x28b: {  	v23 =	vadd.s32 $0x22, v6  }
0x28c: {  	v2 =	vor.u32 v23, v4;
	[tilespmem:v1+s25+$0x0] =	vst.idx.msk $0xffff, v0;
	v1 =	vld [tilespmem:$0x1FB00];
	_ =	sdelay $0x4  }
0x28d: {  	v0 =	vld.idx.msk [tilespmem:v2+s18+$0x0], $0xffff;
	v1 =	vor.u32 v1, v5;
	_ =	sdelay $0x3  }
0x28e: {  	v12 =	vadd.s32 $0x23, v6  }
0x28f: {  	v2 =	vor.u32 v12, v4;
	[tilespmem:v1+s25+$0x0] =	vst.idx.msk $0xffff, v0;
	v1 =	vld [tilespmem:$0x1FB10];
	_ =	sdelay $0x4  }
0x290: {  	v0 =	vld.idx.msk [tilespmem:v2+s18+$0x0], $0xffff;
	v1 =	vor.u32 v1, v5;
	_ =	sdelay $0x3  }
0x291: {  	v25 =	vadd.s32 $0x24, v6  }
0x292: {  	v2 =	vor.u32 v25, v4;
	[tilespmem:v1+s25+$0x0] =	vst.idx.msk $0xffff, v0;
	v1 =	vld [tilespmem:$0x1FB20];
	_ =	sdelay $0x4  }
0x293: {  	v0 =	vld.idx.msk [tilespmem:v2+s18+$0x0], $0xffff;
	v1 =	vor.u32 v1, v5;
	_ =	sdelay $0x3  }
0x294: {  	v50 =	vadd.s32 $0x25, v6  }
0x295: {  	v2 =	vor.u32 v50, v4;
	[tilespmem:v1+s25+$0x0] =	vst.idx.msk $0xffff, v0;
	v1 =	vld [tilespmem:$0x1FB30];
	_ =	sdelay $0x4  }
0x296: {  	v0 =	vld.idx.msk [tilespmem:v2+s18+$0x0], $0xffff;
	v1 =	vor.u32 v1, v5;
	_ =	sdelay $0x3  }
0x297: {  	v27 =	vadd.s32 $0x26, v6  }
0x298: {  	v2 =	vor.u32 v27, v4;
	[tilespmem:v1+s25+$0x0] =	vst.idx.msk $0xffff, v0;
	v1 =	vld [tilespmem:$0x1FB40];
	_ =	sdelay $0x4  }
0x299: {  	v0 =	vld.idx.msk [tilespmem:v2+s18+$0x0], $0xffff;
	v1 =	vor.u32 v1, v5;
	_ =	sdelay $0x3  }
0x29a: {  	v22 =	vadd.s32 $0x27, v6  }
0x29b: {  	v2 =	vor.u32 v22, v4;
	[tilespmem:v1+s25+$0x0] =	vst.idx.msk $0xffff, v0;
	v1 =	vld [tilespmem:$0x1FB50];
	_ =	sdelay $0x4  }
0x29c: {  	v0 =	vld.idx.msk [tilespmem:v2+s18+$0x0], $0xffff;
	v1 =	vor.u32 v1, v5;
	_ =	sdelay $0x3  }
0x29d: {  	v30 =	vadd.s32 $0x28, v6  }
0x29e: {  	v2 =	vor.u32 v30, v4;
	[tilespmem:v1+s25+$0x0] =	vst.idx.msk $0xffff, v0;
	v1 =	vld [tilespmem:$0x1FB60];
	_ =	sdelay $0x4  }
0x29f: {  	v0 =	vld.idx.msk [tilespmem:v2+s18+$0x0], $0xffff;
	v1 =	vor.u32 v1, v5;
	_ =	sdelay $0x3  }
0x2a0: {  	v37 =	vadd.s32 $0x29, v6  }
0x2a1: {  	v2 =	vor.u32 v37, v4;
	[tilespmem:v1+s25+$0x0] =	vst.idx.msk $0xffff, v0;
	v1 =	vld [tilespmem:$0x1FB70];
	_ =	sdelay $0x4  }
0x2a2: {  	v0 =	vld.idx.msk [tilespmem:v2+s18+$0x0], $0xffff;
	v1 =	vor.u32 v1, v5;
	_ =	sdelay $0x3  }
0x2a3: {  	v28 =	vadd.s32 $0x2A, v6  }
0x2a4: {  	v2 =	vor.u32 v28, v4;
	[tilespmem:v1+s25+$0x0] =	vst.idx.msk $0xffff, v0;
	v1 =	vld [tilespmem:$0x1FB80];
	_ =	sdelay $0x4  }
0x2a5: {  	v0 =	vld.idx.msk [tilespmem:v2+s18+$0x0], $0xffff;
	v1 =	vor.u32 v1, v5;
	_ =	sdelay $0x3  }
0x2a6: {  	v21 =	vadd.s32 $0x2B, v6  }
0x2a7: {  	v2 =	vor.u32 v21, v4;
	[tilespmem:v1+s25+$0x0] =	vst.idx.msk $0xffff, v0;
	v1 =	vld [tilespmem:$0x1FB90];
	_ =	sdelay $0x4  }
0x2a8: {  	v0 =	vld.idx.msk [tilespmem:v2+s18+$0x0], $0xffff;
	v1 =	vor.u32 v1, v5;
	_ =	sdelay $0x3  }
0x2a9: {  	v14 =	vadd.s32 $0x2C, v6  }
0x2aa: {  	v2 =	vor.u32 v14, v4;
	[tilespmem:v1+s25+$0x0] =	vst.idx.msk $0xffff, v0;
	v1 =	vld [tilespmem:$0x1FBA0];
	_ =	sdelay $0x4  }
0x2ab: {  	v0 =	vld.idx.msk [tilespmem:v2+s18+$0x0], $0xffff;
	v1 =	vor.u32 v1, v5;
	_ =	sdelay $0x3  }
0x2ac: {  	v18 =	vadd.s32 $0x2D, v6  }
0x2ad: {  	v2 =	vor.u32 v18, v4;
	[tilespmem:v1+s25+$0x0] =	vst.idx.msk $0xffff, v0;
	v1 =	vld [tilespmem:$0x1FBB0];
	_ =	sdelay $0x4  }
0x2ae: {  	v0 =	vld.idx.msk [tilespmem:v2+s18+$0x0], $0xffff;
	v1 =	vor.u32 v1, v5;
	_ =	sdelay $0x3  }
0x2af: {  	v13 =	vadd.s32 $0x2E, v6  }
0x2b0: {  	v2 =	vor.u32 v13, v4;
	[tilespmem:v1+s25+$0x0] =	vst.idx.msk $0xffff, v0;
	v1 =	vld [tilespmem:$0x1FBC0];
	_ =	sdelay $0x4  }
0x2b1: {  	v0 =	vld.idx.msk [tilespmem:v2+s18+$0x0], $0xffff;
	v1 =	vor.u32 v1, v5;
	_ =	sdelay $0x3  }
0x2b2: {  	v19 =	vadd.s32 $0x2F, v6  }
0x2b3: {  	v2 =	vor.u32 v19, v4;
	[tilespmem:v1+s25+$0x0] =	vst.idx.msk $0xffff, v0;
	v1 =	vld [tilespmem:$0x1FBD0];
	_ =	sdelay $0x4  }
0x2b4: {  	v0 =	vld.idx.msk [tilespmem:v2+s18+$0x0], $0xffff;
	v1 =	vor.u32 v1, v5;
	_ =	sdelay $0x2  }
0x2b5: {  	v7 =	vld [tilespmem:$0x1FCE0]  }
0x2b6: {  	v3 =	vld [tilespmem:$0x1FD50]  }
0x2b7: {  	v15 =	vor.u32 $0x30, v6;
	[tilespmem:v1+s25+$0x0] =	vst.idx.msk $0xffff, v0;
	v0 =	vld [tilespmem:$0x1FCD0]  }
0x2b8: {  	v2 =	vor.u32 v15, v4;
	v1 =	vld [tilespmem:$0x1FBE0];
	_ =	sdelay $0x3  }
0x2b9: {  	v10 =	vsel vm0, v3, v7  }
0x2ba: {  	v20 =	vcombine.low v0, v10;
	v0 =	vld.idx.msk [tilespmem:v2+s18+$0x0], $0xffff;
	v1 =	vor.u32 v1, v5;
	_ =	sdelay $0x2  }
0x2bb: {  	v8 =	vld [tilespmem:$0x1FD10]  }
0x2bc: {  	v3 =	vld [tilespmem:$0x1FD70]  }
0x2bd: {  	[tilespmem:v1+s25+$0x0] =	vst.idx.msk $0xffff, v0;
	v0 =	vld [tilespmem:$0x1FD00]  }
0x2be: {  	v2 =	vor.u32 v20, v4;
	v1 =	vld [tilespmem:$0x1FBF0];
	_ =	sdelay $0x3  }
0x2bf: {  	v59 =	vsel vm0, v3, v8  }
0x2c0: {  	v42 =	vcombine.low v0, v59;
	v0 =	vld.idx.msk [tilespmem:v2+s18+$0x0], $0xffff;
	v1 =	vor.u32 v1, v5;
	_ =	sdelay $0x2  }
0x2c1: {  	v9 =	vld [tilespmem:$0x1FD40]  }
0x2c2: {  	v3 =	vld [tilespmem:$0x1FD90]  }
0x2c3: {  	[tilespmem:v1+s25+$0x0] =	vst.idx.msk $0xffff, v0;
	v0 =	vld [tilespmem:$0x1FD30]  }
0x2c4: {  	v2 =	vor.u32 v42, v4;
	v1 =	vld [tilespmem:$0x1FC00];
	_ =	sdelay $0x3  }
0x2c5: {  	v61 =	vsel vm0, v3, v9  }
0x2c6: {  	v53 =	vcombine.low v0, v61;
	v0 =	vld.idx.msk [tilespmem:v2+s18+$0x0], $0xffff;
	v1 =	vor.u32 v1, v5;
	_ =	sdelay $0x4  }
0x2c7: {  	v2 =	vor.u32 v53, v4;
	[tilespmem:v1+s25+$0x0] =	vst.idx.msk $0xffff, v0;
	v1 =	vld [tilespmem:$0x1FC10];
	_ =	sdelay $0x4  }
0x2c8: {  	v0 =	vld.idx.msk [tilespmem:v2+s18+$0x0], $0xffff;
	v1 =	vor.u32 v1, v5;
	_ =	sdelay $0x2  }
0x2c9: {  	v3 =	vld [tilespmem:$0x1FCC0]  }
0x2ca: {  	v2 =	vld [tilespmem:$0x1F8D0]  }
0x2cb: {  	[tilespmem:v1+s25+$0x0] =	vst.idx.msk $0xffff, v0;
	v0 =	vld [tilespmem:$0x1FD60];
	_ =	sdelay $0x3  }
0x2cc: {  	v3 =	vsel vm0, v7, v3;
	v2 =	vor.u32 v2, v4  }
0x2cd: {  	v3 =	vcombine.low v3, v0;
	v0 =	vld [tilespmem:$0x1FC20];
	_ =	sdelay $0x3  }
0x2ce: {  	v1 =	vld.idx.msk [tilespmem:v2+s18+$0x0], $0xffff  }
0x2cf: {  	v2 =	vor.u32 v0, v5;
	v0 =	vld [tilespmem:$0x1FCF0];
	_ =	sdelay $0x4  }
0x2d0: {  	v7 =	vsel vm0, v8, v0;
	v0 =	vld [tilespmem:$0x1FD80];
	_ =	sdelay $0x3  }
0x2d1: {  	[tilespmem:$0x1F800] =	vst v3;
	v3 =	vor.u32 v3, v4  }
0x2d2: {  	[tilespmem:v2+s25+$0x0] =	vst.idx.msk $0xffff, v1;
	v1 =	vcombine.low v7, v0;
	v0 =	vld [tilespmem:$0x1FC30];
	_ =	sdelay $0x3  }
0x2d3: {  	v2 =	vld.idx.msk [tilespmem:v3+s18+$0x0], $0xffff  }
0x2d4: {  	v3 =	vor.u32 v0, v5;
	v0 =	vld [tilespmem:$0x1FD20];
	_ =	sdelay $0x4  }
0x2d5: {  	v8 =	vsel vm0, v9, v0;
	v0 =	vld [tilespmem:$0x1FDA0];
	_ =	sdelay $0x2  }
0x2d6: {  	v7 =	vor.u32 v1, v4;
	_ =	sdelay $0x1  }
0x2d7: {  	[tilespmem:v3+s25+$0x0] =	vst.idx.msk $0xffff, v2;
	v2 =	vcombine.low v8, v0;
	v0 =	vld [tilespmem:$0x1FC40];
	_ =	sdelay $0x2  }
0x2d8: {  	v3 =	vld.idx.msk [tilespmem:v7+s18+$0x0], $0xffff  }
0x2d9: {  	[tilespmem:$0x1F820] =	vst v2;
	v8 =	vor.u32 v2, v4;
	v2 =	vld [tilespmem:$0x1F8C0]  }
0x2da: {  	v7 =	vor.u32 v0, v5;
	v0 =	vld [tilespmem:$0x1F8B0];
	_ =	sdelay $0x4  }
0x2db: {  	v9 =	vsel vm0, v0, v2;
	v0 =	vld [tilespmem:$0x1FDB0];
	_ =	sdelay $0x4  }
0x2dc: {  	v2 =	vcombine.low v9, v0;
	v0 =	vld [tilespmem:$0x1FC50];
	_ =	sdelay $0x2  }
0x2dd: {  	[tilespmem:v7+s25+$0x0] =	vst.idx.msk $0xffff, v3  }
0x2de: {  	v7 =	vld.idx.msk [tilespmem:v8+s18+$0x0], $0xffff  }
0x2df: {  	v8 =	vor.u32 v0, v5;
	v0 =	vld [tilespmem:$0x1FDC0]  }
0x2e0: {  	v9 =	vor.u32 v2, v4;
	_ =	sdelay $0x3  }
0x2e1: {  	v3 =	vld [tilespmem:$0x1FC60];
	[tilespmem:v8+s25+$0x0] =	vst.idx.msk $0xffff, v7;
	v0 =	vcombine.low v10, v0  }
0x2e2: {  	v7 =	vld.idx.msk [tilespmem:v9+s18+$0x0], $0xffff  }
0x2e3: {  	[tilespmem:$0x1F840] =	vst v0;
	v9 =	vor.u32 v0, v4;
	v0 =	vld [tilespmem:$0x1FDD0];
	_ =	sdelay $0x4  }
0x2e4: {  	v8 =	vor.u32 v3, v5;
	v10 =	vcombine.low v59, v0;
	v0 =	vld [tilespmem:$0x1FC70];
	_ =	sdelay $0x4  }
0x2e5: {  	[tilespmem:v8+s25+$0x0] =	vst.idx.msk $0xffff, v7;
	v8 =	vor.u32 v0, v5;
	v0 =	vld [tilespmem:$0x1FDE0];
	_ =	sdelay $0x2  }
0x2e6: {  	v7 =	vld.idx.msk [tilespmem:v9+s18+$0x0], $0xffff  }
0x2e7: {  	v9 =	vor.u32 v10, v4  }
0x2e8: {  	v61 =	vcombine.low v61, v0;
	v0 =	vld [tilespmem:$0x1FC80];
	_ =	sdelay $0x2  }
0x2e9: {  	[tilespmem:v8+s25+$0x0] =	vst.idx.msk $0xffff, v7  }
0x2ea: {  	v7 =	vld.idx.msk [tilespmem:v9+s18+$0x0], $0xffff  }
0x2eb: {  	v8 =	vor.u32 v0, v5;
	v0 =	vld [tilespmem:$0x1FC90];
	_ =	sdelay $0x3  }
0x2ec: {  	v9 =	vor.u32 v61, v4  }
0x2ed: {  	[tilespmem:v8+s25+$0x0] =	vst.idx.msk $0xffff, v7;
	v8 =	vor.u32 v0, v5;
	v0 =	vld [tilespmem:$0x1F870];
	_ =	sdelay $0x3  }
0x2ee: {  	v7 =	vld.idx.msk [tilespmem:v9+s18+$0x0], $0xffff  }
0x2ef: {  	v9 =	vor.u32 v0, v4;
	v0 =	vld [tilespmem:$0x1FCA0];
	_ =	sdelay $0x4  }
0x2f0: {  	[tilespmem:v8+s25+$0x0] =	vst.idx.msk $0xffff, v7;
	v8 =	vor.u32 v0, v5;
	v0 =	vld [tilespmem:$0x1F880];
	_ =	sdelay $0x3  }
0x2f1: {  	v7 =	vld.idx.msk [tilespmem:v9+s18+$0x0], $0xffff  }
0x2f2: {  	v9 =	vor.u32 v0, v4;
	v0 =	vld [tilespmem:$0x1FCB0];
	_ =	sdelay $0x4  }
0x2f3: {  	[tilespmem:v8+s25+$0x0] =	vst.idx.msk $0xffff, v7;
	v8 =	vor.u32 v0, v5;
	v0 =	vld [tilespmem:$0x1F890];
	_ =	sdelay $0x3  }
0x2f4: {  	v7 =	vld.idx.msk [tilespmem:v9+s18+$0x0], $0xffff  }
0x2f5: {  	v9 =	vor.u32 v0, v4;
	v0 =	vld [tilespmem:$0x1FFC0];
	_ =	sdelay $0x4  }
0x2f6: {  	[tilespmem:v8+s25+$0x0] =	vst.idx.msk $0xffff, v7;
	v8 =	vor.u32 v0, v5;
	v0 =	vld [tilespmem:$0x1F8A0];
	_ =	sdelay $0x3  }
0x2f7: {  	v7 =	vld.idx.msk [tilespmem:v9+s18+$0x0], $0xffff  }
0x2f8: {  	v4 =	vor.u32 v0, v4;
	v0 =	vld [tilespmem:$0x1FFB0];
	_ =	sdelay $0x3  }
0x2f9: {  	[tilespmem:v8+s25+$0x0] =	vst.idx.msk $0xffff, v7  }
0x2fa: {  	v4 =	vld.idx.msk [tilespmem:v4+s18+$0x0], $0xffff;
	v5 =	vor.u32 v0, v5;
	_ =	sdelay $0x4  }
0x2fb: {  	[tilespmem:v5+s25+$0x0] =	vst.idx.msk $0xffff, v4  }
0x2fc: {  	v4 =	vld [tilespmem:s0+$0x0];
	_ =	sdelay $0x4  }
0x2fd: {  	v5 =	vor.u32 s31, v6;
	v4 =	vshll.u32 v4, $0x6  }
0x2fe: {  	v59 =	vshll.u32 v5, $0x7;
	v4 =	vand.u32 $0x40, v4  }
0x2ff: {  	v4 =	vor.u32 v59, v4  }
0x300: {  	v0 =	vld [tilespmem:$0x1F8E0];
	v7 =	vor.u32 v6, v4  }
0x301: {  	v8 =	vmov s31  }
0x302: {  	v8 =	vshll.u32 v8, $0x3  }
0x303: {  	v8 =	vand.u32 $0x400, v8;
	v5 =	vand.u32 $0x7F, v5  }
0x304: {  	v5 =	vor.u32 v8, v5  }
0x305: {  	v8 =	vor.u32 v0, v5;
	v7 =	vld.idx.msk [tilespmem:v7+s18+$0x0], $0xffff  }
0x306: {  	v9 =	vor.u32 v17, v4;
	_ =	sdelay $0x3  }
0x307: {  	[tilespmem:v8+s25+$0x0] =	vst.idx.msk $0xffff, v7  }
0x308: {  	v8 =	vor.u32 v29, v5;
	v7 =	vld.idx.msk [tilespmem:v9+s18+$0x0], $0xffff  }
0x309: {  	v9 =	vor.u32 v24, v4;
	_ =	sdelay $0x3  }
0x30a: {  	v0 =	vmov v57;
	[tilespmem:v8+s25+$0x0] =	vst.idx.msk $0xffff, v7  }
0x30b: {  	v8 =	vor.u32 v0, v5;
	v7 =	vld.idx.msk [tilespmem:v9+s18+$0x0], $0xffff  }
0x30c: {  	v57 =	vld [tilespmem:$0x1F910];
	v9 =	vor.u32 v26, v4;
	_ =	sdelay $0x3  }
0x30d: {  	[tilespmem:v8+s25+$0x0] =	vst.idx.msk $0xffff, v7  }
0x30e: {  	v8 =	vor.u32 v57, v5;
	v7 =	vld.idx.msk [tilespmem:v9+s18+$0x0], $0xffff  }
0x30f: {  	v9 =	vor.u32 v62, v4  }
0x310: {  	v62 =	vld [tilespmem:$0x1FE00];
	_ =	sdelay $0x2  }
0x311: {  	[tilespmem:v8+s25+$0x0] =	vst.idx.msk $0xffff, v7  }
0x312: {  	v8 =	vor.u32 v31, v5;
	v7 =	vld.idx.msk [tilespmem:v9+s18+$0x0], $0xffff  }
0x313: {  	v9 =	vor.u32 v62, v4;
	_ =	sdelay $0x3  }
0x314: {  	v0 =	vmov v32;
	[tilespmem:v8+s25+$0x0] =	vst.idx.msk $0xffff, v7  }
0x315: {  	v8 =	vor.u32 v0, v5;
	v7 =	vld.idx.msk [tilespmem:v9+s18+$0x0], $0xffff  }
0x316: {  	v9 =	vor.u32 v51, v4  }
0x317: {  	[tilespmem:$0x1F850] =	vst v10;
	v10 =	vmov v34;
	v34 =	vld [tilespmem:$0x1FE20];
	_ =	sdelay $0x2  }
0x318: {  	v6 =	vmov v33;
	[tilespmem:v8+s25+$0x0] =	vst.idx.msk $0xffff, v7  }
0x319: {  	v8 =	vor.u32 v6, v5;
	v7 =	vld.idx.msk [tilespmem:v9+s18+$0x0], $0xffff  }
0x31a: {  	v9 =	vor.u32 v34, v4;
	_ =	sdelay $0x3  }
0x31b: {  	[tilespmem:v8+s25+$0x0] =	vst.idx.msk $0xffff, v7  }
0x31c: {  	v8 =	vor.u32 v10, v5;
	v7 =	vld.idx.msk [tilespmem:v9+s18+$0x0], $0xffff  }
0x31d: {  	v9 =	vor.u32 v63, v4  }
0x31e: {  	v51 =	vld [tilespmem:$0x1FE40];
	_ =	sdelay $0x2  }
0x31f: {  	[tilespmem:v8+s25+$0x0] =	vst.idx.msk $0xffff, v7  }
0x320: {  	v8 =	vor.u32 v35, v5;
	v7 =	vld.idx.msk [tilespmem:v9+s18+$0x0], $0xffff  }
0x321: {  	v9 =	vor.u32 v51, v4;
	_ =	sdelay $0x3  }
0x322: {  	[tilespmem:v8+s25+$0x0] =	vst.idx.msk $0xffff, v7  }
0x323: {  	v8 =	vor.u32 v36, v5;
	v7 =	vld.idx.msk [tilespmem:v9+s18+$0x0], $0xffff  }
0x324: {  	v9 =	vor.u32 v38, v4;
	_ =	sdelay $0x3  }
0x325: {  	[tilespmem:v8+s25+$0x0] =	vst.idx.msk $0xffff, v7  }
0x326: {  	v8 =	vor.u32 v47, v5;
	v7 =	vld.idx.msk [tilespmem:v9+s18+$0x0], $0xffff  }
0x327: {  	v59 =	vld [tilespmem:$0x1F990];
	v9 =	vor.u32 v16, v4  }
0x328: {  	v0 =	vld [tilespmem:$0x1FE70];
	_ =	sdelay $0x2  }
0x329: {  	[tilespmem:v8+s25+$0x0] =	vst.idx.msk $0xffff, v7  }
0x32a: {  	v8 =	vor.u32 v59, v5;
	v7 =	vld.idx.msk [tilespmem:v9+s18+$0x0], $0xffff  }
0x32b: {  	v9 =	vor.u32 v0, v4;
	_ =	sdelay $0x3  }
0x32c: {  	[tilespmem:v8+s25+$0x0] =	vst.idx.msk $0xffff, v7  }
0x32d: {  	v8 =	vor.u32 v52, v5;
	v7 =	vld.idx.msk [tilespmem:v9+s18+$0x0], $0xffff  }
0x32e: {  	v52 =	vld [tilespmem:$0x1F9B0];
	v9 =	vor.u32 v44, v4;
	_ =	sdelay $0x3  }
0x32f: {  	[tilespmem:v8+s25+$0x0] =	vst.idx.msk $0xffff, v7  }
0x330: {  	v8 =	vor.u32 v52, v5;
	v7 =	vld.idx.msk [tilespmem:v9+s18+$0x0], $0xffff;
	_ =	sdelay $0x4  }
0x331: {  	v9 =	vor.u32 v45, v4;
	[tilespmem:v8+s25+$0x0] =	vst.idx.msk $0xffff, v7;
	v8 =	vld [tilespmem:$0x1F9C0];
	_ =	sdelay $0x4  }
0x332: {  	v7 =	vld.idx.msk [tilespmem:v9+s18+$0x0], $0xffff;
	v8 =	vor.u32 v8, v5  }
0x333: {  	v57 =	vld [tilespmem:$0x1F9D0];
	v9 =	vor.u32 v54, v4;
	_ =	sdelay $0x3  }
0x334: {  	[tilespmem:v8+s25+$0x0] =	vst.idx.msk $0xffff, v7  }
0x335: {  	v8 =	vor.u32 v57, v5;
	v7 =	vld.idx.msk [tilespmem:v9+s18+$0x0], $0xffff;
	_ =	sdelay $0x4  }
0x336: {  	v9 =	vor.u32 v43, v4;
	[tilespmem:v8+s25+$0x0] =	vst.idx.msk $0xffff, v7;
	v8 =	vld [tilespmem:$0x1F9E0];
	_ =	sdelay $0x4  }
0x337: {  	v7 =	vld.idx.msk [tilespmem:v9+s18+$0x0], $0xffff;
	v8 =	vor.u32 v8, v5  }
0x338: {  	v59 =	vld [tilespmem:$0x1F9F0];
	v9 =	vor.u32 v55, v4;
	_ =	sdelay $0x3  }
0x339: {  	[tilespmem:v8+s25+$0x0] =	vst.idx.msk $0xffff, v7  }
0x33a: {  	v8 =	vor.u32 v59, v5;
	v7 =	vld.idx.msk [tilespmem:v9+s18+$0x0], $0xffff;
	_ =	sdelay $0x3  }
0x33b: {  	v16 =	vmov v41  }
0x33c: {  	v9 =	vor.u32 v16, v4;
	[tilespmem:v8+s25+$0x0] =	vst.idx.msk $0xffff, v7;
	v8 =	vld [tilespmem:$0x1FA00];
	_ =	sdelay $0x4  }
0x33d: {  	v7 =	vld.idx.msk [tilespmem:v9+s18+$0x0], $0xffff;
	v8 =	vor.u32 v8, v5  }
0x33e: {  	v62 =	vld [tilespmem:$0x1FA10];
	v9 =	vor.u32 v49, v4;
	_ =	sdelay $0x3  }
0x33f: {  	[tilespmem:v8+s25+$0x0] =	vst.idx.msk $0xffff, v7  }
0x340: {  	v8 =	vor.u32 v62, v5;
	v7 =	vld.idx.msk [tilespmem:v9+s18+$0x0], $0xffff;
	_ =	sdelay $0x4  }
0x341: {  	v9 =	vor.u32 v58, v4;
	[tilespmem:v8+s25+$0x0] =	vst.idx.msk $0xffff, v7;
	v8 =	vld [tilespmem:$0x1FA20];
	_ =	sdelay $0x4  }
0x342: {  	v24 =	vmov v40;
	v7 =	vld.idx.msk [tilespmem:v9+s18+$0x0], $0xffff;
	v8 =	vor.u32 v8, v5  }
0x343: {  	v63 =	vld [tilespmem:$0x1FA30];
	v9 =	vor.u32 v24, v4;
	_ =	sdelay $0x3  }
0x344: {  	[tilespmem:v8+s25+$0x0] =	vst.idx.msk $0xffff, v7  }
0x345: {  	v8 =	vor.u32 v63, v5;
	v7 =	vld.idx.msk [tilespmem:v9+s18+$0x0], $0xffff;
	_ =	sdelay $0x4  }
0x346: {  	v9 =	vor.u32 v60, v4;
	[tilespmem:v8+s25+$0x0] =	vst.idx.msk $0xffff, v7;
	v8 =	vld [tilespmem:$0x1FA40];
	_ =	sdelay $0x4  }
0x347: {  	v7 =	vld.idx.msk [tilespmem:v9+s18+$0x0], $0xffff;
	v8 =	vor.u32 v8, v5  }
0x348: {  	v55 =	vmov v13;
	v13 =	vld [tilespmem:$0x1FA50];
	v9 =	vor.u32 v39, v4;
	_ =	sdelay $0x3  }
0x349: {  	[tilespmem:v8+s25+$0x0] =	vst.idx.msk $0xffff, v7  }
0x34a: {  	v8 =	vor.u32 v13, v5;
	v7 =	vld.idx.msk [tilespmem:v9+s18+$0x0], $0xffff;
	_ =	sdelay $0x4  }
0x34b: {  	v9 =	vor.u32 v11, v4;
	[tilespmem:v8+s25+$0x0] =	vst.idx.msk $0xffff, v7;
	v8 =	vld [tilespmem:$0x1FA60];
	_ =	sdelay $0x4  }
0x34c: {  	v7 =	vld.idx.msk [tilespmem:v9+s18+$0x0], $0xffff;
	v8 =	vor.u32 v8, v5  }
0x34d: {  	v24 =	vmov v30;
	v30 =	vld [tilespmem:$0x1FA70];
	v9 =	vor.u32 v46, v4;
	_ =	sdelay $0x3  }
0x34e: {  	v10 =	vld [tilespmem:$0x1FF50];
	[tilespmem:v8+s25+$0x0] =	vst.idx.msk $0xffff, v7  }
0x34f: {  	v8 =	vor.u32 v30, v5;
	v7 =	vld.idx.msk [tilespmem:v9+s18+$0x0], $0xffff;
	_ =	sdelay $0x4  }
0x350: {  	v9 =	vor.u32 v10, v4;
	[tilespmem:v8+s25+$0x0] =	vst.idx.msk $0xffff, v7;
	v8 =	vld [tilespmem:$0x1FA80]  }
0x351: {  	v6 =	vld [tilespmem:$0x1FF60];
	_ =	sdelay $0x3  }
0x352: {  	v7 =	vld.idx.msk [tilespmem:v9+s18+$0x0], $0xffff;
	v8 =	vor.u32 v8, v5  }
0x353: {  	v54 =	vmov v14;
	v14 =	vld [tilespmem:$0x1FA90];
	v9 =	vor.u32 v6, v4;
	_ =	sdelay $0x3  }
0x354: {  	v29 =	vld [tilespmem:$0x1FF70];
	[tilespmem:v8+s25+$0x0] =	vst.idx.msk $0xffff, v7  }
0x355: {  	v8 =	vor.u32 v14, v5;
	v7 =	vld.idx.msk [tilespmem:v9+s18+$0x0], $0xffff;
	_ =	sdelay $0x4  }
0x356: {  	v9 =	vor.u32 v29, v4;
	[tilespmem:v8+s25+$0x0] =	vst.idx.msk $0xffff, v7;
	v8 =	vld [tilespmem:$0x1FAA0]  }
0x357: {  	v31 =	vld [tilespmem:$0x1FF80];
	_ =	sdelay $0x3  }
0x358: {  	v7 =	vld.idx.msk [tilespmem:v9+s18+$0x0], $0xffff;
	v8 =	vor.u32 v8, v5  }
0x359: {  	v11 =	vld [tilespmem:$0x1FAB0];
	v9 =	vor.u32 v31, v4;
	_ =	sdelay $0x3  }
0x35a: {  	v32 =	vld [tilespmem:$0x1FF90];
	[tilespmem:v8+s25+$0x0] =	vst.idx.msk $0xffff, v7  }
0x35b: {  	v8 =	vor.u32 v11, v5;
	v7 =	vld.idx.msk [tilespmem:v9+s18+$0x0], $0xffff;
	_ =	sdelay $0x4  }
0x35c: {  	v9 =	vor.u32 v32, v4;
	[tilespmem:v8+s25+$0x0] =	vst.idx.msk $0xffff, v7;
	v8 =	vld [tilespmem:$0x1FAC0]  }
0x35d: {  	v33 =	vld [tilespmem:$0x1FFA0];
	_ =	sdelay $0x3  }
0x35e: {  	v7 =	vld.idx.msk [tilespmem:v9+s18+$0x0], $0xffff;
	v8 =	vor.u32 v8, v5  }
0x35f: {  	v58 =	vmov v15;
	v15 =	vld [tilespmem:$0x1FAD0];
	v9 =	vor.u32 v33, v4;
	_ =	sdelay $0x3  }
0x360: {  	[tilespmem:v8+s25+$0x0] =	vst.idx.msk $0xffff, v7  }
0x361: {  	v8 =	vor.u32 v15, v5;
	v7 =	vld.idx.msk [tilespmem:v9+s18+$0x0], $0xffff;
	_ =	sdelay $0x4  }
0x362: {  	v9 =	vor.u32 v48, v4;
	[tilespmem:v8+s25+$0x0] =	vst.idx.msk $0xffff, v7;
	v8 =	vld [tilespmem:$0x1FAE0];
	_ =	sdelay $0x4  }
0x363: {  	v7 =	vld.idx.msk [tilespmem:v9+s18+$0x0], $0xffff;
	v8 =	vor.u32 v8, v5  }
0x364: {  	v49 =	vmov v21;
	v21 =	vld [tilespmem:$0x1FAF0];
	v9 =	vor.u32 v56, v4;
	_ =	sdelay $0x3  }
0x365: {  	[tilespmem:v8+s25+$0x0] =	vst.idx.msk $0xffff, v7  }
0x366: {  	v8 =	vor.u32 v21, v5;
	v7 =	vld.idx.msk [tilespmem:v9+s18+$0x0], $0xffff;
	_ =	sdelay $0x4  }
0x367: {  	v9 =	vor.u32 v23, v4;
	[tilespmem:v8+s25+$0x0] =	vst.idx.msk $0xffff, v7;
	v8 =	vld [tilespmem:$0x1FB00];
	_ =	sdelay $0x4  }
0x368: {  	v35 =	vmov v12;
	v7 =	vld.idx.msk [tilespmem:v9+s18+$0x0], $0xffff;
	v8 =	vor.u32 v8, v5  }
0x369: {  	v60 =	vmov v20;
	v20 =	vld [tilespmem:$0x1FB10];
	v9 =	vor.u32 v35, v4;
	_ =	sdelay $0x3  }
0x36a: {  	[tilespmem:v8+s25+$0x0] =	vst.idx.msk $0xffff, v7  }
0x36b: {  	v8 =	vor.u32 v20, v5;
	v7 =	vld.idx.msk [tilespmem:v9+s18+$0x0], $0xffff;
	_ =	sdelay $0x4  }
0x36c: {  	v9 =	vor.u32 v25, v4;
	[tilespmem:v8+s25+$0x0] =	vst.idx.msk $0xffff, v7;
	v8 =	vld [tilespmem:$0x1FB20];
	_ =	sdelay $0x4  }
0x36d: {  	v7 =	vld.idx.msk [tilespmem:v9+s18+$0x0], $0xffff;
	v8 =	vor.u32 v8, v5  }
0x36e: {  	v32 =	vld [tilespmem:$0x1FB30];
	v9 =	vor.u32 v50, v4;
	_ =	sdelay $0x3  }
0x36f: {  	[tilespmem:v8+s25+$0x0] =	vst.idx.msk $0xffff, v7  }
0x370: {  	v8 =	vor.u32 v32, v5;
	v7 =	vld.idx.msk [tilespmem:v9+s18+$0x0], $0xffff;
	_ =	sdelay $0x4  }
0x371: {  	v9 =	vor.u32 v27, v4;
	[tilespmem:v8+s25+$0x0] =	vst.idx.msk $0xffff, v7;
	v8 =	vld [tilespmem:$0x1FB40];
	_ =	sdelay $0x4  }
0x372: {  	v7 =	vld.idx.msk [tilespmem:v9+s18+$0x0], $0xffff;
	v8 =	vor.u32 v8, v5  }
0x373: {  	v33 =	vld [tilespmem:$0x1FB50];
	v9 =	vor.u32 v22, v4;
	_ =	sdelay $0x3  }
0x374: {  	[tilespmem:v8+s25+$0x0] =	vst.idx.msk $0xffff, v7  }
0x375: {  	v8 =	vor.u32 v33, v5;
	v7 =	vld.idx.msk [tilespmem:v9+s18+$0x0], $0xffff;
	_ =	sdelay $0x4  }
0x376: {  	v9 =	vor.u32 v24, v4;
	[tilespmem:v8+s25+$0x0] =	vst.idx.msk $0xffff, v7;
	v8 =	vld [tilespmem:$0x1FB60];
	_ =	sdelay $0x4  }
0x377: {  	v26 =	vmov v37;
	v7 =	vld.idx.msk [tilespmem:v9+s18+$0x0], $0xffff;
	v8 =	vor.u32 v8, v5  }
0x378: {  	v37 =	vld [tilespmem:$0x1FB70];
	v9 =	vor.u32 v26, v4;
	_ =	sdelay $0x3  }
0x379: {  	[tilespmem:v8+s25+$0x0] =	vst.idx.msk $0xffff, v7  }
0x37a: {  	v8 =	vor.u32 v37, v5;
	v7 =	vld.idx.msk [tilespmem:v9+s18+$0x0], $0xffff;
	_ =	sdelay $0x4  }
0x37b: {  	v9 =	vor.u32 v28, v4;
	[tilespmem:v8+s25+$0x0] =	vst.idx.msk $0xffff, v7;
	v8 =	vld [tilespmem:$0x1FB80];
	_ =	sdelay $0x4  }
0x37c: {  	v7 =	vld.idx.msk [tilespmem:v9+s18+$0x0], $0xffff;
	v8 =	vor.u32 v8, v5  }
0x37d: {  	v38 =	vld [tilespmem:$0x1FB90];
	v9 =	vor.u32 v49, v4;
	_ =	sdelay $0x3  }
0x37e: {  	[tilespmem:v8+s25+$0x0] =	vst.idx.msk $0xffff, v7  }
0x37f: {  	v8 =	vor.u32 v38, v5;
	v7 =	vld.idx.msk [tilespmem:v9+s18+$0x0], $0xffff;
	_ =	sdelay $0x4  }
0x380: {  	v9 =	vor.u32 v54, v4;
	[tilespmem:v8+s25+$0x0] =	vst.idx.msk $0xffff, v7;
	v8 =	vld [tilespmem:$0x1FBA0];
	_ =	sdelay $0x4  }
0x381: {  	v7 =	vld.idx.msk [tilespmem:v9+s18+$0x0], $0xffff;
	v8 =	vor.u32 v8, v5  }
0x382: {  	v39 =	vld [tilespmem:$0x1FBB0];
	v9 =	vor.u32 v18, v4;
	_ =	sdelay $0x3  }
0x383: {  	[tilespmem:v8+s25+$0x0] =	vst.idx.msk $0xffff, v7  }
0x384: {  	v8 =	vor.u32 v39, v5;
	v7 =	vld.idx.msk [tilespmem:v9+s18+$0x0], $0xffff;
	_ =	sdelay $0x4  }
0x385: {  	v9 =	vor.u32 v55, v4;
	[tilespmem:v8+s25+$0x0] =	vst.idx.msk $0xffff, v7;
	v8 =	vld [tilespmem:$0x1FBC0];
	_ =	sdelay $0x4  }
0x386: {  	v7 =	vld.idx.msk [tilespmem:v9+s18+$0x0], $0xffff;
	v8 =	vor.u32 v8, v5  }
0x387: {  	v41 =	vld [tilespmem:$0x1FBD0];
	v9 =	vor.u32 v19, v4;
	_ =	sdelay $0x3  }
0x388: {  	[tilespmem:v8+s25+$0x0] =	vst.idx.msk $0xffff, v7  }
0x389: {  	v8 =	vor.u32 v41, v5;
	v7 =	vld.idx.msk [tilespmem:v9+s18+$0x0], $0xffff;
	_ =	sdelay $0x4  }
0x38a: {  	v9 =	vor.u32 v58, v4;
	[tilespmem:v8+s25+$0x0] =	vst.idx.msk $0xffff, v7;
	v8 =	vld [tilespmem:$0x1FBE0];
	_ =	sdelay $0x4  }
0x38b: {  	v7 =	vld.idx.msk [tilespmem:v9+s18+$0x0], $0xffff;
	v8 =	vor.u32 v8, v5  }
0x38c: {  	v0 =	vmov v48;
	v48 =	vld [tilespmem:$0x1FBF0];
	v9 =	vor.u32 v60, v4;
	_ =	sdelay $0x3  }
0x38d: {  	[tilespmem:v8+s25+$0x0] =	vst.idx.msk $0xffff, v7  }
0x38e: {  	v8 =	vor.u32 v48, v5;
	v7 =	vld.idx.msk [tilespmem:v9+s18+$0x0], $0xffff;
	_ =	sdelay $0x4  }
0x38f: {  	v9 =	vor.u32 v42, v4;
	[tilespmem:v8+s25+$0x0] =	vst.idx.msk $0xffff, v7;
	v8 =	vld [tilespmem:$0x1FC00];
	_ =	sdelay $0x4  }
0x390: {  	v7 =	vld.idx.msk [tilespmem:v9+s18+$0x0], $0xffff;
	v8 =	vor.u32 v8, v5  }
0x391: {  	v9 =	vor.u32 v53, v4;
	_ =	sdelay $0x3  }
0x392: {  	v51 =	vld [tilespmem:$0x1FC10];
	[tilespmem:v8+s25+$0x0] =	vst.idx.msk $0xffff, v7  }
0x393: {  	v7 =	vld.idx.msk [tilespmem:v9+s18+$0x0], $0xffff  }
0x394: {  	v9 =	vld [tilespmem:$0x1F8D0];
	_ =	sdelay $0x3  }
0x395: {  	v8 =	vor.u32 v51, v5  }
0x396: {  	v9 =	vor.u32 v9, v4;
	_ =	sdelay $0x3  }
0x397: {  	[tilespmem:v8+s25+$0x0] =	vst.idx.msk $0xffff, v7;
	v8 =	vld [tilespmem:$0x1FC20]  }
0x398: {  	v7 =	vld.idx.msk [tilespmem:v9+s18+$0x0], $0xffff  }
0x399: {  	v9 =	vld [tilespmem:$0x1F800];
	_ =	sdelay $0x3  }
0x39a: {  	v8 =	vor.u32 v8, v5  }
0x39b: {  	v9 =	vor.u32 v9, v4  }
0x39c: {  	v57 =	vld [tilespmem:$0x1FC30];
	_ =	sdelay $0x2  }
0x39d: {  	[tilespmem:v8+s25+$0x0] =	vst.idx.msk $0xffff, v7  }
0x39e: {  	v7 =	vld.idx.msk [tilespmem:v9+s18+$0x0], $0xffff  }
0x39f: {  	[tilespmem:$0x1F810] =	vst v1;
	v8 =	vor.u32 v57, v5;
	v9 =	vor.u32 v1, v4;
	v1 =	vld [tilespmem:$0x1FC40];
	_ =	sdelay $0x4  }
0x3a0: {  	[tilespmem:v8+s25+$0x0] =	vst.idx.msk $0xffff, v7;
	v8 =	vor.u32 v1, v5;
	v1 =	vld [tilespmem:$0x1F820];
	_ =	sdelay $0x3  }
0x3a1: {  	v7 =	vld.idx.msk [tilespmem:v9+s18+$0x0], $0xffff  }
0x3a2: {  	v59 =	vld [tilespmem:$0x1FC50];
	v9 =	vor.u32 v1, v4;
	_ =	sdelay $0x3  }
0x3a3: {  	[tilespmem:v8+s25+$0x0] =	vst.idx.msk $0xffff, v7  }
0x3a4: {  	v8 =	vor.u32 v59, v5;
	v7 =	vld.idx.msk [tilespmem:v9+s18+$0x0], $0xffff  }
0x3a5: {  	v9 =	vor.u32 v2, v4  }
0x3a6: {  	v1 =	vld [tilespmem:$0x1F840];
	_ =	sdelay $0x2  }
0x3a7: {  	[tilespmem:v8+s25+$0x0] =	vst.idx.msk $0xffff, v7  }
0x3a8: {  	v8 =	vor.u32 v3, v5;
	v7 =	vld.idx.msk [tilespmem:v9+s18+$0x0], $0xffff  }
0x3a9: {  	v3 =	vld [tilespmem:$0x1FC70];
	v9 =	vor.u32 v1, v4  }
0x3aa: {  	v1 =	vld [tilespmem:$0x1F850];
	_ =	sdelay $0x2  }
0x3ab: {  	[tilespmem:v8+s25+$0x0] =	vst.idx.msk $0xffff, v7  }
0x3ac: {  	v8 =	vor.u32 v3, v5;
	v7 =	vld.idx.msk [tilespmem:v9+s18+$0x0], $0xffff  }
0x3ad: {  	v9 =	vor.u32 v1, v4;
	v1 =	vld [tilespmem:$0x1FC80];
	_ =	sdelay $0x3  }
0x3ae: {  	[tilespmem:v8+s25+$0x0] =	vst.idx.msk $0xffff, v7  }
0x3af: {  	v8 =	vor.u32 v1, v5;
	v7 =	vld.idx.msk [tilespmem:v9+s18+$0x0], $0xffff  }
0x3b0: {  	v1 =	vld [tilespmem:$0x1FC90];
	v9 =	vor.u32 v61, v4  }
0x3b1: {  	[tilespmem:$0x1F830] =	vst v2;
	v2 =	vld [tilespmem:$0x1F870];
	_ =	sdelay $0x2  }
0x3b2: {  	[tilespmem:v8+s25+$0x0] =	vst.idx.msk $0xffff, v7  }
0x3b3: {  	v8 =	vor.u32 v1, v5;
	v7 =	vld.idx.msk [tilespmem:v9+s18+$0x0], $0xffff  }
0x3b4: {  	v9 =	vor.u32 v2, v4;
	v2 =	vld [tilespmem:$0x1FCA0]  }
0x3b5: {  	v62 =	vld [tilespmem:$0x1F880];
	_ =	sdelay $0x2  }
0x3b6: {  	[tilespmem:v8+s25+$0x0] =	vst.idx.msk $0xffff, v7  }
0x3b7: {  	v8 =	vor.u32 v2, v5;
	v7 =	vld.idx.msk [tilespmem:v9+s18+$0x0], $0xffff  }
0x3b8: {  	v9 =	vor.u32 v62, v4;
	_ =	sdelay $0x3  }
0x3b9: {  	v2 =	vld [tilespmem:$0x1FCB0];
	[tilespmem:v8+s25+$0x0] =	vst.idx.msk $0xffff, v7  }
0x3ba: {  	v7 =	vld.idx.msk [tilespmem:v9+s18+$0x0], $0xffff  }
0x3bb: {  	v9 =	vld [tilespmem:$0x1F890];
	_ =	sdelay $0x3  }
0x3bc: {  	v8 =	vor.u32 v2, v5  }
0x3bd: {  	v9 =	vor.u32 v9, v4;
	_ =	sdelay $0x3  }
0x3be: {  	[tilespmem:v8+s25+$0x0] =	vst.idx.msk $0xffff, v7  }
0x3bf: {  	v7 =	vld.idx.msk [tilespmem:v9+s18+$0x0], $0xffff  }
0x3c0: {  	v9 =	vld [tilespmem:$0x1FFC0]  }
0x3c1: {  	v36 =	vmov v25;
	v25 =	vld [tilespmem:$0x1F8A0];
	_ =	sdelay $0x3  }
0x3c2: {  	v8 =	vor.u32 v9, v5  }
0x3c3: {  	v63 =	vld [tilespmem:$0x1FFB0];
	v4 =	vor.u32 v25, v4;
	_ =	sdelay $0x3  }
0x3c4: {  	s30 =	sadd.s32 $0x2, s30;
	[tilespmem:v8+s25+$0x0] =	vst.idx.msk $0xffff, v7  }
0x3c5: {  	p2 =	slt.u32 s30, $0xE;
	v5 =	vor.u32 v63, v5;
	v4 =	vld.idx.msk [tilespmem:v4+s18+$0x0], $0xffff  }
.Ltmp0:
0x3c6: {  	_ = 	snop;
	(pc) =	sbr.rel @p2 .LBB2_2-.Ltmp0, $4  }
0x3c7: {  	[tilespmem:$0x1F7E0] =	vst v42  }
0x3c8: {  	[tilespmem:$0x1F7F0] =	vst v53  }
0x3c9: {  	[tilespmem:$0x1F860] =	vst v61;
	v52 =	vld [tilespmem:$0x1FE70]  }
0x3ca: {  	s31 =	sadd.s32 $0x20, s31;
	s0 =	sadd.s32 $0x20, s0;
	v17 =	vmov v22;
	v34 =	vmov v23;
	v16 =	vmov v27;
	v27 =	vld [tilespmem:$0x1F8E0];
	[tilespmem:v5+s25+$0x0] =	vst.idx.msk $0xffff, v4  }
0x3cb: {  	s0 =	rddreg [dreg:$0x11]  }
0x3cc: {  	[hbm4b:s0+s9] =	stream.strided.scatter [tilespmem:s25], [sflag:$0x4], $0x4000, s23, s9, $0x38;
	[tilespmem:$0x1E400] =	vst v63  }
0x3cd: {  	s2 =	simm.s32 $0x300  }
0x3ce: {  	[tilespmem:s18], [sflag:$0x1] =	stream.indirect.gather [hbm4b:s3+s16], $0x80, s2, s16, $0xb8;
	[tilespmem:$0x1E400] =	vst v63  }
0x3cf: {  	s5 =	simm.s32 $0x380  }
0x3d0: {  	[tilespmem:s19], [sflag:$0x1] =	stream.indirect.gather [hbm4b:s3+s16], $0x80, s5, s16, $0xb8;
	[tilespmem:$0x1E400] =	vst v63  }
0x3d1: {  	_ =	swait.ge [sflag:s20], $0x4000  }
0x3d2: {  	[sflag:s20] =	ssyncset.done $0x0  }
0x3d3: {  	s6 =	rddreg [dreg:$0x8];
	[sflag:s20] =	ssyncadd.s32 $0xFFFFC000  }
0x3d4: {  	[hbm4b:s6+s9] =	stream.strided.scatter [tilespmem:s13], [sflag:$0x3], $0x4000, s23, s9, $0x38;
	[tilespmem:$0x1E400] =	vst v63  }
0x3d5: {  	_ =	swait.ge [sflag:s20], $0x4000  }
0x3d6: {  	[sflag:s20] =	ssyncset.done $0x0  }
0x3d7: {  	s7 =	rddreg [dreg:$0x9];
	[sflag:s20] =	ssyncadd.s32 $0xFFFFC000  }
0x3d8: {  	[hbm4b:s7+s9] =	stream.strided.scatter [tilespmem:s14], [sflag:$0x3], $0x4000, s23, s9, $0x38;
	[tilespmem:$0x1E400] =	vst v63  }
0x3d9: {  	_ =	swait.ge [sflag:s26], $0x4000  }
0x3da: {  	[sflag:s26] =	ssyncset.done $0x0  }
0x3db: {  	s8 =	rddreg [dreg:$0x1a];
	[sflag:s26] =	ssyncadd.s32 $0xFFFFC000  }
0x3dc: {  	[tilespmem:s11], [sflag:$0x2] =	stream.strided.gather [hbm4b:s8+s9], $0x4000, s10, s9, $0x38;
	[tilespmem:$0x1E400] =	vst v63  }
0x3dd: {  	_ =	swait.ge [sflag:s26], $0x4000  }
0x3de: {  	[sflag:s26] =	ssyncset.done $0x0  }
0x3df: {  	s17 =	rddreg [dreg:$0x1b];
	[sflag:s26] =	ssyncadd.s32 $0xFFFFC000  }
0x3e0: {  	[tilespmem:s12], [sflag:$0x2] =	stream.strided.gather [hbm4b:s17+s9], $0x4000, s10, s9, $0x38;
	[tilespmem:$0x1E400] =	vst v63  }
0x3e1: {  	_ =	swait.ge [sflag:s24], $0x4000  }
0x3e2: {  	[sflag:s24] =	ssyncset.done $0x0  }
0x3e3: {  	[sflag:s24] =	ssyncadd.s32 $0xFFFFC000  }
0x3e4: {  	_ =	swait.ge [sflag:s24], $0x4000  }
0x3e5: {  	[sflag:s24] =	ssyncset.done $0x0  }
0x3e6: {  	[sflag:s24] =	ssyncadd.s32 $0xFFFFC000  }
0x3e7: {  	_ =	swait.ge [sflag:s28], $0x4000  }
0x3e8: {  	[tilespmem:$0x1F6C0] =	vst v0  }
0x3e9: {  	[tilespmem:$0x1F6D0] =	vst v34  }
0x3ea: {  	[tilespmem:$0x1F6E0] =	vst v36  }
0x3eb: {  	[tilespmem:$0x1F6F0] =	vst v50  }
0x3ec: {  	[tilespmem:$0x1F700] =	vst v26  }
0x3ed: {  	[tilespmem:$0x1F710] =	vst v28  }
0x3ee: {  	[tilespmem:$0x1F720] =	vst v49  }
0x3ef: {  	[tilespmem:$0x1F730] =	vst v54  }
0x3f0: {  	[tilespmem:$0x1F740] =	vst v18  }
0x3f1: {  	[tilespmem:$0x1F750] =	vst v55  }
0x3f2: {  	[tilespmem:$0x1F760] =	vst v16  }
0x3f3: {  	[tilespmem:$0x1F770] =	vst v58  }
0x3f4: {  	[tilespmem:$0x1F780] =	vst v60  }
0x3f5: {  	[tilespmem:$0x1F790] =	vst v56  }
0x3f6: {  	[tilespmem:$0x1F7A0] =	vst v17  }
0x3f7: {  	[tilespmem:$0x1F7B0] =	vst v24  }
0x3f8: {  	s30 =	simm.s32 $0x10;
	[sflag:s28] =	ssyncset.done $0x0;
	[tilespmem:$0x1F7C0] =	vst v19  }
0x3f9: {  	s31 =	simm.s32 $0x110;
	s0 =	simm.s32 $0xFFFFFFFE;
	[tilespmem:$0x1F7D0] =	vst v35;
	[sflag:s28] =	ssyncadd.s32 $0xFFFFC000  }
.LBB2_4:
0x3fa: {  	s1 =	sadd.s32 $0xFFFFFFF0, s30  }
0x3fb: {  	s17 =	sand.u32 $0xE0, s1  }
0x3fc: {  	v4 =	vld [tilespmem:s17+$0x100];
	_ =	sdelay $0x3  }
0x3fd: {  	v0 =	vlaneseq.u32  }
0x3fe: {  	v5 =	vor.u32 s1, v0;
	v4 =	vshll.u32 v4, $0x6  }
0x3ff: {  	v7 =	vshll.u32 v5, $0x7;
	v4 =	vand.u32 $0x40, v4  }
0x400: {  	v4 =	vor.u32 v7, v4  }
0x401: {  	v7 =	vor.u32 v0, v4  }
0x402: {  	v1 =	vld [tilespmem:$0x1FFD0];
	v8 =	vmov s1  }
0x403: {  	v8 =	vshll.u32 v8, $0x3  }
0x404: {  	v5 =	vand.u32 $0x6F, v5;
	v8 =	vand.u32 $0x400, v8  }
0x405: {  	v5 =	vor.u32 v8, v5  }
0x406: {  	v8 =	vor.u32 v27, v5;
	v7 =	vld.idx.msk [tilespmem:v7+s18+$0x0], $0xffff  }
0x407: {  	v18 =	vld [tilespmem:$0x1F8F0];
	v9 =	vor.u32 v1, v4  }
0x408: {  	v0 =	vld [tilespmem:$0x1FFE0];
	_ =	sdelay $0x2  }
0x409: {  	[tilespmem:v8+s25+$0x0] =	vst.idx.msk $0xffff, v7  }
0x40a: {  	v44 =	vor.u32 v18, v5;
	v7 =	vld.idx.msk [tilespmem:v9+s18+$0x0], $0xffff  }
0x40b: {  	v31 =	vld [tilespmem:$0x1F900];
	v45 =	vor.u32 v0, v4  }
0x40c: {  	v2 =	vld [tilespmem:$0x1FFF0];
	_ =	sdelay $0x2  }
0x40d: {  	[tilespmem:v44+s25+$0x0] =	vst.idx.msk $0xffff, v7  }
0x40e: {  	v46 =	vor.u32 v31, v5;
	v7 =	vld.idx.msk [tilespmem:v45+s18+$0x0], $0xffff  }
0x40f: {  	v48 =	vld [tilespmem:$0x1F910];
	v47 =	vor.u32 v2, v4  }
0x410: {  	v62 =	vld [tilespmem:$0x1FDF0];
	_ =	sdelay $0x2  }
0x411: {  	[tilespmem:v46+s25+$0x0] =	vst.idx.msk $0xffff, v7  }
0x412: {  	v8 =	vor.u32 v48, v5;
	v7 =	vld.idx.msk [tilespmem:v47+s18+$0x0], $0xffff  }
0x413: {  	v19 =	vld [tilespmem:$0x1F920];
	v49 =	vor.u32 v62, v4;
	_ =	sdelay $0x3  }
0x414: {  	v53 =	vld [tilespmem:$0x1FE00];
	[tilespmem:v8+s25+$0x0] =	vst.idx.msk $0xffff, v7  }
0x415: {  	v51 =	vor.u32 v19, v5;
	v7 =	vld.idx.msk [tilespmem:v49+s18+$0x0], $0xffff;
	_ =	sdelay $0x3  }
0x416: {  	v32 =	vld [tilespmem:$0x1F930];
	v9 =	vor.u32 v53, v4  }
0x417: {  	[tilespmem:v51+s25+$0x0] =	vst.idx.msk $0xffff, v7;
	v51 =	vld [tilespmem:$0x1FE10];
	_ =	sdelay $0x3  }
0x418: {  	v54 =	vor.u32 v32, v5;
	v7 =	vld.idx.msk [tilespmem:v9+s18+$0x0], $0xffff  }
0x419: {  	v33 =	vld [tilespmem:$0x1F940];
	v55 =	vor.u32 v51, v4  }
0x41a: {  	v58 =	vld [tilespmem:$0x1FE20];
	_ =	sdelay $0x2  }
0x41b: {  	[tilespmem:v54+s25+$0x0] =	vst.idx.msk $0xffff, v7  }
0x41c: {  	v57 =	vor.u32 v33, v5;
	v7 =	vld.idx.msk [tilespmem:v55+s18+$0x0], $0xffff  }
0x41d: {  	v28 =	vld [tilespmem:$0x1F950];
	v9 =	vor.u32 v58, v4  }
0x41e: {  	v63 =	vld [tilespmem:$0x1FE30];
	_ =	sdelay $0x2  }
0x41f: {  	[tilespmem:v57+s25+$0x0] =	vst.idx.msk $0xffff, v7  }
0x420: {  	v59 =	vor.u32 v28, v5;
	v7 =	vld.idx.msk [tilespmem:v9+s18+$0x0], $0xffff  }
0x421: {  	v35 =	vld [tilespmem:$0x1F960];
	v61 =	vor.u32 v63, v4;
	_ =	sdelay $0x2  }
0x422: {  	v6 =	vld [tilespmem:$0x1FE40]  }
0x423: {  	[tilespmem:v59+s25+$0x0] =	vst.idx.msk $0xffff, v7  }
0x424: {  	v3 =	vor.u32 v35, v5;
	v7 =	vld.idx.msk [tilespmem:v61+s18+$0x0], $0xffff;
	_ =	sdelay $0x2  }
0x425: {  	v36 =	vld [tilespmem:$0x1F970];
	v9 =	vor.u32 v6, v4  }
0x426: {  	v49 =	vld [tilespmem:$0x1FE50]  }
0x427: {  	[tilespmem:v3+s25+$0x0] =	vst.idx.msk $0xffff, v7;
	v3 =	vld [tilespmem:$0x1F980];
	_ =	sdelay $0x2  }
0x428: {  	v12 =	vor.u32 v36, v5;
	v7 =	vld.idx.msk [tilespmem:v9+s18+$0x0], $0xffff  }
0x429: {  	v13 =	vor.u32 v49, v4  }
0x42a: {  	v14 =	vor.u32 v3, v5;
	v3 =	vld [tilespmem:$0x1FE60];
	_ =	sdelay $0x2  }
0x42b: {  	[tilespmem:v12+s25+$0x0] =	vst.idx.msk $0xffff, v7  }
0x42c: {  	v7 =	vld.idx.msk [tilespmem:v13+s18+$0x0], $0xffff  }
0x42d: {  	v16 =	vld [tilespmem:$0x1F990];
	v15 =	vor.u32 v3, v4;
	_ =	sdelay $0x3  }
0x42e: {  	[tilespmem:v14+s25+$0x0] =	vst.idx.msk $0xffff, v7  }
0x42f: {  	v8 =	vor.u32 v16, v5;
	v7 =	vld.idx.msk [tilespmem:v15+s18+$0x0], $0xffff  }
0x430: {  	v38 =	vld [tilespmem:$0x1F9A0];
	v17 =	vor.u32 v52, v4  }
0x431: {  	v42 =	vld [tilespmem:$0x1FE80];
	_ =	sdelay $0x2  }
0x432: {  	[tilespmem:v8+s25+$0x0] =	vst.idx.msk $0xffff, v7  }
0x433: {  	v20 =	vor.u32 v38, v5;
	v7 =	vld.idx.msk [tilespmem:v17+s18+$0x0], $0xffff  }
0x434: {  	v22 =	vld [tilespmem:$0x1F9B0];
	v21 =	vor.u32 v42, v4  }
0x435: {  	v6 =	vld [tilespmem:$0x1FE90];
	_ =	sdelay $0x2  }
0x436: {  	[tilespmem:v20+s25+$0x0] =	vst.idx.msk $0xffff, v7  }
0x437: {  	v8 =	vor.u32 v22, v5;
	v7 =	vld.idx.msk [tilespmem:v21+s18+$0x0], $0xffff  }
0x438: {  	v40 =	vld [tilespmem:$0x1F9C0];
	v23 =	vor.u32 v6, v4  }
0x439: {  	v17 =	vld [tilespmem:$0x1FEA0];
	_ =	sdelay $0x2  }
0x43a: {  	[tilespmem:v8+s25+$0x0] =	vst.idx.msk $0xffff, v7  }
0x43b: {  	v30 =	vor.u32 v40, v5;
	v7 =	vld.idx.msk [tilespmem:v23+s18+$0x0], $0xffff  }
0x43c: {  	v39 =	vld [tilespmem:$0x1F9D0];
	v37 =	vor.u32 v17, v4  }
0x43d: {  	v55 =	vld [tilespmem:$0x1FEB0];
	_ =	sdelay $0x2  }
0x43e: {  	[tilespmem:v30+s25+$0x0] =	vst.idx.msk $0xffff, v7  }
0x43f: {  	v8 =	vor.u32 v39, v5;
	v7 =	vld.idx.msk [tilespmem:v37+s18+$0x0], $0xffff  }
0x440: {  	v41 =	vor.u32 v55, v4;
	_ =	sdelay $0x3  }
0x441: {  	[tilespmem:v8+s25+$0x0] =	vst.idx.msk $0xffff, v7  }
0x442: {  	v7 =	vld.idx.msk [tilespmem:v41+s18+$0x0], $0xffff  }
0x443: {  	v41 =	vld [tilespmem:$0x1F9E0]  }
0x444: {  	v16 =	vld [tilespmem:$0x1FEC0];
	_ =	sdelay $0x3  }
0x445: {  	v43 =	vor.u32 v41, v5  }
0x446: {  	v45 =	vld [tilespmem:$0x1F9F0];
	v44 =	vor.u32 v16, v4  }
0x447: {  	v24 =	vld [tilespmem:$0x1FED0];
	_ =	sdelay $0x2  }
0x448: {  	[tilespmem:v43+s25+$0x0] =	vst.idx.msk $0xffff, v7  }
0x449: {  	v8 =	vor.u32 v45, v5;
	v7 =	vld.idx.msk [tilespmem:v44+s18+$0x0], $0xffff  }
0x44a: {  	v46 =	vor.u32 v24, v4;
	v12 =	vld [tilespmem:$0x1FA00]  }
0x44b: {  	v26 =	vld [tilespmem:$0x1FEE0];
	_ =	sdelay $0x2  }
0x44c: {  	[tilespmem:v8+s25+$0x0] =	vst.idx.msk $0xffff, v7  }
0x44d: {  	v47 =	vor.u32 v12, v5;
	v7 =	vld.idx.msk [tilespmem:v46+s18+$0x0], $0xffff  }
0x44e: {  	v52 =	vld [tilespmem:$0x1FA10];
	v48 =	vor.u32 v26, v4  }
0x44f: {  	v60 =	vld [tilespmem:$0x1FEF0];
	_ =	sdelay $0x2  }
0x450: {  	[tilespmem:v47+s25+$0x0] =	vst.idx.msk $0xffff, v7  }
0x451: {  	v8 =	vor.u32 v52, v5;
	v7 =	vld.idx.msk [tilespmem:v48+s18+$0x0], $0xffff  }
0x452: {  	v53 =	vor.u32 v60, v4;
	v14 =	vld [tilespmem:$0x1FA20];
	_ =	sdelay $0x3  }
0x453: {  	v6 =	vld [tilespmem:$0x1FF00];
	[tilespmem:v8+s25+$0x0] =	vst.idx.msk $0xffff, v7  }
0x454: {  	v54 =	vor.u32 v14, v5;
	v7 =	vld.idx.msk [tilespmem:v53+s18+$0x0], $0xffff;
	_ =	sdelay $0x3  }
0x455: {  	v58 =	vld [tilespmem:$0x1FA30];
	v57 =	vor.u32 v6, v4  }
0x456: {  	[tilespmem:v54+s25+$0x0] =	vst.idx.msk $0xffff, v7;
	v54 =	vld [tilespmem:$0x1FF10];
	_ =	sdelay $0x3  }
0x457: {  	v8 =	vor.u32 v58, v5;
	v7 =	vld.idx.msk [tilespmem:v57+s18+$0x0], $0xffff  }
0x458: {  	v21 =	vld [tilespmem:$0x1FA40];
	v59 =	vor.u32 v54, v4  }
0x459: {  	v58 =	vld [tilespmem:$0x1FF20];
	_ =	sdelay $0x2  }
0x45a: {  	[tilespmem:v8+s25+$0x0] =	vst.idx.msk $0xffff, v7  }
0x45b: {  	v61 =	vor.u32 v21, v5;
	v7 =	vld.idx.msk [tilespmem:v59+s18+$0x0], $0xffff  }
0x45c: {  	v15 =	vld [tilespmem:$0x1FA50];
	v13 =	vor.u32 v58, v4  }
0x45d: {  	v29 =	vld [tilespmem:$0x1FF30];
	_ =	sdelay $0x2  }
0x45e: {  	[tilespmem:v61+s25+$0x0] =	vst.idx.msk $0xffff, v7  }
0x45f: {  	v8 =	vor.u32 v15, v5;
	v7 =	vld.idx.msk [tilespmem:v13+s18+$0x0], $0xffff  }
0x460: {  	v20 =	vor.u32 v29, v4;
	v30 =	vld [tilespmem:$0x1FA60]  }
0x461: {  	v10 =	vld [tilespmem:$0x1FF40];
	_ =	sdelay $0x2  }
0x462: {  	[tilespmem:v8+s25+$0x0] =	vst.idx.msk $0xffff, v7  }
0x463: {  	v22 =	vor.u32 v30, v5;
	v7 =	vld.idx.msk [tilespmem:v20+s18+$0x0], $0xffff  }
0x464: {  	v23 =	vor.u32 v10, v4;
	v37 =	vld [tilespmem:$0x1FA70]  }
0x465: {  	v39 =	vld [tilespmem:$0x1FF50];
	_ =	sdelay $0x2  }
0x466: {  	[tilespmem:v22+s25+$0x0] =	vst.idx.msk $0xffff, v7  }
0x467: {  	v8 =	vor.u32 v37, v5;
	v7 =	vld.idx.msk [tilespmem:v23+s18+$0x0], $0xffff  }
0x468: {  	v9 =	vor.u32 v39, v4;
	v39 =	vld [tilespmem:$0x1FA80]  }
0x469: {  	v44 =	vld [tilespmem:$0x1FF60];
	_ =	sdelay $0x2  }
0x46a: {  	[tilespmem:v8+s25+$0x0] =	vst.idx.msk $0xffff, v7  }
0x46b: {  	v43 =	vor.u32 v39, v5;
	v7 =	vld.idx.msk [tilespmem:v9+s18+$0x0], $0xffff  }
0x46c: {  	v45 =	vld [tilespmem:$0x1FA90];
	v9 =	vor.u32 v44, v4  }
0x46d: {  	v46 =	vld [tilespmem:$0x1FF70];
	_ =	sdelay $0x2  }
0x46e: {  	[tilespmem:v43+s25+$0x0] =	vst.idx.msk $0xffff, v7  }
0x46f: {  	v8 =	vor.u32 v45, v5;
	v7 =	vld.idx.msk [tilespmem:v9+s18+$0x0], $0xffff  }
0x470: {  	v11 =	vld [tilespmem:$0x1FAA0];
	v9 =	vor.u32 v46, v4  }
0x471: {  	v48 =	vld [tilespmem:$0x1FF80];
	_ =	sdelay $0x2  }
0x472: {  	[tilespmem:v8+s25+$0x0] =	vst.idx.msk $0xffff, v7  }
0x473: {  	v47 =	vor.u32 v11, v5;
	v7 =	vld.idx.msk [tilespmem:v9+s18+$0x0], $0xffff  }
0x474: {  	v52 =	vld [tilespmem:$0x1FAB0];
	v9 =	vor.u32 v48, v4  }
0x475: {  	v53 =	vld [tilespmem:$0x1FF90];
	_ =	sdelay $0x2  }
0x476: {  	[tilespmem:v47+s25+$0x0] =	vst.idx.msk $0xffff, v7  }
0x477: {  	v8 =	vor.u32 v52, v5;
	v7 =	vld.idx.msk [tilespmem:v9+s18+$0x0], $0xffff  }
0x478: {  	v15 =	vld [tilespmem:$0x1FAC0];
	v9 =	vor.u32 v53, v4  }
0x479: {  	v59 =	vld [tilespmem:$0x1FFA0];
	_ =	sdelay $0x2  }
0x47a: {  	[tilespmem:v8+s25+$0x0] =	vst.idx.msk $0xffff, v7  }
0x47b: {  	v57 =	vor.u32 v15, v5;
	v7 =	vld.idx.msk [tilespmem:v9+s18+$0x0], $0xffff  }
0x47c: {  	v61 =	vld [tilespmem:$0x1FAD0];
	v9 =	vor.u32 v59, v4  }
0x47d: {  	v13 =	vld [tilespmem:$0x1F6C0];
	_ =	sdelay $0x2  }
0x47e: {  	[tilespmem:v57+s25+$0x0] =	vst.idx.msk $0xffff, v7  }
0x47f: {  	v8 =	vor.u32 v61, v5;
	v7 =	vld.idx.msk [tilespmem:v9+s18+$0x0], $0xffff  }
0x480: {  	v37 =	vld [tilespmem:$0x1FAE0];
	v9 =	vor.u32 v13, v4;
	_ =	sdelay $0x3  }
0x481: {  	[tilespmem:v8+s25+$0x0] =	vst.idx.msk $0xffff, v7  }
0x482: {  	v20 =	vor.u32 v37, v5;
	v7 =	vld.idx.msk [tilespmem:v9+s18+$0x0], $0xffff  }
0x483: {  	v22 =	vor.u32 v56, v4;
	v23 =	vld [tilespmem:$0x1FAF0];
	_ =	sdelay $0x3  }
0x484: {  	[tilespmem:v20+s25+$0x0] =	vst.idx.msk $0xffff, v7  }
0x485: {  	v8 =	vor.u32 v23, v5;
	v7 =	vld.idx.msk [tilespmem:v22+s18+$0x0], $0xffff  }
0x486: {  	v34 =	vor.u32 v34, v4;
	v20 =	vld [tilespmem:$0x1FB00]  }
0x487: {  	v44 =	vld [tilespmem:$0x1F7D0];
	_ =	sdelay $0x2  }
0x488: {  	[tilespmem:v8+s25+$0x0] =	vst.idx.msk $0xffff, v7  }
0x489: {  	v43 =	vor.u32 v20, v5;
	v7 =	vld.idx.msk [tilespmem:v34+s18+$0x0], $0xffff  }
0x48a: {  	v45 =	vld [tilespmem:$0x1FB10];
	v9 =	vor.u32 v44, v4  }
0x48b: {  	v46 =	vld [tilespmem:$0x1F6E0];
	_ =	sdelay $0x2  }
0x48c: {  	[tilespmem:v43+s25+$0x0] =	vst.idx.msk $0xffff, v7  }
0x48d: {  	v8 =	vor.u32 v45, v5;
	v7 =	vld.idx.msk [tilespmem:v9+s18+$0x0], $0xffff  }
0x48e: {  	v13 =	vld [tilespmem:$0x1FB20];
	v9 =	vor.u32 v46, v4;
	_ =	sdelay $0x3  }
0x48f: {  	[tilespmem:v8+s25+$0x0] =	vst.idx.msk $0xffff, v7  }
0x490: {  	v47 =	vor.u32 v13, v5;
	v7 =	vld.idx.msk [tilespmem:v9+s18+$0x0], $0xffff  }
0x491: {  	v48 =	vor.u32 v50, v4;
	v50 =	vld [tilespmem:$0x1FB30]  }
0x492: {  	v52 =	vld [tilespmem:$0x1F760];
	_ =	sdelay $0x2  }
0x493: {  	[tilespmem:v47+s25+$0x0] =	vst.idx.msk $0xffff, v7  }
0x494: {  	v8 =	vor.u32 v50, v5;
	v7 =	vld.idx.msk [tilespmem:v48+s18+$0x0], $0xffff  }
0x495: {  	v45 =	vld [tilespmem:$0x1FB40];
	v9 =	vor.u32 v52, v4  }
0x496: {  	v56 =	vld [tilespmem:$0x1F7A0];
	_ =	sdelay $0x2  }
0x497: {  	[tilespmem:v8+s25+$0x0] =	vst.idx.msk $0xffff, v7  }
0x498: {  	v53 =	vor.u32 v45, v5;
	v7 =	vld.idx.msk [tilespmem:v9+s18+$0x0], $0xffff  }
0x499: {  	v57 =	vld [tilespmem:$0x1FB50];
	v9 =	vor.u32 v56, v4  }
0x49a: {  	v59 =	vld [tilespmem:$0x1F7B0];
	_ =	sdelay $0x2  }
0x49b: {  	[tilespmem:v53+s25+$0x0] =	vst.idx.msk $0xffff, v7  }
0x49c: {  	v8 =	vor.u32 v57, v5;
	v7 =	vld.idx.msk [tilespmem:v9+s18+$0x0], $0xffff  }
0x49d: {  	v46 =	vld [tilespmem:$0x1FB60];
	v9 =	vor.u32 v59, v4  }
0x49e: {  	v22 =	vld [tilespmem:$0x1F700];
	_ =	sdelay $0x2  }
0x49f: {  	[tilespmem:v8+s25+$0x0] =	vst.idx.msk $0xffff, v7  }
0x4a0: {  	v61 =	vor.u32 v46, v5;
	v7 =	vld.idx.msk [tilespmem:v9+s18+$0x0], $0xffff  }
0x4a1: {  	v23 =	vld [tilespmem:$0x1FB70];
	v9 =	vor.u32 v22, v4  }
0x4a2: {  	v34 =	vld [tilespmem:$0x1F710];
	_ =	sdelay $0x2  }
0x4a3: {  	[tilespmem:v61+s25+$0x0] =	vst.idx.msk $0xffff, v7  }
0x4a4: {  	v8 =	vor.u32 v23, v5;
	v7 =	vld.idx.msk [tilespmem:v9+s18+$0x0], $0xffff  }
0x4a5: {  	v47 =	vld [tilespmem:$0x1FB80];
	v9 =	vor.u32 v34, v4  }
0x4a6: {  	v44 =	vld [tilespmem:$0x1F720];
	_ =	sdelay $0x2  }
0x4a7: {  	[tilespmem:v8+s25+$0x0] =	vst.idx.msk $0xffff, v7  }
0x4a8: {  	v43 =	vor.u32 v47, v5;
	v7 =	vld.idx.msk [tilespmem:v9+s18+$0x0], $0xffff  }
0x4a9: {  	v48 =	vld [tilespmem:$0x1FB90];
	v9 =	vor.u32 v44, v4  }
0x4aa: {  	v50 =	vld [tilespmem:$0x1F730];
	_ =	sdelay $0x2  }
0x4ab: {  	[tilespmem:v43+s25+$0x0] =	vst.idx.msk $0xffff, v7  }
0x4ac: {  	v8 =	vor.u32 v48, v5;
	v7 =	vld.idx.msk [tilespmem:v9+s18+$0x0], $0xffff  }
0x4ad: {  	v43 =	vld [tilespmem:$0x1FBA0];
	v9 =	vor.u32 v50, v4  }
0x4ae: {  	v53 =	vld [tilespmem:$0x1F740];
	_ =	sdelay $0x2  }
0x4af: {  	[tilespmem:v8+s25+$0x0] =	vst.idx.msk $0xffff, v7  }
0x4b0: {  	v52 =	vor.u32 v43, v5;
	v7 =	vld.idx.msk [tilespmem:v9+s18+$0x0], $0xffff  }
0x4b1: {  	v56 =	vld [tilespmem:$0x1FBB0];
	v9 =	vor.u32 v53, v4  }
0x4b2: {  	v57 =	vld [tilespmem:$0x1F750];
	_ =	sdelay $0x2  }
0x4b3: {  	[tilespmem:v52+s25+$0x0] =	vst.idx.msk $0xffff, v7  }
0x4b4: {  	v8 =	vor.u32 v56, v5;
	v7 =	vld.idx.msk [tilespmem:v9+s18+$0x0], $0xffff  }
0x4b5: {  	v44 =	vld [tilespmem:$0x1FBC0];
	v9 =	vor.u32 v57, v4  }
0x4b6: {  	v61 =	vld [tilespmem:$0x1F7C0];
	_ =	sdelay $0x2  }
0x4b7: {  	[tilespmem:v8+s25+$0x0] =	vst.idx.msk $0xffff, v7  }
0x4b8: {  	v59 =	vor.u32 v44, v5;
	v7 =	vld.idx.msk [tilespmem:v9+s18+$0x0], $0xffff  }
0x4b9: {  	v22 =	vld [tilespmem:$0x1FBD0];
	v9 =	vor.u32 v61, v4  }
0x4ba: {  	v23 =	vld [tilespmem:$0x1F770];
	_ =	sdelay $0x2  }
0x4bb: {  	[tilespmem:v59+s25+$0x0] =	vst.idx.msk $0xffff, v7  }
0x4bc: {  	v8 =	vor.u32 v22, v5;
	v7 =	vld.idx.msk [tilespmem:v9+s18+$0x0], $0xffff  }
0x4bd: {  	v22 =	vld [tilespmem:$0x1FBE0];
	v9 =	vor.u32 v23, v4;
	_ =	sdelay $0x3  }
0x4be: {  	v48 =	vld [tilespmem:$0x1F780];
	[tilespmem:v8+s25+$0x0] =	vst.idx.msk $0xffff, v7  }
0x4bf: {  	v34 =	vor.u32 v22, v5;
	v7 =	vld.idx.msk [tilespmem:v9+s18+$0x0], $0xffff;
	_ =	sdelay $0x3  }
0x4c0: {  	v50 =	vld [tilespmem:$0x1FBF0];
	v9 =	vor.u32 v48, v4  }
0x4c1: {  	[tilespmem:v34+s25+$0x0] =	vst.idx.msk $0xffff, v7;
	v34 =	vld [tilespmem:$0x1F7E0];
	_ =	sdelay $0x3  }
0x4c2: {  	v8 =	vor.u32 v50, v5;
	v7 =	vld.idx.msk [tilespmem:v9+s18+$0x0], $0xffff  }
0x4c3: {  	v52 =	vor.u32 v34, v4;
	_ =	sdelay $0x3  }
0x4c4: {  	[tilespmem:v8+s25+$0x0] =	vst.idx.msk $0xffff, v7  }
0x4c5: {  	v7 =	vld.idx.msk [tilespmem:v52+s18+$0x0], $0xffff  }
0x4c6: {  	v52 =	vld [tilespmem:$0x1FC00]  }
0x4c7: {  	v59 =	vld [tilespmem:$0x1F7F0];
	_ =	sdelay $0x3  }
0x4c8: {  	v53 =	vor.u32 v52, v5  }
0x4c9: {  	v57 =	vld [tilespmem:$0x1FC10];
	v56 =	vor.u32 v59, v4  }
0x4ca: {  	v27 =	vld [tilespmem:$0x1F8D0];
	_ =	sdelay $0x2  }
0x4cb: {  	[tilespmem:v53+s25+$0x0] =	vst.idx.msk $0xffff, v7  }
0x4cc: {  	v8 =	vor.u32 v57, v5;
	v7 =	vld.idx.msk [tilespmem:v56+s18+$0x0], $0xffff  }
0x4cd: {  	v61 =	vor.u32 v27, v4;
	_ =	sdelay $0x3  }
0x4ce: {  	v53 =	vld [tilespmem:$0x1FC20];
	[tilespmem:v8+s25+$0x0] =	vst.idx.msk $0xffff, v7  }
0x4cf: {  	v7 =	vld.idx.msk [tilespmem:v61+s18+$0x0], $0xffff  }
0x4d0: {  	v61 =	vld [tilespmem:$0x1F800];
	_ =	sdelay $0x3  }
0x4d1: {  	v23 =	vor.u32 v53, v5  }
0x4d2: {  	v50 =	vld [tilespmem:$0x1FC30];
	v48 =	vor.u32 v61, v4  }
0x4d3: {  	v56 =	vld [tilespmem:$0x1F810];
	_ =	sdelay $0x2  }
0x4d4: {  	[tilespmem:v23+s25+$0x0] =	vst.idx.msk $0xffff, v7  }
0x4d5: {  	v8 =	vor.u32 v50, v5;
	v7 =	vld.idx.msk [tilespmem:v48+s18+$0x0], $0xffff  }
0x4d6: {  	v9 =	vor.u32 v56, v4;
	v48 =	vld [tilespmem:$0x1FC40]  }
0x4d7: {  	v23 =	vld [tilespmem:$0x1F820];
	_ =	sdelay $0x2  }
0x4d8: {  	[tilespmem:v8+s25+$0x0] =	vst.idx.msk $0xffff, v7  }
0x4d9: {  	v57 =	vor.u32 v48, v5;
	v7 =	vld.idx.msk [tilespmem:v9+s18+$0x0], $0xffff  }
0x4da: {  	v50 =	vld [tilespmem:$0x1FC50];
	v9 =	vor.u32 v23, v4  }
0x4db: {  	v56 =	vld [tilespmem:$0x1F830];
	_ =	sdelay $0x2  }
0x4dc: {  	[tilespmem:v57+s25+$0x0] =	vst.idx.msk $0xffff, v7  }
0x4dd: {  	v8 =	vor.u32 v50, v5;
	v7 =	vld.idx.msk [tilespmem:v9+s18+$0x0], $0xffff  }
0x4de: {  	v9 =	vor.u32 v56, v4;
	v56 =	vld [tilespmem:$0x1FC60];
	_ =	sdelay $0x3  }
0x4df: {  	v23 =	vld [tilespmem:$0x1F840];
	[tilespmem:v8+s25+$0x0] =	vst.idx.msk $0xffff, v7  }
0x4e0: {  	v57 =	vor.u32 v56, v5;
	v7 =	vld.idx.msk [tilespmem:v9+s18+$0x0], $0xffff;
	_ =	sdelay $0x3  }
0x4e1: {  	v50 =	vld [tilespmem:$0x1FC70];
	v9 =	vor.u32 v23, v4  }
0x4e2: {  	[tilespmem:v57+s25+$0x0] =	vst.idx.msk $0xffff, v7;
	v57 =	vld [tilespmem:$0x1F850];
	_ =	sdelay $0x3  }
0x4e3: {  	v8 =	vor.u32 v50, v5;
	v7 =	vld.idx.msk [tilespmem:v9+s18+$0x0], $0xffff  }
0x4e4: {  	v9 =	vor.u32 v57, v4;
	v57 =	vld [tilespmem:$0x1FC80];
	_ =	sdelay $0x3  }
0x4e5: {  	[tilespmem:v8+s25+$0x0] =	vst.idx.msk $0xffff, v7  }
0x4e6: {  	v7 =	vld.idx.msk [tilespmem:v9+s18+$0x0], $0xffff;
	v23 =	vor.u32 v57, v5;
	_ =	sdelay $0x3  }
0x4e7: {  	v50 =	vld [tilespmem:$0x1F860]  }
0x4e8: {  	[tilespmem:v23+s25+$0x0] =	vst.idx.msk $0xffff, v7;
	v23 =	vld [tilespmem:$0x1FC90];
	_ =	sdelay $0x3  }
0x4e9: {  	v9 =	vor.u32 v50, v4  }
0x4ea: {  	v8 =	vor.u32 v23, v5;
	v23 =	vld [tilespmem:$0x1F870];
	_ =	sdelay $0x3  }
0x4eb: {  	v7 =	vld.idx.msk [tilespmem:v9+s18+$0x0], $0xffff  }
0x4ec: {  	v50 =	vor.u32 v23, v4;
	_ =	sdelay $0x3  }
0x4ed: {  	[tilespmem:v8+s25+$0x0] =	vst.idx.msk $0xffff, v7  }
0x4ee: {  	v7 =	vld.idx.msk [tilespmem:v50+s18+$0x0], $0xffff  }
0x4ef: {  	v50 =	vld [tilespmem:$0x1FCA0];
	_ =	sdelay $0x4  }
0x4f0: {  	v9 =	vld [tilespmem:$0x1F880];
	v8 =	vor.u32 v50, v5;
	_ =	sdelay $0x4  }
0x4f1: {  	v9 =	vor.u32 v9, v4;
	[tilespmem:v8+s25+$0x0] =	vst.idx.msk $0xffff, v7;
	v8 =	vld [tilespmem:$0x1FCB0]  }
0x4f2: {  	v25 =	vld [tilespmem:$0x1F890];
	_ =	sdelay $0x3  }
0x4f3: {  	v7 =	vld.idx.msk [tilespmem:v9+s18+$0x0], $0xffff;
	v8 =	vor.u32 v8, v5  }
0x4f4: {  	v9 =	vor.u32 v25, v4;
	_ =	sdelay $0x3  }
0x4f5: {  	[tilespmem:v8+s25+$0x0] =	vst.idx.msk $0xffff, v7;
	v8 =	vld [tilespmem:$0x1FFC0]  }
0x4f6: {  	v7 =	vld.idx.msk [tilespmem:v9+s18+$0x0], $0xffff  }
0x4f7: {  	v9 =	vld [tilespmem:$0x1F8A0];
	_ =	sdelay $0x3  }
0x4f8: {  	v8 =	vor.u32 v8, v5  }
0x4f9: {  	v4 =	vor.u32 v9, v4;
	v9 =	vld [tilespmem:$0x1FFB0];
	_ =	sdelay $0x3  }
0x4fa: {  	[tilespmem:v8+s25+$0x0] =	vst.idx.msk $0xffff, v7  }
0x4fb: {  	v4 =	vld.idx.msk [tilespmem:v4+s18+$0x0], $0xffff;
	v5 =	vor.u32 v9, v5;
	_ =	sdelay $0x4  }
0x4fc: {  	[tilespmem:v5+s25+$0x0] =	vst.idx.msk $0xffff, v4  }
0x4fd: {  	v4 =	vld [tilespmem:s31+$0x0];
	_ =	sdelay $0x3  }
0x4fe: {  	v8 =	vlaneseq.u32  }
0x4ff: {  	v5 =	vor.u32 s30, v8;
	v4 =	vshll.u32 v4, $0x6  }
0x500: {  	v9 =	vshll.u32 v5, $0x7;
	v4 =	vand.u32 $0x40, v4  }
0x501: {  	v4 =	vor.u32 v9, v4  }
0x502: {  	v7 =	vor.u32 v8, v4;
	v8 =	vmov s30  }
0x503: {  	v8 =	vshll.u32 v8, $0x3  }
0x504: {  	v5 =	vand.u32 $0x7F, v5;
	v8 =	vand.u32 $0x400, v8  }
0x505: {  	v5 =	vor.u32 v8, v5;
	v8 =	vld [tilespmem:$0x1F8E0];
	_ =	sdelay $0x4  }
0x506: {  	v7 =	vld.idx.msk [tilespmem:v7+s18+$0x0], $0xffff;
	v8 =	vor.u32 v8, v5  }
0x507: {  	v1 =	vor.u32 v1, v4;
	_ =	sdelay $0x3  }
0x508: {  	[tilespmem:v8+s25+$0x0] =	vst.idx.msk $0xffff, v7  }
0x509: {  	v7 =	vld.idx.msk [tilespmem:v1+s18+$0x0], $0xffff;
	v1 =	vor.u32 v18, v5  }
0x50a: {  	v0 =	vor.u32 v0, v4;
	_ =	sdelay $0x3  }
0x50b: {  	[tilespmem:v1+s25+$0x0] =	vst.idx.msk $0xffff, v7  }
0x50c: {  	v1 =	vor.u32 v31, v5;
	v7 =	vld.idx.msk [tilespmem:v0+s18+$0x0], $0xffff  }
0x50d: {  	v2 =	vor.u32 v2, v4;
	v31 =	vld [tilespmem:$0x1F910];
	_ =	sdelay $0x3  }
0x50e: {  	[tilespmem:v1+s25+$0x0] =	vst.idx.msk $0xffff, v7  }
0x50f: {  	v8 =	vor.u32 v31, v5;
	v7 =	vld.idx.msk [tilespmem:v2+s18+$0x0], $0xffff  }
0x510: {  	v0 =	vor.u32 v62, v4  }
0x511: {  	v2 =	vld [tilespmem:$0x1FE00];
	_ =	sdelay $0x2  }
0x512: {  	[tilespmem:v8+s25+$0x0] =	vst.idx.msk $0xffff, v7  }
0x513: {  	v1 =	vor.u32 v19, v5;
	v7 =	vld.idx.msk [tilespmem:v0+s18+$0x0], $0xffff  }
0x514: {  	v9 =	vor.u32 v2, v4;
	_ =	sdelay $0x3  }
0x515: {  	[tilespmem:v1+s25+$0x0] =	vst.idx.msk $0xffff, v7  }
0x516: {  	v31 =	vor.u32 v32, v5;
	v7 =	vld.idx.msk [tilespmem:v9+s18+$0x0], $0xffff  }
0x517: {  	v32 =	vor.u32 v51, v4  }
0x518: {  	v62 =	vld [tilespmem:$0x1FE20];
	_ =	sdelay $0x2  }
0x519: {  	[tilespmem:v31+s25+$0x0] =	vst.idx.msk $0xffff, v7  }
0x51a: {  	v51 =	vor.u32 v33, v5;
	v7 =	vld.idx.msk [tilespmem:v32+s18+$0x0], $0xffff  }
0x51b: {  	v9 =	vor.u32 v62, v4;
	_ =	sdelay $0x3  }
0x51c: {  	[tilespmem:v51+s25+$0x0] =	vst.idx.msk $0xffff, v7  }
0x51d: {  	v0 =	vor.u32 v28, v5;
	v7 =	vld.idx.msk [tilespmem:v9+s18+$0x0], $0xffff  }
0x51e: {  	v1 =	vor.u32 v63, v4  }
0x51f: {  	v33 =	vld [tilespmem:$0x1FE40];
	_ =	sdelay $0x2  }
0x520: {  	[tilespmem:v0+s25+$0x0] =	vst.idx.msk $0xffff, v7  }
0x521: {  	v2 =	vor.u32 v35, v5;
	v7 =	vld.idx.msk [tilespmem:v1+s18+$0x0], $0xffff  }
0x522: {  	v9 =	vor.u32 v33, v4;
	_ =	sdelay $0x3  }
0x523: {  	[tilespmem:v2+s25+$0x0] =	vst.idx.msk $0xffff, v7  }
0x524: {  	v51 =	vor.u32 v36, v5;
	v7 =	vld.idx.msk [tilespmem:v9+s18+$0x0], $0xffff  }
0x525: {  	v63 =	vld [tilespmem:$0x1F980];
	v62 =	vor.u32 v49, v4;
	_ =	sdelay $0x3  }
0x526: {  	[tilespmem:v51+s25+$0x0] =	vst.idx.msk $0xffff, v7  }
0x527: {  	v2 =	vor.u32 v63, v5;
	v7 =	vld.idx.msk [tilespmem:v62+s18+$0x0], $0xffff  }
0x528: {  	v3 =	vor.u32 v3, v4;
	v31 =	vld [tilespmem:$0x1F990]  }
0x529: {  	v32 =	vld [tilespmem:$0x1FE70];
	_ =	sdelay $0x2  }
0x52a: {  	[tilespmem:v2+s25+$0x0] =	vst.idx.msk $0xffff, v7  }
0x52b: {  	v8 =	vor.u32 v31, v5;
	v7 =	vld.idx.msk [tilespmem:v3+s18+$0x0], $0xffff  }
0x52c: {  	v33 =	vor.u32 v32, v4;
	_ =	sdelay $0x3  }
0x52d: {  	[tilespmem:v8+s25+$0x0] =	vst.idx.msk $0xffff, v7  }
0x52e: {  	v38 =	vor.u32 v38, v5;
	v7 =	vld.idx.msk [tilespmem:v33+s18+$0x0], $0xffff  }
0x52f: {  	v49 =	vor.u32 v42, v4;
	v51 =	vld [tilespmem:$0x1F9B0]  }
0x530: {  	v62 =	vld [tilespmem:$0x1FE90];
	_ =	sdelay $0x2  }
0x531: {  	[tilespmem:v38+s25+$0x0] =	vst.idx.msk $0xffff, v7  }
0x532: {  	v8 =	vor.u32 v51, v5;
	v7 =	vld.idx.msk [tilespmem:v49+s18+$0x0], $0xffff  }
0x533: {  	v63 =	vor.u32 v62, v4;
	_ =	sdelay $0x3  }
0x534: {  	[tilespmem:v8+s25+$0x0] =	vst.idx.msk $0xffff, v7  }
0x535: {  	v0 =	vor.u32 v40, v5;
	v7 =	vld.idx.msk [tilespmem:v63+s18+$0x0], $0xffff  }
0x536: {  	v1 =	vor.u32 v17, v4;
	v2 =	vld [tilespmem:$0x1F9D0];
	_ =	sdelay $0x3  }
0x537: {  	[tilespmem:v0+s25+$0x0] =	vst.idx.msk $0xffff, v7  }
0x538: {  	v8 =	vor.u32 v2, v5;
	v7 =	vld.idx.msk [tilespmem:v1+s18+$0x0], $0xffff  }
0x539: {  	v3 =	vor.u32 v55, v4;
	_ =	sdelay $0x3  }
0x53a: {  	[tilespmem:v8+s25+$0x0] =	vst.idx.msk $0xffff, v7  }
0x53b: {  	v31 =	vor.u32 v41, v5;
	v7 =	vld.idx.msk [tilespmem:v3+s18+$0x0], $0xffff  }
0x53c: {  	v32 =	vor.u32 v16, v4;
	v33 =	vld [tilespmem:$0x1F9F0];
	_ =	sdelay $0x3  }
0x53d: {  	[tilespmem:v31+s25+$0x0] =	vst.idx.msk $0xffff, v7  }
0x53e: {  	v8 =	vor.u32 v33, v5;
	v7 =	vld.idx.msk [tilespmem:v32+s18+$0x0], $0xffff  }
0x53f: {  	v38 =	vor.u32 v24, v4;
	_ =	sdelay $0x3  }
0x540: {  	[tilespmem:v8+s25+$0x0] =	vst.idx.msk $0xffff, v7  }
0x541: {  	v40 =	vor.u32 v12, v5;
	v7 =	vld.idx.msk [tilespmem:v38+s18+$0x0], $0xffff  }
0x542: {  	v42 =	vld [tilespmem:$0x1FA10];
	v41 =	vor.u32 v26, v4;
	_ =	sdelay $0x3  }
0x543: {  	[tilespmem:v40+s25+$0x0] =	vst.idx.msk $0xffff, v7  }
0x544: {  	v8 =	vor.u32 v42, v5;
	v7 =	vld.idx.msk [tilespmem:v41+s18+$0x0], $0xffff  }
0x545: {  	v51 =	vor.u32 v60, v4;
	_ =	sdelay $0x3  }
0x546: {  	[tilespmem:v8+s25+$0x0] =	vst.idx.msk $0xffff, v7  }
0x547: {  	v63 =	vor.u32 v14, v5;
	v7 =	vld.idx.msk [tilespmem:v51+s18+$0x0], $0xffff  }
0x548: {  	v0 =	vor.u32 v6, v4;
	v1 =	vld [tilespmem:$0x1FA30];
	_ =	sdelay $0x3  }
0x549: {  	[tilespmem:v63+s25+$0x0] =	vst.idx.msk $0xffff, v7  }
0x54a: {  	v8 =	vor.u32 v1, v5;
	v7 =	vld.idx.msk [tilespmem:v0+s18+$0x0], $0xffff  }
0x54b: {  	v2 =	vor.u32 v54, v4;
	_ =	sdelay $0x3  }
0x54c: {  	[tilespmem:v8+s25+$0x0] =	vst.idx.msk $0xffff, v7  }
0x54d: {  	v3 =	vor.u32 v21, v5;
	v7 =	vld.idx.msk [tilespmem:v2+s18+$0x0], $0xffff  }
0x54e: {  	v12 =	vor.u32 v58, v4;
	v14 =	vld [tilespmem:$0x1FA50];
	_ =	sdelay $0x3  }
0x54f: {  	[tilespmem:v3+s25+$0x0] =	vst.idx.msk $0xffff, v7  }
0x550: {  	v8 =	vor.u32 v14, v5;
	v7 =	vld.idx.msk [tilespmem:v12+s18+$0x0], $0xffff  }
0x551: {  	v21 =	vor.u32 v29, v4;
	_ =	sdelay $0x3  }
0x552: {  	[tilespmem:v8+s25+$0x0] =	vst.idx.msk $0xffff, v7  }
0x553: {  	v30 =	vor.u32 v30, v5;
	v7 =	vld.idx.msk [tilespmem:v21+s18+$0x0], $0xffff  }
0x554: {  	v31 =	vor.u32 v10, v4;
	v32 =	vld [tilespmem:$0x1FA70]  }
0x555: {  	v33 =	vld [tilespmem:$0x1FF50];
	_ =	sdelay $0x2  }
0x556: {  	[tilespmem:v30+s25+$0x0] =	vst.idx.msk $0xffff, v7  }
0x557: {  	v8 =	vor.u32 v32, v5;
	v7 =	vld.idx.msk [tilespmem:v31+s18+$0x0], $0xffff  }
0x558: {  	v38 =	vor.u32 v33, v4  }
0x559: {  	v40 =	vld [tilespmem:$0x1FF60];
	_ =	sdelay $0x2  }
0x55a: {  	[tilespmem:v8+s25+$0x0] =	vst.idx.msk $0xffff, v7  }
0x55b: {  	v39 =	vor.u32 v39, v5;
	v7 =	vld.idx.msk [tilespmem:v38+s18+$0x0], $0xffff  }
0x55c: {  	v42 =	vld [tilespmem:$0x1FA90];
	v41 =	vor.u32 v40, v4  }
0x55d: {  	v51 =	vld [tilespmem:$0x1FF70];
	_ =	sdelay $0x2  }
0x55e: {  	[tilespmem:v39+s25+$0x0] =	vst.idx.msk $0xffff, v7  }
0x55f: {  	v8 =	vor.u32 v42, v5;
	v7 =	vld.idx.msk [tilespmem:v41+s18+$0x0], $0xffff  }
0x560: {  	v62 =	vor.u32 v51, v4  }
0x561: {  	v63 =	vor.u32 v11, v5;
	v11 =	vld [tilespmem:$0x1FF80];
	_ =	sdelay $0x2  }
0x562: {  	[tilespmem:v8+s25+$0x0] =	vst.idx.msk $0xffff, v7  }
0x563: {  	v7 =	vld.idx.msk [tilespmem:v62+s18+$0x0], $0xffff  }
0x564: {  	v14 =	vld [tilespmem:$0x1FAB0];
	v12 =	vor.u32 v11, v4  }
0x565: {  	v21 =	vld [tilespmem:$0x1FF90];
	_ =	sdelay $0x2  }
0x566: {  	[tilespmem:v63+s25+$0x0] =	vst.idx.msk $0xffff, v7  }
0x567: {  	v8 =	vor.u32 v14, v5;
	v7 =	vld.idx.msk [tilespmem:v12+s18+$0x0], $0xffff  }
0x568: {  	v30 =	vor.u32 v21, v4  }
0x569: {  	v32 =	vld [tilespmem:$0x1FFA0];
	_ =	sdelay $0x2  }
0x56a: {  	[tilespmem:v8+s25+$0x0] =	vst.idx.msk $0xffff, v7  }
0x56b: {  	v31 =	vor.u32 v15, v5;
	v7 =	vld.idx.msk [tilespmem:v30+s18+$0x0], $0xffff  }
0x56c: {  	v33 =	vor.u32 v32, v4;
	v38 =	vld [tilespmem:$0x1FAD0]  }
0x56d: {  	v39 =	vld [tilespmem:$0x1F6C0];
	_ =	sdelay $0x2  }
0x56e: {  	[tilespmem:v31+s25+$0x0] =	vst.idx.msk $0xffff, v7  }
0x56f: {  	v8 =	vor.u32 v38, v5;
	v7 =	vld.idx.msk [tilespmem:v33+s18+$0x0], $0xffff  }
0x570: {  	v40 =	vor.u32 v39, v4  }
0x571: {  	v42 =	vld [tilespmem:$0x1F790];
	_ =	sdelay $0x2  }
0x572: {  	[tilespmem:v8+s25+$0x0] =	vst.idx.msk $0xffff, v7  }
0x573: {  	v41 =	vor.u32 v37, v5;
	v7 =	vld.idx.msk [tilespmem:v40+s18+$0x0], $0xffff  }
0x574: {  	v51 =	vor.u32 v42, v4;
	v62 =	vld [tilespmem:$0x1FAF0]  }
0x575: {  	v63 =	vld [tilespmem:$0x1F6D0];
	_ =	sdelay $0x2  }
0x576: {  	[tilespmem:v41+s25+$0x0] =	vst.idx.msk $0xffff, v7  }
0x577: {  	v8 =	vor.u32 v62, v5;
	v7 =	vld.idx.msk [tilespmem:v51+s18+$0x0], $0xffff  }
0x578: {  	v2 =	vor.u32 v63, v4  }
0x579: {  	v35 =	vld [tilespmem:$0x1F7D0];
	_ =	sdelay $0x2  }
0x57a: {  	[tilespmem:v8+s25+$0x0] =	vst.idx.msk $0xffff, v7  }
0x57b: {  	v3 =	vor.u32 v20, v5;
	v7 =	vld.idx.msk [tilespmem:v2+s18+$0x0], $0xffff  }
0x57c: {  	v6 =	vor.u32 v35, v4;
	v12 =	vld [tilespmem:$0x1FB10]  }
0x57d: {  	v36 =	vld [tilespmem:$0x1F6E0];
	_ =	sdelay $0x2  }
0x57e: {  	[tilespmem:v3+s25+$0x0] =	vst.idx.msk $0xffff, v7  }
0x57f: {  	v8 =	vor.u32 v12, v5;
	v7 =	vld.idx.msk [tilespmem:v6+s18+$0x0], $0xffff  }
0x580: {  	v14 =	vor.u32 v36, v4  }
0x581: {  	v20 =	vld [tilespmem:$0x1F6F0];
	_ =	sdelay $0x2  }
0x582: {  	[tilespmem:v8+s25+$0x0] =	vst.idx.msk $0xffff, v7  }
0x583: {  	v15 =	vor.u32 v13, v5;
	v7 =	vld.idx.msk [tilespmem:v14+s18+$0x0], $0xffff  }
0x584: {  	v21 =	vor.u32 v20, v4;
	v30 =	vld [tilespmem:$0x1FB30]  }
0x585: {  	v16 =	vld [tilespmem:$0x1F760];
	_ =	sdelay $0x2  }
0x586: {  	[tilespmem:v15+s25+$0x0] =	vst.idx.msk $0xffff, v7  }
0x587: {  	v8 =	vor.u32 v30, v5;
	v7 =	vld.idx.msk [tilespmem:v21+s18+$0x0], $0xffff  }
0x588: {  	v31 =	vor.u32 v16, v4  }
0x589: {  	v17 =	vld [tilespmem:$0x1F7A0];
	_ =	sdelay $0x2  }
0x58a: {  	[tilespmem:v8+s25+$0x0] =	vst.idx.msk $0xffff, v7  }
0x58b: {  	v32 =	vor.u32 v45, v5;
	v7 =	vld.idx.msk [tilespmem:v31+s18+$0x0], $0xffff  }
0x58c: {  	v35 =	vld [tilespmem:$0x1FB50];
	v33 =	vor.u32 v17, v4  }
0x58d: {  	v24 =	vld [tilespmem:$0x1F7B0];
	_ =	sdelay $0x2  }
0x58e: {  	[tilespmem:v32+s25+$0x0] =	vst.idx.msk $0xffff, v7  }
0x58f: {  	v8 =	vor.u32 v35, v5;
	v7 =	vld.idx.msk [tilespmem:v33+s18+$0x0], $0xffff  }
0x590: {  	v36 =	vor.u32 v24, v4  }
0x591: {  	v26 =	vld [tilespmem:$0x1F700];
	_ =	sdelay $0x2  }
0x592: {  	[tilespmem:v8+s25+$0x0] =	vst.idx.msk $0xffff, v7  }
0x593: {  	v37 =	vor.u32 v46, v5;
	v7 =	vld.idx.msk [tilespmem:v36+s18+$0x0], $0xffff  }
0x594: {  	v39 =	vld [tilespmem:$0x1FB70];
	v38 =	vor.u32 v26, v4  }
0x595: {  	v28 =	vld [tilespmem:$0x1F710];
	_ =	sdelay $0x2  }
0x596: {  	[tilespmem:v37+s25+$0x0] =	vst.idx.msk $0xffff, v7  }
0x597: {  	v8 =	vor.u32 v39, v5;
	v7 =	vld.idx.msk [tilespmem:v38+s18+$0x0], $0xffff  }
0x598: {  	v40 =	vor.u32 v28, v4  }
0x599: {  	v49 =	vld [tilespmem:$0x1F720];
	_ =	sdelay $0x2  }
0x59a: {  	[tilespmem:v8+s25+$0x0] =	vst.idx.msk $0xffff, v7  }
0x59b: {  	v41 =	vor.u32 v47, v5;
	v7 =	vld.idx.msk [tilespmem:v40+s18+$0x0], $0xffff  }
0x59c: {  	v45 =	vld [tilespmem:$0x1FB90];
	v42 =	vor.u32 v49, v4  }
0x59d: {  	v54 =	vld [tilespmem:$0x1F730];
	_ =	sdelay $0x2  }
0x59e: {  	[tilespmem:v41+s25+$0x0] =	vst.idx.msk $0xffff, v7  }
0x59f: {  	v8 =	vor.u32 v45, v5;
	v7 =	vld.idx.msk [tilespmem:v42+s18+$0x0], $0xffff  }
0x5a0: {  	v46 =	vor.u32 v54, v4  }
0x5a1: {  	v18 =	vld [tilespmem:$0x1F740];
	_ =	sdelay $0x2  }
0x5a2: {  	[tilespmem:v8+s25+$0x0] =	vst.idx.msk $0xffff, v7  }
0x5a3: {  	v47 =	vor.u32 v43, v5;
	v7 =	vld.idx.msk [tilespmem:v46+s18+$0x0], $0xffff  }
0x5a4: {  	v49 =	vor.u32 v18, v4;
	v51 =	vld [tilespmem:$0x1FBB0]  }
0x5a5: {  	v55 =	vld [tilespmem:$0x1F750];
	_ =	sdelay $0x2  }
0x5a6: {  	[tilespmem:v47+s25+$0x0] =	vst.idx.msk $0xffff, v7  }
0x5a7: {  	v8 =	vor.u32 v51, v5;
	v7 =	vld.idx.msk [tilespmem:v49+s18+$0x0], $0xffff  }
0x5a8: {  	v54 =	vor.u32 v55, v4  }
0x5a9: {  	v19 =	vld [tilespmem:$0x1F7C0];
	_ =	sdelay $0x2  }
0x5aa: {  	[tilespmem:v8+s25+$0x0] =	vst.idx.msk $0xffff, v7  }
0x5ab: {  	v55 =	vor.u32 v44, v5;
	v7 =	vld.idx.msk [tilespmem:v54+s18+$0x0], $0xffff  }
0x5ac: {  	v63 =	vld [tilespmem:$0x1FBD0];
	v62 =	vor.u32 v19, v4  }
0x5ad: {  	v58 =	vld [tilespmem:$0x1F770];
	_ =	sdelay $0x2  }
0x5ae: {  	[tilespmem:v55+s25+$0x0] =	vst.idx.msk $0xffff, v7  }
0x5af: {  	v8 =	vor.u32 v63, v5;
	v7 =	vld.idx.msk [tilespmem:v62+s18+$0x0], $0xffff  }
0x5b0: {  	v0 =	vor.u32 v58, v4  }
0x5b1: {  	v60 =	vld [tilespmem:$0x1F780];
	_ =	sdelay $0x2  }
0x5b2: {  	[tilespmem:v8+s25+$0x0] =	vst.idx.msk $0xffff, v7  }
0x5b3: {  	v1 =	vor.u32 v22, v5;
	v7 =	vld.idx.msk [tilespmem:v0+s18+$0x0], $0xffff  }
0x5b4: {  	v2 =	vor.u32 v60, v4;
	v3 =	vld [tilespmem:$0x1FBF0];
	_ =	sdelay $0x3  }
0x5b5: {  	[tilespmem:v1+s25+$0x0] =	vst.idx.msk $0xffff, v7  }
0x5b6: {  	v8 =	vor.u32 v3, v5;
	v7 =	vld.idx.msk [tilespmem:v2+s18+$0x0], $0xffff  }
0x5b7: {  	v12 =	vor.u32 v34, v4;
	_ =	sdelay $0x3  }
0x5b8: {  	[tilespmem:v8+s25+$0x0] =	vst.idx.msk $0xffff, v7  }
0x5b9: {  	v13 =	vor.u32 v52, v5;
	v7 =	vld.idx.msk [tilespmem:v12+s18+$0x0], $0xffff  }
0x5ba: {  	v14 =	vor.u32 v59, v4;
	v15 =	vld [tilespmem:$0x1FC10];
	_ =	sdelay $0x3  }
0x5bb: {  	[tilespmem:v13+s25+$0x0] =	vst.idx.msk $0xffff, v7  }
0x5bc: {  	v16 =	vor.u32 v15, v5;
	v7 =	vld.idx.msk [tilespmem:v14+s18+$0x0], $0xffff  }
0x5bd: {  	v17 =	vor.u32 v27, v4;
	_ =	sdelay $0x3  }
0x5be: {  	[tilespmem:v16+s25+$0x0] =	vst.idx.msk $0xffff, v7  }
0x5bf: {  	v18 =	vor.u32 v53, v5;
	v7 =	vld.idx.msk [tilespmem:v17+s18+$0x0], $0xffff  }
0x5c0: {  	v20 =	vld [tilespmem:$0x1FC30];
	v19 =	vor.u32 v61, v4  }
0x5c1: {  	v22 =	vld [tilespmem:$0x1F810];
	_ =	sdelay $0x2  }
0x5c2: {  	[tilespmem:v18+s25+$0x0] =	vst.idx.msk $0xffff, v7  }
0x5c3: {  	v21 =	vor.u32 v20, v5;
	v7 =	vld.idx.msk [tilespmem:v19+s18+$0x0], $0xffff  }
0x5c4: {  	v30 =	vor.u32 v22, v4  }
0x5c5: {  	v32 =	vld [tilespmem:$0x1F820];
	_ =	sdelay $0x2  }
0x5c6: {  	[tilespmem:v21+s25+$0x0] =	vst.idx.msk $0xffff, v7  }
0x5c7: {  	v31 =	vor.u32 v48, v5;
	v7 =	vld.idx.msk [tilespmem:v30+s18+$0x0], $0xffff  }
0x5c8: {  	v34 =	vld [tilespmem:$0x1FC50];
	v33 =	vor.u32 v32, v4  }
0x5c9: {  	v36 =	vld [tilespmem:$0x1F830];
	_ =	sdelay $0x2  }
0x5ca: {  	[tilespmem:v31+s25+$0x0] =	vst.idx.msk $0xffff, v7  }
0x5cb: {  	v35 =	vor.u32 v34, v5;
	v7 =	vld.idx.msk [tilespmem:v33+s18+$0x0], $0xffff  }
0x5cc: {  	v37 =	vor.u32 v36, v4  }
0x5cd: {  	v39 =	vld [tilespmem:$0x1F840];
	_ =	sdelay $0x2  }
0x5ce: {  	[tilespmem:v35+s25+$0x0] =	vst.idx.msk $0xffff, v7  }
0x5cf: {  	v38 =	vor.u32 v56, v5;
	v7 =	vld.idx.msk [tilespmem:v37+s18+$0x0], $0xffff  }
0x5d0: {  	v40 =	vor.u32 v39, v4;
	v41 =	vld [tilespmem:$0x1FC70]  }
0x5d1: {  	v43 =	vld [tilespmem:$0x1F850];
	_ =	sdelay $0x2  }
0x5d2: {  	[tilespmem:v38+s25+$0x0] =	vst.idx.msk $0xffff, v7  }
0x5d3: {  	v42 =	vor.u32 v41, v5;
	v7 =	vld.idx.msk [tilespmem:v40+s18+$0x0], $0xffff  }
0x5d4: {  	v44 =	vor.u32 v43, v4  }
0x5d5: {  	v46 =	vld [tilespmem:$0x1F860];
	_ =	sdelay $0x2  }
0x5d6: {  	[tilespmem:v42+s25+$0x0] =	vst.idx.msk $0xffff, v7  }
0x5d7: {  	v45 =	vor.u32 v57, v5;
	v7 =	vld.idx.msk [tilespmem:v44+s18+$0x0], $0xffff  }
0x5d8: {  	v48 =	vld [tilespmem:$0x1FC90];
	v47 =	vor.u32 v46, v4;
	_ =	sdelay $0x3  }
0x5d9: {  	[tilespmem:v45+s25+$0x0] =	vst.idx.msk $0xffff, v7  }
0x5da: {  	v49 =	vor.u32 v48, v5;
	v7 =	vld.idx.msk [tilespmem:v47+s18+$0x0], $0xffff  }
0x5db: {  	v51 =	vor.u32 v23, v4  }
0x5dc: {  	v54 =	vld [tilespmem:$0x1F880];
	_ =	sdelay $0x2  }
0x5dd: {  	[tilespmem:v49+s25+$0x0] =	vst.idx.msk $0xffff, v7  }
0x5de: {  	v53 =	vor.u32 v50, v5;
	v7 =	vld.idx.msk [tilespmem:v51+s18+$0x0], $0xffff  }
0x5df: {  	v57 =	vld [tilespmem:$0x1FCB0];
	v55 =	vor.u32 v54, v4;
	_ =	sdelay $0x3  }
0x5e0: {  	[tilespmem:v53+s25+$0x0] =	vst.idx.msk $0xffff, v7  }
0x5e1: {  	v58 =	vor.u32 v57, v5;
	v7 =	vld.idx.msk [tilespmem:v55+s18+$0x0], $0xffff  }
0x5e2: {  	v60 =	vld [tilespmem:$0x1FFC0];
	v59 =	vor.u32 v25, v4  }
0x5e3: {  	v62 =	vld [tilespmem:$0x1F8A0];
	_ =	sdelay $0x2  }
0x5e4: {  	[tilespmem:v58+s25+$0x0] =	vst.idx.msk $0xffff, v7  }
0x5e5: {  	v61 =	vor.u32 v60, v5;
	v7 =	vld.idx.msk [tilespmem:v59+s18+$0x0], $0xffff  }
0x5e6: {  	v63 =	vld [tilespmem:$0x1FFB0];
	v4 =	vor.u32 v62, v4;
	_ =	sdelay $0x3  }
0x5e7: {  	s0 =	sadd.s32 $0x2, s0;
	[tilespmem:v61+s25+$0x0] =	vst.idx.msk $0xffff, v7  }
0x5e8: {  	p2 =	slt.u32 s0, $0xE;
	v5 =	vor.u32 v63, v5;
	v4 =	vld.idx.msk [tilespmem:v4+s18+$0x0], $0xffff  }
.Ltmp1:
0x5e9: {  	v52 =	vld [tilespmem:$0x1FE70];
	(pc) =	sbr.rel @p2 .LBB2_4-.Ltmp1, $4  }
0x5ea: {  	v50 =	vld [tilespmem:$0x1F6F0]  }
0x5eb: {  	v27 =	vld [tilespmem:$0x1F8E0]  }
0x5ec: {  	v34 =	vld [tilespmem:$0x1F6D0]  }
0x5ed: {  	s31 =	sadd.s32 $0x20, s31;
	s30 =	sadd.s32 $0x20, s30;
	v56 =	vld [tilespmem:$0x1F790];
	[tilespmem:v5+s25+$0x0] =	vst.idx.msk $0xffff, v4  }
0x5ee: {  	s0 =	rddreg [dreg:$0x1c]  }
0x5ef: {  	[hbm4b:s0+s9] =	stream.strided.scatter [tilespmem:s25], [sflag:$0x4], $0x4000, s23, s9, $0x38;
	[tilespmem:$0x1E400] =	vst v63  }
0x5f0: {  	_ =	swait.ge [sflag:s20], $0x4000  }
0x5f1: {  	[sflag:s20] =	ssyncset.done $0x0  }
0x5f2: {  	s2 =	rddreg [dreg:$0xa];
	[sflag:s20] =	ssyncadd.s32 $0xFFFFC000  }
0x5f3: {  	[hbm4b:s2+s9] =	stream.strided.scatter [tilespmem:s11], [sflag:$0x3], $0x4000, s23, s9, $0x38;
	[tilespmem:$0x1E400] =	vst v63  }
0x5f4: {  	_ =	swait.ge [sflag:s26], $0x4000  }
0x5f5: {  	[sflag:s26] =	ssyncset.done $0x0  }
0x5f6: {  	s5 =	rddreg [dreg:$0x1d];
	[sflag:s26] =	ssyncadd.s32 $0xFFFFC000  }
0x5f7: {  	[tilespmem:s13], [sflag:$0x2] =	stream.strided.gather [hbm4b:s5+s9], $0x4000, s10, s9, $0x38;
	[tilespmem:$0x1E400] =	vst v63  }
0x5f8: {  	_ =	swait.ge [sflag:s20], $0x4000  }
0x5f9: {  	[sflag:s20] =	ssyncset.done $0x0  }
0x5fa: {  	s6 =	rddreg [dreg:$0xc];
	[sflag:s20] =	ssyncadd.s32 $0xFFFFC000  }
0x5fb: {  	[hbm4b:s6+s9] =	stream.strided.scatter [tilespmem:s12], [sflag:$0x3], $0x4000, s23, s9, $0x38;
	[tilespmem:$0x1E400] =	vst v63  }
0x5fc: {  	_ =	swait.ge [sflag:s26], $0x4000  }
0x5fd: {  	[sflag:s26] =	ssyncset.done $0x0  }
0x5fe: {  	s7 =	rddreg [dreg:$0x1e];
	[sflag:s26] =	ssyncadd.s32 $0xFFFFC000  }
0x5ff: {  	[tilespmem:s14], [sflag:$0x2] =	stream.strided.gather [hbm4b:s7+s9], $0x4000, s10, s9, $0x38;
	[tilespmem:$0x1E400] =	vst v63  }
0x600: {  	_ =	swait.ge [sflag:s20], $0x4000  }
0x601: {  	[sflag:s20] =	ssyncset.done $0x0  }
0x602: {  	s8 =	rddreg [dreg:$0xd];
	[sflag:s20] =	ssyncadd.s32 $0xFFFFC000  }
0x603: {  	[hbm4b:s8+s9] =	stream.strided.scatter [tilespmem:s13], [sflag:$0x3], $0x4000, s23, s9, $0x38;
	[tilespmem:$0x1E400] =	vst v63  }
0x604: {  	_ =	swait.ge [sflag:s26], $0x4000  }
0x605: {  	[sflag:s26] =	ssyncset.done $0x0  }
0x606: {  	s17 =	rddreg [dreg:$0x1f];
	[sflag:s26] =	ssyncadd.s32 $0xFFFFC000  }
0x607: {  	[tilespmem:s11], [sflag:$0x2] =	stream.strided.gather [hbm4b:s17+s9], $0x4000, s10, s9, $0x38;
	[tilespmem:$0x1E400] =	vst v63  }
0x608: {  	_ =	swait.ge [sflag:s20], $0x4000  }
0x609: {  	[sflag:s20] =	ssyncset.done $0x0  }
0x60a: {  	s30 =	rddreg [dreg:$0xe];
	[sflag:s20] =	ssyncadd.s32 $0xFFFFC000  }
0x60b: {  	[hbm4b:s30+s9] =	stream.strided.scatter [tilespmem:s14], [sflag:$0x3], $0x4000, s23, s9, $0x38;
	[tilespmem:$0x1E400] =	vst v63  }
0x60c: {  	_ =	swait.ge [sflag:s26], $0x4000  }
0x60d: {  	s31 =	sld [smem:$0x7FA]  }
0x60e: {  	[sflag:s26] =	ssyncset.done $0x0  }
0x60f: {  	[sflag:s26] =	ssyncadd.s32 $0xFFFFC000  }
0x610: {  	[tilespmem:s12], [sflag:$0x2] =	stream.strided.gather [hbm4b:s31+s9], $0x4000, s10, s9, $0x38;
	[tilespmem:$0x1E400] =	vst v63  }
0x611: {  	_ =	swait.ge [sflag:s20], $0x4000  }
0x612: {  	[sflag:s20] =	ssyncset.done $0x0  }
0x613: {  	s1 =	rddreg [dreg:$0xf];
	[sflag:s20] =	ssyncadd.s32 $0xFFFFC000  }
0x614: {  	[hbm4b:s1+s9] =	stream.strided.scatter [tilespmem:s11], [sflag:$0x3], $0x4000, s23, s9, $0x38;
	[tilespmem:$0x1E400] =	vst v63  }
0x615: {  	_ =	swait.ge [sflag:s26], $0x4000  }
0x616: {  	s2 =	sld [smem:$0x7FB]  }
0x617: {  	[sflag:s26] =	ssyncset.done $0x0  }
0x618: {  	[sflag:s26] =	ssyncadd.s32 $0xFFFFC000  }
0x619: {  	[tilespmem:s13], [sflag:$0x2] =	stream.strided.gather [hbm4b:s2+s9], $0x4000, s10, s9, $0x38;
	[tilespmem:$0x1E400] =	vst v63  }
0x61a: {  	_ =	swait.ge [sflag:s20], $0x4000  }
0x61b: {  	[sflag:s20] =	ssyncset.done $0x0  }
0x61c: {  	s5 =	rddreg [dreg:$0x10];
	[sflag:s20] =	ssyncadd.s32 $0xFFFFC000  }
0x61d: {  	[hbm4b:s5+s9] =	stream.strided.scatter [tilespmem:s12], [sflag:$0x3], $0x4000, s23, s9, $0x38;
	[tilespmem:$0x1E400] =	vst v63  }
0x61e: {  	_ =	swait.ge [sflag:s26], $0x4000  }
0x61f: {  	s6 =	sld [smem:$0x7FC]  }
0x620: {  	[sflag:s26] =	ssyncset.done $0x0  }
0x621: {  	[sflag:s26] =	ssyncadd.s32 $0xFFFFC000  }
0x622: {  	[tilespmem:s14], [sflag:$0x2] =	stream.strided.gather [hbm4b:s6+s9], $0x4000, s10, s9, $0x38;
	[tilespmem:$0x1E400] =	vst v63  }
0x623: {  	_ =	swait.ge [sflag:s20], $0x4000  }
0x624: {  	[sflag:s20] =	ssyncset.done $0x0  }
0x625: {  	s7 =	rddreg [dreg:$0x12];
	[sflag:s20] =	ssyncadd.s32 $0xFFFFC000  }
0x626: {  	[hbm4b:s7+s9] =	stream.strided.scatter [tilespmem:s13], [sflag:$0x3], $0x4000, s23, s9, $0x38;
	[tilespmem:$0x1E400] =	vst v63  }
0x627: {  	_ =	swait.ge [sflag:s26], $0x4000  }
0x628: {  	s8 =	sld [smem:$0x7FD]  }
0x629: {  	[sflag:s26] =	ssyncset.done $0x0  }
0x62a: {  	[sflag:s26] =	ssyncadd.s32 $0xFFFFC000  }
0x62b: {  	[tilespmem:s11], [sflag:$0x2] =	stream.strided.gather [hbm4b:s8+s9], $0x4000, s10, s9, $0x38;
	[tilespmem:$0x1E400] =	vst v63  }
0x62c: {  	_ =	swait.ge [sflag:s20], $0x4000  }
0x62d: {  	[sflag:s20] =	ssyncset.done $0x0  }
0x62e: {  	s17 =	rddreg [dreg:$0x13];
	[sflag:s20] =	ssyncadd.s32 $0xFFFFC000  }
0x62f: {  	[hbm4b:s17+s9] =	stream.strided.scatter [tilespmem:s14], [sflag:$0x3], $0x4000, s23, s9, $0x38;
	[tilespmem:$0x1E400] =	vst v63  }
0x630: {  	_ =	swait.ge [sflag:s20], $0x4000  }
0x631: {  	[sflag:s20] =	ssyncset.done $0x0  }
0x632: {  	s30 =	rddreg [dreg:$0x14];
	[sflag:s20] =	ssyncadd.s32 $0xFFFFC000  }
0x633: {  	[hbm4b:s30+s9] =	stream.strided.scatter [tilespmem:s11], [sflag:$0x3], $0x4000, s23, s9, $0x38;
	[tilespmem:$0x1E400] =	vst v63  }
0x634: {  	_ =	swait.ge [sflag:s26], $0x4000  }
0x635: {  	[sflag:s26] =	ssyncset.done $0x0  }
0x636: {  	[sflag:s26] =	ssyncadd.s32 $0xFFFFC000  }
0x637: {  	_ =	swait.ge [sflag:s26], $0x4000  }
0x638: {  	[sflag:s26] =	ssyncset.done $0x0  }
0x639: {  	[sflag:s26] =	ssyncadd.s32 $0xFFFFC000  }
0x63a: {  	_ =	swait.ge [sflag:s28], $0x4000  }
0x63b: {  	[sflag:s28] =	ssyncset.done $0x0  }
0x63c: {  	s0 =	simm.s32 @!p0 $0x0;
	s1 =	simm.s32 @!p0 $0xC400;
	[sflag:s28] =	ssyncadd.s32 $0xFFFFC000  }
0x63d: {  	[tilespmem:s1], [sflag:$0x5] =	stream.linear.gather @!p0 [hbm4b:s21+s0], $0x400, $0x38;
	[tilespmem:$0x1E400] =	vst v63  }
0x63e: {  	s17 =	sadd.s32 @!p0 $0x18700, s21;
	s30 =	simm.s32 @!p0 $0xCC00  }
0x63f: {  	[tilespmem:s30], [sflag:$0x5] =	stream.linear.gather @!p0 [hbm4b:s17+s0], $0x400, $0x38;
	[tilespmem:$0x1E400] =	vst v63  }
0x640: {  	s31 =	simm.s32 @!p0 $0xD400;
	s17 =	sadd.s32 @!p0 $0x30E00, s21  }
0x641: {  	[tilespmem:s31], [sflag:$0x5] =	stream.linear.gather @!p0 [hbm4b:s17+s0], $0x400, $0x38;
	[tilespmem:$0x1E400] =	vst v63  }
0x642: {  	s2 =	simm.s32 @!p0 $0xDC00;
	s17 =	sadd.s32 @!p0 $0x49500, s21  }
0x643: {  	[tilespmem:s2], [sflag:$0x5] =	stream.linear.gather @!p0 [hbm4b:s17+s0], $0x400, $0x38;
	[tilespmem:$0x1E400] =	vst v63  }
0x644: {  	s5 =	simm.s32 @!p0 $0xE400;
	s17 =	sadd.s32 @!p0 $0x61C00, s21  }
0x645: {  	[tilespmem:s5], [sflag:$0x5] =	stream.linear.gather @!p0 [hbm4b:s17+s0], $0x400, $0x38;
	[tilespmem:$0x1E400] =	vst v63  }
0x646: {  	s6 =	simm.s32 @!p0 $0xEC00;
	s17 =	sadd.s32 @!p0 $0x7A300, s21  }
0x647: {  	[tilespmem:s6], [sflag:$0x5] =	stream.linear.gather @!p0 [hbm4b:s17+s0], $0x400, $0x38;
	[tilespmem:$0x1E400] =	vst v63  }
0x648: {  	s7 =	simm.s32 @!p0 $0xF400;
	s17 =	sadd.s32 @!p0 $0x92A00, s21  }
0x649: {  	[tilespmem:s7], [sflag:$0x5] =	stream.linear.gather @!p0 [hbm4b:s17+s0], $0x400, $0x38;
	[tilespmem:$0x1E400] =	vst v63  }
0x64a: {  	s8 =	simm.s32 @!p0 $0xFC00;
	s17 =	sadd.s32 @!p0 $0xAB100, s21  }
0x64b: {  	[tilespmem:s8], [sflag:$0x5] =	stream.linear.gather @!p0 [hbm4b:s17+s0], $0x400, $0x38;
	[tilespmem:$0x1E400] =	vst v63  }
0x64c: {  	s17 =	simm.s32 @!p0 $0x5  }
0x64d: {  	_ =	swait.ge @!p0 [sflag:s17], $0x2000  }
0x64e: {  	[sflag:s17] =	ssyncset.done @!p0 $0x0  }
0x64f: {  	[sflag:s17] =	ssyncadd.s32 @!p0 $0xFFFFE000  }
0x650: {  	[hbm4b:s22+s0] =	stream.linear.scatter @!p0 [tilespmem:s1], [sflag:$0x5], $0x400, $0x38;
	[tilespmem:$0x1E400] =	vst v63  }
0x651: {  	s1 =	sadd.s32 @!p0 $0x1C700, s22  }
0x652: {  	[hbm4b:s1+s0] =	stream.linear.scatter @!p0 [tilespmem:s30], [sflag:$0x5], $0x400, $0x38;
	[tilespmem:$0x1E400] =	vst v63  }
0x653: {  	s1 =	sadd.s32 @!p0 $0x38E00, s22  }
0x654: {  	[hbm4b:s1+s0] =	stream.linear.scatter @!p0 [tilespmem:s31], [sflag:$0x5], $0x400, $0x38;
	[tilespmem:$0x1E400] =	vst v63  }
0x655: {  	s1 =	sadd.s32 @!p0 $0x55500, s22  }
0x656: {  	[hbm4b:s1+s0] =	stream.linear.scatter @!p0 [tilespmem:s2], [sflag:$0x5], $0x400, $0x38;
	[tilespmem:$0x1E400] =	vst v63  }
0x657: {  	s1 =	sadd.s32 @!p0 $0x71C00, s22  }
0x658: {  	[hbm4b:s1+s0] =	stream.linear.scatter @!p0 [tilespmem:s5], [sflag:$0x5], $0x400, $0x38;
	[tilespmem:$0x1E400] =	vst v63  }
0x659: {  	s1 =	sadd.s32 @!p0 $0x8E300, s22  }
0x65a: {  	[hbm4b:s1+s0] =	stream.linear.scatter @!p0 [tilespmem:s6], [sflag:$0x5], $0x400, $0x38;
	[tilespmem:$0x1E400] =	vst v63  }
0x65b: {  	s1 =	sadd.s32 @!p0 $0xAAA00, s22  }
0x65c: {  	[hbm4b:s1+s0] =	stream.linear.scatter @!p0 [tilespmem:s7], [sflag:$0x5], $0x400, $0x38;
	[tilespmem:$0x1E400] =	vst v63  }
0x65d: {  	s1 =	sadd.s32 @!p0 $0xC7100, s22  }
0x65e: {  	[hbm4b:s1+s0] =	stream.linear.scatter @!p0 [tilespmem:s8], [sflag:$0x5], $0x400, $0x38;
	[tilespmem:$0x1E400] =	vst v63  }
0x65f: {  	_ =	swait.ge @!p0 [sflag:s17], $0x2000  }
0x660: {  	s2 =	simm.s32 @!p1 $0x1C400;
	s0 =	simm.s32 @!p1 $0x400;
	[sflag:s17] =	ssyncset.done @!p0 $0x0  }
0x661: {  	s1 =	simm.s32 @!p1 $0xC3800;
	s5 =	rddreg [dreg:$0x15];
	[sflag:s17] =	ssyncadd.s32 @!p0 $0xFFFFE000  }
0x662: {  	[tilespmem:s2], [sflag:$0x5] =	stream.strided.gather @!p1 [hbm4b:s5+s0], $0x2000, s1, s0, $0x38;
	[tilespmem:$0x1E400] =	vst v63  }
0x663: {  	s1 =	simm.s32 @!p1 $0x5  }
0x664: {  	_ =	swait.ge @!p1 [sflag:s1], $0x2000  }
0x665: {  	[sflag:s1] =	ssyncset.done @!p1 $0x0  }
0x666: {  	s5 =	simm.s32 @!p1 $0xE3800;
	s6 =	rddreg [dreg:$0x16];
	[sflag:s1] =	ssyncadd.s32 @!p1 $0xFFFFE000  }
0x667: {  	[hbm4b:s6+s0] =	stream.strided.scatter @!p1 [tilespmem:s2], [sflag:$0x5], $0x2000, s5, s0, $0x38;
	[tilespmem:$0x1E400] =	vst v63  }
0x668: {  	_ =	swait.ge @!p1 [sflag:s1], $0x2000  }
0x669: {  	s29 =	sadd.s32 $0x1, s29;
	s31 =	rddreg [dreg:$0x17]  }
0x66a: {  	p2 =	sne.s32 s29, s31  }
.Ltmp2:
0x66b: {  	_ = 	snop;
	(pc) =	sbr.rel @p2 .LBB2_1-.Ltmp2, $3  }
0x66c: {  	_ =	sdelay $0x1  }
0x66d: {  	[sflag:s1] =	ssyncset.done @!p1 $0x0  }
0x66e: {  	[sflag:s1] =	ssyncadd.s32 @!p1 $0xFFFFE000  }
0x66f: {  	_ =	sfence.sel $0x180000  }
0x670: {  	[bflag:$0x0] =	sbarrier.arrive $0xFFFF  }
0x671: {  	_ =	strace $0x90000047  }
0x672: {  	s0 =	stileid.u32;
	[bflag:$0x2] =	sbarrier.arrive $0xFFFF  }
0x673: {  	p0 =	sne.s32 s0, $0x0;
	s0 =	rddreg [dreg:$0x4]  }
0x674: {  	s0 =	sadd.s32 @!p0 $0x100000, s0  }
0x675: {  	[sflag:s0] =	ssyncadd.tile.s32 @!p0 $0x1;
	_ =	shalt  }
.Lfunc_end2:
_tile_overlayer_lowered:
.L_overlay_start_2:
0x676: {  	(tag) =	ssettag $0x2  }
0x677: {  	s0 =	rddreg [dreg:$0x0];
	s2 =	stileid.u32  }
0x678: {  	s1 =	rddreg [dreg:$0x1];
	p0 =	sne.s32 s2, $0x0  }
0x679: {  	s3 =	rddreg [dreg:$0x2];
	[bflag:$0x3] =	sbarrier.arrive $0xFFFF;
	s2 =	simm.s32 @!p0 $0x1C05  }
0x67a: {  	[timem:s3], [sflag:s2] =	dma.local @!p0 [hbm:s0], s1  }
0x67b: {  	s0 =	simm.s32 @!p0 $0x5  }
0x67c: {  	_ =	swait.ge @!p0 [sflag:s0], s1  }
0x67d: {  	s1 =	ssub.s32 @!p0 $0x0, s1;
	[sflag:s0] =	ssyncset.done @!p0 $0x0  }
0x67e: {  	[sflag:s0] =	ssyncadd.s32 @!p0 s1  }
0x67f: {  	[bflag:$0x3] =	sbarrier.arrive $0xFFFF  }
0x680: {  	_ =	shalt  }

</sc_bundles>
